<compile_context>
chip_gen: v7x
topology: tpu7x:2x2x1
jax: 0.10.2.dev20260603
libtpu: 0.0.44.dev20260713+nightly
codegen_flags: <defaults>
</compile_context>

<pallas_src>
import functools

import jax
import jax.numpy as jnp
from jax import lax
from jax.experimental import pallas as pl
from jax.experimental.pallas import tpu as pltpu
from jax.experimental.pallas import tpu_sc as plsc

N_NODES = 10000
N_EDGES = 320000
D = 128
NH = 8
NHP = 16

NC = 2
NS = 16
NW = NC * NS

EB3 = 1024
EB4 = 64
E_PER_W = 10240
E_PAD = NW * E_PER_W
N_PAD = 10112
ROWS_PER_TILE = N_PAD // NS
TRASH = N_PAD - 1


def _k1_body(nf_ref, wsT_ref, wdT_ref, wscT_ref, ps_ref, pd_ref, ss_ref, sd_ref):
    nf = nf_ref[...]
    ps = jnp.dot(nf, wsT_ref[...], preferred_element_type=jnp.float32)
    pd = jnp.dot(nf, wdT_ref[...], preferred_element_type=jnp.float32)
    ps_ref[...] = ps
    pd_ref[...] = pd
    ss_ref[...] = jnp.dot(ps, wscT_ref[...], preferred_element_type=jnp.float32)
    sd_ref[...] = jnp.dot(pd, wscT_ref[...], preferred_element_type=jnp.float32)


def _k2_body(ef_ref, weT_ref, bt_ref, wscT_ref, bs_ref, eh_ref, se_ref):
    bf = jnp.bfloat16
    eh = jnp.dot(ef_ref[...].astype(bf), weT_ref[...].astype(bf),
                 preferred_element_type=jnp.float32)
    eh = eh + bt_ref[...]
    eh_ref[...] = eh
    se_ref[...] = jnp.dot(eh.astype(bf), wscT_ref[...].astype(bf),
                          preferred_element_type=jnp.float32) + bs_ref[...]


def _k3b_body(d0_ref, d1_ref, out_ref):
    out_ref[...] = d0_ref[...] + d1_ref[...]


def _k5_body(nf_ref, wselfT_ref, bself_ref, m0_ref, m1_ref, den_ref,
             pd_ref, out_ref):
    self_msg = jnp.dot(nf_ref[...], wselfT_ref[...], preferred_element_type=jnp.float32)
    c = jnp.where(den_ref[...][:, 0:1] > 0, 1.0, 0.0)
    out = m0_ref[...] + m1_ref[...] + c * pd_ref[...] + self_msg + bself_ref[...]
    slope = (1.0 / 8.0 + 1.0 / 3.0) / 2.0
    out_ref[...] = jnp.where(out >= 0, out, slope * out)


def _leaky(v):
    return jnp.where(v >= 0, v, 0.01 * v)


def _k3_body(src2_hbm, dst2_hbm, se_hbm, ss_hbm, sd_hbm, zden_hbm,
             ex_hbm, den_hbm,
             sidx_v, didx_v, se_v, ssg_v, sdg_v, ex_v, den_sh,
             sem_i, sem_l, sem_g, sem_s):
    cid = lax.axis_index("c")
    sid = lax.axis_index("s")
    wid = sid * NC + cid

    r0 = pl.multiple_of(sid * ROWS_PER_TILE, 8)
    pltpu.sync_copy(zden_hbm.at[pl.ds(r0, ROWS_PER_TILE)], den_sh.at[pl.ds(r0, ROWS_PER_TILE)])
    plsc.subcore_barrier()

    nchunks = E_PER_W // EB3
    ngrp = EB3 // 128

    def chunk(c, _):
        e0 = pl.multiple_of(wid * E_PER_W + c * EB3, 8)
        row0 = pl.multiple_of(e0 // 128, 8)
        di0 = pltpu.async_copy(src2_hbm.at[pl.ds(row0, ngrp)], sidx_v, sem_i)
        di1 = pltpu.async_copy(dst2_hbm.at[pl.ds(row0, ngrp)], didx_v, sem_i)
        dl = pltpu.async_copy(se_hbm.at[pl.ds(e0, EB3)], se_v, sem_l)
        di0.wait()
        di1.wait()
        gs = []
        for g in range(ngrp):
            gs.append(pltpu.async_copy(ss_hbm.at[sidx_v.at[g]],
                                       ssg_v.at[pl.ds(g * 128, 128)], sem_g))
            gs.append(pltpu.async_copy(sd_hbm.at[didx_v.at[g]],
                                       sdg_v.at[pl.ds(g * 128, 128)], sem_g))
        dl.wait()
        for d in gs:
            d.wait()

        def edge(i, _):
            v = se_v[i] + ssg_v[i] + sdg_v[i]
            ex_v[i] = jnp.exp(_leaky(v))
            return 0

        lax.fori_loop(0, EB3, edge, 0)
        ws = [pltpu.async_copy(ex_v, ex_hbm.at[pl.ds(e0, EB3)], sem_l)]
        for g in range(ngrp):
            ws.append(pltpu.async_copy(ex_v.at[pl.ds(g * 128, 128)],
                                       den_sh.at[didx_v.at[g]], sem_s, add=True))
        for d in ws:
            d.wait()
        return 0

    lax.fori_loop(0, nchunks, chunk, 0)

    plsc.subcore_barrier()
    pltpu.sync_copy(den_sh.at[pl.ds(r0, ROWS_PER_TILE)],
                    den_hbm.at[cid].at[pl.ds(r0, ROWS_PER_TILE)])


def _k4_body(src2_hbm, dst2_hbm, ex_hbm, den_hbm, eh_hbm, ps_hbm,
             zmsg_hbm,
             msg_hbm,
             sidx_v, didx_v, ex_a, dn_a, eh_a, ps_a, ex_b, dn_b, eh_b, ps_b,
             w_v, msg_sh,
             sem_i, sem_la, sem_ga, sem_lb, sem_gb, sem_s):
    cid = lax.axis_index("c")
    sid = lax.axis_index("s")
    wid = sid * NC + cid

    r0 = pl.multiple_of(sid * ROWS_PER_TILE, 8)
    pltpu.sync_copy(zmsg_hbm.at[pl.ds(r0, ROWS_PER_TILE)], msg_sh.at[pl.ds(r0, ROWS_PER_TILE)])
    plsc.subcore_barrier()

    SUPER = 1024
    nsuper = E_PER_W // SUPER
    npair = SUPER // (2 * EB4)
    lanes = lax.iota(jnp.int32, 16)
    lane0 = (lanes == 0)

    def in_descs(e0, sub, exb, dnb, ehb, psb, sem_l, sem_g):
        e0s = pl.multiple_of(e0 + sub * EB4, 8)
        r8 = pl.multiple_of(e0s // 8, 8)
        return [pltpu.make_async_copy(ex_hbm.at[pl.ds(e0s, EB4)], exb, sem_l),
                pltpu.make_async_copy(eh_hbm.at[pl.ds(r8, EB4 // 8)], ehb, sem_l),
                pltpu.make_async_copy(den_hbm.at[didx_v.at[sub]], dnb, sem_g),
                pltpu.make_async_copy(ps_hbm.at[sidx_v.at[sub]], psb, sem_g)]

    def compute(exb, dnb, ehb, psb):
        def edge_t(i, _):
            exb[i] = exb[i] / dnb[i]
            return 0

        lax.fori_loop(0, EB4, edge_t, 0, unroll=8)

        def wgrp(g, _):
            rows = g * 16 + lanes
            acc = plsc.load_gather(exb, [rows, jnp.zeros((16,), jnp.int32)])
            for h in range(1, NH):
                acc = acc + plsc.load_gather(exb, [rows, jnp.full((16,), h, jnp.int32)])
            w_v[g] = acc * (1.0 / NH)
            return 0

        lax.fori_loop(0, EB4 // 16, wgrp, 0, unroll=4)

        def edge_v(i, _):
            wv = plsc.load_gather(
                w_v, [jnp.full((16,), i // 16, jnp.int32),
                      jnp.full((16,), i % 16, jnp.int32)])
            for j in range(D // 16):
                s = pl.ds(j * 16, 16)
                psb[i, s] = (ehb[i // 8, i % 8, s] + psb[i, s]) * wv
            return 0

        lax.fori_loop(0, EB4, edge_v, 0, unroll=2)

    def scat_descs(sub, psb):
        return [pltpu.make_async_copy(psb, msg_sh.at[didx_v.at[sub]], sem_s)]

    def chunk(c, _):
        e0 = pl.multiple_of(wid * E_PER_W + c * SUPER, 8)
        row0 = pl.multiple_of(e0 // EB4, 8)
        di0 = pltpu.async_copy(src2_hbm.at[pl.ds(row0, SUPER // EB4)], sidx_v, sem_i)
        di1 = pltpu.async_copy(dst2_hbm.at[pl.ds(row0, SUPER // EB4)], didx_v, sem_i)
        di0.wait()
        di1.wait()
        for d in in_descs(e0, 0, ex_a, dn_a, eh_a, ps_a, sem_la, sem_ga):
            d.start()

        def pair(p, _):
            sA = 2 * p
            sB = 2 * p + 1
            for d in in_descs(e0, sA, ex_a, dn_a, eh_a, ps_a, sem_la, sem_ga):
                d.wait()
            for d in in_descs(e0, sB, ex_b, dn_b, eh_b, ps_b, sem_lb, sem_gb):
                d.start()
            compute(ex_a, dn_a, eh_a, ps_a)
            dsA = scat_descs(sA, ps_a)
            for d in dsA:
                d.start(add=True)
            for d in in_descs(e0, sB, ex_b, dn_b, eh_b, ps_b, sem_lb, sem_gb):
                d.wait()
            for d in dsA:
                d.wait()

            @pl.when(p < npair - 1)
            def _():
                for d in in_descs(e0, sA + 2, ex_a, dn_a, eh_a, ps_a, sem_la, sem_ga):
                    d.start()

            compute(ex_b, dn_b, eh_b, ps_b)
            dsB = scat_descs(sB, ps_b)
            for d in dsB:
                d.start(add=True)
            for d in dsB:
                d.wait()
            return 0

        lax.fori_loop(0, npair, pair, 0)
        return 0

    lax.fori_loop(0, nsuper, chunk, 0)

    plsc.subcore_barrier()
    pltpu.sync_copy(msg_sh.at[pl.ds(r0, ROWS_PER_TILE)],
                    msg_hbm.at[cid].at[pl.ds(r0, ROWS_PER_TILE)])


def kernel(node_feats, edge_feats, edge_index, W_trip, b_trip, W_score, b_score,
           W_self, b_self):
    f32 = jnp.float32
    weT = W_trip[:, :D].T
    wsT = W_trip[:, D:2 * D].T
    wdT = W_trip[:, 2 * D:].T
    wscT = jnp.concatenate([W_score, jnp.zeros((NHP - NH, D), f32)], axis=0).T
    bs16 = jnp.concatenate([b_score, jnp.zeros((NHP - NH,), f32)])

    nf_p = jnp.concatenate([node_feats, jnp.zeros((N_PAD - N_NODES, D), f32)], axis=0)
    src_p = jnp.concatenate([edge_index[0].astype(jnp.int32),
                             jnp.full((E_PAD - N_EDGES,), TRASH, jnp.int32)])
    dst_p = jnp.concatenate([edge_index[1].astype(jnp.int32),
                             jnp.full((E_PAD - N_EDGES,), TRASH, jnp.int32)])
    src2 = src_p.reshape(E_PAD // 128, 128)
    dst2 = dst_p.reshape(E_PAD // 128, 128)
    src2b = src_p.reshape(E_PAD // EB4, EB4)
    dst2b = dst_p.reshape(E_PAD // EB4, EB4)
    zden = jnp.zeros((N_PAD, NHP), f32)
    zmsg = jnp.zeros((N_PAD, D), f32)

    ps, pd_, ss, sd = pl.pallas_call(
        _k1_body,
        out_shape=(
            jax.ShapeDtypeStruct((N_PAD, D), f32),
            jax.ShapeDtypeStruct((N_PAD, D), f32),
            jax.ShapeDtypeStruct((N_PAD, NHP), f32),
            jax.ShapeDtypeStruct((N_PAD, NHP), f32),
        ),
    )(nf_p, wsT, wdT, wscT)

    EBLK = 2000
    grid = (N_EDGES // EBLK,)
    eh, se = pl.pallas_call(
        _k2_body,
        grid=grid,
        in_specs=[
            pl.BlockSpec((EBLK, D), lambda i: (i, 0)),
            pl.BlockSpec((D, D), lambda i: (0, 0)),
            pl.BlockSpec((D,), lambda i: (0,)),
            pl.BlockSpec((D, NHP), lambda i: (0, 0)),
            pl.BlockSpec((NHP,), lambda i: (0,)),
        ],
        out_specs=[
            pl.BlockSpec((EBLK, D), lambda i: (i, 0)),
            pl.BlockSpec((EBLK, NHP), lambda i: (i, 0)),
        ],
        out_shape=(
            jax.ShapeDtypeStruct((E_PAD, D), f32),
            jax.ShapeDtypeStruct((E_PAD, NHP), f32),
        ),
    )(edge_feats, weT, b_trip, wscT, bs16)

    mesh = plsc.VectorSubcoreMesh(core_axis_name="c", subcore_axis_name="s")
    sc_params = pltpu.CompilerParams(use_tc_tiling_on_sc=False,
                                     needs_layout_passes=False)
    k3 = functools.partial(
        pl.kernel, _k3_body, mesh=mesh, compiler_params=sc_params,
        out_type=(
            jax.ShapeDtypeStruct((E_PAD, NHP), f32),
            jax.ShapeDtypeStruct((NC, N_PAD, NHP), f32),
        ),
        scratch_types=[
            pltpu.VMEM((EB3 // 128, 128), jnp.int32),
            pltpu.VMEM((EB3 // 128, 128), jnp.int32),
            pltpu.VMEM((EB3, NHP), f32),
            pltpu.VMEM((EB3, NHP), f32),
            pltpu.VMEM((EB3, NHP), f32),
            pltpu.VMEM((EB3, NHP), f32),
            pltpu.VMEM_SHARED((N_PAD, NHP), f32),
            pltpu.SemaphoreType.DMA,
            pltpu.SemaphoreType.DMA,
            pltpu.SemaphoreType.DMA,
            pltpu.SemaphoreType.DMA,
        ],
    )()
    ex, den2 = k3(src2, dst2, se, ss, sd, zden)

    den = pl.pallas_call(
        _k3b_body,
        out_shape=jax.ShapeDtypeStruct((N_PAD, NHP), f32),
    )(den2[0], den2[1])

    eh3 = eh.reshape(E_PAD // 8, 8, D)
    k4 = functools.partial(
        pl.kernel, _k4_body, mesh=mesh, compiler_params=sc_params,
        out_type=jax.ShapeDtypeStruct((NC, N_PAD, D), f32),
        scratch_types=[
            pltpu.VMEM((1024 // EB4, EB4), jnp.int32),
            pltpu.VMEM((1024 // EB4, EB4), jnp.int32),
            pltpu.VMEM((EB4, NHP), f32),
            pltpu.VMEM((EB4, NHP), f32),
            pltpu.VMEM((EB4 // 8, 8, D), f32),
            pltpu.VMEM((EB4, D), f32),
            pltpu.VMEM((EB4, NHP), f32),
            pltpu.VMEM((EB4, NHP), f32),
            pltpu.VMEM((EB4 // 8, 8, D), f32),
            pltpu.VMEM((EB4, D), f32),
            pltpu.VMEM((EB4 // 16, 16), f32),
            pltpu.VMEM_SHARED((N_PAD, D), f32),
            pltpu.SemaphoreType.DMA,
            pltpu.SemaphoreType.DMA,
            pltpu.SemaphoreType.DMA,
            pltpu.SemaphoreType.DMA,
            pltpu.SemaphoreType.DMA,
            pltpu.SemaphoreType.DMA,
        ],
    )()
    msg = k4(src2b, dst2b, ex, den, eh3, ps, zmsg)

    out = pl.pallas_call(
        _k5_body,
        out_shape=jax.ShapeDtypeStruct((N_PAD, D), f32),
    )(nf_p, W_self.T, b_self, msg[0], msg[1], den, pd_)
    return out[:N_NODES]

# --- scband reference (transcript-rebuilt; emitter-appended) ---
"""Pipeline reference for scband-multi-rel-graph-layer-25520695673302 (READ-ONLY COPY).

The authoritative reference and input builder live on the scoring server;
editing this copy changes nothing except your own understanding.
"""

import jax, jax.numpy as jnp
import numpy as np

N_NODES = 10000
N_EDGES = 320000
D_IN = 128
D_HID = 128
N_HEADS = 8


def setup_inputs(seed: int = 0) -> dict:
    key = jax.random.key(seed)
    ks = jax.random.split(key, 8)
    node_feats = jax.random.normal(ks[0], (N_NODES, D_IN), dtype=jnp.float32)
    edge_feats = jax.random.normal(ks[1], (N_EDGES, D_IN), dtype=jnp.float32)
    edge_index = jax.random.randint(ks[2], (2, N_EDGES), 0, N_NODES)
    W_trip = jax.random.normal(ks[3], (D_HID, 3 * D_IN), dtype=jnp.float32) / np.sqrt(3 * D_IN)
    b_trip = jnp.zeros((D_HID,), dtype=jnp.float32)
    W_score = jax.random.normal(ks[4], (N_HEADS, D_HID), dtype=jnp.float32) / np.sqrt(D_HID)
    b_score = jnp.zeros((N_HEADS,), dtype=jnp.float32)
    W_self = jax.random.normal(ks[5], (D_HID, D_IN), dtype=jnp.float32) / np.sqrt(D_IN)
    b_self = jnp.zeros((D_HID,), dtype=jnp.float32)
    return {
        'node_feats': node_feats,
        'edge_feats': edge_feats,
        'edge_index': edge_index,
        'W_trip': W_trip,
        'b_trip': b_trip,
        'W_score': W_score,
        'b_score': b_score,
        'W_self': W_self,
        'b_self': b_self,
    }


def _leaky_relu(x, slope=0.01):
    return jnp.where(x >= 0, x, slope * x)


def reference(node_feats, edge_feats, edge_index, W_trip, b_trip, W_score, b_score, W_self, b_self):
    N = node_feats.shape[0]
    src = edge_index[0]
    dst = edge_index[1]
    # message_fn: cat([edge.h, src.h, dst.h]) -> trip_linear
    trip_inp = jnp.concatenate([edge_feats, node_feats[src], node_feats[dst]], axis=-1)
    trip_hid = trip_inp @ W_trip.T + b_trip  # [E, D_HID]
    # trip_score_linear: Linear + LeakyReLU
    trip_score = _leaky_relu(trip_hid @ W_score.T + b_score)  # [E, NH]
    # dgl.ops.edge_softmax over incoming edges of each dst node, per head
    smax = jax.ops.segment_max(trip_score, dst, num_segments=N)  # [N, NH]
    ex = jnp.exp(trip_score - smax[dst])
    denom = jax.ops.segment_sum(ex, dst, num_segments=N)[dst]
    trip_head_weights = ex / denom  # [E, NH] (unsqueezed last dim in torch, squeezed back by mean)
    # mean over heads dim -> [E, 1]
    trip_weight = jnp.mean(trip_head_weights, axis=1, keepdims=True)
    # weighted messages summed into dst nodes
    trip_msg = jax.ops.segment_sum(trip_weight * trip_hid, dst, num_segments=N)  # [N, D_HID]
    self_msg = node_feats @ W_self.T + b_self
    out = trip_msg + self_msg
    # RReLU in eval mode: leaky relu with slope (lower+upper)/2 = (1/8 + 1/3)/2
    rrelu_slope = (1.0 / 8.0 + 1.0 / 3.0) / 2.0
    out = jnp.where(out >= 0, out, rrelu_slope * out)
    # Dropout in eval mode: identity
    return out

if __name__ == "__main__":
    import jax
    _d = setup_inputs()
    print(jax.jit(kernel)(*tuple(_d.values())))

</pallas_src>

<mosaic_0001>
#map = affine_map<(d0, d1) -> (0, 0)>
#map1 = affine_map<(d0, d1) -> (0, 0, 0)>
module attributes {stable_mosaic.version = 14 : i64} {
  func.func @_k4_body(%arg0: i32, %arg1: i32, %arg2: memref<5120x64xi32, #tpu.memory_space<hbm>>, %arg3: memref<5120x64xi32, #tpu.memory_space<hbm>>, %arg4: memref<327680x16xf32, #tpu.memory_space<hbm>>, %arg5: memref<10112x16xf32, #tpu.memory_space<hbm>>, %arg6: memref<40960x8x128xf32, #tpu.memory_space<hbm>>, %arg7: memref<10112x128xf32, #tpu.memory_space<hbm>>, %arg8: memref<10112x128xf32, #tpu.memory_space<hbm>>, %arg9: memref<2x10112x128xf32, #tpu.memory_space<hbm>>, %arg10: memref<16x64xi32, #tpu.memory_space<vmem>>, %arg11: memref<16x64xi32, #tpu.memory_space<vmem>>, %arg12: memref<64x16xf32, #tpu.memory_space<vmem>>, %arg13: memref<64x16xf32, #tpu.memory_space<vmem>>, %arg14: memref<8x8x128xf32, #tpu.memory_space<vmem>>, %arg15: memref<64x128xf32, #tpu.memory_space<vmem>>, %arg16: memref<64x16xf32, #tpu.memory_space<vmem>>, %arg17: memref<64x16xf32, #tpu.memory_space<vmem>>, %arg18: memref<8x8x128xf32, #tpu.memory_space<vmem>>, %arg19: memref<64x128xf32, #tpu.memory_space<vmem>>, %arg20: memref<4x16xf32, #tpu.memory_space<vmem>>, %arg21: memref<10112x128xf32, #tpu.memory_space<vmem_shared>>, %arg22: memref<!tpu.dma_semaphore, #tpu.memory_space<semaphore_mem>>, %arg23: memref<!tpu.dma_semaphore, #tpu.memory_space<semaphore_mem>>, %arg24: memref<!tpu.dma_semaphore, #tpu.memory_space<semaphore_mem>>, %arg25: memref<!tpu.dma_semaphore, #tpu.memory_space<semaphore_mem>>, %arg26: memref<!tpu.dma_semaphore, #tpu.memory_space<semaphore_mem>>, %arg27: memref<!tpu.dma_semaphore, #tpu.memory_space<semaphore_mem>>) attributes {dimension_semantics = [#tpu.dimension_semantics<core_parallel>, #tpu.dimension_semantics<subcore_parallel>], iteration_bounds = array<i64: 2, 16>, scalar_prefetch = 0 : i64, scratch_operands = 18 : i64, tpu.core_type = #tpu.core_type<sc_vector_subcore>, window_params = [{transform_indices = #map}, {transform_indices = #map}, {transform_indices = #map}, {transform_indices = #map}, {transform_indices = #map1}, {transform_indices = #map}, {transform_indices = #map}, {transform_indices = #map1}]} {
    %mul3A = arith.constant 2 : i32
    %mul3A_0 = arith.muli %arg1, %mul3A : i32
    %add3A = arith.addi %mul3A_0, %arg0 : i32
    %mul3A_1 = arith.constant 632 : i32
    %mul3A_2 = arith.muli %arg1, %mul3A_1 : i32
    %multiple_of3A = tpu.assume_multiple %mul3A_2, 8 : i32
    "tpu.region"() ({
      %run_scoped3A = tpu.sem_alloc : memref<!tpu.dma_semaphore, #tpu.memory_space<semaphore_mem>>
      %dma_start3A = arith.constant 0 : i32
      %dma_start3A_12 = tpu.memref_slice %arg21[%multiple_of3A, %dma_start3A] : memref<10112x128xf32, #tpu.memory_space<vmem_shared>> -> memref<632x128xf32, #tpu.memory_space<vmem_shared>>
      %dma_start3A_13 = arith.constant 0 : i32
      %dma_start3A_14 = tpu.memref_slice %arg8[%multiple_of3A, %dma_start3A_13] : memref<10112x128xf32, #tpu.memory_space<hbm>> -> memref<632x128xf32, #tpu.memory_space<hbm>>
      tpu.enqueue_dma source(%dma_start3A_14 : memref<632x128xf32, #tpu.memory_space<hbm>>) target(%dma_start3A_12 : memref<632x128xf32, #tpu.memory_space<vmem_shared>>) target_semaphore(%run_scoped3A : memref<!tpu.dma_semaphore, #tpu.memory_space<semaphore_mem>>)
      %dma_wait3A = arith.constant 0 : i32
      %dma_wait3A_15 = tpu.memref_slice %arg21[%multiple_of3A, %dma_wait3A] : memref<10112x128xf32, #tpu.memory_space<vmem_shared>> -> memref<632x128xf32, #tpu.memory_space<vmem_shared>>
      %dma_wait3A_16 = arith.constant 0 : i32
      %dma_wait3A_17 = tpu.memref_slice %arg8[%multiple_of3A, %dma_wait3A_16] : memref<10112x128xf32, #tpu.memory_space<hbm>> -> memref<632x128xf32, #tpu.memory_space<hbm>>
      tpu.wait_dma2 semaphore(%run_scoped3A : memref<!tpu.dma_semaphore, #tpu.memory_space<semaphore_mem>>) src(%dma_wait3A_17 : memref<632x128xf32, #tpu.memory_space<hbm>>) dst(%dma_wait3A_15 : memref<632x128xf32, #tpu.memory_space<vmem_shared>>)
      tpu.yield
    }) : () -> ()
    %barrier3A = arith.constant 0 : index
    tpu.barrier barrier_id(%barrier3A)
    %iota3A = tpu.iota {dimensions = array<i32: 0>} : vector<16xi32>
    %eq3A = arith.constant 0 : i32
    %eq3A_3 = vector.broadcast %eq3A : i32 to vector<16xi32>
    %eq3A_4 = arith.cmpi eq, %iota3A, %eq3A_3 : vector<16xi32>
    %scan3A = arith.constant 0 : i32
    %scan3A_5 = arith.constant 0 : i32
    %scan3A_6 = arith.constant 10 : i32
    %scan3A_7 = arith.addi %scan3A_5, %scan3A_6 : i32
    %scan3A_8 = arith.constant 1 : i32
    %scan3A_9 = scf.for %scan3A_12 = %scan3A_5 to %scan3A_7 step %scan3A_8 iter_args(%scan3A_13 = %scan3A) -> (i32)  : i32 {
      %mul3A_14 = arith.constant 10240 : i32
      %mul3A_15 = arith.muli %add3A, %mul3A_14 : i32
      %mul3A_16 = arith.constant 1024 : i32
      %mul3A_17 = arith.muli %scan3A_12, %mul3A_16 : i32
      %add3A_18 = arith.addi %mul3A_15, %mul3A_17 : i32
      %multiple_of3A_19 = tpu.assume_multiple %add3A_18, 8 : i32
      %jit3A = arith.constant 64 : i32
      %div3A = arith.divsi %multiple_of3A_19, %jit3A : i32
      %sign3A = arith.constant 0 : i32
      %sign3A_20 = arith.cmpi sgt, %multiple_of3A_19, %sign3A : i32
      %sign3A_21 = arith.extui %sign3A_20 : i1 to i32
      %sign3A_22 = arith.constant 0 : i32
      %sign3A_23 = arith.cmpi slt, %multiple_of3A_19, %sign3A_22 : i32
      %sign3A_24 = arith.extui %sign3A_23 : i1 to i32
      %sign3A_25 = arith.subi %sign3A_21, %sign3A_24 : i32
      %sign3A_26 = arith.constant 0 : i32
      %sign3A_27 = arith.cmpi sgt, %jit3A, %sign3A_26 : i32
      %sign3A_28 = arith.extui %sign3A_27 : i1 to i32
      %sign3A_29 = arith.constant 0 : i32
      %sign3A_30 = arith.cmpi slt, %jit3A, %sign3A_29 : i32
      %sign3A_31 = arith.extui %sign3A_30 : i1 to i32
      %sign3A_32 = arith.subi %sign3A_28, %sign3A_31 : i32
      %ne3A = arith.cmpi ne, %sign3A_25, %sign3A_32 : i32
      %rem3A = arith.remsi %multiple_of3A_19, %jit3A : i32
      %ne3A_33 = arith.constant 0 : i32
      %ne3A_34 = arith.cmpi ne, %rem3A, %ne3A_33 : i32
      %and3A = arith.andi %ne3A, %ne3A_34 : i1
      %sub3A = arith.constant 1 : i32
      %sub3A_35 = arith.subi %div3A, %sub3A : i32
      %select_n3A = arith.select %and3A, %sub3A_35, %div3A : i32
      %multiple_of3A_36 = tpu.assume_multiple %select_n3A, 8 : i32
      %dma_start3A = arith.constant 0 : i32
      %dma_start3A_37 = tpu.memref_slice %arg2[%multiple_of3A_36, %dma_start3A] : memref<5120x64xi32, #tpu.memory_space<hbm>> -> memref<16x64xi32, #tpu.memory_space<hbm>>
      %dma_start3A_38 = arith.constant 0 : i32
      %dma_start3A_39 = tpu.memref_slice %arg2[%multiple_of3A_36, %dma_start3A_38] : memref<5120x64xi32, #tpu.memory_space<hbm>> -> memref<16x64xi32, #tpu.memory_space<hbm>>
      tpu.enqueue_dma source(%dma_start3A_39 : memref<16x64xi32, #tpu.memory_space<hbm>>) target(%arg10 : memref<16x64xi32, #tpu.memory_space<vmem>>) target_semaphore(%arg22 : memref<!tpu.dma_semaphore, #tpu.memory_space<semaphore_mem>>)
      %dma_start3A_40 = arith.constant 0 : i32
      %dma_start3A_41 = tpu.memref_slice %arg3[%multiple_of3A_36, %dma_start3A_40] : memref<5120x64xi32, #tpu.memory_space<hbm>> -> memref<16x64xi32, #tpu.memory_space<hbm>>
      %dma_start3A_42 = arith.constant 0 : i32
      %dma_start3A_43 = tpu.memref_slice %arg3[%multiple_of3A_36, %dma_start3A_42] : memref<5120x64xi32, #tpu.memory_space<hbm>> -> memref<16x64xi32, #tpu.memory_space<hbm>>
      tpu.enqueue_dma source(%dma_start3A_43 : memref<16x64xi32, #tpu.memory_space<hbm>>) target(%arg11 : memref<16x64xi32, #tpu.memory_space<vmem>>) target_semaphore(%arg22 : memref<!tpu.dma_semaphore, #tpu.memory_space<semaphore_mem>>)
      %dma_wait3A = arith.constant 0 : i32
      %dma_wait3A_44 = tpu.memref_slice %arg2[%multiple_of3A_36, %dma_wait3A] : memref<5120x64xi32, #tpu.memory_space<hbm>> -> memref<16x64xi32, #tpu.memory_space<hbm>>
      %dma_wait3A_45 = arith.constant 0 : i32
      %dma_wait3A_46 = tpu.memref_slice %arg2[%multiple_of3A_36, %dma_wait3A_45] : memref<5120x64xi32, #tpu.memory_space<hbm>> -> memref<16x64xi32, #tpu.memory_space<hbm>>
      tpu.wait_dma2 semaphore(%arg22 : memref<!tpu.dma_semaphore, #tpu.memory_space<semaphore_mem>>) src(%dma_wait3A_46 : memref<16x64xi32, #tpu.memory_space<hbm>>) dst(%arg10 : memref<16x64xi32, #tpu.memory_space<vmem>>)
      %dma_wait3A_47 = arith.constant 0 : i32
      %dma_wait3A_48 = tpu.memref_slice %arg3[%multiple_of3A_36, %dma_wait3A_47] : memref<5120x64xi32, #tpu.memory_space<hbm>> -> memref<16x64xi32, #tpu.memory_space<hbm>>
      %dma_wait3A_49 = arith.constant 0 : i32
      %dma_wait3A_50 = tpu.memref_slice %arg3[%multiple_of3A_36, %dma_wait3A_49] : memref<5120x64xi32, #tpu.memory_space<hbm>> -> memref<16x64xi32, #tpu.memory_space<hbm>>
      tpu.wait_dma2 semaphore(%arg22 : memref<!tpu.dma_semaphore, #tpu.memory_space<semaphore_mem>>) src(%dma_wait3A_50 : memref<16x64xi32, #tpu.memory_space<hbm>>) dst(%arg11 : memref<16x64xi32, #tpu.memory_space<vmem>>)
      %add3A_51 = arith.constant 0 : i32
      %add3A_52 = arith.addi %multiple_of3A_19, %add3A_51 : i32
      %multiple_of3A_53 = tpu.assume_multiple %add3A_52, 8 : i32
      %jit3A_54 = arith.constant 8 : i32
      %div3A_55 = arith.divsi %multiple_of3A_53, %jit3A_54 : i32
      %sign3A_56 = arith.constant 0 : i32
      %sign3A_57 = arith.cmpi sgt, %multiple_of3A_53, %sign3A_56 : i32
      %sign3A_58 = arith.extui %sign3A_57 : i1 to i32
      %sign3A_59 = arith.constant 0 : i32
      %sign3A_60 = arith.cmpi slt, %multiple_of3A_53, %sign3A_59 : i32
      %sign3A_61 = arith.extui %sign3A_60 : i1 to i32
      %sign3A_62 = arith.subi %sign3A_58, %sign3A_61 : i32
      %sign3A_63 = arith.constant 0 : i32
      %sign3A_64 = arith.cmpi sgt, %jit3A_54, %sign3A_63 : i32
      %sign3A_65 = arith.extui %sign3A_64 : i1 to i32
      %sign3A_66 = arith.constant 0 : i32
      %sign3A_67 = arith.cmpi slt, %jit3A_54, %sign3A_66 : i32
      %sign3A_68 = arith.extui %sign3A_67 : i1 to i32
      %sign3A_69 = arith.subi %sign3A_65, %sign3A_68 : i32
      %ne3A_70 = arith.cmpi ne, %sign3A_62, %sign3A_69 : i32
      %rem3A_71 = arith.remsi %multiple_of3A_53, %jit3A_54 : i32
      %ne3A_72 = arith.constant 0 : i32
      %ne3A_73 = arith.cmpi ne, %rem3A_71, %ne3A_72 : i32
      %and3A_74 = arith.andi %ne3A_70, %ne3A_73 : i1
      %sub3A_75 = arith.constant 1 : i32
      %sub3A_76 = arith.subi %div3A_55, %sub3A_75 : i32
      %select_n3A_77 = arith.select %and3A_74, %sub3A_76, %div3A_55 : i32
      %multiple_of3A_78 = tpu.assume_multiple %select_n3A_77, 8 : i32
      %dma_start3A_79 = arith.constant 0 : i32
      %dma_start3A_80 = tpu.memref_slice %arg4[%multiple_of3A_53, %dma_start3A_79] : memref<327680x16xf32, #tpu.memory_space<hbm>> -> memref<64x16xf32, #tpu.memory_space<hbm>>
      %dma_start3A_81 = arith.constant 0 : i32
      %dma_start3A_82 = tpu.memref_slice %arg4[%multiple_of3A_53, %dma_start3A_81] : memref<327680x16xf32, #tpu.memory_space<hbm>> -> memref<64x16xf32, #tpu.memory_space<hbm>>
      tpu.enqueue_dma source(%dma_start3A_82 : memref<64x16xf32, #tpu.memory_space<hbm>>) target(%arg12 : memref<64x16xf32, #tpu.memory_space<vmem>>) target_semaphore(%arg23 : memref<!tpu.dma_semaphore, #tpu.memory_space<semaphore_mem>>)
      %dma_start3A_83 = arith.constant 0 : i32
      %dma_start3A_84 = arith.constant 0 : i32
      %dma_start3A_85 = tpu.memref_slice %arg6[%multiple_of3A_78, %dma_start3A_83, %dma_start3A_84] : memref<40960x8x128xf32, #tpu.memory_space<hbm>> -> memref<8x8x128xf32, #tpu.memory_space<hbm>>
      %dma_start3A_86 = arith.constant 0 : i32
      %dma_start3A_87 = arith.constant 0 : i32
      %dma_start3A_88 = tpu.memref_slice %arg6[%multiple_of3A_78, %dma_start3A_86, %dma_start3A_87] : memref<40960x8x128xf32, #tpu.memory_space<hbm>> -> memref<8x8x128xf32, #tpu.memory_space<hbm>>
      tpu.enqueue_dma source(%dma_start3A_88 : memref<8x8x128xf32, #tpu.memory_space<hbm>>) target(%arg14 : memref<8x8x128xf32, #tpu.memory_space<vmem>>) target_semaphore(%arg23 : memref<!tpu.dma_semaphore, #tpu.memory_space<semaphore_mem>>)
      %dma_start3A_89 = arith.constant 0 : i32
      %dma_start3A_90 = arith.constant 0 : i32
      %dma_start3A_91 = tpu.memref_slice %arg11[%dma_start3A_89, %dma_start3A_90] : memref<16x64xi32, #tpu.memory_space<vmem>> -> memref<1x64xi32, #tpu.memory_space<vmem>>
      %dma_start3A_92 = tpu.memref_squeeze %dma_start3A_91 : memref<1x64xi32, #tpu.memory_space<vmem>> -> memref<64xi32, #tpu.memory_space<vmem>>
      %dma_start3A_93 = arith.constant 0 : i32
      %dma_start3A_94 = arith.constant 0 : i32
      %dma_start3A_95 = tpu.memref_slice %arg5[%dma_start3A_93, %dma_start3A_94] : memref<10112x16xf32, #tpu.memory_space<hbm>> -> memref<10112x16xf32, #tpu.memory_space<hbm>>
      tpu.enqueue_indirect_dma source(%dma_start3A_95 : memref<10112x16xf32, #tpu.memory_space<hbm>>) target(%arg13 : memref<64x16xf32, #tpu.memory_space<vmem>>) offsets(%dma_start3A_92 : memref<64xi32, #tpu.memory_space<vmem>>) semaphore(%arg24 : memref<!tpu.dma_semaphore, #tpu.memory_space<semaphore_mem>>)
      %dma_start3A_96 = arith.constant 0 : i32
      %dma_start3A_97 = arith.constant 0 : i32
      %dma_start3A_98 = tpu.memref_slice %arg10[%dma_start3A_96, %dma_start3A_97] : memref<16x64xi32, #tpu.memory_space<vmem>> -> memref<1x64xi32, #tpu.memory_space<vmem>>
      %dma_start3A_99 = tpu.memref_squeeze %dma_start3A_98 : memref<1x64xi32, #tpu.memory_space<vmem>> -> memref<64xi32, #tpu.memory_space<vmem>>
      %dma_start3A_100 = arith.constant 0 : i32
      %dma_start3A_101 = arith.constant 0 : i32
      %dma_start3A_102 = tpu.memref_slice %arg7[%dma_start3A_100, %dma_start3A_101] : memref<10112x128xf32, #tpu.memory_space<hbm>> -> memref<10112x128xf32, #tpu.memory_space<hbm>>
      tpu.enqueue_indirect_dma source(%dma_start3A_102 : memref<10112x128xf32, #tpu.memory_space<hbm>>) target(%arg15 : memref<64x128xf32, #tpu.memory_space<vmem>>) offsets(%dma_start3A_99 : memref<64xi32, #tpu.memory_space<vmem>>) semaphore(%arg24 : memref<!tpu.dma_semaphore, #tpu.memory_space<semaphore_mem>>)
      %scan3A_103 = arith.constant 0 : i32
      %scan3A_104 = arith.constant 0 : i32
      %scan3A_105 = arith.constant 8 : i32
      %scan3A_106 = arith.addi %scan3A_104, %scan3A_105 : i32
      %scan3A_107 = arith.constant 1 : i32
      %scan3A_108 = scf.for %scan3A_111 = %scan3A_104 to %scan3A_106 step %scan3A_107 iter_args(%scan3A_112 = %scan3A_103) -> (i32)  : i32 {
        %mul3A_113 = arith.constant 2 : i32
        %mul3A_114 = arith.muli %mul3A_113, %scan3A_111 : i32
        %mul3A_115 = arith.constant 2 : i32
        %mul3A_116 = arith.muli %mul3A_115, %scan3A_111 : i32
        %add3A_117 = arith.constant 1 : i32
        %add3A_118 = arith.addi %mul3A_116, %add3A_117 : i32
        %mul3A_119 = arith.constant 64 : i32
        %mul3A_120 = arith.muli %mul3A_114, %mul3A_119 : i32
        %add3A_121 = arith.addi %multiple_of3A_19, %mul3A_120 : i32
        %multiple_of3A_122 = tpu.assume_multiple %add3A_121, 8 : i32
        %jit3A_123 = arith.constant 8 : i32
        %div3A_124 = arith.divsi %multiple_of3A_122, %jit3A_123 : i32
        %sign3A_125 = arith.constant 0 : i32
        %sign3A_126 = arith.cmpi sgt, %multiple_of3A_122, %sign3A_125 : i32
        %sign3A_127 = arith.extui %sign3A_126 : i1 to i32
        %sign3A_128 = arith.constant 0 : i32
        %sign3A_129 = arith.cmpi slt, %multiple_of3A_122, %sign3A_128 : i32
        %sign3A_130 = arith.extui %sign3A_129 : i1 to i32
        %sign3A_131 = arith.subi %sign3A_127, %sign3A_130 : i32
        %sign3A_132 = arith.constant 0 : i32
        %sign3A_133 = arith.cmpi sgt, %jit3A_123, %sign3A_132 : i32
        %sign3A_134 = arith.extui %sign3A_133 : i1 to i32
        %sign3A_135 = arith.constant 0 : i32
        %sign3A_136 = arith.cmpi slt, %jit3A_123, %sign3A_135 : i32
        %sign3A_137 = arith.extui %sign3A_136 : i1 to i32
        %sign3A_138 = arith.subi %sign3A_134, %sign3A_137 : i32
        %ne3A_139 = arith.cmpi ne, %sign3A_131, %sign3A_138 : i32
        %rem3A_140 = arith.remsi %multiple_of3A_122, %jit3A_123 : i32
        %ne3A_141 = arith.constant 0 : i32
        %ne3A_142 = arith.cmpi ne, %rem3A_140, %ne3A_141 : i32
        %and3A_143 = arith.andi %ne3A_139, %ne3A_142 : i1
        %sub3A_144 = arith.constant 1 : i32
        %sub3A_145 = arith.subi %div3A_124, %sub3A_144 : i32
        %select_n3A_146 = arith.select %and3A_143, %sub3A_145, %div3A_124 : i32
        %multiple_of3A_147 = tpu.assume_multiple %select_n3A_146, 8 : i32
        %dma_wait3A_148 = arith.constant 0 : i32
        %dma_wait3A_149 = tpu.memref_slice %arg4[%multiple_of3A_122, %dma_wait3A_148] : memref<327680x16xf32, #tpu.memory_space<hbm>> -> memref<64x16xf32, #tpu.memory_space<hbm>>
        %dma_wait3A_150 = arith.constant 0 : i32
        %dma_wait3A_151 = tpu.memref_slice %arg4[%multiple_of3A_122, %dma_wait3A_150] : memref<327680x16xf32, #tpu.memory_space<hbm>> -> memref<64x16xf32, #tpu.memory_space<hbm>>
        tpu.wait_dma2 semaphore(%arg23 : memref<!tpu.dma_semaphore, #tpu.memory_space<semaphore_mem>>) src(%dma_wait3A_151 : memref<64x16xf32, #tpu.memory_space<hbm>>) dst(%arg12 : memref<64x16xf32, #tpu.memory_space<vmem>>)
        %dma_wait3A_152 = arith.constant 0 : i32
        %dma_wait3A_153 = arith.constant 0 : i32
        %dma_wait3A_154 = tpu.memref_slice %arg6[%multiple_of3A_147, %dma_wait3A_152, %dma_wait3A_153] : memref<40960x8x128xf32, #tpu.memory_space<hbm>> -> memref<8x8x128xf32, #tpu.memory_space<hbm>>
        %dma_wait3A_155 = arith.constant 0 : i32
        %dma_wait3A_156 = arith.constant 0 : i32
        %dma_wait3A_157 = tpu.memref_slice %arg6[%multiple_of3A_147, %dma_wait3A_155, %dma_wait3A_156] : memref<40960x8x128xf32, #tpu.memory_space<hbm>> -> memref<8x8x128xf32, #tpu.memory_space<hbm>>
        tpu.wait_dma2 semaphore(%arg23 : memref<!tpu.dma_semaphore, #tpu.memory_space<semaphore_mem>>) src(%dma_wait3A_157 : memref<8x8x128xf32, #tpu.memory_space<hbm>>) dst(%arg14 : memref<8x8x128xf32, #tpu.memory_space<vmem>>)
        %dma_wait3A_158 = arith.constant 0 : i32
        %dma_wait3A_159 = tpu.memref_slice %arg11[%mul3A_114, %dma_wait3A_158] : memref<16x64xi32, #tpu.memory_space<vmem>> -> memref<1x64xi32, #tpu.memory_space<vmem>>
        %dma_wait3A_160 = tpu.memref_squeeze %dma_wait3A_159 : memref<1x64xi32, #tpu.memory_space<vmem>> -> memref<64xi32, #tpu.memory_space<vmem>>
        %dma_wait3A_161 = arith.constant 0 : i32
        %dma_wait3A_162 = arith.constant 0 : i32
        %dma_wait3A_163 = tpu.memref_slice %arg5[%dma_wait3A_161, %dma_wait3A_162] : memref<10112x16xf32, #tpu.memory_space<hbm>> -> memref<10112x16xf32, #tpu.memory_space<hbm>>
        tpu.wait_indirect_dma semaphore(%arg24 : memref<!tpu.dma_semaphore, #tpu.memory_space<semaphore_mem>>) src(%dma_wait3A_163 : memref<10112x16xf32, #tpu.memory_space<hbm>>) dst(%arg13 : memref<64x16xf32, #tpu.memory_space<vmem>>)
        %dma_wait3A_164 = arith.constant 0 : i32
        %dma_wait3A_165 = tpu.memref_slice %arg10[%mul3A_114, %dma_wait3A_164] : memref<16x64xi32, #tpu.memory_space<vmem>> -> memref<1x64xi32, #tpu.memory_space<vmem>>
        %dma_wait3A_166 = tpu.memref_squeeze %dma_wait3A_165 : memref<1x64xi32, #tpu.memory_space<vmem>> -> memref<64xi32, #tpu.memory_space<vmem>>
        %dma_wait3A_167 = arith.constant 0 : i32
        %dma_wait3A_168 = arith.constant 0 : i32
        %dma_wait3A_169 = tpu.memref_slice %arg7[%dma_wait3A_167, %dma_wait3A_168] : memref<10112x128xf32, #tpu.memory_space<hbm>> -> memref<10112x128xf32, #tpu.memory_space<hbm>>
        tpu.wait_indirect_dma semaphore(%arg24 : memref<!tpu.dma_semaphore, #tpu.memory_space<semaphore_mem>>) src(%dma_wait3A_169 : memref<10112x128xf32, #tpu.memory_space<hbm>>) dst(%arg15 : memref<64x128xf32, #tpu.memory_space<vmem>>)
        %mul3A_170 = arith.constant 64 : i32
        %mul3A_171 = arith.muli %add3A_118, %mul3A_170 : i32
        %add3A_172 = arith.addi %multiple_of3A_19, %mul3A_171 : i32
        %multiple_of3A_173 = tpu.assume_multiple %add3A_172, 8 : i32
        %jit3A_174 = arith.constant 8 : i32
        %div3A_175 = arith.divsi %multiple_of3A_173, %jit3A_174 : i32
        %sign3A_176 = arith.constant 0 : i32
        %sign3A_177 = arith.cmpi sgt, %multiple_of3A_173, %sign3A_176 : i32
        %sign3A_178 = arith.extui %sign3A_177 : i1 to i32
        %sign3A_179 = arith.constant 0 : i32
        %sign3A_180 = arith.cmpi slt, %multiple_of3A_173, %sign3A_179 : i32
        %sign3A_181 = arith.extui %sign3A_180 : i1 to i32
        %sign3A_182 = arith.subi %sign3A_178, %sign3A_181 : i32
        %sign3A_183 = arith.constant 0 : i32
        %sign3A_184 = arith.cmpi sgt, %jit3A_174, %sign3A_183 : i32
        %sign3A_185 = arith.extui %sign3A_184 : i1 to i32
        %sign3A_186 = arith.constant 0 : i32
        %sign3A_187 = arith.cmpi slt, %jit3A_174, %sign3A_186 : i32
        %sign3A_188 = arith.extui %sign3A_187 : i1 to i32
        %sign3A_189 = arith.subi %sign3A_185, %sign3A_188 : i32
        %ne3A_190 = arith.cmpi ne, %sign3A_182, %sign3A_189 : i32
        %rem3A_191 = arith.remsi %multiple_of3A_173, %jit3A_174 : i32
        %ne3A_192 = arith.constant 0 : i32
        %ne3A_193 = arith.cmpi ne, %rem3A_191, %ne3A_192 : i32
        %and3A_194 = arith.andi %ne3A_190, %ne3A_193 : i1
        %sub3A_195 = arith.constant 1 : i32
        %sub3A_196 = arith.subi %div3A_175, %sub3A_195 : i32
        %select_n3A_197 = arith.select %and3A_194, %sub3A_196, %div3A_175 : i32
        %multiple_of3A_198 = tpu.assume_multiple %select_n3A_197, 8 : i32
        %dma_start3A_199 = arith.constant 0 : i32
        %dma_start3A_200 = tpu.memref_slice %arg4[%multiple_of3A_173, %dma_start3A_199] : memref<327680x16xf32, #tpu.memory_space<hbm>> -> memref<64x16xf32, #tpu.memory_space<hbm>>
        %dma_start3A_201 = arith.constant 0 : i32
        %dma_start3A_202 = tpu.memref_slice %arg4[%multiple_of3A_173, %dma_start3A_201] : memref<327680x16xf32, #tpu.memory_space<hbm>> -> memref<64x16xf32, #tpu.memory_space<hbm>>
        tpu.enqueue_dma source(%dma_start3A_202 : memref<64x16xf32, #tpu.memory_space<hbm>>) target(%arg16 : memref<64x16xf32, #tpu.memory_space<vmem>>) target_semaphore(%arg25 : memref<!tpu.dma_semaphore, #tpu.memory_space<semaphore_mem>>)
        %dma_start3A_203 = arith.constant 0 : i32
        %dma_start3A_204 = arith.constant 0 : i32
        %dma_start3A_205 = tpu.memref_slice %arg6[%multiple_of3A_198, %dma_start3A_203, %dma_start3A_204] : memref<40960x8x128xf32, #tpu.memory_space<hbm>> -> memref<8x8x128xf32, #tpu.memory_space<hbm>>
        %dma_start3A_206 = arith.constant 0 : i32
        %dma_start3A_207 = arith.constant 0 : i32
        %dma_start3A_208 = tpu.memref_slice %arg6[%multiple_of3A_198, %dma_start3A_206, %dma_start3A_207] : memref<40960x8x128xf32, #tpu.memory_space<hbm>> -> memref<8x8x128xf32, #tpu.memory_space<hbm>>
        tpu.enqueue_dma source(%dma_start3A_208 : memref<8x8x128xf32, #tpu.memory_space<hbm>>) target(%arg18 : memref<8x8x128xf32, #tpu.memory_space<vmem>>) target_semaphore(%arg25 : memref<!tpu.dma_semaphore, #tpu.memory_space<semaphore_mem>>)
        %dma_start3A_209 = arith.constant 0 : i32
        %dma_start3A_210 = tpu.memref_slice %arg11[%add3A_118, %dma_start3A_209] : memref<16x64xi32, #tpu.memory_space<vmem>> -> memref<1x64xi32, #tpu.memory_space<vmem>>
        %dma_start3A_211 = tpu.memref_squeeze %dma_start3A_210 : memref<1x64xi32, #tpu.memory_space<vmem>> -> memref<64xi32, #tpu.memory_space<vmem>>
        %dma_start3A_212 = arith.constant 0 : i32
        %dma_start3A_213 = arith.constant 0 : i32
        %dma_start3A_214 = tpu.memref_slice %arg5[%dma_start3A_212, %dma_start3A_213] : memref<10112x16xf32, #tpu.memory_space<hbm>> -> memref<10112x16xf32, #tpu.memory_space<hbm>>
        tpu.enqueue_indirect_dma source(%dma_start3A_214 : memref<10112x16xf32, #tpu.memory_space<hbm>>) target(%arg17 : memref<64x16xf32, #tpu.memory_space<vmem>>) offsets(%dma_start3A_211 : memref<64xi32, #tpu.memory_space<vmem>>) semaphore(%arg26 : memref<!tpu.dma_semaphore, #tpu.memory_space<semaphore_mem>>)
        %dma_start3A_215 = arith.constant 0 : i32
        %dma_start3A_216 = tpu.memref_slice %arg10[%add3A_118, %dma_start3A_215] : memref<16x64xi32, #tpu.memory_space<vmem>> -> memref<1x64xi32, #tpu.memory_space<vmem>>
        %dma_start3A_217 = tpu.memref_squeeze %dma_start3A_216 : memref<1x64xi32, #tpu.memory_space<vmem>> -> memref<64xi32, #tpu.memory_space<vmem>>
        %dma_start3A_218 = arith.constant 0 : i32
        %dma_start3A_219 = arith.constant 0 : i32
        %dma_start3A_220 = tpu.memref_slice %arg7[%dma_start3A_218, %dma_start3A_219] : memref<10112x128xf32, #tpu.memory_space<hbm>> -> memref<10112x128xf32, #tpu.memory_space<hbm>>
        tpu.enqueue_indirect_dma source(%dma_start3A_220 : memref<10112x128xf32, #tpu.memory_space<hbm>>) target(%arg19 : memref<64x128xf32, #tpu.memory_space<vmem>>) offsets(%dma_start3A_217 : memref<64xi32, #tpu.memory_space<vmem>>) semaphore(%arg26 : memref<!tpu.dma_semaphore, #tpu.memory_space<semaphore_mem>>)
        %scan3A_221 = arith.constant 0 : i32
        %scan3A_222 = arith.constant 0 : i32
        %scan3A_223 = arith.constant 64 : i32
        %scan3A_224 = arith.addi %scan3A_222, %scan3A_223 : i32
        %scan3A_225 = arith.constant 8 : i32
        %scan3A_226 = scf.for %scan3A_672 = %scan3A_222 to %scan3A_224 step %scan3A_225 iter_args(%scan3A_673 = %scan3A_221) -> (i32)  : i32 {
          %get3A = arith.index_cast %scan3A_672 : i32 to index
          %get3A_674 = arith.constant 0 : index
          %get3A_675 = tpu.vector_load %arg12[%get3A, %get3A_674] {strides = array<i32>} : memref<64x16xf32, #tpu.memory_space<vmem>>, vector<16xf32>,
          %get3A_676 = arith.index_cast %scan3A_672 : i32 to index
          %get3A_677 = arith.constant 0 : index
          %get3A_678 = tpu.vector_load %arg13[%get3A_676, %get3A_677] {strides = array<i32>} : memref<64x16xf32, #tpu.memory_space<vmem>>, vector<16xf32>,
          %div3A_679 = arith.divf %get3A_675, %get3A_678 : vector<16xf32>
          %swap3A_680 = arith.index_cast %scan3A_672 : i32 to index
          %swap3A_681 = arith.constant 0 : index
          %swap3A_682 = tpu.vector_load %arg12[%swap3A_680, %swap3A_681] {strides = array<i32>} : memref<64x16xf32, #tpu.memory_space<vmem>>, vector<16xf32>,
          tpu.vector_store %arg12[%swap3A_680, %swap3A_681], %div3A_679 {strides = array<i32>} : memref<64x16xf32, #tpu.memory_space<vmem>>, vector<16xf32>,
          %scan3A_683 = arith.constant 0 : i32
          %scan3A_684 = arith.constant 1 : i32
          %scan3A_685 = arith.addi %scan3A_672, %scan3A_684 : i32
          %get3A_686 = arith.index_cast %scan3A_685 : i32 to index
          %get3A_687 = arith.constant 0 : index
          %get3A_688 = tpu.vector_load %arg12[%get3A_686, %get3A_687] {strides = array<i32>} : memref<64x16xf32, #tpu.memory_space<vmem>>, vector<16xf32>,
          %get3A_689 = arith.index_cast %scan3A_685 : i32 to index
          %get3A_690 = arith.constant 0 : index
          %get3A_691 = tpu.vector_load %arg13[%get3A_689, %get3A_690] {strides = array<i32>} : memref<64x16xf32, #tpu.memory_space<vmem>>, vector<16xf32>,
          %div3A_692 = arith.divf %get3A_688, %get3A_691 : vector<16xf32>
          %swap3A_693 = arith.index_cast %scan3A_685 : i32 to index
          %swap3A_694 = arith.constant 0 : index
          %swap3A_695 = tpu.vector_load %arg12[%swap3A_693, %swap3A_694] {strides = array<i32>} : memref<64x16xf32, #tpu.memory_space<vmem>>, vector<16xf32>,
          tpu.vector_store %arg12[%swap3A_693, %swap3A_694], %div3A_692 {strides = array<i32>} : memref<64x16xf32, #tpu.memory_space<vmem>>, vector<16xf32>,
          %scan3A_696 = arith.constant 0 : i32
          %scan3A_697 = arith.constant 2 : i32
          %scan3A_698 = arith.addi %scan3A_672, %scan3A_697 : i32
          %get3A_699 = arith.index_cast %scan3A_698 : i32 to index
          %get3A_700 = arith.constant 0 : index
          %get3A_701 = tpu.vector_load %arg12[%get3A_699, %get3A_700] {strides = array<i32>} : memref<64x16xf32, #tpu.memory_space<vmem>>, vector<16xf32>,
          %get3A_702 = arith.index_cast %scan3A_698 : i32 to index
          %get3A_703 = arith.constant 0 : index
          %get3A_704 = tpu.vector_load %arg13[%get3A_702, %get3A_703] {strides = array<i32>} : memref<64x16xf32, #tpu.memory_space<vmem>>, vector<16xf32>,
          %div3A_705 = arith.divf %get3A_701, %get3A_704 : vector<16xf32>
          %swap3A_706 = arith.index_cast %scan3A_698 : i32 to index
          %swap3A_707 = arith.constant 0 : index
          %swap3A_708 = tpu.vector_load %arg12[%swap3A_706, %swap3A_707] {strides = array<i32>} : memref<64x16xf32, #tpu.memory_space<vmem>>, vector<16xf32>,
          tpu.vector_store %arg12[%swap3A_706, %swap3A_707], %div3A_705 {strides = array<i32>} : memref<64x16xf32, #tpu.memory_space<vmem>>, vector<16xf32>,
          %scan3A_709 = arith.constant 0 : i32
          %scan3A_710 = arith.constant 3 : i32
          %scan3A_711 = arith.addi %scan3A_672, %scan3A_710 : i32
          %get3A_712 = arith.index_cast %scan3A_711 : i32 to index
          %get3A_713 = arith.constant 0 : index
          %get3A_714 = tpu.vector_load %arg12[%get3A_712, %get3A_713] {strides = array<i32>} : memref<64x16xf32, #tpu.memory_space<vmem>>, vector<16xf32>,
          %get3A_715 = arith.index_cast %scan3A_711 : i32 to index
          %get3A_716 = arith.constant 0 : index
          %get3A_717 = tpu.vector_load %arg13[%get3A_715, %get3A_716] {strides = array<i32>} : memref<64x16xf32, #tpu.memory_space<vmem>>, vector<16xf32>,
          %div3A_718 = arith.divf %get3A_714, %get3A_717 : vector<16xf32>
          %swap3A_719 = arith.index_cast %scan3A_711 : i32 to index
          %swap3A_720 = arith.constant 0 : index
          %swap3A_721 = tpu.vector_load %arg12[%swap3A_719, %swap3A_720] {strides = array<i32>} : memref<64x16xf32, #tpu.memory_space<vmem>>, vector<16xf32>,
          tpu.vector_store %arg12[%swap3A_719, %swap3A_720], %div3A_718 {strides = array<i32>} : memref<64x16xf32, #tpu.memory_space<vmem>>, vector<16xf32>,
          %scan3A_722 = arith.constant 0 : i32
          %scan3A_723 = arith.constant 4 : i32
          %scan3A_724 = arith.addi %scan3A_672, %scan3A_723 : i32
          %get3A_725 = arith.index_cast %scan3A_724 : i32 to index
          %get3A_726 = arith.constant 0 : index
          %get3A_727 = tpu.vector_load %arg12[%get3A_725, %get3A_726] {strides = array<i32>} : memref<64x16xf32, #tpu.memory_space<vmem>>, vector<16xf32>,
          %get3A_728 = arith.index_cast %scan3A_724 : i32 to index
          %get3A_729 = arith.constant 0 : index
          %get3A_730 = tpu.vector_load %arg13[%get3A_728, %get3A_729] {strides = array<i32>} : memref<64x16xf32, #tpu.memory_space<vmem>>, vector<16xf32>,
          %div3A_731 = arith.divf %get3A_727, %get3A_730 : vector<16xf32>
          %swap3A_732 = arith.index_cast %scan3A_724 : i32 to index
          %swap3A_733 = arith.constant 0 : index
          %swap3A_734 = tpu.vector_load %arg12[%swap3A_732, %swap3A_733] {strides = array<i32>} : memref<64x16xf32, #tpu.memory_space<vmem>>, vector<16xf32>,
          tpu.vector_store %arg12[%swap3A_732, %swap3A_733], %div3A_731 {strides = array<i32>} : memref<64x16xf32, #tpu.memory_space<vmem>>, vector<16xf32>,
          %scan3A_735 = arith.constant 0 : i32
          %scan3A_736 = arith.constant 5 : i32
          %scan3A_737 = arith.addi %scan3A_672, %scan3A_736 : i32
          %get3A_738 = arith.index_cast %scan3A_737 : i32 to index
          %get3A_739 = arith.constant 0 : index
          %get3A_740 = tpu.vector_load %arg12[%get3A_738, %get3A_739] {strides = array<i32>} : memref<64x16xf32, #tpu.memory_space<vmem>>, vector<16xf32>,
          %get3A_741 = arith.index_cast %scan3A_737 : i32 to index
          %get3A_742 = arith.constant 0 : index
          %get3A_743 = tpu.vector_load %arg13[%get3A_741, %get3A_742] {strides = array<i32>} : memref<64x16xf32, #tpu.memory_space<vmem>>, vector<16xf32>,
          %div3A_744 = arith.divf %get3A_740, %get3A_743 : vector<16xf32>
          %swap3A_745 = arith.index_cast %scan3A_737 : i32 to index
          %swap3A_746 = arith.constant 0 : index
          %swap3A_747 = tpu.vector_load %arg12[%swap3A_745, %swap3A_746] {strides = array<i32>} : memref<64x16xf32, #tpu.memory_space<vmem>>, vector<16xf32>,
          tpu.vector_store %arg12[%swap3A_745, %swap3A_746], %div3A_744 {strides = array<i32>} : memref<64x16xf32, #tpu.memory_space<vmem>>, vector<16xf32>,
          %scan3A_748 = arith.constant 0 : i32
          %scan3A_749 = arith.constant 6 : i32
          %scan3A_750 = arith.addi %scan3A_672, %scan3A_749 : i32
          %get3A_751 = arith.index_cast %scan3A_750 : i32 to index
          %get3A_752 = arith.constant 0 : index
          %get3A_753 = tpu.vector_load %arg12[%get3A_751, %get3A_752] {strides = array<i32>} : memref<64x16xf32, #tpu.memory_space<vmem>>, vector<16xf32>,
          %get3A_754 = arith.index_cast %scan3A_750 : i32 to index
          %get3A_755 = arith.constant 0 : index
          %get3A_756 = tpu.vector_load %arg13[%get3A_754, %get3A_755] {strides = array<i32>} : memref<64x16xf32, #tpu.memory_space<vmem>>, vector<16xf32>,
          %div3A_757 = arith.divf %get3A_753, %get3A_756 : vector<16xf32>
          %swap3A_758 = arith.index_cast %scan3A_750 : i32 to index
          %swap3A_759 = arith.constant 0 : index
          %swap3A_760 = tpu.vector_load %arg12[%swap3A_758, %swap3A_759] {strides = array<i32>} : memref<64x16xf32, #tpu.memory_space<vmem>>, vector<16xf32>,
          tpu.vector_store %arg12[%swap3A_758, %swap3A_759], %div3A_757 {strides = array<i32>} : memref<64x16xf32, #tpu.memory_space<vmem>>, vector<16xf32>,
          %scan3A_761 = arith.constant 0 : i32
          %scan3A_762 = arith.constant 7 : i32
          %scan3A_763 = arith.addi %scan3A_672, %scan3A_762 : i32
          %get3A_764 = arith.index_cast %scan3A_763 : i32 to index
          %get3A_765 = arith.constant 0 : index
          %get3A_766 = tpu.vector_load %arg12[%get3A_764, %get3A_765] {strides = array<i32>} : memref<64x16xf32, #tpu.memory_space<vmem>>, vector<16xf32>,
          %get3A_767 = arith.index_cast %scan3A_763 : i32 to index
          %get3A_768 = arith.constant 0 : index
          %get3A_769 = tpu.vector_load %arg13[%get3A_767, %get3A_768] {strides = array<i32>} : memref<64x16xf32, #tpu.memory_space<vmem>>, vector<16xf32>,
          %div3A_770 = arith.divf %get3A_766, %get3A_769 : vector<16xf32>
          %swap3A_771 = arith.index_cast %scan3A_763 : i32 to index
          %swap3A_772 = arith.constant 0 : index
          %swap3A_773 = tpu.vector_load %arg12[%swap3A_771, %swap3A_772] {strides = array<i32>} : memref<64x16xf32, #tpu.memory_space<vmem>>, vector<16xf32>,
          tpu.vector_store %arg12[%swap3A_771, %swap3A_772], %div3A_770 {strides = array<i32>} : memref<64x16xf32, #tpu.memory_space<vmem>>, vector<16xf32>,
          %scan3A_774 = arith.constant 0 : i32
          scf.yield %scan3A_774 : i32
        }
        %scan3A_227 = arith.constant 64 : i32
        %scan3A_228 = arith.constant 0 : i32
        %scan3A_229 = arith.constant 0 : i32
        %mul3A_230 = arith.constant 16 : i32
        %mul3A_231 = arith.muli %scan3A_229, %mul3A_230 : i32
        %add3A_232 = vector.broadcast %mul3A_231 : i32 to vector<16xi32>
        %add3A_233 = arith.addi %add3A_232, %iota3A : vector<16xi32>
        %broadcast_in_dim3A = arith.constant 0 : i32
        %broadcast_in_dim3A_234 = vector.broadcast %broadcast_in_dim3A : i32 to vector<16xi32>
        %gather3A = tpu.vector_load_idx %arg12[%add3A_233, %broadcast_in_dim3A_234] : memref<64x16xf32, #tpu.memory_space<vmem>>[vector<16xi32>, vector<16xi32>], vector<16xf32>,
        %broadcast_in_dim3A_235 = arith.constant 1 : i32
        %broadcast_in_dim3A_236 = vector.broadcast %broadcast_in_dim3A_235 : i32 to vector<16xi32>
        %gather3A_237 = tpu.vector_load_idx %arg12[%add3A_233, %broadcast_in_dim3A_236] : memref<64x16xf32, #tpu.memory_space<vmem>>[vector<16xi32>, vector<16xi32>], vector<16xf32>,
        %add3A_238 = arith.addf %gather3A, %gather3A_237 : vector<16xf32>
        %broadcast_in_dim3A_239 = arith.constant 2 : i32
        %broadcast_in_dim3A_240 = vector.broadcast %broadcast_in_dim3A_239 : i32 to vector<16xi32>
        %gather3A_241 = tpu.vector_load_idx %arg12[%add3A_233, %broadcast_in_dim3A_240] : memref<64x16xf32, #tpu.memory_space<vmem>>[vector<16xi32>, vector<16xi32>], vector<16xf32>,
        %add3A_242 = arith.addf %add3A_238, %gather3A_241 : vector<16xf32>
        %broadcast_in_dim3A_243 = arith.constant 3 : i32
        %broadcast_in_dim3A_244 = vector.broadcast %broadcast_in_dim3A_243 : i32 to vector<16xi32>
        %gather3A_245 = tpu.vector_load_idx %arg12[%add3A_233, %broadcast_in_dim3A_244] : memref<64x16xf32, #tpu.memory_space<vmem>>[vector<16xi32>, vector<16xi32>], vector<16xf32>,
        %add3A_246 = arith.addf %add3A_242, %gather3A_245 : vector<16xf32>
        %broadcast_in_dim3A_247 = arith.constant 4 : i32
        %broadcast_in_dim3A_248 = vector.broadcast %broadcast_in_dim3A_247 : i32 to vector<16xi32>
        %gather3A_249 = tpu.vector_load_idx %arg12[%add3A_233, %broadcast_in_dim3A_248] : memref<64x16xf32, #tpu.memory_space<vmem>>[vector<16xi32>, vector<16xi32>], vector<16xf32>,
        %add3A_250 = arith.addf %add3A_246, %gather3A_249 : vector<16xf32>
        %broadcast_in_dim3A_251 = arith.constant 5 : i32
        %broadcast_in_dim3A_252 = vector.broadcast %broadcast_in_dim3A_251 : i32 to vector<16xi32>
        %gather3A_253 = tpu.vector_load_idx %arg12[%add3A_233, %broadcast_in_dim3A_252] : memref<64x16xf32, #tpu.memory_space<vmem>>[vector<16xi32>, vector<16xi32>], vector<16xf32>,
        %add3A_254 = arith.addf %add3A_250, %gather3A_253 : vector<16xf32>
        %broadcast_in_dim3A_255 = arith.constant 6 : i32
        %broadcast_in_dim3A_256 = vector.broadcast %broadcast_in_dim3A_255 : i32 to vector<16xi32>
        %gather3A_257 = tpu.vector_load_idx %arg12[%add3A_233, %broadcast_in_dim3A_256] : memref<64x16xf32, #tpu.memory_space<vmem>>[vector<16xi32>, vector<16xi32>], vector<16xf32>,
        %add3A_258 = arith.addf %add3A_254, %gather3A_257 : vector<16xf32>
        %broadcast_in_dim3A_259 = arith.constant 7 : i32
        %broadcast_in_dim3A_260 = vector.broadcast %broadcast_in_dim3A_259 : i32 to vector<16xi32>
        %gather3A_261 = tpu.vector_load_idx %arg12[%add3A_233, %broadcast_in_dim3A_260] : memref<64x16xf32, #tpu.memory_space<vmem>>[vector<16xi32>, vector<16xi32>], vector<16xf32>,
        %add3A_262 = arith.addf %add3A_258, %gather3A_261 : vector<16xf32>
        %mul3A_263 = arith.constant 1.250000e-01 : f32
        %mul3A_264 = vector.broadcast %mul3A_263 : f32 to vector<16xf32>
        %mul3A_265 = arith.mulf %add3A_262, %mul3A_264 : vector<16xf32>
        %swap3A = arith.index_cast %scan3A_229 : i32 to index
        %swap3A_266 = arith.constant 0 : index
        %swap3A_267 = tpu.vector_load %arg20[%swap3A, %swap3A_266] {strides = array<i32>} : memref<4x16xf32, #tpu.memory_space<vmem>>, vector<16xf32>,
        tpu.vector_store %arg20[%swap3A, %swap3A_266], %mul3A_265 {strides = array<i32>} : memref<4x16xf32, #tpu.memory_space<vmem>>, vector<16xf32>,
        %scan3A_268 = arith.constant 0 : i32
        %scan3A_269 = arith.constant 1 : i32
        %mul3A_270 = arith.constant 16 : i32
        %mul3A_271 = arith.muli %scan3A_269, %mul3A_270 : i32
        %add3A_272 = vector.broadcast %mul3A_271 : i32 to vector<16xi32>
        %add3A_273 = arith.addi %add3A_272, %iota3A : vector<16xi32>
        %broadcast_in_dim3A_274 = arith.constant 0 : i32
        %broadcast_in_dim3A_275 = vector.broadcast %broadcast_in_dim3A_274 : i32 to vector<16xi32>
        %gather3A_276 = tpu.vector_load_idx %arg12[%add3A_273, %broadcast_in_dim3A_275] : memref<64x16xf32, #tpu.memory_space<vmem>>[vector<16xi32>, vector<16xi32>], vector<16xf32>,
        %broadcast_in_dim3A_277 = arith.constant 1 : i32
        %broadcast_in_dim3A_278 = vector.broadcast %broadcast_in_dim3A_277 : i32 to vector<16xi32>
        %gather3A_279 = tpu.vector_load_idx %arg12[%add3A_273, %broadcast_in_dim3A_278] : memref<64x16xf32, #tpu.memory_space<vmem>>[vector<16xi32>, vector<16xi32>], vector<16xf32>,
        %add3A_280 = arith.addf %gather3A_276, %gather3A_279 : vector<16xf32>
        %broadcast_in_dim3A_281 = arith.constant 2 : i32
        %broadcast_in_dim3A_282 = vector.broadcast %broadcast_in_dim3A_281 : i32 to vector<16xi32>
        %gather3A_283 = tpu.vector_load_idx %arg12[%add3A_273, %broadcast_in_dim3A_282] : memref<64x16xf32, #tpu.memory_space<vmem>>[vector<16xi32>, vector<16xi32>], vector<16xf32>,
        %add3A_284 = arith.addf %add3A_280, %gather3A_283 : vector<16xf32>
        %broadcast_in_dim3A_285 = arith.constant 3 : i32
        %broadcast_in_dim3A_286 = vector.broadcast %broadcast_in_dim3A_285 : i32 to vector<16xi32>
        %gather3A_287 = tpu.vector_load_idx %arg12[%add3A_273, %broadcast_in_dim3A_286] : memref<64x16xf32, #tpu.memory_space<vmem>>[vector<16xi32>, vector<16xi32>], vector<16xf32>,
        %add3A_288 = arith.addf %add3A_284, %gather3A_287 : vector<16xf32>
        %broadcast_in_dim3A_289 = arith.constant 4 : i32
        %broadcast_in_dim3A_290 = vector.broadcast %broadcast_in_dim3A_289 : i32 to vector<16xi32>
        %gather3A_291 = tpu.vector_load_idx %arg12[%add3A_273, %broadcast_in_dim3A_290] : memref<64x16xf32, #tpu.memory_space<vmem>>[vector<16xi32>, vector<16xi32>], vector<16xf32>,
        %add3A_292 = arith.addf %add3A_288, %gather3A_291 : vector<16xf32>
        %broadcast_in_dim3A_293 = arith.constant 5 : i32
        %broadcast_in_dim3A_294 = vector.broadcast %broadcast_in_dim3A_293 : i32 to vector<16xi32>
        %gather3A_295 = tpu.vector_load_idx %arg12[%add3A_273, %broadcast_in_dim3A_294] : memref<64x16xf32, #tpu.memory_space<vmem>>[vector<16xi32>, vector<16xi32>], vector<16xf32>,
        %add3A_296 = arith.addf %add3A_292, %gather3A_295 : vector<16xf32>
        %broadcast_in_dim3A_297 = arith.constant 6 : i32
        %broadcast_in_dim3A_298 = vector.broadcast %broadcast_in_dim3A_297 : i32 to vector<16xi32>
        %gather3A_299 = tpu.vector_load_idx %arg12[%add3A_273, %broadcast_in_dim3A_298] : memref<64x16xf32, #tpu.memory_space<vmem>>[vector<16xi32>, vector<16xi32>], vector<16xf32>,
        %add3A_300 = arith.addf %add3A_296, %gather3A_299 : vector<16xf32>
        %broadcast_in_dim3A_301 = arith.constant 7 : i32
        %broadcast_in_dim3A_302 = vector.broadcast %broadcast_in_dim3A_301 : i32 to vector<16xi32>
        %gather3A_303 = tpu.vector_load_idx %arg12[%add3A_273, %broadcast_in_dim3A_302] : memref<64x16xf32, #tpu.memory_space<vmem>>[vector<16xi32>, vector<16xi32>], vector<16xf32>,
        %add3A_304 = arith.addf %add3A_300, %gather3A_303 : vector<16xf32>
        %mul3A_305 = arith.constant 1.250000e-01 : f32
        %mul3A_306 = vector.broadcast %mul3A_305 : f32 to vector<16xf32>
        %mul3A_307 = arith.mulf %add3A_304, %mul3A_306 : vector<16xf32>
        %swap3A_308 = arith.index_cast %scan3A_269 : i32 to index
        %swap3A_309 = arith.constant 0 : index
        %swap3A_310 = tpu.vector_load %arg20[%swap3A_308, %swap3A_309] {strides = array<i32>} : memref<4x16xf32, #tpu.memory_space<vmem>>, vector<16xf32>,
        tpu.vector_store %arg20[%swap3A_308, %swap3A_309], %mul3A_307 {strides = array<i32>} : memref<4x16xf32, #tpu.memory_space<vmem>>, vector<16xf32>,
        %scan3A_311 = arith.constant 0 : i32
        %scan3A_312 = arith.constant 2 : i32
        %mul3A_313 = arith.constant 16 : i32
        %mul3A_314 = arith.muli %scan3A_312, %mul3A_313 : i32
        %add3A_315 = vector.broadcast %mul3A_314 : i32 to vector<16xi32>
        %add3A_316 = arith.addi %add3A_315, %iota3A : vector<16xi32>
        %broadcast_in_dim3A_317 = arith.constant 0 : i32
        %broadcast_in_dim3A_318 = vector.broadcast %broadcast_in_dim3A_317 : i32 to vector<16xi32>
        %gather3A_319 = tpu.vector_load_idx %arg12[%add3A_316, %broadcast_in_dim3A_318] : memref<64x16xf32, #tpu.memory_space<vmem>>[vector<16xi32>, vector<16xi32>], vector<16xf32>,
        %broadcast_in_dim3A_320 = arith.constant 1 : i32
        %broadcast_in_dim3A_321 = vector.broadcast %broadcast_in_dim3A_320 : i32 to vector<16xi32>
        %gather3A_322 = tpu.vector_load_idx %arg12[%add3A_316, %broadcast_in_dim3A_321] : memref<64x16xf32, #tpu.memory_space<vmem>>[vector<16xi32>, vector<16xi32>], vector<16xf32>,
        %add3A_323 = arith.addf %gather3A_319, %gather3A_322 : vector<16xf32>
        %broadcast_in_dim3A_324 = arith.constant 2 : i32
        %broadcast_in_dim3A_325 = vector.broadcast %broadcast_in_dim3A_324 : i32 to vector<16xi32>
        %gather3A_326 = tpu.vector_load_idx %arg12[%add3A_316, %broadcast_in_dim3A_325] : memref<64x16xf32, #tpu.memory_space<vmem>>[vector<16xi32>, vector<16xi32>], vector<16xf32>,
        %add3A_327 = arith.addf %add3A_323, %gather3A_326 : vector<16xf32>
        %broadcast_in_dim3A_328 = arith.constant 3 : i32
        %broadcast_in_dim3A_329 = vector.broadcast %broadcast_in_dim3A_328 : i32 to vector<16xi32>
        %gather3A_330 = tpu.vector_load_idx %arg12[%add3A_316, %broadcast_in_dim3A_329] : memref<64x16xf32, #tpu.memory_space<vmem>>[vector<16xi32>, vector<16xi32>], vector<16xf32>,
        %add3A_331 = arith.addf %add3A_327, %gather3A_330 : vector<16xf32>
        %broadcast_in_dim3A_332 = arith.constant 4 : i32
        %broadcast_in_dim3A_333 = vector.broadcast %broadcast_in_dim3A_332 : i32 to vector<16xi32>
        %gather3A_334 = tpu.vector_load_idx %arg12[%add3A_316, %broadcast_in_dim3A_333] : memref<64x16xf32, #tpu.memory_space<vmem>>[vector<16xi32>, vector<16xi32>], vector<16xf32>,
        %add3A_335 = arith.addf %add3A_331, %gather3A_334 : vector<16xf32>
        %broadcast_in_dim3A_336 = arith.constant 5 : i32
        %broadcast_in_dim3A_337 = vector.broadcast %broadcast_in_dim3A_336 : i32 to vector<16xi32>
        %gather3A_338 = tpu.vector_load_idx %arg12[%add3A_316, %broadcast_in_dim3A_337] : memref<64x16xf32, #tpu.memory_space<vmem>>[vector<16xi32>, vector<16xi32>], vector<16xf32>,
        %add3A_339 = arith.addf %add3A_335, %gather3A_338 : vector<16xf32>
        %broadcast_in_dim3A_340 = arith.constant 6 : i32
        %broadcast_in_dim3A_341 = vector.broadcast %broadcast_in_dim3A_340 : i32 to vector<16xi32>
        %gather3A_342 = tpu.vector_load_idx %arg12[%add3A_316, %broadcast_in_dim3A_341] : memref<64x16xf32, #tpu.memory_space<vmem>>[vector<16xi32>, vector<16xi32>], vector<16xf32>,
        %add3A_343 = arith.addf %add3A_339, %gather3A_342 : vector<16xf32>
        %broadcast_in_dim3A_344 = arith.constant 7 : i32
        %broadcast_in_dim3A_345 = vector.broadcast %broadcast_in_dim3A_344 : i32 to vector<16xi32>
        %gather3A_346 = tpu.vector_load_idx %arg12[%add3A_316, %broadcast_in_dim3A_345] : memref<64x16xf32, #tpu.memory_space<vmem>>[vector<16xi32>, vector<16xi32>], vector<16xf32>,
        %add3A_347 = arith.addf %add3A_343, %gather3A_346 : vector<16xf32>
        %mul3A_348 = arith.constant 1.250000e-01 : f32
        %mul3A_349 = vector.broadcast %mul3A_348 : f32 to vector<16xf32>
        %mul3A_350 = arith.mulf %add3A_347, %mul3A_349 : vector<16xf32>
        %swap3A_351 = arith.index_cast %scan3A_312 : i32 to index
        %swap3A_352 = arith.constant 0 : index
        %swap3A_353 = tpu.vector_load %arg20[%swap3A_351, %swap3A_352] {strides = array<i32>} : memref<4x16xf32, #tpu.memory_space<vmem>>, vector<16xf32>,
        tpu.vector_store %arg20[%swap3A_351, %swap3A_352], %mul3A_350 {strides = array<i32>} : memref<4x16xf32, #tpu.memory_space<vmem>>, vector<16xf32>,
        %scan3A_354 = arith.constant 0 : i32
        %scan3A_355 = arith.constant 3 : i32
        %mul3A_356 = arith.constant 16 : i32
        %mul3A_357 = arith.muli %scan3A_355, %mul3A_356 : i32
        %add3A_358 = vector.broadcast %mul3A_357 : i32 to vector<16xi32>
        %add3A_359 = arith.addi %add3A_358, %iota3A : vector<16xi32>
        %broadcast_in_dim3A_360 = arith.constant 0 : i32
        %broadcast_in_dim3A_361 = vector.broadcast %broadcast_in_dim3A_360 : i32 to vector<16xi32>
        %gather3A_362 = tpu.vector_load_idx %arg12[%add3A_359, %broadcast_in_dim3A_361] : memref<64x16xf32, #tpu.memory_space<vmem>>[vector<16xi32>, vector<16xi32>], vector<16xf32>,
        %broadcast_in_dim3A_363 = arith.constant 1 : i32
        %broadcast_in_dim3A_364 = vector.broadcast %broadcast_in_dim3A_363 : i32 to vector<16xi32>
        %gather3A_365 = tpu.vector_load_idx %arg12[%add3A_359, %broadcast_in_dim3A_364] : memref<64x16xf32, #tpu.memory_space<vmem>>[vector<16xi32>, vector<16xi32>], vector<16xf32>,
        %add3A_366 = arith.addf %gather3A_362, %gather3A_365 : vector<16xf32>
        %broadcast_in_dim3A_367 = arith.constant 2 : i32
        %broadcast_in_dim3A_368 = vector.broadcast %broadcast_in_dim3A_367 : i32 to vector<16xi32>
        %gather3A_369 = tpu.vector_load_idx %arg12[%add3A_359, %broadcast_in_dim3A_368] : memref<64x16xf32, #tpu.memory_space<vmem>>[vector<16xi32>, vector<16xi32>], vector<16xf32>,
        %add3A_370 = arith.addf %add3A_366, %gather3A_369 : vector<16xf32>
        %broadcast_in_dim3A_371 = arith.constant 3 : i32
        %broadcast_in_dim3A_372 = vector.broadcast %broadcast_in_dim3A_371 : i32 to vector<16xi32>
        %gather3A_373 = tpu.vector_load_idx %arg12[%add3A_359, %broadcast_in_dim3A_372] : memref<64x16xf32, #tpu.memory_space<vmem>>[vector<16xi32>, vector<16xi32>], vector<16xf32>,
        %add3A_374 = arith.addf %add3A_370, %gather3A_373 : vector<16xf32>
        %broadcast_in_dim3A_375 = arith.constant 4 : i32
        %broadcast_in_dim3A_376 = vector.broadcast %broadcast_in_dim3A_375 : i32 to vector<16xi32>
        %gather3A_377 = tpu.vector_load_idx %arg12[%add3A_359, %broadcast_in_dim3A_376] : memref<64x16xf32, #tpu.memory_space<vmem>>[vector<16xi32>, vector<16xi32>], vector<16xf32>,
        %add3A_378 = arith.addf %add3A_374, %gather3A_377 : vector<16xf32>
        %broadcast_in_dim3A_379 = arith.constant 5 : i32
        %broadcast_in_dim3A_380 = vector.broadcast %broadcast_in_dim3A_379 : i32 to vector<16xi32>
        %gather3A_381 = tpu.vector_load_idx %arg12[%add3A_359, %broadcast_in_dim3A_380] : memref<64x16xf32, #tpu.memory_space<vmem>>[vector<16xi32>, vector<16xi32>], vector<16xf32>,
        %add3A_382 = arith.addf %add3A_378, %gather3A_381 : vector<16xf32>
        %broadcast_in_dim3A_383 = arith.constant 6 : i32
        %broadcast_in_dim3A_384 = vector.broadcast %broadcast_in_dim3A_383 : i32 to vector<16xi32>
        %gather3A_385 = tpu.vector_load_idx %arg12[%add3A_359, %broadcast_in_dim3A_384] : memref<64x16xf32, #tpu.memory_space<vmem>>[vector<16xi32>, vector<16xi32>], vector<16xf32>,
        %add3A_386 = arith.addf %add3A_382, %gather3A_385 : vector<16xf32>
        %broadcast_in_dim3A_387 = arith.constant 7 : i32
        %broadcast_in_dim3A_388 = vector.broadcast %broadcast_in_dim3A_387 : i32 to vector<16xi32>
        %gather3A_389 = tpu.vector_load_idx %arg12[%add3A_359, %broadcast_in_dim3A_388] : memref<64x16xf32, #tpu.memory_space<vmem>>[vector<16xi32>, vector<16xi32>], vector<16xf32>,
        %add3A_390 = arith.addf %add3A_386, %gather3A_389 : vector<16xf32>
        %mul3A_391 = arith.constant 1.250000e-01 : f32
        %mul3A_392 = vector.broadcast %mul3A_391 : f32 to vector<16xf32>
        %mul3A_393 = arith.mulf %add3A_390, %mul3A_392 : vector<16xf32>
        %swap3A_394 = arith.index_cast %scan3A_355 : i32 to index
        %swap3A_395 = arith.constant 0 : index
        %swap3A_396 = tpu.vector_load %arg20[%swap3A_394, %swap3A_395] {strides = array<i32>} : memref<4x16xf32, #tpu.memory_space<vmem>>, vector<16xf32>,
        tpu.vector_store %arg20[%swap3A_394, %swap3A_395], %mul3A_393 {strides = array<i32>} : memref<4x16xf32, #tpu.memory_space<vmem>>, vector<16xf32>,
        %scan3A_397 = arith.constant 0 : i32
        %scan3A_398 = arith.constant 4 : i32
        %scan3A_399 = arith.constant 0 : i32
        %scan3A_400 = arith.constant 0 : i32
        %scan3A_401 = arith.constant 64 : i32
        %scan3A_402 = arith.addi %scan3A_400, %scan3A_401 : i32
        %scan3A_403 = arith.constant 2 : i32
        %scan3A_404 = scf.for %scan3A_672 = %scan3A_400 to %scan3A_402 step %scan3A_403 iter_args(%scan3A_673 = %scan3A_399) -> (i32)  : i32 {
          %jit3A_674 = arith.constant 16 : i32
          %div3A_675 = arith.divsi %scan3A_672, %jit3A_674 : i32
          %sign3A_676 = arith.constant 0 : i32
          %sign3A_677 = arith.cmpi sgt, %scan3A_672, %sign3A_676 : i32
          %sign3A_678 = arith.extui %sign3A_677 : i1 to i32
          %sign3A_679 = arith.constant 0 : i32
          %sign3A_680 = arith.cmpi slt, %scan3A_672, %sign3A_679 : i32
          %sign3A_681 = arith.extui %sign3A_680 : i1 to i32
          %sign3A_682 = arith.subi %sign3A_678, %sign3A_681 : i32
          %sign3A_683 = arith.constant 0 : i32
          %sign3A_684 = arith.cmpi sgt, %jit3A_674, %sign3A_683 : i32
          %sign3A_685 = arith.extui %sign3A_684 : i1 to i32
          %sign3A_686 = arith.constant 0 : i32
          %sign3A_687 = arith.cmpi slt, %jit3A_674, %sign3A_686 : i32
          %sign3A_688 = arith.extui %sign3A_687 : i1 to i32
          %sign3A_689 = arith.subi %sign3A_685, %sign3A_688 : i32
          %ne3A_690 = arith.cmpi ne, %sign3A_682, %sign3A_689 : i32
          %rem3A_691 = arith.remsi %scan3A_672, %jit3A_674 : i32
          %ne3A_692 = arith.constant 0 : i32
          %ne3A_693 = arith.cmpi ne, %rem3A_691, %ne3A_692 : i32
          %and3A_694 = arith.andi %ne3A_690, %ne3A_693 : i1
          %sub3A_695 = arith.constant 1 : i32
          %sub3A_696 = arith.subi %div3A_675, %sub3A_695 : i32
          %select_n3A_697 = arith.select %and3A_694, %sub3A_696, %div3A_675 : i32
          %broadcast_in_dim3A_698 = vector.broadcast %select_n3A_697 : i32 to vector<16xi32>
          %jit3A_699 = arith.constant 16 : i32
          %eq3A_700 = arith.constant 0 : i32
          %eq3A_701 = arith.cmpi eq, %jit3A_699, %eq3A_700 : i32
          %jit3A_702 = arith.constant 1 : i32
          %select_n3A_703 = arith.select %eq3A_701, %jit3A_702, %jit3A_699 : i32
          %rem3A_704 = arith.remsi %scan3A_672, %select_n3A_703 : i32
          %ne3A_705 = arith.constant 0 : i32
          %ne3A_706 = arith.cmpi ne, %rem3A_704, %ne3A_705 : i32
          %lt3A_707 = arith.constant 0 : i32
          %lt3A_708 = arith.cmpi slt, %rem3A_704, %lt3A_707 : i32
          %lt3A_709 = arith.constant 0 : i32
          %lt3A_710 = arith.cmpi slt, %select_n3A_703, %lt3A_709 : i32
          %ne3A_711 = arith.xori %lt3A_708, %lt3A_710 : i1
          %and3A_712 = arith.andi %ne3A_711, %ne3A_706 : i1
          %add3A_713 = arith.addi %rem3A_704, %select_n3A_703 : i32
          %select_n3A_714 = arith.select %and3A_712, %add3A_713, %rem3A_704 : i32
          %broadcast_in_dim3A_715 = vector.broadcast %select_n3A_714 : i32 to vector<16xi32>
          %gather3A_716 = tpu.vector_load_idx %arg20[%broadcast_in_dim3A_698, %broadcast_in_dim3A_715] : memref<4x16xf32, #tpu.memory_space<vmem>>[vector<16xi32>, vector<16xi32>], vector<16xf32>,
          %jit3A_717 = arith.constant 8 : i32
          %div3A_718 = arith.divsi %scan3A_672, %jit3A_717 : i32
          %sign3A_719 = arith.constant 0 : i32
          %sign3A_720 = arith.cmpi sgt, %scan3A_672, %sign3A_719 : i32
          %sign3A_721 = arith.extui %sign3A_720 : i1 to i32
          %sign3A_722 = arith.constant 0 : i32
          %sign3A_723 = arith.cmpi slt, %scan3A_672, %sign3A_722 : i32
          %sign3A_724 = arith.extui %sign3A_723 : i1 to i32
          %sign3A_725 = arith.subi %sign3A_721, %sign3A_724 : i32
          %sign3A_726 = arith.constant 0 : i32
          %sign3A_727 = arith.cmpi sgt, %jit3A_717, %sign3A_726 : i32
          %sign3A_728 = arith.extui %sign3A_727 : i1 to i32
          %sign3A_729 = arith.constant 0 : i32
          %sign3A_730 = arith.cmpi slt, %jit3A_717, %sign3A_729 : i32
          %sign3A_731 = arith.extui %sign3A_730 : i1 to i32
          %sign3A_732 = arith.subi %sign3A_728, %sign3A_731 : i32
          %ne3A_733 = arith.cmpi ne, %sign3A_725, %sign3A_732 : i32
          %rem3A_734 = arith.remsi %scan3A_672, %jit3A_717 : i32
          %ne3A_735 = arith.constant 0 : i32
          %ne3A_736 = arith.cmpi ne, %rem3A_734, %ne3A_735 : i32
          %and3A_737 = arith.andi %ne3A_733, %ne3A_736 : i1
          %sub3A_738 = arith.constant 1 : i32
          %sub3A_739 = arith.subi %div3A_718, %sub3A_738 : i32
          %select_n3A_740 = arith.select %and3A_737, %sub3A_739, %div3A_718 : i32
          %jit3A_741 = arith.constant 8 : i32
          %eq3A_742 = arith.constant 0 : i32
          %eq3A_743 = arith.cmpi eq, %jit3A_741, %eq3A_742 : i32
          %jit3A_744 = arith.constant 1 : i32
          %select_n3A_745 = arith.select %eq3A_743, %jit3A_744, %jit3A_741 : i32
          %rem3A_746 = arith.remsi %scan3A_672, %select_n3A_745 : i32
          %ne3A_747 = arith.constant 0 : i32
          %ne3A_748 = arith.cmpi ne, %rem3A_746, %ne3A_747 : i32
          %lt3A_749 = arith.constant 0 : i32
          %lt3A_750 = arith.cmpi slt, %rem3A_746, %lt3A_749 : i32
          %lt3A_751 = arith.constant 0 : i32
          %lt3A_752 = arith.cmpi slt, %select_n3A_745, %lt3A_751 : i32
          %ne3A_753 = arith.xori %lt3A_750, %lt3A_752 : i1
          %and3A_754 = arith.andi %ne3A_753, %ne3A_748 : i1
          %add3A_755 = arith.addi %rem3A_746, %select_n3A_745 : i32
          %select_n3A_756 = arith.select %and3A_754, %add3A_755, %rem3A_746 : i32
          %get3A = arith.index_cast %select_n3A_740 : i32 to index
          %get3A_757 = arith.index_cast %select_n3A_756 : i32 to index
          %get3A_758 = arith.constant 0 : index
          %get3A_759 = tpu.vector_load %arg14[%get3A, %get3A_757, %get3A_758] {strides = array<i32>} : memref<8x8x128xf32, #tpu.memory_space<vmem>>, vector<16xf32>,
          %get3A_760 = arith.index_cast %scan3A_672 : i32 to index
          %get3A_761 = arith.constant 0 : index
          %get3A_762 = tpu.vector_load %arg15[%get3A_760, %get3A_761] {strides = array<i32>} : memref<64x128xf32, #tpu.memory_space<vmem>>, vector<16xf32>,
          %add3A_763 = arith.addf %get3A_759, %get3A_762 : vector<16xf32>
          %mul3A_764 = arith.mulf %add3A_763, %gather3A_716 : vector<16xf32>
          %swap3A_765 = arith.index_cast %scan3A_672 : i32 to index
          %swap3A_766 = arith.constant 0 : index
          %swap3A_767 = tpu.vector_load %arg15[%swap3A_765, %swap3A_766] {strides = array<i32>} : memref<64x128xf32, #tpu.memory_space<vmem>>, vector<16xf32>,
          tpu.vector_store %arg15[%swap3A_765, %swap3A_766], %mul3A_764 {strides = array<i32>} : memref<64x128xf32, #tpu.memory_space<vmem>>, vector<16xf32>,
          %jit3A_768 = arith.constant 8 : i32
          %div3A_769 = arith.divsi %scan3A_672, %jit3A_768 : i32
          %sign3A_770 = arith.constant 0 : i32
          %sign3A_771 = arith.cmpi sgt, %scan3A_672, %sign3A_770 : i32
          %sign3A_772 = arith.extui %sign3A_771 : i1 to i32
          %sign3A_773 = arith.constant 0 : i32
          %sign3A_774 = arith.cmpi slt, %scan3A_672, %sign3A_773 : i32
          %sign3A_775 = arith.extui %sign3A_774 : i1 to i32
          %sign3A_776 = arith.subi %sign3A_772, %sign3A_775 : i32
          %sign3A_777 = arith.constant 0 : i32
          %sign3A_778 = arith.cmpi sgt, %jit3A_768, %sign3A_777 : i32
          %sign3A_779 = arith.extui %sign3A_778 : i1 to i32
          %sign3A_780 = arith.constant 0 : i32
          %sign3A_781 = arith.cmpi slt, %jit3A_768, %sign3A_780 : i32
          %sign3A_782 = arith.extui %sign3A_781 : i1 to i32
          %sign3A_783 = arith.subi %sign3A_779, %sign3A_782 : i32
          %ne3A_784 = arith.cmpi ne, %sign3A_776, %sign3A_783 : i32
          %rem3A_785 = arith.remsi %scan3A_672, %jit3A_768 : i32
          %ne3A_786 = arith.constant 0 : i32
          %ne3A_787 = arith.cmpi ne, %rem3A_785, %ne3A_786 : i32
          %and3A_788 = arith.andi %ne3A_784, %ne3A_787 : i1
          %sub3A_789 = arith.constant 1 : i32
          %sub3A_790 = arith.subi %div3A_769, %sub3A_789 : i32
          %select_n3A_791 = arith.select %and3A_788, %sub3A_790, %div3A_769 : i32
          %jit3A_792 = arith.constant 8 : i32
          %eq3A_793 = arith.constant 0 : i32
          %eq3A_794 = arith.cmpi eq, %jit3A_792, %eq3A_793 : i32
          %jit3A_795 = arith.constant 1 : i32
          %select_n3A_796 = arith.select %eq3A_794, %jit3A_795, %jit3A_792 : i32
          %rem3A_797 = arith.remsi %scan3A_672, %select_n3A_796 : i32
          %ne3A_798 = arith.constant 0 : i32
          %ne3A_799 = arith.cmpi ne, %rem3A_797, %ne3A_798 : i32
          %lt3A_800 = arith.constant 0 : i32
          %lt3A_801 = arith.cmpi slt, %rem3A_797, %lt3A_800 : i32
          %lt3A_802 = arith.constant 0 : i32
          %lt3A_803 = arith.cmpi slt, %select_n3A_796, %lt3A_802 : i32
          %ne3A_804 = arith.xori %lt3A_801, %lt3A_803 : i1
          %and3A_805 = arith.andi %ne3A_804, %ne3A_799 : i1
          %add3A_806 = arith.addi %rem3A_797, %select_n3A_796 : i32
          %select_n3A_807 = arith.select %and3A_805, %add3A_806, %rem3A_797 : i32
          %get3A_808 = arith.index_cast %select_n3A_791 : i32 to index
          %get3A_809 = arith.index_cast %select_n3A_807 : i32 to index
          %get3A_810 = arith.constant 16 : index
          %get3A_811 = tpu.vector_load %arg14[%get3A_808, %get3A_809, %get3A_810] {strides = array<i32>} : memref<8x8x128xf32, #tpu.memory_space<vmem>>, vector<16xf32>,
          %get3A_812 = arith.index_cast %scan3A_672 : i32 to index
          %get3A_813 = arith.constant 16 : index
          %get3A_814 = tpu.vector_load %arg15[%get3A_812, %get3A_813] {strides = array<i32>} : memref<64x128xf32, #tpu.memory_space<vmem>>, vector<16xf32>,
          %add3A_815 = arith.addf %get3A_811, %get3A_814 : vector<16xf32>
          %mul3A_816 = arith.mulf %add3A_815, %gather3A_716 : vector<16xf32>
          %swap3A_817 = arith.index_cast %scan3A_672 : i32 to index
          %swap3A_818 = arith.constant 16 : index
          %swap3A_819 = tpu.vector_load %arg15[%swap3A_817, %swap3A_818] {strides = array<i32>} : memref<64x128xf32, #tpu.memory_space<vmem>>, vector<16xf32>,
          tpu.vector_store %arg15[%swap3A_817, %swap3A_818], %mul3A_816 {strides = array<i32>} : memref<64x128xf32, #tpu.memory_space<vmem>>, vector<16xf32>,
          %jit3A_820 = arith.constant 8 : i32
          %div3A_821 = arith.divsi %scan3A_672, %jit3A_820 : i32
          %sign3A_822 = arith.constant 0 : i32
          %sign3A_823 = arith.cmpi sgt, %scan3A_672, %sign3A_822 : i32
          %sign3A_824 = arith.extui %sign3A_823 : i1 to i32
          %sign3A_825 = arith.constant 0 : i32
          %sign3A_826 = arith.cmpi slt, %scan3A_672, %sign3A_825 : i32
          %sign3A_827 = arith.extui %sign3A_826 : i1 to i32
          %sign3A_828 = arith.subi %sign3A_824, %sign3A_827 : i32
          %sign3A_829 = arith.constant 0 : i32
          %sign3A_830 = arith.cmpi sgt, %jit3A_820, %sign3A_829 : i32
          %sign3A_831 = arith.extui %sign3A_830 : i1 to i32
          %sign3A_832 = arith.constant 0 : i32
          %sign3A_833 = arith.cmpi slt, %jit3A_820, %sign3A_832 : i32
          %sign3A_834 = arith.extui %sign3A_833 : i1 to i32
          %sign3A_835 = arith.subi %sign3A_831, %sign3A_834 : i32
          %ne3A_836 = arith.cmpi ne, %sign3A_828, %sign3A_835 : i32
          %rem3A_837 = arith.remsi %scan3A_672, %jit3A_820 : i32
          %ne3A_838 = arith.constant 0 : i32
          %ne3A_839 = arith.cmpi ne, %rem3A_837, %ne3A_838 : i32
          %and3A_840 = arith.andi %ne3A_836, %ne3A_839 : i1
          %sub3A_841 = arith.constant 1 : i32
          %sub3A_842 = arith.subi %div3A_821, %sub3A_841 : i32
          %select_n3A_843 = arith.select %and3A_840, %sub3A_842, %div3A_821 : i32
          %jit3A_844 = arith.constant 8 : i32
          %eq3A_845 = arith.constant 0 : i32
          %eq3A_846 = arith.cmpi eq, %jit3A_844, %eq3A_845 : i32
          %jit3A_847 = arith.constant 1 : i32
          %select_n3A_848 = arith.select %eq3A_846, %jit3A_847, %jit3A_844 : i32
          %rem3A_849 = arith.remsi %scan3A_672, %select_n3A_848 : i32
          %ne3A_850 = arith.constant 0 : i32
          %ne3A_851 = arith.cmpi ne, %rem3A_849, %ne3A_850 : i32
          %lt3A_852 = arith.constant 0 : i32
          %lt3A_853 = arith.cmpi slt, %rem3A_849, %lt3A_852 : i32
          %lt3A_854 = arith.constant 0 : i32
          %lt3A_855 = arith.cmpi slt, %select_n3A_848, %lt3A_854 : i32
          %ne3A_856 = arith.xori %lt3A_853, %lt3A_855 : i1
          %and3A_857 = arith.andi %ne3A_856, %ne3A_851 : i1
          %add3A_858 = arith.addi %rem3A_849, %select_n3A_848 : i32
          %select_n3A_859 = arith.select %and3A_857, %add3A_858, %rem3A_849 : i32
          %get3A_860 = arith.index_cast %select_n3A_843 : i32 to index
          %get3A_861 = arith.index_cast %select_n3A_859 : i32 to index
          %get3A_862 = arith.constant 32 : index
          %get3A_863 = tpu.vector_load %arg14[%get3A_860, %get3A_861, %get3A_862] {strides = array<i32>} : memref<8x8x128xf32, #tpu.memory_space<vmem>>, vector<16xf32>,
          %get3A_864 = arith.index_cast %scan3A_672 : i32 to index
          %get3A_865 = arith.constant 32 : index
          %get3A_866 = tpu.vector_load %arg15[%get3A_864, %get3A_865] {strides = array<i32>} : memref<64x128xf32, #tpu.memory_space<vmem>>, vector<16xf32>,
          %add3A_867 = arith.addf %get3A_863, %get3A_866 : vector<16xf32>
          %mul3A_868 = arith.mulf %add3A_867, %gather3A_716 : vector<16xf32>
          %swap3A_869 = arith.index_cast %scan3A_672 : i32 to index
          %swap3A_870 = arith.constant 32 : index
          %swap3A_871 = tpu.vector_load %arg15[%swap3A_869, %swap3A_870] {strides = array<i32>} : memref<64x128xf32, #tpu.memory_space<vmem>>, vector<16xf32>,
          tpu.vector_store %arg15[%swap3A_869, %swap3A_870], %mul3A_868 {strides = array<i32>} : memref<64x128xf32, #tpu.memory_space<vmem>>, vector<16xf32>,
          %jit3A_872 = arith.constant 8 : i32
          %div3A_873 = arith.divsi %scan3A_672, %jit3A_872 : i32
          %sign3A_874 = arith.constant 0 : i32
          %sign3A_875 = arith.cmpi sgt, %scan3A_672, %sign3A_874 : i32
          %sign3A_876 = arith.extui %sign3A_875 : i1 to i32
          %sign3A_877 = arith.constant 0 : i32
          %sign3A_878 = arith.cmpi slt, %scan3A_672, %sign3A_877 : i32
          %sign3A_879 = arith.extui %sign3A_878 : i1 to i32
          %sign3A_880 = arith.subi %sign3A_876, %sign3A_879 : i32
          %sign3A_881 = arith.constant 0 : i32
          %sign3A_882 = arith.cmpi sgt, %jit3A_872, %sign3A_881 : i32
          %sign3A_883 = arith.extui %sign3A_882 : i1 to i32
          %sign3A_884 = arith.constant 0 : i32
          %sign3A_885 = arith.cmpi slt, %jit3A_872, %sign3A_884 : i32
          %sign3A_886 = arith.extui %sign3A_885 : i1 to i32
          %sign3A_887 = arith.subi %sign3A_883, %sign3A_886 : i32
          %ne3A_888 = arith.cmpi ne, %sign3A_880, %sign3A_887 : i32
          %rem3A_889 = arith.remsi %scan3A_672, %jit3A_872 : i32
          %ne3A_890 = arith.constant 0 : i32
          %ne3A_891 = arith.cmpi ne, %rem3A_889, %ne3A_890 : i32
          %and3A_892 = arith.andi %ne3A_888, %ne3A_891 : i1
          %sub3A_893 = arith.constant 1 : i32
          %sub3A_894 = arith.subi %div3A_873, %sub3A_893 : i32
          %select_n3A_895 = arith.select %and3A_892, %sub3A_894, %div3A_873 : i32
          %jit3A_896 = arith.constant 8 : i32
          %eq3A_897 = arith.constant 0 : i32
          %eq3A_898 = arith.cmpi eq, %jit3A_896, %eq3A_897 : i32
          %jit3A_899 = arith.constant 1 : i32
          %select_n3A_900 = arith.select %eq3A_898, %jit3A_899, %jit3A_896 : i32
          %rem3A_901 = arith.remsi %scan3A_672, %select_n3A_900 : i32
          %ne3A_902 = arith.constant 0 : i32
          %ne3A_903 = arith.cmpi ne, %rem3A_901, %ne3A_902 : i32
          %lt3A_904 = arith.constant 0 : i32
          %lt3A_905 = arith.cmpi slt, %rem3A_901, %lt3A_904 : i32
          %lt3A_906 = arith.constant 0 : i32
          %lt3A_907 = arith.cmpi slt, %select_n3A_900, %lt3A_906 : i32
          %ne3A_908 = arith.xori %lt3A_905, %lt3A_907 : i1
          %and3A_909 = arith.andi %ne3A_908, %ne3A_903 : i1
          %add3A_910 = arith.addi %rem3A_901, %select_n3A_900 : i32
          %select_n3A_911 = arith.select %and3A_909, %add3A_910, %rem3A_901 : i32
          %get3A_912 = arith.index_cast %select_n3A_895 : i32 to index
          %get3A_913 = arith.index_cast %select_n3A_911 : i32 to index
          %get3A_914 = arith.constant 48 : index
          %get3A_915 = tpu.vector_load %arg14[%get3A_912, %get3A_913, %get3A_914] {strides = array<i32>} : memref<8x8x128xf32, #tpu.memory_space<vmem>>, vector<16xf32>,
          %get3A_916 = arith.index_cast %scan3A_672 : i32 to index
          %get3A_917 = arith.constant 48 : index
          %get3A_918 = tpu.vector_load %arg15[%get3A_916, %get3A_917] {strides = array<i32>} : memref<64x128xf32, #tpu.memory_space<vmem>>, vector<16xf32>,
          %add3A_919 = arith.addf %get3A_915, %get3A_918 : vector<16xf32>
          %mul3A_920 = arith.mulf %add3A_919, %gather3A_716 : vector<16xf32>
          %swap3A_921 = arith.index_cast %scan3A_672 : i32 to index
          %swap3A_922 = arith.constant 48 : index
          %swap3A_923 = tpu.vector_load %arg15[%swap3A_921, %swap3A_922] {strides = array<i32>} : memref<64x128xf32, #tpu.memory_space<vmem>>, vector<16xf32>,
          tpu.vector_store %arg15[%swap3A_921, %swap3A_922], %mul3A_920 {strides = array<i32>} : memref<64x128xf32, #tpu.memory_space<vmem>>, vector<16xf32>,
          %jit3A_924 = arith.constant 8 : i32
          %div3A_925 = arith.divsi %scan3A_672, %jit3A_924 : i32
          %sign3A_926 = arith.constant 0 : i32
          %sign3A_927 = arith.cmpi sgt, %scan3A_672, %sign3A_926 : i32
          %sign3A_928 = arith.extui %sign3A_927 : i1 to i32
          %sign3A_929 = arith.constant 0 : i32
          %sign3A_930 = arith.cmpi slt, %scan3A_672, %sign3A_929 : i32
          %sign3A_931 = arith.extui %sign3A_930 : i1 to i32
          %sign3A_932 = arith.subi %sign3A_928, %sign3A_931 : i32
          %sign3A_933 = arith.constant 0 : i32
          %sign3A_934 = arith.cmpi sgt, %jit3A_924, %sign3A_933 : i32
          %sign3A_935 = arith.extui %sign3A_934 : i1 to i32
          %sign3A_936 = arith.constant 0 : i32
          %sign3A_937 = arith.cmpi slt, %jit3A_924, %sign3A_936 : i32
          %sign3A_938 = arith.extui %sign3A_937 : i1 to i32
          %sign3A_939 = arith.subi %sign3A_935, %sign3A_938 : i32
          %ne3A_940 = arith.cmpi ne, %sign3A_932, %sign3A_939 : i32
          %rem3A_941 = arith.remsi %scan3A_672, %jit3A_924 : i32
          %ne3A_942 = arith.constant 0 : i32
          %ne3A_943 = arith.cmpi ne, %rem3A_941, %ne3A_942 : i32
          %and3A_944 = arith.andi %ne3A_940, %ne3A_943 : i1
          %sub3A_945 = arith.constant 1 : i32
          %sub3A_946 = arith.subi %div3A_925, %sub3A_945 : i32
          %select_n3A_947 = arith.select %and3A_944, %sub3A_946, %div3A_925 : i32
          %jit3A_948 = arith.constant 8 : i32
          %eq3A_949 = arith.constant 0 : i32
          %eq3A_950 = arith.cmpi eq, %jit3A_948, %eq3A_949 : i32
          %jit3A_951 = arith.constant 1 : i32
          %select_n3A_952 = arith.select %eq3A_950, %jit3A_951, %jit3A_948 : i32
          %rem3A_953 = arith.remsi %scan3A_672, %select_n3A_952 : i32
          %ne3A_954 = arith.constant 0 : i32
          %ne3A_955 = arith.cmpi ne, %rem3A_953, %ne3A_954 : i32
          %lt3A_956 = arith.constant 0 : i32
          %lt3A_957 = arith.cmpi slt, %rem3A_953, %lt3A_956 : i32
          %lt3A_958 = arith.constant 0 : i32
          %lt3A_959 = arith.cmpi slt, %select_n3A_952, %lt3A_958 : i32
          %ne3A_960 = arith.xori %lt3A_957, %lt3A_959 : i1
          %and3A_961 = arith.andi %ne3A_960, %ne3A_955 : i1
          %add3A_962 = arith.addi %rem3A_953, %select_n3A_952 : i32
          %select_n3A_963 = arith.select %and3A_961, %add3A_962, %rem3A_953 : i32
          %get3A_964 = arith.index_cast %select_n3A_947 : i32 to index
          %get3A_965 = arith.index_cast %select_n3A_963 : i32 to index
          %get3A_966 = arith.constant 64 : index
          %get3A_967 = tpu.vector_load %arg14[%get3A_964, %get3A_965, %get3A_966] {strides = array<i32>} : memref<8x8x128xf32, #tpu.memory_space<vmem>>, vector<16xf32>,
          %get3A_968 = arith.index_cast %scan3A_672 : i32 to index
          %get3A_969 = arith.constant 64 : index
          %get3A_970 = tpu.vector_load %arg15[%get3A_968, %get3A_969] {strides = array<i32>} : memref<64x128xf32, #tpu.memory_space<vmem>>, vector<16xf32>,
          %add3A_971 = arith.addf %get3A_967, %get3A_970 : vector<16xf32>
          %mul3A_972 = arith.mulf %add3A_971, %gather3A_716 : vector<16xf32>
          %swap3A_973 = arith.index_cast %scan3A_672 : i32 to index
          %swap3A_974 = arith.constant 64 : index
          %swap3A_975 = tpu.vector_load %arg15[%swap3A_973, %swap3A_974] {strides = array<i32>} : memref<64x128xf32, #tpu.memory_space<vmem>>, vector<16xf32>,
          tpu.vector_store %arg15[%swap3A_973, %swap3A_974], %mul3A_972 {strides = array<i32>} : memref<64x128xf32, #tpu.memory_space<vmem>>, vector<16xf32>,
          %jit3A_976 = arith.constant 8 : i32
          %div3A_977 = arith.divsi %scan3A_672, %jit3A_976 : i32
          %sign3A_978 = arith.constant 0 : i32
          %sign3A_979 = arith.cmpi sgt, %scan3A_672, %sign3A_978 : i32
          %sign3A_980 = arith.extui %sign3A_979 : i1 to i32
          %sign3A_981 = arith.constant 0 : i32
          %sign3A_982 = arith.cmpi slt, %scan3A_672, %sign3A_981 : i32
          %sign3A_983 = arith.extui %sign3A_982 : i1 to i32
          %sign3A_984 = arith.subi %sign3A_980, %sign3A_983 : i32
          %sign3A_985 = arith.constant 0 : i32
          %sign3A_986 = arith.cmpi sgt, %jit3A_976, %sign3A_985 : i32
          %sign3A_987 = arith.extui %sign3A_986 : i1 to i32
          %sign3A_988 = arith.constant 0 : i32
          %sign3A_989 = arith.cmpi slt, %jit3A_976, %sign3A_988 : i32
          %sign3A_990 = arith.extui %sign3A_989 : i1 to i32
          %sign3A_991 = arith.subi %sign3A_987, %sign3A_990 : i32
          %ne3A_992 = arith.cmpi ne, %sign3A_984, %sign3A_991 : i32
          %rem3A_993 = arith.remsi %scan3A_672, %jit3A_976 : i32
          %ne3A_994 = arith.constant 0 : i32
          %ne3A_995 = arith.cmpi ne, %rem3A_993, %ne3A_994 : i32
          %and3A_996 = arith.andi %ne3A_992, %ne3A_995 : i1
          %sub3A_997 = arith.constant 1 : i32
          %sub3A_998 = arith.subi %div3A_977, %sub3A_997 : i32
          %select_n3A_999 = arith.select %and3A_996, %sub3A_998, %div3A_977 : i32
          %jit3A_1000 = arith.constant 8 : i32
          %eq3A_1001 = arith.constant 0 : i32
          %eq3A_1002 = arith.cmpi eq, %jit3A_1000, %eq3A_1001 : i32
          %jit3A_1003 = arith.constant 1 : i32
          %select_n3A_1004 = arith.select %eq3A_1002, %jit3A_1003, %jit3A_1000 : i32
          %rem3A_1005 = arith.remsi %scan3A_672, %select_n3A_1004 : i32
          %ne3A_1006 = arith.constant 0 : i32
          %ne3A_1007 = arith.cmpi ne, %rem3A_1005, %ne3A_1006 : i32
          %lt3A_1008 = arith.constant 0 : i32
          %lt3A_1009 = arith.cmpi slt, %rem3A_1005, %lt3A_1008 : i32
          %lt3A_1010 = arith.constant 0 : i32
          %lt3A_1011 = arith.cmpi slt, %select_n3A_1004, %lt3A_1010 : i32
          %ne3A_1012 = arith.xori %lt3A_1009, %lt3A_1011 : i1
          %and3A_1013 = arith.andi %ne3A_1012, %ne3A_1007 : i1
          %add3A_1014 = arith.addi %rem3A_1005, %select_n3A_1004 : i32
          %select_n3A_1015 = arith.select %and3A_1013, %add3A_1014, %rem3A_1005 : i32
          %get3A_1016 = arith.index_cast %select_n3A_999 : i32 to index
          %get3A_1017 = arith.index_cast %select_n3A_1015 : i32 to index
          %get3A_1018 = arith.constant 80 : index
          %get3A_1019 = tpu.vector_load %arg14[%get3A_1016, %get3A_1017, %get3A_1018] {strides = array<i32>} : memref<8x8x128xf32, #tpu.memory_space<vmem>>, vector<16xf32>,
          %get3A_1020 = arith.index_cast %scan3A_672 : i32 to index
          %get3A_1021 = arith.constant 80 : index
          %get3A_1022 = tpu.vector_load %arg15[%get3A_1020, %get3A_1021] {strides = array<i32>} : memref<64x128xf32, #tpu.memory_space<vmem>>, vector<16xf32>,
          %add3A_1023 = arith.addf %get3A_1019, %get3A_1022 : vector<16xf32>
          %mul3A_1024 = arith.mulf %add3A_1023, %gather3A_716 : vector<16xf32>
          %swap3A_1025 = arith.index_cast %scan3A_672 : i32 to index
          %swap3A_1026 = arith.constant 80 : index
          %swap3A_1027 = tpu.vector_load %arg15[%swap3A_1025, %swap3A_1026] {strides = array<i32>} : memref<64x128xf32, #tpu.memory_space<vmem>>, vector<16xf32>,
          tpu.vector_store %arg15[%swap3A_1025, %swap3A_1026], %mul3A_1024 {strides = array<i32>} : memref<64x128xf32, #tpu.memory_space<vmem>>, vector<16xf32>,
          %jit3A_1028 = arith.constant 8 : i32
          %div3A_1029 = arith.divsi %scan3A_672, %jit3A_1028 : i32
          %sign3A_1030 = arith.constant 0 : i32
          %sign3A_1031 = arith.cmpi sgt, %scan3A_672, %sign3A_1030 : i32
          %sign3A_1032 = arith.extui %sign3A_1031 : i1 to i32
          %sign3A_1033 = arith.constant 0 : i32
          %sign3A_1034 = arith.cmpi slt, %scan3A_672, %sign3A_1033 : i32
          %sign3A_1035 = arith.extui %sign3A_1034 : i1 to i32
          %sign3A_1036 = arith.subi %sign3A_1032, %sign3A_1035 : i32
          %sign3A_1037 = arith.constant 0 : i32
          %sign3A_1038 = arith.cmpi sgt, %jit3A_1028, %sign3A_1037 : i32
          %sign3A_1039 = arith.extui %sign3A_1038 : i1 to i32
          %sign3A_1040 = arith.constant 0 : i32
          %sign3A_1041 = arith.cmpi slt, %jit3A_1028, %sign3A_1040 : i32
          %sign3A_1042 = arith.extui %sign3A_1041 : i1 to i32
          %sign3A_1043 = arith.subi %sign3A_1039, %sign3A_1042 : i32
          %ne3A_1044 = arith.cmpi ne, %sign3A_1036, %sign3A_1043 : i32
          %rem3A_1045 = arith.remsi %scan3A_672, %jit3A_1028 : i32
          %ne3A_1046 = arith.constant 0 : i32
          %ne3A_1047 = arith.cmpi ne, %rem3A_1045, %ne3A_1046 : i32
          %and3A_1048 = arith.andi %ne3A_1044, %ne3A_1047 : i1
          %sub3A_1049 = arith.constant 1 : i32
          %sub3A_1050 = arith.subi %div3A_1029, %sub3A_1049 : i32
          %select_n3A_1051 = arith.select %and3A_1048, %sub3A_1050, %div3A_1029 : i32
          %jit3A_1052 = arith.constant 8 : i32
          %eq3A_1053 = arith.constant 0 : i32
          %eq3A_1054 = arith.cmpi eq, %jit3A_1052, %eq3A_1053 : i32
          %jit3A_1055 = arith.constant 1 : i32
          %select_n3A_1056 = arith.select %eq3A_1054, %jit3A_1055, %jit3A_1052 : i32
          %rem3A_1057 = arith.remsi %scan3A_672, %select_n3A_1056 : i32
          %ne3A_1058 = arith.constant 0 : i32
          %ne3A_1059 = arith.cmpi ne, %rem3A_1057, %ne3A_1058 : i32
          %lt3A_1060 = arith.constant 0 : i32
          %lt3A_1061 = arith.cmpi slt, %rem3A_1057, %lt3A_1060 : i32
          %lt3A_1062 = arith.constant 0 : i32
          %lt3A_1063 = arith.cmpi slt, %select_n3A_1056, %lt3A_1062 : i32
          %ne3A_1064 = arith.xori %lt3A_1061, %lt3A_1063 : i1
          %and3A_1065 = arith.andi %ne3A_1064, %ne3A_1059 : i1
          %add3A_1066 = arith.addi %rem3A_1057, %select_n3A_1056 : i32
          %select_n3A_1067 = arith.select %and3A_1065, %add3A_1066, %rem3A_1057 : i32
          %get3A_1068 = arith.index_cast %select_n3A_1051 : i32 to index
          %get3A_1069 = arith.index_cast %select_n3A_1067 : i32 to index
          %get3A_1070 = arith.constant 96 : index
          %get3A_1071 = tpu.vector_load %arg14[%get3A_1068, %get3A_1069, %get3A_1070] {strides = array<i32>} : memref<8x8x128xf32, #tpu.memory_space<vmem>>, vector<16xf32>,
          %get3A_1072 = arith.index_cast %scan3A_672 : i32 to index
          %get3A_1073 = arith.constant 96 : index
          %get3A_1074 = tpu.vector_load %arg15[%get3A_1072, %get3A_1073] {strides = array<i32>} : memref<64x128xf32, #tpu.memory_space<vmem>>, vector<16xf32>,
          %add3A_1075 = arith.addf %get3A_1071, %get3A_1074 : vector<16xf32>
          %mul3A_1076 = arith.mulf %add3A_1075, %gather3A_716 : vector<16xf32>
          %swap3A_1077 = arith.index_cast %scan3A_672 : i32 to index
          %swap3A_1078 = arith.constant 96 : index
          %swap3A_1079 = tpu.vector_load %arg15[%swap3A_1077, %swap3A_1078] {strides = array<i32>} : memref<64x128xf32, #tpu.memory_space<vmem>>, vector<16xf32>,
          tpu.vector_store %arg15[%swap3A_1077, %swap3A_1078], %mul3A_1076 {strides = array<i32>} : memref<64x128xf32, #tpu.memory_space<vmem>>, vector<16xf32>,
          %jit3A_1080 = arith.constant 8 : i32
          %div3A_1081 = arith.divsi %scan3A_672, %jit3A_1080 : i32
          %sign3A_1082 = arith.constant 0 : i32
          %sign3A_1083 = arith.cmpi sgt, %scan3A_672, %sign3A_1082 : i32
          %sign3A_1084 = arith.extui %sign3A_1083 : i1 to i32
          %sign3A_1085 = arith.constant 0 : i32
          %sign3A_1086 = arith.cmpi slt, %scan3A_672, %sign3A_1085 : i32
          %sign3A_1087 = arith.extui %sign3A_1086 : i1 to i32
          %sign3A_1088 = arith.subi %sign3A_1084, %sign3A_1087 : i32
          %sign3A_1089 = arith.constant 0 : i32
          %sign3A_1090 = arith.cmpi sgt, %jit3A_1080, %sign3A_1089 : i32
          %sign3A_1091 = arith.extui %sign3A_1090 : i1 to i32
          %sign3A_1092 = arith.constant 0 : i32
          %sign3A_1093 = arith.cmpi slt, %jit3A_1080, %sign3A_1092 : i32
          %sign3A_1094 = arith.extui %sign3A_1093 : i1 to i32
          %sign3A_1095 = arith.subi %sign3A_1091, %sign3A_1094 : i32
          %ne3A_1096 = arith.cmpi ne, %sign3A_1088, %sign3A_1095 : i32
          %rem3A_1097 = arith.remsi %scan3A_672, %jit3A_1080 : i32
          %ne3A_1098 = arith.constant 0 : i32
          %ne3A_1099 = arith.cmpi ne, %rem3A_1097, %ne3A_1098 : i32
          %and3A_1100 = arith.andi %ne3A_1096, %ne3A_1099 : i1
          %sub3A_1101 = arith.constant 1 : i32
          %sub3A_1102 = arith.subi %div3A_1081, %sub3A_1101 : i32
          %select_n3A_1103 = arith.select %and3A_1100, %sub3A_1102, %div3A_1081 : i32
          %jit3A_1104 = arith.constant 8 : i32
          %eq3A_1105 = arith.constant 0 : i32
          %eq3A_1106 = arith.cmpi eq, %jit3A_1104, %eq3A_1105 : i32
          %jit3A_1107 = arith.constant 1 : i32
          %select_n3A_1108 = arith.select %eq3A_1106, %jit3A_1107, %jit3A_1104 : i32
          %rem3A_1109 = arith.remsi %scan3A_672, %select_n3A_1108 : i32
          %ne3A_1110 = arith.constant 0 : i32
          %ne3A_1111 = arith.cmpi ne, %rem3A_1109, %ne3A_1110 : i32
          %lt3A_1112 = arith.constant 0 : i32
          %lt3A_1113 = arith.cmpi slt, %rem3A_1109, %lt3A_1112 : i32
          %lt3A_1114 = arith.constant 0 : i32
          %lt3A_1115 = arith.cmpi slt, %select_n3A_1108, %lt3A_1114 : i32
          %ne3A_1116 = arith.xori %lt3A_1113, %lt3A_1115 : i1
          %and3A_1117 = arith.andi %ne3A_1116, %ne3A_1111 : i1
          %add3A_1118 = arith.addi %rem3A_1109, %select_n3A_1108 : i32
          %select_n3A_1119 = arith.select %and3A_1117, %add3A_1118, %rem3A_1109 : i32
          %get3A_1120 = arith.index_cast %select_n3A_1103 : i32 to index
          %get3A_1121 = arith.index_cast %select_n3A_1119 : i32 to index
          %get3A_1122 = arith.constant 112 : index
          %get3A_1123 = tpu.vector_load %arg14[%get3A_1120, %get3A_1121, %get3A_1122] {strides = array<i32>} : memref<8x8x128xf32, #tpu.memory_space<vmem>>, vector<16xf32>,
          %get3A_1124 = arith.index_cast %scan3A_672 : i32 to index
          %get3A_1125 = arith.constant 112 : index
          %get3A_1126 = tpu.vector_load %arg15[%get3A_1124, %get3A_1125] {strides = array<i32>} : memref<64x128xf32, #tpu.memory_space<vmem>>, vector<16xf32>,
          %add3A_1127 = arith.addf %get3A_1123, %get3A_1126 : vector<16xf32>
          %mul3A_1128 = arith.mulf %add3A_1127, %gather3A_716 : vector<16xf32>
          %swap3A_1129 = arith.index_cast %scan3A_672 : i32 to index
          %swap3A_1130 = arith.constant 112 : index
          %swap3A_1131 = tpu.vector_load %arg15[%swap3A_1129, %swap3A_1130] {strides = array<i32>} : memref<64x128xf32, #tpu.memory_space<vmem>>, vector<16xf32>,
          tpu.vector_store %arg15[%swap3A_1129, %swap3A_1130], %mul3A_1128 {strides = array<i32>} : memref<64x128xf32, #tpu.memory_space<vmem>>, vector<16xf32>,
          %scan3A_1132 = arith.constant 0 : i32
          %scan3A_1133 = arith.constant 1 : i32
          %scan3A_1134 = arith.addi %scan3A_672, %scan3A_1133 : i32
          %jit3A_1135 = arith.constant 16 : i32
          %div3A_1136 = arith.divsi %scan3A_1134, %jit3A_1135 : i32
          %sign3A_1137 = arith.constant 0 : i32
          %sign3A_1138 = arith.cmpi sgt, %scan3A_1134, %sign3A_1137 : i32
          %sign3A_1139 = arith.extui %sign3A_1138 : i1 to i32
          %sign3A_1140 = arith.constant 0 : i32
          %sign3A_1141 = arith.cmpi slt, %scan3A_1134, %sign3A_1140 : i32
          %sign3A_1142 = arith.extui %sign3A_1141 : i1 to i32
          %sign3A_1143 = arith.subi %sign3A_1139, %sign3A_1142 : i32
          %sign3A_1144 = arith.constant 0 : i32
          %sign3A_1145 = arith.cmpi sgt, %jit3A_1135, %sign3A_1144 : i32
          %sign3A_1146 = arith.extui %sign3A_1145 : i1 to i32
          %sign3A_1147 = arith.constant 0 : i32
          %sign3A_1148 = arith.cmpi slt, %jit3A_1135, %sign3A_1147 : i32
          %sign3A_1149 = arith.extui %sign3A_1148 : i1 to i32
          %sign3A_1150 = arith.subi %sign3A_1146, %sign3A_1149 : i32
          %ne3A_1151 = arith.cmpi ne, %sign3A_1143, %sign3A_1150 : i32
          %rem3A_1152 = arith.remsi %scan3A_1134, %jit3A_1135 : i32
          %ne3A_1153 = arith.constant 0 : i32
          %ne3A_1154 = arith.cmpi ne, %rem3A_1152, %ne3A_1153 : i32
          %and3A_1155 = arith.andi %ne3A_1151, %ne3A_1154 : i1
          %sub3A_1156 = arith.constant 1 : i32
          %sub3A_1157 = arith.subi %div3A_1136, %sub3A_1156 : i32
          %select_n3A_1158 = arith.select %and3A_1155, %sub3A_1157, %div3A_1136 : i32
          %broadcast_in_dim3A_1159 = vector.broadcast %select_n3A_1158 : i32 to vector<16xi32>
          %jit3A_1160 = arith.constant 16 : i32
          %eq3A_1161 = arith.constant 0 : i32
          %eq3A_1162 = arith.cmpi eq, %jit3A_1160, %eq3A_1161 : i32
          %jit3A_1163 = arith.constant 1 : i32
          %select_n3A_1164 = arith.select %eq3A_1162, %jit3A_1163, %jit3A_1160 : i32
          %rem3A_1165 = arith.remsi %scan3A_1134, %select_n3A_1164 : i32
          %ne3A_1166 = arith.constant 0 : i32
          %ne3A_1167 = arith.cmpi ne, %rem3A_1165, %ne3A_1166 : i32
          %lt3A_1168 = arith.constant 0 : i32
          %lt3A_1169 = arith.cmpi slt, %rem3A_1165, %lt3A_1168 : i32
          %lt3A_1170 = arith.constant 0 : i32
          %lt3A_1171 = arith.cmpi slt, %select_n3A_1164, %lt3A_1170 : i32
          %ne3A_1172 = arith.xori %lt3A_1169, %lt3A_1171 : i1
          %and3A_1173 = arith.andi %ne3A_1172, %ne3A_1167 : i1
          %add3A_1174 = arith.addi %rem3A_1165, %select_n3A_1164 : i32
          %select_n3A_1175 = arith.select %and3A_1173, %add3A_1174, %rem3A_1165 : i32
          %broadcast_in_dim3A_1176 = vector.broadcast %select_n3A_1175 : i32 to vector<16xi32>
          %gather3A_1177 = tpu.vector_load_idx %arg20[%broadcast_in_dim3A_1159, %broadcast_in_dim3A_1176] : memref<4x16xf32, #tpu.memory_space<vmem>>[vector<16xi32>, vector<16xi32>], vector<16xf32>,
          %jit3A_1178 = arith.constant 8 : i32
          %div3A_1179 = arith.divsi %scan3A_1134, %jit3A_1178 : i32
          %sign3A_1180 = arith.constant 0 : i32
          %sign3A_1181 = arith.cmpi sgt, %scan3A_1134, %sign3A_1180 : i32
          %sign3A_1182 = arith.extui %sign3A_1181 : i1 to i32
          %sign3A_1183 = arith.constant 0 : i32
          %sign3A_1184 = arith.cmpi slt, %scan3A_1134, %sign3A_1183 : i32
          %sign3A_1185 = arith.extui %sign3A_1184 : i1 to i32
          %sign3A_1186 = arith.subi %sign3A_1182, %sign3A_1185 : i32
          %sign3A_1187 = arith.constant 0 : i32
          %sign3A_1188 = arith.cmpi sgt, %jit3A_1178, %sign3A_1187 : i32
          %sign3A_1189 = arith.extui %sign3A_1188 : i1 to i32
          %sign3A_1190 = arith.constant 0 : i32
          %sign3A_1191 = arith.cmpi slt, %jit3A_1178, %sign3A_1190 : i32
          %sign3A_1192 = arith.extui %sign3A_1191 : i1 to i32
          %sign3A_1193 = arith.subi %sign3A_1189, %sign3A_1192 : i32
          %ne3A_1194 = arith.cmpi ne, %sign3A_1186, %sign3A_1193 : i32
          %rem3A_1195 = arith.remsi %scan3A_1134, %jit3A_1178 : i32
          %ne3A_1196 = arith.constant 0 : i32
          %ne3A_1197 = arith.cmpi ne, %rem3A_1195, %ne3A_1196 : i32
          %and3A_1198 = arith.andi %ne3A_1194, %ne3A_1197 : i1
          %sub3A_1199 = arith.constant 1 : i32
          %sub3A_1200 = arith.subi %div3A_1179, %sub3A_1199 : i32
          %select_n3A_1201 = arith.select %and3A_1198, %sub3A_1200, %div3A_1179 : i32
          %jit3A_1202 = arith.constant 8 : i32
          %eq3A_1203 = arith.constant 0 : i32
          %eq3A_1204 = arith.cmpi eq, %jit3A_1202, %eq3A_1203 : i32
          %jit3A_1205 = arith.constant 1 : i32
          %select_n3A_1206 = arith.select %eq3A_1204, %jit3A_1205, %jit3A_1202 : i32
          %rem3A_1207 = arith.remsi %scan3A_1134, %select_n3A_1206 : i32
          %ne3A_1208 = arith.constant 0 : i32
          %ne3A_1209 = arith.cmpi ne, %rem3A_1207, %ne3A_1208 : i32
          %lt3A_1210 = arith.constant 0 : i32
          %lt3A_1211 = arith.cmpi slt, %rem3A_1207, %lt3A_1210 : i32
          %lt3A_1212 = arith.constant 0 : i32
          %lt3A_1213 = arith.cmpi slt, %select_n3A_1206, %lt3A_1212 : i32
          %ne3A_1214 = arith.xori %lt3A_1211, %lt3A_1213 : i1
          %and3A_1215 = arith.andi %ne3A_1214, %ne3A_1209 : i1
          %add3A_1216 = arith.addi %rem3A_1207, %select_n3A_1206 : i32
          %select_n3A_1217 = arith.select %and3A_1215, %add3A_1216, %rem3A_1207 : i32
          %get3A_1218 = arith.index_cast %select_n3A_1201 : i32 to index
          %get3A_1219 = arith.index_cast %select_n3A_1217 : i32 to index
          %get3A_1220 = arith.constant 0 : index
          %get3A_1221 = tpu.vector_load %arg14[%get3A_1218, %get3A_1219, %get3A_1220] {strides = array<i32>} : memref<8x8x128xf32, #tpu.memory_space<vmem>>, vector<16xf32>,
          %get3A_1222 = arith.index_cast %scan3A_1134 : i32 to index
          %get3A_1223 = arith.constant 0 : index
          %get3A_1224 = tpu.vector_load %arg15[%get3A_1222, %get3A_1223] {strides = array<i32>} : memref<64x128xf32, #tpu.memory_space<vmem>>, vector<16xf32>,
          %add3A_1225 = arith.addf %get3A_1221, %get3A_1224 : vector<16xf32>
          %mul3A_1226 = arith.mulf %add3A_1225, %gather3A_1177 : vector<16xf32>
          %swap3A_1227 = arith.index_cast %scan3A_1134 : i32 to index
          %swap3A_1228 = arith.constant 0 : index
          %swap3A_1229 = tpu.vector_load %arg15[%swap3A_1227, %swap3A_1228] {strides = array<i32>} : memref<64x128xf32, #tpu.memory_space<vmem>>, vector<16xf32>,
          tpu.vector_store %arg15[%swap3A_1227, %swap3A_1228], %mul3A_1226 {strides = array<i32>} : memref<64x128xf32, #tpu.memory_space<vmem>>, vector<16xf32>,
          %jit3A_1230 = arith.constant 8 : i32
          %div3A_1231 = arith.divsi %scan3A_1134, %jit3A_1230 : i32
          %sign3A_1232 = arith.constant 0 : i32
          %sign3A_1233 = arith.cmpi sgt, %scan3A_1134, %sign3A_1232 : i32
          %sign3A_1234 = arith.extui %sign3A_1233 : i1 to i32
          %sign3A_1235 = arith.constant 0 : i32
          %sign3A_1236 = arith.cmpi slt, %scan3A_1134, %sign3A_1235 : i32
          %sign3A_1237 = arith.extui %sign3A_1236 : i1 to i32
          %sign3A_1238 = arith.subi %sign3A_1234, %sign3A_1237 : i32
          %sign3A_1239 = arith.constant 0 : i32
          %sign3A_1240 = arith.cmpi sgt, %jit3A_1230, %sign3A_1239 : i32
          %sign3A_1241 = arith.extui %sign3A_1240 : i1 to i32
          %sign3A_1242 = arith.constant 0 : i32
          %sign3A_1243 = arith.cmpi slt, %jit3A_1230, %sign3A_1242 : i32
          %sign3A_1244 = arith.extui %sign3A_1243 : i1 to i32
          %sign3A_1245 = arith.subi %sign3A_1241, %sign3A_1244 : i32
          %ne3A_1246 = arith.cmpi ne, %sign3A_1238, %sign3A_1245 : i32
          %rem3A_1247 = arith.remsi %scan3A_1134, %jit3A_1230 : i32
          %ne3A_1248 = arith.constant 0 : i32
          %ne3A_1249 = arith.cmpi ne, %rem3A_1247, %ne3A_1248 : i32
          %and3A_1250 = arith.andi %ne3A_1246, %ne3A_1249 : i1
          %sub3A_1251 = arith.constant 1 : i32
          %sub3A_1252 = arith.subi %div3A_1231, %sub3A_1251 : i32
          %select_n3A_1253 = arith.select %and3A_1250, %sub3A_1252, %div3A_1231 : i32
          %jit3A_1254 = arith.constant 8 : i32
          %eq3A_1255 = arith.constant 0 : i32
          %eq3A_1256 = arith.cmpi eq, %jit3A_1254, %eq3A_1255 : i32
          %jit3A_1257 = arith.constant 1 : i32
          %select_n3A_1258 = arith.select %eq3A_1256, %jit3A_1257, %jit3A_1254 : i32
          %rem3A_1259 = arith.remsi %scan3A_1134, %select_n3A_1258 : i32
          %ne3A_1260 = arith.constant 0 : i32
          %ne3A_1261 = arith.cmpi ne, %rem3A_1259, %ne3A_1260 : i32
          %lt3A_1262 = arith.constant 0 : i32
          %lt3A_1263 = arith.cmpi slt, %rem3A_1259, %lt3A_1262 : i32
          %lt3A_1264 = arith.constant 0 : i32
          %lt3A_1265 = arith.cmpi slt, %select_n3A_1258, %lt3A_1264 : i32
          %ne3A_1266 = arith.xori %lt3A_1263, %lt3A_1265 : i1
          %and3A_1267 = arith.andi %ne3A_1266, %ne3A_1261 : i1
          %add3A_1268 = arith.addi %rem3A_1259, %select_n3A_1258 : i32
          %select_n3A_1269 = arith.select %and3A_1267, %add3A_1268, %rem3A_1259 : i32
          %get3A_1270 = arith.index_cast %select_n3A_1253 : i32 to index
          %get3A_1271 = arith.index_cast %select_n3A_1269 : i32 to index
          %get3A_1272 = arith.constant 16 : index
          %get3A_1273 = tpu.vector_load %arg14[%get3A_1270, %get3A_1271, %get3A_1272] {strides = array<i32>} : memref<8x8x128xf32, #tpu.memory_space<vmem>>, vector<16xf32>,
          %get3A_1274 = arith.index_cast %scan3A_1134 : i32 to index
          %get3A_1275 = arith.constant 16 : index
          %get3A_1276 = tpu.vector_load %arg15[%get3A_1274, %get3A_1275] {strides = array<i32>} : memref<64x128xf32, #tpu.memory_space<vmem>>, vector<16xf32>,
          %add3A_1277 = arith.addf %get3A_1273, %get3A_1276 : vector<16xf32>
          %mul3A_1278 = arith.mulf %add3A_1277, %gather3A_1177 : vector<16xf32>
          %swap3A_1279 = arith.index_cast %scan3A_1134 : i32 to index
          %swap3A_1280 = arith.constant 16 : index
          %swap3A_1281 = tpu.vector_load %arg15[%swap3A_1279, %swap3A_1280] {strides = array<i32>} : memref<64x128xf32, #tpu.memory_space<vmem>>, vector<16xf32>,
          tpu.vector_store %arg15[%swap3A_1279, %swap3A_1280], %mul3A_1278 {strides = array<i32>} : memref<64x128xf32, #tpu.memory_space<vmem>>, vector<16xf32>,
          %jit3A_1282 = arith.constant 8 : i32
          %div3A_1283 = arith.divsi %scan3A_1134, %jit3A_1282 : i32
          %sign3A_1284 = arith.constant 0 : i32
          %sign3A_1285 = arith.cmpi sgt, %scan3A_1134, %sign3A_1284 : i32
          %sign3A_1286 = arith.extui %sign3A_1285 : i1 to i32
          %sign3A_1287 = arith.constant 0 : i32
          %sign3A_1288 = arith.cmpi slt, %scan3A_1134, %sign3A_1287 : i32
          %sign3A_1289 = arith.extui %sign3A_1288 : i1 to i32
          %sign3A_1290 = arith.subi %sign3A_1286, %sign3A_1289 : i32
          %sign3A_1291 = arith.constant 0 : i32
          %sign3A_1292 = arith.cmpi sgt, %jit3A_1282, %sign3A_1291 : i32
          %sign3A_1293 = arith.extui %sign3A_1292 : i1 to i32
          %sign3A_1294 = arith.constant 0 : i32
          %sign3A_1295 = arith.cmpi slt, %jit3A_1282, %sign3A_1294 : i32
          %sign3A_1296 = arith.extui %sign3A_1295 : i1 to i32
          %sign3A_1297 = arith.subi %sign3A_1293, %sign3A_1296 : i32
          %ne3A_1298 = arith.cmpi ne, %sign3A_1290, %sign3A_1297 : i32
          %rem3A_1299 = arith.remsi %scan3A_1134, %jit3A_1282 : i32
          %ne3A_1300 = arith.constant 0 : i32
          %ne3A_1301 = arith.cmpi ne, %rem3A_1299, %ne3A_1300 : i32
          %and3A_1302 = arith.andi %ne3A_1298, %ne3A_1301 : i1
          %sub3A_1303 = arith.constant 1 : i32
          %sub3A_1304 = arith.subi %div3A_1283, %sub3A_1303 : i32
          %select_n3A_1305 = arith.select %and3A_1302, %sub3A_1304, %div3A_1283 : i32
          %jit3A_1306 = arith.constant 8 : i32
          %eq3A_1307 = arith.constant 0 : i32
          %eq3A_1308 = arith.cmpi eq, %jit3A_1306, %eq3A_1307 : i32
          %jit3A_1309 = arith.constant 1 : i32
          %select_n3A_1310 = arith.select %eq3A_1308, %jit3A_1309, %jit3A_1306 : i32
          %rem3A_1311 = arith.remsi %scan3A_1134, %select_n3A_1310 : i32
          %ne3A_1312 = arith.constant 0 : i32
          %ne3A_1313 = arith.cmpi ne, %rem3A_1311, %ne3A_1312 : i32
          %lt3A_1314 = arith.constant 0 : i32
          %lt3A_1315 = arith.cmpi slt, %rem3A_1311, %lt3A_1314 : i32
          %lt3A_1316 = arith.constant 0 : i32
          %lt3A_1317 = arith.cmpi slt, %select_n3A_1310, %lt3A_1316 : i32
          %ne3A_1318 = arith.xori %lt3A_1315, %lt3A_1317 : i1
          %and3A_1319 = arith.andi %ne3A_1318, %ne3A_1313 : i1
          %add3A_1320 = arith.addi %rem3A_1311, %select_n3A_1310 : i32
          %select_n3A_1321 = arith.select %and3A_1319, %add3A_1320, %rem3A_1311 : i32
          %get3A_1322 = arith.index_cast %select_n3A_1305 : i32 to index
          %get3A_1323 = arith.index_cast %select_n3A_1321 : i32 to index
          %get3A_1324 = arith.constant 32 : index
          %get3A_1325 = tpu.vector_load %arg14[%get3A_1322, %get3A_1323, %get3A_1324] {strides = array<i32>} : memref<8x8x128xf32, #tpu.memory_space<vmem>>, vector<16xf32>,
          %get3A_1326 = arith.index_cast %scan3A_1134 : i32 to index
          %get3A_1327 = arith.constant 32 : index
          %get3A_1328 = tpu.vector_load %arg15[%get3A_1326, %get3A_1327] {strides = array<i32>} : memref<64x128xf32, #tpu.memory_space<vmem>>, vector<16xf32>,
          %add3A_1329 = arith.addf %get3A_1325, %get3A_1328 : vector<16xf32>
          %mul3A_1330 = arith.mulf %add3A_1329, %gather3A_1177 : vector<16xf32>
          %swap3A_1331 = arith.index_cast %scan3A_1134 : i32 to index
          %swap3A_1332 = arith.constant 32 : index
          %swap3A_1333 = tpu.vector_load %arg15[%swap3A_1331, %swap3A_1332] {strides = array<i32>} : memref<64x128xf32, #tpu.memory_space<vmem>>, vector<16xf32>,
          tpu.vector_store %arg15[%swap3A_1331, %swap3A_1332], %mul3A_1330 {strides = array<i32>} : memref<64x128xf32, #tpu.memory_space<vmem>>, vector<16xf32>,
          %jit3A_1334 = arith.constant 8 : i32
          %div3A_1335 = arith.divsi %scan3A_1134, %jit3A_1334 : i32
          %sign3A_1336 = arith.constant 0 : i32
          %sign3A_1337 = arith.cmpi sgt, %scan3A_1134, %sign3A_1336 : i32
          %sign3A_1338 = arith.extui %sign3A_1337 : i1 to i32
          %sign3A_1339 = arith.constant 0 : i32
          %sign3A_1340 = arith.cmpi slt, %scan3A_1134, %sign3A_1339 : i32
          %sign3A_1341 = arith.extui %sign3A_1340 : i1 to i32
          %sign3A_1342 = arith.subi %sign3A_1338, %sign3A_1341 : i32
          %sign3A_1343 = arith.constant 0 : i32
          %sign3A_1344 = arith.cmpi sgt, %jit3A_1334, %sign3A_1343 : i32
          %sign3A_1345 = arith.extui %sign3A_1344 : i1 to i32
          %sign3A_1346 = arith.constant 0 : i32
          %sign3A_1347 = arith.cmpi slt, %jit3A_1334, %sign3A_1346 : i32
          %sign3A_1348 = arith.extui %sign3A_1347 : i1 to i32
          %sign3A_1349 = arith.subi %sign3A_1345, %sign3A_1348 : i32
          %ne3A_1350 = arith.cmpi ne, %sign3A_1342, %sign3A_1349 : i32
          %rem3A_1351 = arith.remsi %scan3A_1134, %jit3A_1334 : i32
          %ne3A_1352 = arith.constant 0 : i32
          %ne3A_1353 = arith.cmpi ne, %rem3A_1351, %ne3A_1352 : i32
          %and3A_1354 = arith.andi %ne3A_1350, %ne3A_1353 : i1
          %sub3A_1355 = arith.constant 1 : i32
          %sub3A_1356 = arith.subi %div3A_1335, %sub3A_1355 : i32
          %select_n3A_1357 = arith.select %and3A_1354, %sub3A_1356, %div3A_1335 : i32
          %jit3A_1358 = arith.constant 8 : i32
          %eq3A_1359 = arith.constant 0 : i32
          %eq3A_1360 = arith.cmpi eq, %jit3A_1358, %eq3A_1359 : i32
          %jit3A_1361 = arith.constant 1 : i32
          %select_n3A_1362 = arith.select %eq3A_1360, %jit3A_1361, %jit3A_1358 : i32
          %rem3A_1363 = arith.remsi %scan3A_1134, %select_n3A_1362 : i32
          %ne3A_1364 = arith.constant 0 : i32
          %ne3A_1365 = arith.cmpi ne, %rem3A_1363, %ne3A_1364 : i32
          %lt3A_1366 = arith.constant 0 : i32
          %lt3A_1367 = arith.cmpi slt, %rem3A_1363, %lt3A_1366 : i32
          %lt3A_1368 = arith.constant 0 : i32
          %lt3A_1369 = arith.cmpi slt, %select_n3A_1362, %lt3A_1368 : i32
          %ne3A_1370 = arith.xori %lt3A_1367, %lt3A_1369 : i1
          %and3A_1371 = arith.andi %ne3A_1370, %ne3A_1365 : i1
          %add3A_1372 = arith.addi %rem3A_1363, %select_n3A_1362 : i32
          %select_n3A_1373 = arith.select %and3A_1371, %add3A_1372, %rem3A_1363 : i32
          %get3A_1374 = arith.index_cast %select_n3A_1357 : i32 to index
          %get3A_1375 = arith.index_cast %select_n3A_1373 : i32 to index
          %get3A_1376 = arith.constant 48 : index
          %get3A_1377 = tpu.vector_load %arg14[%get3A_1374, %get3A_1375, %get3A_1376] {strides = array<i32>} : memref<8x8x128xf32, #tpu.memory_space<vmem>>, vector<16xf32>,
          %get3A_1378 = arith.index_cast %scan3A_1134 : i32 to index
          %get3A_1379 = arith.constant 48 : index
          %get3A_1380 = tpu.vector_load %arg15[%get3A_1378, %get3A_1379] {strides = array<i32>} : memref<64x128xf32, #tpu.memory_space<vmem>>, vector<16xf32>,
          %add3A_1381 = arith.addf %get3A_1377, %get3A_1380 : vector<16xf32>
          %mul3A_1382 = arith.mulf %add3A_1381, %gather3A_1177 : vector<16xf32>
          %swap3A_1383 = arith.index_cast %scan3A_1134 : i32 to index
          %swap3A_1384 = arith.constant 48 : index
          %swap3A_1385 = tpu.vector_load %arg15[%swap3A_1383, %swap3A_1384] {strides = array<i32>} : memref<64x128xf32, #tpu.memory_space<vmem>>, vector<16xf32>,
          tpu.vector_store %arg15[%swap3A_1383, %swap3A_1384], %mul3A_1382 {strides = array<i32>} : memref<64x128xf32, #tpu.memory_space<vmem>>, vector<16xf32>,
          %jit3A_1386 = arith.constant 8 : i32
          %div3A_1387 = arith.divsi %scan3A_1134, %jit3A_1386 : i32
          %sign3A_1388 = arith.constant 0 : i32
          %sign3A_1389 = arith.cmpi sgt, %scan3A_1134, %sign3A_1388 : i32
          %sign3A_1390 = arith.extui %sign3A_1389 : i1 to i32
          %sign3A_1391 = arith.constant 0 : i32
          %sign3A_1392 = arith.cmpi slt, %scan3A_1134, %sign3A_1391 : i32
          %sign3A_1393 = arith.extui %sign3A_1392 : i1 to i32
          %sign3A_1394 = arith.subi %sign3A_1390, %sign3A_1393 : i32
          %sign3A_1395 = arith.constant 0 : i32
          %sign3A_1396 = arith.cmpi sgt, %jit3A_1386, %sign3A_1395 : i32
          %sign3A_1397 = arith.extui %sign3A_1396 : i1 to i32
          %sign3A_1398 = arith.constant 0 : i32
          %sign3A_1399 = arith.cmpi slt, %jit3A_1386, %sign3A_1398 : i32
          %sign3A_1400 = arith.extui %sign3A_1399 : i1 to i32
          %sign3A_1401 = arith.subi %sign3A_1397, %sign3A_1400 : i32
          %ne3A_1402 = arith.cmpi ne, %sign3A_1394, %sign3A_1401 : i32
          %rem3A_1403 = arith.remsi %scan3A_1134, %jit3A_1386 : i32
          %ne3A_1404 = arith.constant 0 : i32
          %ne3A_1405 = arith.cmpi ne, %rem3A_1403, %ne3A_1404 : i32
          %and3A_1406 = arith.andi %ne3A_1402, %ne3A_1405 : i1
          %sub3A_1407 = arith.constant 1 : i32
          %sub3A_1408 = arith.subi %div3A_1387, %sub3A_1407 : i32
          %select_n3A_1409 = arith.select %and3A_1406, %sub3A_1408, %div3A_1387 : i32
          %jit3A_1410 = arith.constant 8 : i32
          %eq3A_1411 = arith.constant 0 : i32
          %eq3A_1412 = arith.cmpi eq, %jit3A_1410, %eq3A_1411 : i32
          %jit3A_1413 = arith.constant 1 : i32
          %select_n3A_1414 = arith.select %eq3A_1412, %jit3A_1413, %jit3A_1410 : i32
          %rem3A_1415 = arith.remsi %scan3A_1134, %select_n3A_1414 : i32
          %ne3A_1416 = arith.constant 0 : i32
          %ne3A_1417 = arith.cmpi ne, %rem3A_1415, %ne3A_1416 : i32
          %lt3A_1418 = arith.constant 0 : i32
          %lt3A_1419 = arith.cmpi slt, %rem3A_1415, %lt3A_1418 : i32
          %lt3A_1420 = arith.constant 0 : i32
          %lt3A_1421 = arith.cmpi slt, %select_n3A_1414, %lt3A_1420 : i32
          %ne3A_1422 = arith.xori %lt3A_1419, %lt3A_1421 : i1
          %and3A_1423 = arith.andi %ne3A_1422, %ne3A_1417 : i1
          %add3A_1424 = arith.addi %rem3A_1415, %select_n3A_1414 : i32
          %select_n3A_1425 = arith.select %and3A_1423, %add3A_1424, %rem3A_1415 : i32
          %get3A_1426 = arith.index_cast %select_n3A_1409 : i32 to index
          %get3A_1427 = arith.index_cast %select_n3A_1425 : i32 to index
          %get3A_1428 = arith.constant 64 : index
          %get3A_1429 = tpu.vector_load %arg14[%get3A_1426, %get3A_1427, %get3A_1428] {strides = array<i32>} : memref<8x8x128xf32, #tpu.memory_space<vmem>>, vector<16xf32>,
          %get3A_1430 = arith.index_cast %scan3A_1134 : i32 to index
          %get3A_1431 = arith.constant 64 : index
          %get3A_1432 = tpu.vector_load %arg15[%get3A_1430, %get3A_1431] {strides = array<i32>} : memref<64x128xf32, #tpu.memory_space<vmem>>, vector<16xf32>,
          %add3A_1433 = arith.addf %get3A_1429, %get3A_1432 : vector<16xf32>
          %mul3A_1434 = arith.mulf %add3A_1433, %gather3A_1177 : vector<16xf32>
          %swap3A_1435 = arith.index_cast %scan3A_1134 : i32 to index
          %swap3A_1436 = arith.constant 64 : index
          %swap3A_1437 = tpu.vector_load %arg15[%swap3A_1435, %swap3A_1436] {strides = array<i32>} : memref<64x128xf32, #tpu.memory_space<vmem>>, vector<16xf32>,
          tpu.vector_store %arg15[%swap3A_1435, %swap3A_1436], %mul3A_1434 {strides = array<i32>} : memref<64x128xf32, #tpu.memory_space<vmem>>, vector<16xf32>,
          %jit3A_1438 = arith.constant 8 : i32
          %div3A_1439 = arith.divsi %scan3A_1134, %jit3A_1438 : i32
          %sign3A_1440 = arith.constant 0 : i32
          %sign3A_1441 = arith.cmpi sgt, %scan3A_1134, %sign3A_1440 : i32
          %sign3A_1442 = arith.extui %sign3A_1441 : i1 to i32
          %sign3A_1443 = arith.constant 0 : i32
          %sign3A_1444 = arith.cmpi slt, %scan3A_1134, %sign3A_1443 : i32
          %sign3A_1445 = arith.extui %sign3A_1444 : i1 to i32
          %sign3A_1446 = arith.subi %sign3A_1442, %sign3A_1445 : i32
          %sign3A_1447 = arith.constant 0 : i32
          %sign3A_1448 = arith.cmpi sgt, %jit3A_1438, %sign3A_1447 : i32
          %sign3A_1449 = arith.extui %sign3A_1448 : i1 to i32
          %sign3A_1450 = arith.constant 0 : i32
          %sign3A_1451 = arith.cmpi slt, %jit3A_1438, %sign3A_1450 : i32
          %sign3A_1452 = arith.extui %sign3A_1451 : i1 to i32
          %sign3A_1453 = arith.subi %sign3A_1449, %sign3A_1452 : i32
          %ne3A_1454 = arith.cmpi ne, %sign3A_1446, %sign3A_1453 : i32
          %rem3A_1455 = arith.remsi %scan3A_1134, %jit3A_1438 : i32
          %ne3A_1456 = arith.constant 0 : i32
          %ne3A_1457 = arith.cmpi ne, %rem3A_1455, %ne3A_1456 : i32
          %and3A_1458 = arith.andi %ne3A_1454, %ne3A_1457 : i1
          %sub3A_1459 = arith.constant 1 : i32
          %sub3A_1460 = arith.subi %div3A_1439, %sub3A_1459 : i32
          %select_n3A_1461 = arith.select %and3A_1458, %sub3A_1460, %div3A_1439 : i32
          %jit3A_1462 = arith.constant 8 : i32
          %eq3A_1463 = arith.constant 0 : i32
          %eq3A_1464 = arith.cmpi eq, %jit3A_1462, %eq3A_1463 : i32
          %jit3A_1465 = arith.constant 1 : i32
          %select_n3A_1466 = arith.select %eq3A_1464, %jit3A_1465, %jit3A_1462 : i32
          %rem3A_1467 = arith.remsi %scan3A_1134, %select_n3A_1466 : i32
          %ne3A_1468 = arith.constant 0 : i32
          %ne3A_1469 = arith.cmpi ne, %rem3A_1467, %ne3A_1468 : i32
          %lt3A_1470 = arith.constant 0 : i32
          %lt3A_1471 = arith.cmpi slt, %rem3A_1467, %lt3A_1470 : i32
          %lt3A_1472 = arith.constant 0 : i32
          %lt3A_1473 = arith.cmpi slt, %select_n3A_1466, %lt3A_1472 : i32
          %ne3A_1474 = arith.xori %lt3A_1471, %lt3A_1473 : i1
          %and3A_1475 = arith.andi %ne3A_1474, %ne3A_1469 : i1
          %add3A_1476 = arith.addi %rem3A_1467, %select_n3A_1466 : i32
          %select_n3A_1477 = arith.select %and3A_1475, %add3A_1476, %rem3A_1467 : i32
          %get3A_1478 = arith.index_cast %select_n3A_1461 : i32 to index
          %get3A_1479 = arith.index_cast %select_n3A_1477 : i32 to index
          %get3A_1480 = arith.constant 80 : index
          %get3A_1481 = tpu.vector_load %arg14[%get3A_1478, %get3A_1479, %get3A_1480] {strides = array<i32>} : memref<8x8x128xf32, #tpu.memory_space<vmem>>, vector<16xf32>,
          %get3A_1482 = arith.index_cast %scan3A_1134 : i32 to index
          %get3A_1483 = arith.constant 80 : index
          %get3A_1484 = tpu.vector_load %arg15[%get3A_1482, %get3A_1483] {strides = array<i32>} : memref<64x128xf32, #tpu.memory_space<vmem>>, vector<16xf32>,
          %add3A_1485 = arith.addf %get3A_1481, %get3A_1484 : vector<16xf32>
          %mul3A_1486 = arith.mulf %add3A_1485, %gather3A_1177 : vector<16xf32>
          %swap3A_1487 = arith.index_cast %scan3A_1134 : i32 to index
          %swap3A_1488 = arith.constant 80 : index
          %swap3A_1489 = tpu.vector_load %arg15[%swap3A_1487, %swap3A_1488] {strides = array<i32>} : memref<64x128xf32, #tpu.memory_space<vmem>>, vector<16xf32>,
          tpu.vector_store %arg15[%swap3A_1487, %swap3A_1488], %mul3A_1486 {strides = array<i32>} : memref<64x128xf32, #tpu.memory_space<vmem>>, vector<16xf32>,
          %jit3A_1490 = arith.constant 8 : i32
          %div3A_1491 = arith.divsi %scan3A_1134, %jit3A_1490 : i32
          %sign3A_1492 = arith.constant 0 : i32
          %sign3A_1493 = arith.cmpi sgt, %scan3A_1134, %sign3A_1492 : i32
          %sign3A_1494 = arith.extui %sign3A_1493 : i1 to i32
          %sign3A_1495 = arith.constant 0 : i32
          %sign3A_1496 = arith.cmpi slt, %scan3A_1134, %sign3A_1495 : i32
          %sign3A_1497 = arith.extui %sign3A_1496 : i1 to i32
          %sign3A_1498 = arith.subi %sign3A_1494, %sign3A_1497 : i32
          %sign3A_1499 = arith.constant 0 : i32
          %sign3A_1500 = arith.cmpi sgt, %jit3A_1490, %sign3A_1499 : i32
          %sign3A_1501 = arith.extui %sign3A_1500 : i1 to i32
          %sign3A_1502 = arith.constant 0 : i32
          %sign3A_1503 = arith.cmpi slt, %jit3A_1490, %sign3A_1502 : i32
          %sign3A_1504 = arith.extui %sign3A_1503 : i1 to i32
          %sign3A_1505 = arith.subi %sign3A_1501, %sign3A_1504 : i32
          %ne3A_1506 = arith.cmpi ne, %sign3A_1498, %sign3A_1505 : i32
          %rem3A_1507 = arith.remsi %scan3A_1134, %jit3A_1490 : i32
          %ne3A_1508 = arith.constant 0 : i32
          %ne3A_1509 = arith.cmpi ne, %rem3A_1507, %ne3A_1508 : i32
          %and3A_1510 = arith.andi %ne3A_1506, %ne3A_1509 : i1
          %sub3A_1511 = arith.constant 1 : i32
          %sub3A_1512 = arith.subi %div3A_1491, %sub3A_1511 : i32
          %select_n3A_1513 = arith.select %and3A_1510, %sub3A_1512, %div3A_1491 : i32
          %jit3A_1514 = arith.constant 8 : i32
          %eq3A_1515 = arith.constant 0 : i32
          %eq3A_1516 = arith.cmpi eq, %jit3A_1514, %eq3A_1515 : i32
          %jit3A_1517 = arith.constant 1 : i32
          %select_n3A_1518 = arith.select %eq3A_1516, %jit3A_1517, %jit3A_1514 : i32
          %rem3A_1519 = arith.remsi %scan3A_1134, %select_n3A_1518 : i32
          %ne3A_1520 = arith.constant 0 : i32
          %ne3A_1521 = arith.cmpi ne, %rem3A_1519, %ne3A_1520 : i32
          %lt3A_1522 = arith.constant 0 : i32
          %lt3A_1523 = arith.cmpi slt, %rem3A_1519, %lt3A_1522 : i32
          %lt3A_1524 = arith.constant 0 : i32
          %lt3A_1525 = arith.cmpi slt, %select_n3A_1518, %lt3A_1524 : i32
          %ne3A_1526 = arith.xori %lt3A_1523, %lt3A_1525 : i1
          %and3A_1527 = arith.andi %ne3A_1526, %ne3A_1521 : i1
          %add3A_1528 = arith.addi %rem3A_1519, %select_n3A_1518 : i32
          %select_n3A_1529 = arith.select %and3A_1527, %add3A_1528, %rem3A_1519 : i32
          %get3A_1530 = arith.index_cast %select_n3A_1513 : i32 to index
          %get3A_1531 = arith.index_cast %select_n3A_1529 : i32 to index
          %get3A_1532 = arith.constant 96 : index
          %get3A_1533 = tpu.vector_load %arg14[%get3A_1530, %get3A_1531, %get3A_1532] {strides = array<i32>} : memref<8x8x128xf32, #tpu.memory_space<vmem>>, vector<16xf32>,
          %get3A_1534 = arith.index_cast %scan3A_1134 : i32 to index
          %get3A_1535 = arith.constant 96 : index
          %get3A_1536 = tpu.vector_load %arg15[%get3A_1534, %get3A_1535] {strides = array<i32>} : memref<64x128xf32, #tpu.memory_space<vmem>>, vector<16xf32>,
          %add3A_1537 = arith.addf %get3A_1533, %get3A_1536 : vector<16xf32>
          %mul3A_1538 = arith.mulf %add3A_1537, %gather3A_1177 : vector<16xf32>
          %swap3A_1539 = arith.index_cast %scan3A_1134 : i32 to index
          %swap3A_1540 = arith.constant 96 : index
          %swap3A_1541 = tpu.vector_load %arg15[%swap3A_1539, %swap3A_1540] {strides = array<i32>} : memref<64x128xf32, #tpu.memory_space<vmem>>, vector<16xf32>,
          tpu.vector_store %arg15[%swap3A_1539, %swap3A_1540], %mul3A_1538 {strides = array<i32>} : memref<64x128xf32, #tpu.memory_space<vmem>>, vector<16xf32>,
          %jit3A_1542 = arith.constant 8 : i32
          %div3A_1543 = arith.divsi %scan3A_1134, %jit3A_1542 : i32
          %sign3A_1544 = arith.constant 0 : i32
          %sign3A_1545 = arith.cmpi sgt, %scan3A_1134, %sign3A_1544 : i32
          %sign3A_1546 = arith.extui %sign3A_1545 : i1 to i32
          %sign3A_1547 = arith.constant 0 : i32
          %sign3A_1548 = arith.cmpi slt, %scan3A_1134, %sign3A_1547 : i32
          %sign3A_1549 = arith.extui %sign3A_1548 : i1 to i32
          %sign3A_1550 = arith.subi %sign3A_1546, %sign3A_1549 : i32
          %sign3A_1551 = arith.constant 0 : i32
          %sign3A_1552 = arith.cmpi sgt, %jit3A_1542, %sign3A_1551 : i32
          %sign3A_1553 = arith.extui %sign3A_1552 : i1 to i32
          %sign3A_1554 = arith.constant 0 : i32
          %sign3A_1555 = arith.cmpi slt, %jit3A_1542, %sign3A_1554 : i32
          %sign3A_1556 = arith.extui %sign3A_1555 : i1 to i32
          %sign3A_1557 = arith.subi %sign3A_1553, %sign3A_1556 : i32
          %ne3A_1558 = arith.cmpi ne, %sign3A_1550, %sign3A_1557 : i32
          %rem3A_1559 = arith.remsi %scan3A_1134, %jit3A_1542 : i32
          %ne3A_1560 = arith.constant 0 : i32
          %ne3A_1561 = arith.cmpi ne, %rem3A_1559, %ne3A_1560 : i32
          %and3A_1562 = arith.andi %ne3A_1558, %ne3A_1561 : i1
          %sub3A_1563 = arith.constant 1 : i32
          %sub3A_1564 = arith.subi %div3A_1543, %sub3A_1563 : i32
          %select_n3A_1565 = arith.select %and3A_1562, %sub3A_1564, %div3A_1543 : i32
          %jit3A_1566 = arith.constant 8 : i32
          %eq3A_1567 = arith.constant 0 : i32
          %eq3A_1568 = arith.cmpi eq, %jit3A_1566, %eq3A_1567 : i32
          %jit3A_1569 = arith.constant 1 : i32
          %select_n3A_1570 = arith.select %eq3A_1568, %jit3A_1569, %jit3A_1566 : i32
          %rem3A_1571 = arith.remsi %scan3A_1134, %select_n3A_1570 : i32
          %ne3A_1572 = arith.constant 0 : i32
          %ne3A_1573 = arith.cmpi ne, %rem3A_1571, %ne3A_1572 : i32
          %lt3A_1574 = arith.constant 0 : i32
          %lt3A_1575 = arith.cmpi slt, %rem3A_1571, %lt3A_1574 : i32
          %lt3A_1576 = arith.constant 0 : i32
          %lt3A_1577 = arith.cmpi slt, %select_n3A_1570, %lt3A_1576 : i32
          %ne3A_1578 = arith.xori %lt3A_1575, %lt3A_1577 : i1
          %and3A_1579 = arith.andi %ne3A_1578, %ne3A_1573 : i1
          %add3A_1580 = arith.addi %rem3A_1571, %select_n3A_1570 : i32
          %select_n3A_1581 = arith.select %and3A_1579, %add3A_1580, %rem3A_1571 : i32
          %get3A_1582 = arith.index_cast %select_n3A_1565 : i32 to index
          %get3A_1583 = arith.index_cast %select_n3A_1581 : i32 to index
          %get3A_1584 = arith.constant 112 : index
          %get3A_1585 = tpu.vector_load %arg14[%get3A_1582, %get3A_1583, %get3A_1584] {strides = array<i32>} : memref<8x8x128xf32, #tpu.memory_space<vmem>>, vector<16xf32>,
          %get3A_1586 = arith.index_cast %scan3A_1134 : i32 to index
          %get3A_1587 = arith.constant 112 : index
          %get3A_1588 = tpu.vector_load %arg15[%get3A_1586, %get3A_1587] {strides = array<i32>} : memref<64x128xf32, #tpu.memory_space<vmem>>, vector<16xf32>,
          %add3A_1589 = arith.addf %get3A_1585, %get3A_1588 : vector<16xf32>
          %mul3A_1590 = arith.mulf %add3A_1589, %gather3A_1177 : vector<16xf32>
          %swap3A_1591 = arith.index_cast %scan3A_1134 : i32 to index
          %swap3A_1592 = arith.constant 112 : index
          %swap3A_1593 = tpu.vector_load %arg15[%swap3A_1591, %swap3A_1592] {strides = array<i32>} : memref<64x128xf32, #tpu.memory_space<vmem>>, vector<16xf32>,
          tpu.vector_store %arg15[%swap3A_1591, %swap3A_1592], %mul3A_1590 {strides = array<i32>} : memref<64x128xf32, #tpu.memory_space<vmem>>, vector<16xf32>,
          %scan3A_1594 = arith.constant 0 : i32
          scf.yield %scan3A_1594 : i32
        }
        %scan3A_405 = arith.constant 64 : i32
        %dma_start3A_406 = arith.constant 0 : i32
        %dma_start3A_407 = tpu.memref_slice %arg11[%mul3A_114, %dma_start3A_406] : memref<16x64xi32, #tpu.memory_space<vmem>> -> memref<1x64xi32, #tpu.memory_space<vmem>>
        %dma_start3A_408 = tpu.memref_squeeze %dma_start3A_407 : memref<1x64xi32, #tpu.memory_space<vmem>> -> memref<64xi32, #tpu.memory_space<vmem>>
        %dma_start3A_409 = arith.constant 0 : i32
        %dma_start3A_410 = arith.constant 0 : i32
        %dma_start3A_411 = tpu.memref_slice %arg21[%dma_start3A_409, %dma_start3A_410] : memref<10112x128xf32, #tpu.memory_space<vmem_shared>> -> memref<10112x128xf32, #tpu.memory_space<vmem_shared>>
        tpu.enqueue_indirect_dma source(%arg15 : memref<64x128xf32, #tpu.memory_space<vmem>>) target(%dma_start3A_411 : memref<10112x128xf32, #tpu.memory_space<vmem_shared>>) offsets(%dma_start3A_408 : memref<64xi32, #tpu.memory_space<vmem>>) semaphore(%arg27 : memref<!tpu.dma_semaphore, #tpu.memory_space<semaphore_mem>>) {add = true}
        %mul3A_412 = arith.constant 64 : i32
        %mul3A_413 = arith.muli %add3A_118, %mul3A_412 : i32
        %add3A_414 = arith.addi %multiple_of3A_19, %mul3A_413 : i32
        %multiple_of3A_415 = tpu.assume_multiple %add3A_414, 8 : i32
        %jit3A_416 = arith.constant 8 : i32
        %div3A_417 = arith.divsi %multiple_of3A_415, %jit3A_416 : i32
        %sign3A_418 = arith.constant 0 : i32
        %sign3A_419 = arith.cmpi sgt, %multiple_of3A_415, %sign3A_418 : i32
        %sign3A_420 = arith.extui %sign3A_419 : i1 to i32
        %sign3A_421 = arith.constant 0 : i32
        %sign3A_422 = arith.cmpi slt, %multiple_of3A_415, %sign3A_421 : i32
        %sign3A_423 = arith.extui %sign3A_422 : i1 to i32
        %sign3A_424 = arith.subi %sign3A_420, %sign3A_423 : i32
        %sign3A_425 = arith.constant 0 : i32
        %sign3A_426 = arith.cmpi sgt, %jit3A_416, %sign3A_425 : i32
        %sign3A_427 = arith.extui %sign3A_426 : i1 to i32
        %sign3A_428 = arith.constant 0 : i32
        %sign3A_429 = arith.cmpi slt, %jit3A_416, %sign3A_428 : i32
        %sign3A_430 = arith.extui %sign3A_429 : i1 to i32
        %sign3A_431 = arith.subi %sign3A_427, %sign3A_430 : i32
        %ne3A_432 = arith.cmpi ne, %sign3A_424, %sign3A_431 : i32
        %rem3A_433 = arith.remsi %multiple_of3A_415, %jit3A_416 : i32
        %ne3A_434 = arith.constant 0 : i32
        %ne3A_435 = arith.cmpi ne, %rem3A_433, %ne3A_434 : i32
        %and3A_436 = arith.andi %ne3A_432, %ne3A_435 : i1
        %sub3A_437 = arith.constant 1 : i32
        %sub3A_438 = arith.subi %div3A_417, %sub3A_437 : i32
        %select_n3A_439 = arith.select %and3A_436, %sub3A_438, %div3A_417 : i32
        %multiple_of3A_440 = tpu.assume_multiple %select_n3A_439, 8 : i32
        %dma_wait3A_441 = arith.constant 0 : i32
        %dma_wait3A_442 = tpu.memref_slice %arg4[%multiple_of3A_415, %dma_wait3A_441] : memref<327680x16xf32, #tpu.memory_space<hbm>> -> memref<64x16xf32, #tpu.memory_space<hbm>>
        %dma_wait3A_443 = arith.constant 0 : i32
        %dma_wait3A_444 = tpu.memref_slice %arg4[%multiple_of3A_415, %dma_wait3A_443] : memref<327680x16xf32, #tpu.memory_space<hbm>> -> memref<64x16xf32, #tpu.memory_space<hbm>>
        tpu.wait_dma2 semaphore(%arg25 : memref<!tpu.dma_semaphore, #tpu.memory_space<semaphore_mem>>) src(%dma_wait3A_444 : memref<64x16xf32, #tpu.memory_space<hbm>>) dst(%arg16 : memref<64x16xf32, #tpu.memory_space<vmem>>)
        %dma_wait3A_445 = arith.constant 0 : i32
        %dma_wait3A_446 = arith.constant 0 : i32
        %dma_wait3A_447 = tpu.memref_slice %arg6[%multiple_of3A_440, %dma_wait3A_445, %dma_wait3A_446] : memref<40960x8x128xf32, #tpu.memory_space<hbm>> -> memref<8x8x128xf32, #tpu.memory_space<hbm>>
        %dma_wait3A_448 = arith.constant 0 : i32
        %dma_wait3A_449 = arith.constant 0 : i32
        %dma_wait3A_450 = tpu.memref_slice %arg6[%multiple_of3A_440, %dma_wait3A_448, %dma_wait3A_449] : memref<40960x8x128xf32, #tpu.memory_space<hbm>> -> memref<8x8x128xf32, #tpu.memory_space<hbm>>
        tpu.wait_dma2 semaphore(%arg25 : memref<!tpu.dma_semaphore, #tpu.memory_space<semaphore_mem>>) src(%dma_wait3A_450 : memref<8x8x128xf32, #tpu.memory_space<hbm>>) dst(%arg18 : memref<8x8x128xf32, #tpu.memory_space<vmem>>)
        %dma_wait3A_451 = arith.constant 0 : i32
        %dma_wait3A_452 = tpu.memref_slice %arg11[%add3A_118, %dma_wait3A_451] : memref<16x64xi32, #tpu.memory_space<vmem>> -> memref<1x64xi32, #tpu.memory_space<vmem>>
        %dma_wait3A_453 = tpu.memref_squeeze %dma_wait3A_452 : memref<1x64xi32, #tpu.memory_space<vmem>> -> memref<64xi32, #tpu.memory_space<vmem>>
        %dma_wait3A_454 = arith.constant 0 : i32
        %dma_wait3A_455 = arith.constant 0 : i32
        %dma_wait3A_456 = tpu.memref_slice %arg5[%dma_wait3A_454, %dma_wait3A_455] : memref<10112x16xf32, #tpu.memory_space<hbm>> -> memref<10112x16xf32, #tpu.memory_space<hbm>>
        tpu.wait_indirect_dma semaphore(%arg26 : memref<!tpu.dma_semaphore, #tpu.memory_space<semaphore_mem>>) src(%dma_wait3A_456 : memref<10112x16xf32, #tpu.memory_space<hbm>>) dst(%arg17 : memref<64x16xf32, #tpu.memory_space<vmem>>)
        %dma_wait3A_457 = arith.constant 0 : i32
        %dma_wait3A_458 = tpu.memref_slice %arg10[%add3A_118, %dma_wait3A_457] : memref<16x64xi32, #tpu.memory_space<vmem>> -> memref<1x64xi32, #tpu.memory_space<vmem>>
        %dma_wait3A_459 = tpu.memref_squeeze %dma_wait3A_458 : memref<1x64xi32, #tpu.memory_space<vmem>> -> memref<64xi32, #tpu.memory_space<vmem>>
        %dma_wait3A_460 = arith.constant 0 : i32
        %dma_wait3A_461 = arith.constant 0 : i32
        %dma_wait3A_462 = tpu.memref_slice %arg7[%dma_wait3A_460, %dma_wait3A_461] : memref<10112x128xf32, #tpu.memory_space<hbm>> -> memref<10112x128xf32, #tpu.memory_space<hbm>>
        tpu.wait_indirect_dma semaphore(%arg26 : memref<!tpu.dma_semaphore, #tpu.memory_space<semaphore_mem>>) src(%dma_wait3A_462 : memref<10112x128xf32, #tpu.memory_space<hbm>>) dst(%arg19 : memref<64x128xf32, #tpu.memory_space<vmem>>)
        %dma_wait3A_463 = arith.constant 0 : i32
        %dma_wait3A_464 = tpu.memref_slice %arg11[%mul3A_114, %dma_wait3A_463] : memref<16x64xi32, #tpu.memory_space<vmem>> -> memref<1x64xi32, #tpu.memory_space<vmem>>
        %dma_wait3A_465 = tpu.memref_squeeze %dma_wait3A_464 : memref<1x64xi32, #tpu.memory_space<vmem>> -> memref<64xi32, #tpu.memory_space<vmem>>
        %dma_wait3A_466 = arith.constant 0 : i32
        %dma_wait3A_467 = arith.constant 0 : i32
        %dma_wait3A_468 = tpu.memref_slice %arg21[%dma_wait3A_466, %dma_wait3A_467] : memref<10112x128xf32, #tpu.memory_space<vmem_shared>> -> memref<10112x128xf32, #tpu.memory_space<vmem_shared>>
        tpu.wait_indirect_dma semaphore(%arg27 : memref<!tpu.dma_semaphore, #tpu.memory_space<semaphore_mem>>) src(%arg15 : memref<64x128xf32, #tpu.memory_space<vmem>>) dst(%dma_wait3A_468 : memref<10112x128xf32, #tpu.memory_space<vmem_shared>>)
        %lt3A = arith.constant 7 : i32
        %lt3A_469 = arith.cmpi slt, %scan3A_111, %lt3A : i32
        %convert_element_type3A = arith.extui %lt3A_469 : i1 to i32
        %cond3A = arith.constant 0 : i32
        %cond3A_470 = arith.cmpi ne, %convert_element_type3A, %cond3A : i32
        scf.if %cond3A_470 {
          %add3A_672 = arith.constant 2 : i32
          %add3A_673 = arith.addi %mul3A_114, %add3A_672 : i32
          %mul3A_674 = arith.constant 64 : i32
          %mul3A_675 = arith.muli %add3A_673, %mul3A_674 : i32
          %add3A_676 = arith.addi %multiple_of3A_19, %mul3A_675 : i32
          %multiple_of3A_677 = tpu.assume_multiple %add3A_676, 8 : i32
          %jit3A_678 = arith.constant 8 : i32
          %div3A_679 = arith.divsi %multiple_of3A_677, %jit3A_678 : i32
          %sign3A_680 = arith.constant 0 : i32
          %sign3A_681 = arith.cmpi sgt, %multiple_of3A_677, %sign3A_680 : i32
          %sign3A_682 = arith.extui %sign3A_681 : i1 to i32
          %sign3A_683 = arith.constant 0 : i32
          %sign3A_684 = arith.cmpi slt, %multiple_of3A_677, %sign3A_683 : i32
          %sign3A_685 = arith.extui %sign3A_684 : i1 to i32
          %sign3A_686 = arith.subi %sign3A_682, %sign3A_685 : i32
          %sign3A_687 = arith.constant 0 : i32
          %sign3A_688 = arith.cmpi sgt, %jit3A_678, %sign3A_687 : i32
          %sign3A_689 = arith.extui %sign3A_688 : i1 to i32
          %sign3A_690 = arith.constant 0 : i32
          %sign3A_691 = arith.cmpi slt, %jit3A_678, %sign3A_690 : i32
          %sign3A_692 = arith.extui %sign3A_691 : i1 to i32
          %sign3A_693 = arith.subi %sign3A_689, %sign3A_692 : i32
          %ne3A_694 = arith.cmpi ne, %sign3A_686, %sign3A_693 : i32
          %rem3A_695 = arith.remsi %multiple_of3A_677, %jit3A_678 : i32
          %ne3A_696 = arith.constant 0 : i32
          %ne3A_697 = arith.cmpi ne, %rem3A_695, %ne3A_696 : i32
          %and3A_698 = arith.andi %ne3A_694, %ne3A_697 : i1
          %sub3A_699 = arith.constant 1 : i32
          %sub3A_700 = arith.subi %div3A_679, %sub3A_699 : i32
          %select_n3A_701 = arith.select %and3A_698, %sub3A_700, %div3A_679 : i32
          %multiple_of3A_702 = tpu.assume_multiple %select_n3A_701, 8 : i32
          %dma_start3A_703 = arith.constant 0 : i32
          %dma_start3A_704 = tpu.memref_slice %arg4[%multiple_of3A_677, %dma_start3A_703] : memref<327680x16xf32, #tpu.memory_space<hbm>> -> memref<64x16xf32, #tpu.memory_space<hbm>>
          %dma_start3A_705 = arith.constant 0 : i32
          %dma_start3A_706 = tpu.memref_slice %arg4[%multiple_of3A_677, %dma_start3A_705] : memref<327680x16xf32, #tpu.memory_space<hbm>> -> memref<64x16xf32, #tpu.memory_space<hbm>>
          tpu.enqueue_dma source(%dma_start3A_706 : memref<64x16xf32, #tpu.memory_space<hbm>>) target(%arg12 : memref<64x16xf32, #tpu.memory_space<vmem>>) target_semaphore(%arg23 : memref<!tpu.dma_semaphore, #tpu.memory_space<semaphore_mem>>)
          %dma_start3A_707 = arith.constant 0 : i32
          %dma_start3A_708 = arith.constant 0 : i32
          %dma_start3A_709 = tpu.memref_slice %arg6[%multiple_of3A_702, %dma_start3A_707, %dma_start3A_708] : memref<40960x8x128xf32, #tpu.memory_space<hbm>> -> memref<8x8x128xf32, #tpu.memory_space<hbm>>
          %dma_start3A_710 = arith.constant 0 : i32
          %dma_start3A_711 = arith.constant 0 : i32
          %dma_start3A_712 = tpu.memref_slice %arg6[%multiple_of3A_702, %dma_start3A_710, %dma_start3A_711] : memref<40960x8x128xf32, #tpu.memory_space<hbm>> -> memref<8x8x128xf32, #tpu.memory_space<hbm>>
          tpu.enqueue_dma source(%dma_start3A_712 : memref<8x8x128xf32, #tpu.memory_space<hbm>>) target(%arg14 : memref<8x8x128xf32, #tpu.memory_space<vmem>>) target_semaphore(%arg23 : memref<!tpu.dma_semaphore, #tpu.memory_space<semaphore_mem>>)
          %dma_start3A_713 = arith.constant 0 : i32
          %dma_start3A_714 = tpu.memref_slice %arg11[%add3A_673, %dma_start3A_713] : memref<16x64xi32, #tpu.memory_space<vmem>> -> memref<1x64xi32, #tpu.memory_space<vmem>>
          %dma_start3A_715 = tpu.memref_squeeze %dma_start3A_714 : memref<1x64xi32, #tpu.memory_space<vmem>> -> memref<64xi32, #tpu.memory_space<vmem>>
          %dma_start3A_716 = arith.constant 0 : i32
          %dma_start3A_717 = arith.constant 0 : i32
          %dma_start3A_718 = tpu.memref_slice %arg5[%dma_start3A_716, %dma_start3A_717] : memref<10112x16xf32, #tpu.memory_space<hbm>> -> memref<10112x16xf32, #tpu.memory_space<hbm>>
          tpu.enqueue_indirect_dma source(%dma_start3A_718 : memref<10112x16xf32, #tpu.memory_space<hbm>>) target(%arg13 : memref<64x16xf32, #tpu.memory_space<vmem>>) offsets(%dma_start3A_715 : memref<64xi32, #tpu.memory_space<vmem>>) semaphore(%arg24 : memref<!tpu.dma_semaphore, #tpu.memory_space<semaphore_mem>>)
          %dma_start3A_719 = arith.constant 0 : i32
          %dma_start3A_720 = tpu.memref_slice %arg10[%add3A_673, %dma_start3A_719] : memref<16x64xi32, #tpu.memory_space<vmem>> -> memref<1x64xi32, #tpu.memory_space<vmem>>
          %dma_start3A_721 = tpu.memref_squeeze %dma_start3A_720 : memref<1x64xi32, #tpu.memory_space<vmem>> -> memref<64xi32, #tpu.memory_space<vmem>>
          %dma_start3A_722 = arith.constant 0 : i32
          %dma_start3A_723 = arith.constant 0 : i32
          %dma_start3A_724 = tpu.memref_slice %arg7[%dma_start3A_722, %dma_start3A_723] : memref<10112x128xf32, #tpu.memory_space<hbm>> -> memref<10112x128xf32, #tpu.memory_space<hbm>>
          tpu.enqueue_indirect_dma source(%dma_start3A_724 : memref<10112x128xf32, #tpu.memory_space<hbm>>) target(%arg15 : memref<64x128xf32, #tpu.memory_space<vmem>>) offsets(%dma_start3A_721 : memref<64xi32, #tpu.memory_space<vmem>>) semaphore(%arg24 : memref<!tpu.dma_semaphore, #tpu.memory_space<semaphore_mem>>)
        } else {
        }
        %scan3A_471 = arith.constant 0 : i32
        %scan3A_472 = arith.constant 0 : i32
        %scan3A_473 = arith.constant 64 : i32
        %scan3A_474 = arith.addi %scan3A_472, %scan3A_473 : i32
        %scan3A_475 = arith.constant 8 : i32
        %scan3A_476 = scf.for %scan3A_672 = %scan3A_472 to %scan3A_474 step %scan3A_475 iter_args(%scan3A_673 = %scan3A_471) -> (i32)  : i32 {
          %get3A = arith.index_cast %scan3A_672 : i32 to index
          %get3A_674 = arith.constant 0 : index
          %get3A_675 = tpu.vector_load %arg16[%get3A, %get3A_674] {strides = array<i32>} : memref<64x16xf32, #tpu.memory_space<vmem>>, vector<16xf32>,
          %get3A_676 = arith.index_cast %scan3A_672 : i32 to index
          %get3A_677 = arith.constant 0 : index
          %get3A_678 = tpu.vector_load %arg17[%get3A_676, %get3A_677] {strides = array<i32>} : memref<64x16xf32, #tpu.memory_space<vmem>>, vector<16xf32>,
          %div3A_679 = arith.divf %get3A_675, %get3A_678 : vector<16xf32>
          %swap3A_680 = arith.index_cast %scan3A_672 : i32 to index
          %swap3A_681 = arith.constant 0 : index
          %swap3A_682 = tpu.vector_load %arg16[%swap3A_680, %swap3A_681] {strides = array<i32>} : memref<64x16xf32, #tpu.memory_space<vmem>>, vector<16xf32>,
          tpu.vector_store %arg16[%swap3A_680, %swap3A_681], %div3A_679 {strides = array<i32>} : memref<64x16xf32, #tpu.memory_space<vmem>>, vector<16xf32>,
          %scan3A_683 = arith.constant 0 : i32
          %scan3A_684 = arith.constant 1 : i32
          %scan3A_685 = arith.addi %scan3A_672, %scan3A_684 : i32
          %get3A_686 = arith.index_cast %scan3A_685 : i32 to index
          %get3A_687 = arith.constant 0 : index
          %get3A_688 = tpu.vector_load %arg16[%get3A_686, %get3A_687] {strides = array<i32>} : memref<64x16xf32, #tpu.memory_space<vmem>>, vector<16xf32>,
          %get3A_689 = arith.index_cast %scan3A_685 : i32 to index
          %get3A_690 = arith.constant 0 : index
          %get3A_691 = tpu.vector_load %arg17[%get3A_689, %get3A_690] {strides = array<i32>} : memref<64x16xf32, #tpu.memory_space<vmem>>, vector<16xf32>,
          %div3A_692 = arith.divf %get3A_688, %get3A_691 : vector<16xf32>
          %swap3A_693 = arith.index_cast %scan3A_685 : i32 to index
          %swap3A_694 = arith.constant 0 : index
          %swap3A_695 = tpu.vector_load %arg16[%swap3A_693, %swap3A_694] {strides = array<i32>} : memref<64x16xf32, #tpu.memory_space<vmem>>, vector<16xf32>,
          tpu.vector_store %arg16[%swap3A_693, %swap3A_694], %div3A_692 {strides = array<i32>} : memref<64x16xf32, #tpu.memory_space<vmem>>, vector<16xf32>,
          %scan3A_696 = arith.constant 0 : i32
          %scan3A_697 = arith.constant 2 : i32
          %scan3A_698 = arith.addi %scan3A_672, %scan3A_697 : i32
          %get3A_699 = arith.index_cast %scan3A_698 : i32 to index
          %get3A_700 = arith.constant 0 : index
          %get3A_701 = tpu.vector_load %arg16[%get3A_699, %get3A_700] {strides = array<i32>} : memref<64x16xf32, #tpu.memory_space<vmem>>, vector<16xf32>,
          %get3A_702 = arith.index_cast %scan3A_698 : i32 to index
          %get3A_703 = arith.constant 0 : index
          %get3A_704 = tpu.vector_load %arg17[%get3A_702, %get3A_703] {strides = array<i32>} : memref<64x16xf32, #tpu.memory_space<vmem>>, vector<16xf32>,
          %div3A_705 = arith.divf %get3A_701, %get3A_704 : vector<16xf32>
          %swap3A_706 = arith.index_cast %scan3A_698 : i32 to index
          %swap3A_707 = arith.constant 0 : index
          %swap3A_708 = tpu.vector_load %arg16[%swap3A_706, %swap3A_707] {strides = array<i32>} : memref<64x16xf32, #tpu.memory_space<vmem>>, vector<16xf32>,
          tpu.vector_store %arg16[%swap3A_706, %swap3A_707], %div3A_705 {strides = array<i32>} : memref<64x16xf32, #tpu.memory_space<vmem>>, vector<16xf32>,
          %scan3A_709 = arith.constant 0 : i32
          %scan3A_710 = arith.constant 3 : i32
          %scan3A_711 = arith.addi %scan3A_672, %scan3A_710 : i32
          %get3A_712 = arith.index_cast %scan3A_711 : i32 to index
          %get3A_713 = arith.constant 0 : index
          %get3A_714 = tpu.vector_load %arg16[%get3A_712, %get3A_713] {strides = array<i32>} : memref<64x16xf32, #tpu.memory_space<vmem>>, vector<16xf32>,
          %get3A_715 = arith.index_cast %scan3A_711 : i32 to index
          %get3A_716 = arith.constant 0 : index
          %get3A_717 = tpu.vector_load %arg17[%get3A_715, %get3A_716] {strides = array<i32>} : memref<64x16xf32, #tpu.memory_space<vmem>>, vector<16xf32>,
          %div3A_718 = arith.divf %get3A_714, %get3A_717 : vector<16xf32>
          %swap3A_719 = arith.index_cast %scan3A_711 : i32 to index
          %swap3A_720 = arith.constant 0 : index
          %swap3A_721 = tpu.vector_load %arg16[%swap3A_719, %swap3A_720] {strides = array<i32>} : memref<64x16xf32, #tpu.memory_space<vmem>>, vector<16xf32>,
          tpu.vector_store %arg16[%swap3A_719, %swap3A_720], %div3A_718 {strides = array<i32>} : memref<64x16xf32, #tpu.memory_space<vmem>>, vector<16xf32>,
          %scan3A_722 = arith.constant 0 : i32
          %scan3A_723 = arith.constant 4 : i32
          %scan3A_724 = arith.addi %scan3A_672, %scan3A_723 : i32
          %get3A_725 = arith.index_cast %scan3A_724 : i32 to index
          %get3A_726 = arith.constant 0 : index
          %get3A_727 = tpu.vector_load %arg16[%get3A_725, %get3A_726] {strides = array<i32>} : memref<64x16xf32, #tpu.memory_space<vmem>>, vector<16xf32>,
          %get3A_728 = arith.index_cast %scan3A_724 : i32 to index
          %get3A_729 = arith.constant 0 : index
          %get3A_730 = tpu.vector_load %arg17[%get3A_728, %get3A_729] {strides = array<i32>} : memref<64x16xf32, #tpu.memory_space<vmem>>, vector<16xf32>,
          %div3A_731 = arith.divf %get3A_727, %get3A_730 : vector<16xf32>
          %swap3A_732 = arith.index_cast %scan3A_724 : i32 to index
          %swap3A_733 = arith.constant 0 : index
          %swap3A_734 = tpu.vector_load %arg16[%swap3A_732, %swap3A_733] {strides = array<i32>} : memref<64x16xf32, #tpu.memory_space<vmem>>, vector<16xf32>,
          tpu.vector_store %arg16[%swap3A_732, %swap3A_733], %div3A_731 {strides = array<i32>} : memref<64x16xf32, #tpu.memory_space<vmem>>, vector<16xf32>,
          %scan3A_735 = arith.constant 0 : i32
          %scan3A_736 = arith.constant 5 : i32
          %scan3A_737 = arith.addi %scan3A_672, %scan3A_736 : i32
          %get3A_738 = arith.index_cast %scan3A_737 : i32 to index
          %get3A_739 = arith.constant 0 : index
          %get3A_740 = tpu.vector_load %arg16[%get3A_738, %get3A_739] {strides = array<i32>} : memref<64x16xf32, #tpu.memory_space<vmem>>, vector<16xf32>,
          %get3A_741 = arith.index_cast %scan3A_737 : i32 to index
          %get3A_742 = arith.constant 0 : index
          %get3A_743 = tpu.vector_load %arg17[%get3A_741, %get3A_742] {strides = array<i32>} : memref<64x16xf32, #tpu.memory_space<vmem>>, vector<16xf32>,
          %div3A_744 = arith.divf %get3A_740, %get3A_743 : vector<16xf32>
          %swap3A_745 = arith.index_cast %scan3A_737 : i32 to index
          %swap3A_746 = arith.constant 0 : index
          %swap3A_747 = tpu.vector_load %arg16[%swap3A_745, %swap3A_746] {strides = array<i32>} : memref<64x16xf32, #tpu.memory_space<vmem>>, vector<16xf32>,
          tpu.vector_store %arg16[%swap3A_745, %swap3A_746], %div3A_744 {strides = array<i32>} : memref<64x16xf32, #tpu.memory_space<vmem>>, vector<16xf32>,
          %scan3A_748 = arith.constant 0 : i32
          %scan3A_749 = arith.constant 6 : i32
          %scan3A_750 = arith.addi %scan3A_672, %scan3A_749 : i32
          %get3A_751 = arith.index_cast %scan3A_750 : i32 to index
          %get3A_752 = arith.constant 0 : index
          %get3A_753 = tpu.vector_load %arg16[%get3A_751, %get3A_752] {strides = array<i32>} : memref<64x16xf32, #tpu.memory_space<vmem>>, vector<16xf32>,
          %get3A_754 = arith.index_cast %scan3A_750 : i32 to index
          %get3A_755 = arith.constant 0 : index
          %get3A_756 = tpu.vector_load %arg17[%get3A_754, %get3A_755] {strides = array<i32>} : memref<64x16xf32, #tpu.memory_space<vmem>>, vector<16xf32>,
          %div3A_757 = arith.divf %get3A_753, %get3A_756 : vector<16xf32>
          %swap3A_758 = arith.index_cast %scan3A_750 : i32 to index
          %swap3A_759 = arith.constant 0 : index
          %swap3A_760 = tpu.vector_load %arg16[%swap3A_758, %swap3A_759] {strides = array<i32>} : memref<64x16xf32, #tpu.memory_space<vmem>>, vector<16xf32>,
          tpu.vector_store %arg16[%swap3A_758, %swap3A_759], %div3A_757 {strides = array<i32>} : memref<64x16xf32, #tpu.memory_space<vmem>>, vector<16xf32>,
          %scan3A_761 = arith.constant 0 : i32
          %scan3A_762 = arith.constant 7 : i32
          %scan3A_763 = arith.addi %scan3A_672, %scan3A_762 : i32
          %get3A_764 = arith.index_cast %scan3A_763 : i32 to index
          %get3A_765 = arith.constant 0 : index
          %get3A_766 = tpu.vector_load %arg16[%get3A_764, %get3A_765] {strides = array<i32>} : memref<64x16xf32, #tpu.memory_space<vmem>>, vector<16xf32>,
          %get3A_767 = arith.index_cast %scan3A_763 : i32 to index
          %get3A_768 = arith.constant 0 : index
          %get3A_769 = tpu.vector_load %arg17[%get3A_767, %get3A_768] {strides = array<i32>} : memref<64x16xf32, #tpu.memory_space<vmem>>, vector<16xf32>,
          %div3A_770 = arith.divf %get3A_766, %get3A_769 : vector<16xf32>
          %swap3A_771 = arith.index_cast %scan3A_763 : i32 to index
          %swap3A_772 = arith.constant 0 : index
          %swap3A_773 = tpu.vector_load %arg16[%swap3A_771, %swap3A_772] {strides = array<i32>} : memref<64x16xf32, #tpu.memory_space<vmem>>, vector<16xf32>,
          tpu.vector_store %arg16[%swap3A_771, %swap3A_772], %div3A_770 {strides = array<i32>} : memref<64x16xf32, #tpu.memory_space<vmem>>, vector<16xf32>,
          %scan3A_774 = arith.constant 0 : i32
          scf.yield %scan3A_774 : i32
        }
        %scan3A_477 = arith.constant 64 : i32
        %scan3A_478 = arith.constant 0 : i32
        %scan3A_479 = arith.constant 0 : i32
        %mul3A_480 = arith.constant 16 : i32
        %mul3A_481 = arith.muli %scan3A_479, %mul3A_480 : i32
        %add3A_482 = vector.broadcast %mul3A_481 : i32 to vector<16xi32>
        %add3A_483 = arith.addi %add3A_482, %iota3A : vector<16xi32>
        %broadcast_in_dim3A_484 = arith.constant 0 : i32
        %broadcast_in_dim3A_485 = vector.broadcast %broadcast_in_dim3A_484 : i32 to vector<16xi32>
        %gather3A_486 = tpu.vector_load_idx %arg16[%add3A_483, %broadcast_in_dim3A_485] : memref<64x16xf32, #tpu.memory_space<vmem>>[vector<16xi32>, vector<16xi32>], vector<16xf32>,
        %broadcast_in_dim3A_487 = arith.constant 1 : i32
        %broadcast_in_dim3A_488 = vector.broadcast %broadcast_in_dim3A_487 : i32 to vector<16xi32>
        %gather3A_489 = tpu.vector_load_idx %arg16[%add3A_483, %broadcast_in_dim3A_488] : memref<64x16xf32, #tpu.memory_space<vmem>>[vector<16xi32>, vector<16xi32>], vector<16xf32>,
        %add3A_490 = arith.addf %gather3A_486, %gather3A_489 : vector<16xf32>
        %broadcast_in_dim3A_491 = arith.constant 2 : i32
        %broadcast_in_dim3A_492 = vector.broadcast %broadcast_in_dim3A_491 : i32 to vector<16xi32>
        %gather3A_493 = tpu.vector_load_idx %arg16[%add3A_483, %broadcast_in_dim3A_492] : memref<64x16xf32, #tpu.memory_space<vmem>>[vector<16xi32>, vector<16xi32>], vector<16xf32>,
        %add3A_494 = arith.addf %add3A_490, %gather3A_493 : vector<16xf32>
        %broadcast_in_dim3A_495 = arith.constant 3 : i32
        %broadcast_in_dim3A_496 = vector.broadcast %broadcast_in_dim3A_495 : i32 to vector<16xi32>
        %gather3A_497 = tpu.vector_load_idx %arg16[%add3A_483, %broadcast_in_dim3A_496] : memref<64x16xf32, #tpu.memory_space<vmem>>[vector<16xi32>, vector<16xi32>], vector<16xf32>,
        %add3A_498 = arith.addf %add3A_494, %gather3A_497 : vector<16xf32>
        %broadcast_in_dim3A_499 = arith.constant 4 : i32
        %broadcast_in_dim3A_500 = vector.broadcast %broadcast_in_dim3A_499 : i32 to vector<16xi32>
        %gather3A_501 = tpu.vector_load_idx %arg16[%add3A_483, %broadcast_in_dim3A_500] : memref<64x16xf32, #tpu.memory_space<vmem>>[vector<16xi32>, vector<16xi32>], vector<16xf32>,
        %add3A_502 = arith.addf %add3A_498, %gather3A_501 : vector<16xf32>
        %broadcast_in_dim3A_503 = arith.constant 5 : i32
        %broadcast_in_dim3A_504 = vector.broadcast %broadcast_in_dim3A_503 : i32 to vector<16xi32>
        %gather3A_505 = tpu.vector_load_idx %arg16[%add3A_483, %broadcast_in_dim3A_504] : memref<64x16xf32, #tpu.memory_space<vmem>>[vector<16xi32>, vector<16xi32>], vector<16xf32>,
        %add3A_506 = arith.addf %add3A_502, %gather3A_505 : vector<16xf32>
        %broadcast_in_dim3A_507 = arith.constant 6 : i32
        %broadcast_in_dim3A_508 = vector.broadcast %broadcast_in_dim3A_507 : i32 to vector<16xi32>
        %gather3A_509 = tpu.vector_load_idx %arg16[%add3A_483, %broadcast_in_dim3A_508] : memref<64x16xf32, #tpu.memory_space<vmem>>[vector<16xi32>, vector<16xi32>], vector<16xf32>,
        %add3A_510 = arith.addf %add3A_506, %gather3A_509 : vector<16xf32>
        %broadcast_in_dim3A_511 = arith.constant 7 : i32
        %broadcast_in_dim3A_512 = vector.broadcast %broadcast_in_dim3A_511 : i32 to vector<16xi32>
        %gather3A_513 = tpu.vector_load_idx %arg16[%add3A_483, %broadcast_in_dim3A_512] : memref<64x16xf32, #tpu.memory_space<vmem>>[vector<16xi32>, vector<16xi32>], vector<16xf32>,
        %add3A_514 = arith.addf %add3A_510, %gather3A_513 : vector<16xf32>
        %mul3A_515 = arith.constant 1.250000e-01 : f32
        %mul3A_516 = vector.broadcast %mul3A_515 : f32 to vector<16xf32>
        %mul3A_517 = arith.mulf %add3A_514, %mul3A_516 : vector<16xf32>
        %swap3A_518 = arith.index_cast %scan3A_479 : i32 to index
        %swap3A_519 = arith.constant 0 : index
        %swap3A_520 = tpu.vector_load %arg20[%swap3A_518, %swap3A_519] {strides = array<i32>} : memref<4x16xf32, #tpu.memory_space<vmem>>, vector<16xf32>,
        tpu.vector_store %arg20[%swap3A_518, %swap3A_519], %mul3A_517 {strides = array<i32>} : memref<4x16xf32, #tpu.memory_space<vmem>>, vector<16xf32>,
        %scan3A_521 = arith.constant 0 : i32
        %scan3A_522 = arith.constant 1 : i32
        %mul3A_523 = arith.constant 16 : i32
        %mul3A_524 = arith.muli %scan3A_522, %mul3A_523 : i32
        %add3A_525 = vector.broadcast %mul3A_524 : i32 to vector<16xi32>
        %add3A_526 = arith.addi %add3A_525, %iota3A : vector<16xi32>
        %broadcast_in_dim3A_527 = arith.constant 0 : i32
        %broadcast_in_dim3A_528 = vector.broadcast %broadcast_in_dim3A_527 : i32 to vector<16xi32>
        %gather3A_529 = tpu.vector_load_idx %arg16[%add3A_526, %broadcast_in_dim3A_528] : memref<64x16xf32, #tpu.memory_space<vmem>>[vector<16xi32>, vector<16xi32>], vector<16xf32>,
        %broadcast_in_dim3A_530 = arith.constant 1 : i32
        %broadcast_in_dim3A_531 = vector.broadcast %broadcast_in_dim3A_530 : i32 to vector<16xi32>
        %gather3A_532 = tpu.vector_load_idx %arg16[%add3A_526, %broadcast_in_dim3A_531] : memref<64x16xf32, #tpu.memory_space<vmem>>[vector<16xi32>, vector<16xi32>], vector<16xf32>,
        %add3A_533 = arith.addf %gather3A_529, %gather3A_532 : vector<16xf32>
        %broadcast_in_dim3A_534 = arith.constant 2 : i32
        %broadcast_in_dim3A_535 = vector.broadcast %broadcast_in_dim3A_534 : i32 to vector<16xi32>
        %gather3A_536 = tpu.vector_load_idx %arg16[%add3A_526, %broadcast_in_dim3A_535] : memref<64x16xf32, #tpu.memory_space<vmem>>[vector<16xi32>, vector<16xi32>], vector<16xf32>,
        %add3A_537 = arith.addf %add3A_533, %gather3A_536 : vector<16xf32>
        %broadcast_in_dim3A_538 = arith.constant 3 : i32
        %broadcast_in_dim3A_539 = vector.broadcast %broadcast_in_dim3A_538 : i32 to vector<16xi32>
        %gather3A_540 = tpu.vector_load_idx %arg16[%add3A_526, %broadcast_in_dim3A_539] : memref<64x16xf32, #tpu.memory_space<vmem>>[vector<16xi32>, vector<16xi32>], vector<16xf32>,
        %add3A_541 = arith.addf %add3A_537, %gather3A_540 : vector<16xf32>
        %broadcast_in_dim3A_542 = arith.constant 4 : i32
        %broadcast_in_dim3A_543 = vector.broadcast %broadcast_in_dim3A_542 : i32 to vector<16xi32>
        %gather3A_544 = tpu.vector_load_idx %arg16[%add3A_526, %broadcast_in_dim3A_543] : memref<64x16xf32, #tpu.memory_space<vmem>>[vector<16xi32>, vector<16xi32>], vector<16xf32>,
        %add3A_545 = arith.addf %add3A_541, %gather3A_544 : vector<16xf32>
        %broadcast_in_dim3A_546 = arith.constant 5 : i32
        %broadcast_in_dim3A_547 = vector.broadcast %broadcast_in_dim3A_546 : i32 to vector<16xi32>
        %gather3A_548 = tpu.vector_load_idx %arg16[%add3A_526, %broadcast_in_dim3A_547] : memref<64x16xf32, #tpu.memory_space<vmem>>[vector<16xi32>, vector<16xi32>], vector<16xf32>,
        %add3A_549 = arith.addf %add3A_545, %gather3A_548 : vector<16xf32>
        %broadcast_in_dim3A_550 = arith.constant 6 : i32
        %broadcast_in_dim3A_551 = vector.broadcast %broadcast_in_dim3A_550 : i32 to vector<16xi32>
        %gather3A_552 = tpu.vector_load_idx %arg16[%add3A_526, %broadcast_in_dim3A_551] : memref<64x16xf32, #tpu.memory_space<vmem>>[vector<16xi32>, vector<16xi32>], vector<16xf32>,
        %add3A_553 = arith.addf %add3A_549, %gather3A_552 : vector<16xf32>
        %broadcast_in_dim3A_554 = arith.constant 7 : i32
        %broadcast_in_dim3A_555 = vector.broadcast %broadcast_in_dim3A_554 : i32 to vector<16xi32>
        %gather3A_556 = tpu.vector_load_idx %arg16[%add3A_526, %broadcast_in_dim3A_555] : memref<64x16xf32, #tpu.memory_space<vmem>>[vector<16xi32>, vector<16xi32>], vector<16xf32>,
        %add3A_557 = arith.addf %add3A_553, %gather3A_556 : vector<16xf32>
        %mul3A_558 = arith.constant 1.250000e-01 : f32
        %mul3A_559 = vector.broadcast %mul3A_558 : f32 to vector<16xf32>
        %mul3A_560 = arith.mulf %add3A_557, %mul3A_559 : vector<16xf32>
        %swap3A_561 = arith.index_cast %scan3A_522 : i32 to index
        %swap3A_562 = arith.constant 0 : index
        %swap3A_563 = tpu.vector_load %arg20[%swap3A_561, %swap3A_562] {strides = array<i32>} : memref<4x16xf32, #tpu.memory_space<vmem>>, vector<16xf32>,
        tpu.vector_store %arg20[%swap3A_561, %swap3A_562], %mul3A_560 {strides = array<i32>} : memref<4x16xf32, #tpu.memory_space<vmem>>, vector<16xf32>,
        %scan3A_564 = arith.constant 0 : i32
        %scan3A_565 = arith.constant 2 : i32
        %mul3A_566 = arith.constant 16 : i32
        %mul3A_567 = arith.muli %scan3A_565, %mul3A_566 : i32
        %add3A_568 = vector.broadcast %mul3A_567 : i32 to vector<16xi32>
        %add3A_569 = arith.addi %add3A_568, %iota3A : vector<16xi32>
        %broadcast_in_dim3A_570 = arith.constant 0 : i32
        %broadcast_in_dim3A_571 = vector.broadcast %broadcast_in_dim3A_570 : i32 to vector<16xi32>
        %gather3A_572 = tpu.vector_load_idx %arg16[%add3A_569, %broadcast_in_dim3A_571] : memref<64x16xf32, #tpu.memory_space<vmem>>[vector<16xi32>, vector<16xi32>], vector<16xf32>,
        %broadcast_in_dim3A_573 = arith.constant 1 : i32
        %broadcast_in_dim3A_574 = vector.broadcast %broadcast_in_dim3A_573 : i32 to vector<16xi32>
        %gather3A_575 = tpu.vector_load_idx %arg16[%add3A_569, %broadcast_in_dim3A_574] : memref<64x16xf32, #tpu.memory_space<vmem>>[vector<16xi32>, vector<16xi32>], vector<16xf32>,
        %add3A_576 = arith.addf %gather3A_572, %gather3A_575 : vector<16xf32>
        %broadcast_in_dim3A_577 = arith.constant 2 : i32
        %broadcast_in_dim3A_578 = vector.broadcast %broadcast_in_dim3A_577 : i32 to vector<16xi32>
        %gather3A_579 = tpu.vector_load_idx %arg16[%add3A_569, %broadcast_in_dim3A_578] : memref<64x16xf32, #tpu.memory_space<vmem>>[vector<16xi32>, vector<16xi32>], vector<16xf32>,
        %add3A_580 = arith.addf %add3A_576, %gather3A_579 : vector<16xf32>
        %broadcast_in_dim3A_581 = arith.constant 3 : i32
        %broadcast_in_dim3A_582 = vector.broadcast %broadcast_in_dim3A_581 : i32 to vector<16xi32>
        %gather3A_583 = tpu.vector_load_idx %arg16[%add3A_569, %broadcast_in_dim3A_582] : memref<64x16xf32, #tpu.memory_space<vmem>>[vector<16xi32>, vector<16xi32>], vector<16xf32>,
        %add3A_584 = arith.addf %add3A_580, %gather3A_583 : vector<16xf32>
        %broadcast_in_dim3A_585 = arith.constant 4 : i32
        %broadcast_in_dim3A_586 = vector.broadcast %broadcast_in_dim3A_585 : i32 to vector<16xi32>
        %gather3A_587 = tpu.vector_load_idx %arg16[%add3A_569, %broadcast_in_dim3A_586] : memref<64x16xf32, #tpu.memory_space<vmem>>[vector<16xi32>, vector<16xi32>], vector<16xf32>,
        %add3A_588 = arith.addf %add3A_584, %gather3A_587 : vector<16xf32>
        %broadcast_in_dim3A_589 = arith.constant 5 : i32
        %broadcast_in_dim3A_590 = vector.broadcast %broadcast_in_dim3A_589 : i32 to vector<16xi32>
        %gather3A_591 = tpu.vector_load_idx %arg16[%add3A_569, %broadcast_in_dim3A_590] : memref<64x16xf32, #tpu.memory_space<vmem>>[vector<16xi32>, vector<16xi32>], vector<16xf32>,
        %add3A_592 = arith.addf %add3A_588, %gather3A_591 : vector<16xf32>
        %broadcast_in_dim3A_593 = arith.constant 6 : i32
        %broadcast_in_dim3A_594 = vector.broadcast %broadcast_in_dim3A_593 : i32 to vector<16xi32>
        %gather3A_595 = tpu.vector_load_idx %arg16[%add3A_569, %broadcast_in_dim3A_594] : memref<64x16xf32, #tpu.memory_space<vmem>>[vector<16xi32>, vector<16xi32>], vector<16xf32>,
        %add3A_596 = arith.addf %add3A_592, %gather3A_595 : vector<16xf32>
        %broadcast_in_dim3A_597 = arith.constant 7 : i32
        %broadcast_in_dim3A_598 = vector.broadcast %broadcast_in_dim3A_597 : i32 to vector<16xi32>
        %gather3A_599 = tpu.vector_load_idx %arg16[%add3A_569, %broadcast_in_dim3A_598] : memref<64x16xf32, #tpu.memory_space<vmem>>[vector<16xi32>, vector<16xi32>], vector<16xf32>,
        %add3A_600 = arith.addf %add3A_596, %gather3A_599 : vector<16xf32>
        %mul3A_601 = arith.constant 1.250000e-01 : f32
        %mul3A_602 = vector.broadcast %mul3A_601 : f32 to vector<16xf32>
        %mul3A_603 = arith.mulf %add3A_600, %mul3A_602 : vector<16xf32>
        %swap3A_604 = arith.index_cast %scan3A_565 : i32 to index
        %swap3A_605 = arith.constant 0 : index
        %swap3A_606 = tpu.vector_load %arg20[%swap3A_604, %swap3A_605] {strides = array<i32>} : memref<4x16xf32, #tpu.memory_space<vmem>>, vector<16xf32>,
        tpu.vector_store %arg20[%swap3A_604, %swap3A_605], %mul3A_603 {strides = array<i32>} : memref<4x16xf32, #tpu.memory_space<vmem>>, vector<16xf32>,
        %scan3A_607 = arith.constant 0 : i32
        %scan3A_608 = arith.constant 3 : i32
        %mul3A_609 = arith.constant 16 : i32
        %mul3A_610 = arith.muli %scan3A_608, %mul3A_609 : i32
        %add3A_611 = vector.broadcast %mul3A_610 : i32 to vector<16xi32>
        %add3A_612 = arith.addi %add3A_611, %iota3A : vector<16xi32>
        %broadcast_in_dim3A_613 = arith.constant 0 : i32
        %broadcast_in_dim3A_614 = vector.broadcast %broadcast_in_dim3A_613 : i32 to vector<16xi32>
        %gather3A_615 = tpu.vector_load_idx %arg16[%add3A_612, %broadcast_in_dim3A_614] : memref<64x16xf32, #tpu.memory_space<vmem>>[vector<16xi32>, vector<16xi32>], vector<16xf32>,
        %broadcast_in_dim3A_616 = arith.constant 1 : i32
        %broadcast_in_dim3A_617 = vector.broadcast %broadcast_in_dim3A_616 : i32 to vector<16xi32>
        %gather3A_618 = tpu.vector_load_idx %arg16[%add3A_612, %broadcast_in_dim3A_617] : memref<64x16xf32, #tpu.memory_space<vmem>>[vector<16xi32>, vector<16xi32>], vector<16xf32>,
        %add3A_619 = arith.addf %gather3A_615, %gather3A_618 : vector<16xf32>
        %broadcast_in_dim3A_620 = arith.constant 2 : i32
        %broadcast_in_dim3A_621 = vector.broadcast %broadcast_in_dim3A_620 : i32 to vector<16xi32>
        %gather3A_622 = tpu.vector_load_idx %arg16[%add3A_612, %broadcast_in_dim3A_621] : memref<64x16xf32, #tpu.memory_space<vmem>>[vector<16xi32>, vector<16xi32>], vector<16xf32>,
        %add3A_623 = arith.addf %add3A_619, %gather3A_622 : vector<16xf32>
        %broadcast_in_dim3A_624 = arith.constant 3 : i32
        %broadcast_in_dim3A_625 = vector.broadcast %broadcast_in_dim3A_624 : i32 to vector<16xi32>
        %gather3A_626 = tpu.vector_load_idx %arg16[%add3A_612, %broadcast_in_dim3A_625] : memref<64x16xf32, #tpu.memory_space<vmem>>[vector<16xi32>, vector<16xi32>], vector<16xf32>,
        %add3A_627 = arith.addf %add3A_623, %gather3A_626 : vector<16xf32>
        %broadcast_in_dim3A_628 = arith.constant 4 : i32
        %broadcast_in_dim3A_629 = vector.broadcast %broadcast_in_dim3A_628 : i32 to vector<16xi32>
        %gather3A_630 = tpu.vector_load_idx %arg16[%add3A_612, %broadcast_in_dim3A_629] : memref<64x16xf32, #tpu.memory_space<vmem>>[vector<16xi32>, vector<16xi32>], vector<16xf32>,
        %add3A_631 = arith.addf %add3A_627, %gather3A_630 : vector<16xf32>
        %broadcast_in_dim3A_632 = arith.constant 5 : i32
        %broadcast_in_dim3A_633 = vector.broadcast %broadcast_in_dim3A_632 : i32 to vector<16xi32>
        %gather3A_634 = tpu.vector_load_idx %arg16[%add3A_612, %broadcast_in_dim3A_633] : memref<64x16xf32, #tpu.memory_space<vmem>>[vector<16xi32>, vector<16xi32>], vector<16xf32>,
        %add3A_635 = arith.addf %add3A_631, %gather3A_634 : vector<16xf32>
        %broadcast_in_dim3A_636 = arith.constant 6 : i32
        %broadcast_in_dim3A_637 = vector.broadcast %broadcast_in_dim3A_636 : i32 to vector<16xi32>
        %gather3A_638 = tpu.vector_load_idx %arg16[%add3A_612, %broadcast_in_dim3A_637] : memref<64x16xf32, #tpu.memory_space<vmem>>[vector<16xi32>, vector<16xi32>], vector<16xf32>,
        %add3A_639 = arith.addf %add3A_635, %gather3A_638 : vector<16xf32>
        %broadcast_in_dim3A_640 = arith.constant 7 : i32
        %broadcast_in_dim3A_641 = vector.broadcast %broadcast_in_dim3A_640 : i32 to vector<16xi32>
        %gather3A_642 = tpu.vector_load_idx %arg16[%add3A_612, %broadcast_in_dim3A_641] : memref<64x16xf32, #tpu.memory_space<vmem>>[vector<16xi32>, vector<16xi32>], vector<16xf32>,
        %add3A_643 = arith.addf %add3A_639, %gather3A_642 : vector<16xf32>
        %mul3A_644 = arith.constant 1.250000e-01 : f32
        %mul3A_645 = vector.broadcast %mul3A_644 : f32 to vector<16xf32>
        %mul3A_646 = arith.mulf %add3A_643, %mul3A_645 : vector<16xf32>
        %swap3A_647 = arith.index_cast %scan3A_608 : i32 to index
        %swap3A_648 = arith.constant 0 : index
        %swap3A_649 = tpu.vector_load %arg20[%swap3A_647, %swap3A_648] {strides = array<i32>} : memref<4x16xf32, #tpu.memory_space<vmem>>, vector<16xf32>,
        tpu.vector_store %arg20[%swap3A_647, %swap3A_648], %mul3A_646 {strides = array<i32>} : memref<4x16xf32, #tpu.memory_space<vmem>>, vector<16xf32>,
        %scan3A_650 = arith.constant 0 : i32
        %scan3A_651 = arith.constant 4 : i32
        %scan3A_652 = arith.constant 0 : i32
        %scan3A_653 = arith.constant 0 : i32
        %scan3A_654 = arith.constant 64 : i32
        %scan3A_655 = arith.addi %scan3A_653, %scan3A_654 : i32
        %scan3A_656 = arith.constant 2 : i32
        %scan3A_657 = scf.for %scan3A_672 = %scan3A_653 to %scan3A_655 step %scan3A_656 iter_args(%scan3A_673 = %scan3A_652) -> (i32)  : i32 {
          %jit3A_674 = arith.constant 16 : i32
          %div3A_675 = arith.divsi %scan3A_672, %jit3A_674 : i32
          %sign3A_676 = arith.constant 0 : i32
          %sign3A_677 = arith.cmpi sgt, %scan3A_672, %sign3A_676 : i32
          %sign3A_678 = arith.extui %sign3A_677 : i1 to i32
          %sign3A_679 = arith.constant 0 : i32
          %sign3A_680 = arith.cmpi slt, %scan3A_672, %sign3A_679 : i32
          %sign3A_681 = arith.extui %sign3A_680 : i1 to i32
          %sign3A_682 = arith.subi %sign3A_678, %sign3A_681 : i32
          %sign3A_683 = arith.constant 0 : i32
          %sign3A_684 = arith.cmpi sgt, %jit3A_674, %sign3A_683 : i32
          %sign3A_685 = arith.extui %sign3A_684 : i1 to i32
          %sign3A_686 = arith.constant 0 : i32
          %sign3A_687 = arith.cmpi slt, %jit3A_674, %sign3A_686 : i32
          %sign3A_688 = arith.extui %sign3A_687 : i1 to i32
          %sign3A_689 = arith.subi %sign3A_685, %sign3A_688 : i32
          %ne3A_690 = arith.cmpi ne, %sign3A_682, %sign3A_689 : i32
          %rem3A_691 = arith.remsi %scan3A_672, %jit3A_674 : i32
          %ne3A_692 = arith.constant 0 : i32
          %ne3A_693 = arith.cmpi ne, %rem3A_691, %ne3A_692 : i32
          %and3A_694 = arith.andi %ne3A_690, %ne3A_693 : i1
          %sub3A_695 = arith.constant 1 : i32
          %sub3A_696 = arith.subi %div3A_675, %sub3A_695 : i32
          %select_n3A_697 = arith.select %and3A_694, %sub3A_696, %div3A_675 : i32
          %broadcast_in_dim3A_698 = vector.broadcast %select_n3A_697 : i32 to vector<16xi32>
          %jit3A_699 = arith.constant 16 : i32
          %eq3A_700 = arith.constant 0 : i32
          %eq3A_701 = arith.cmpi eq, %jit3A_699, %eq3A_700 : i32
          %jit3A_702 = arith.constant 1 : i32
          %select_n3A_703 = arith.select %eq3A_701, %jit3A_702, %jit3A_699 : i32
          %rem3A_704 = arith.remsi %scan3A_672, %select_n3A_703 : i32
          %ne3A_705 = arith.constant 0 : i32
          %ne3A_706 = arith.cmpi ne, %rem3A_704, %ne3A_705 : i32
          %lt3A_707 = arith.constant 0 : i32
          %lt3A_708 = arith.cmpi slt, %rem3A_704, %lt3A_707 : i32
          %lt3A_709 = arith.constant 0 : i32
          %lt3A_710 = arith.cmpi slt, %select_n3A_703, %lt3A_709 : i32
          %ne3A_711 = arith.xori %lt3A_708, %lt3A_710 : i1
          %and3A_712 = arith.andi %ne3A_711, %ne3A_706 : i1
          %add3A_713 = arith.addi %rem3A_704, %select_n3A_703 : i32
          %select_n3A_714 = arith.select %and3A_712, %add3A_713, %rem3A_704 : i32
          %broadcast_in_dim3A_715 = vector.broadcast %select_n3A_714 : i32 to vector<16xi32>
          %gather3A_716 = tpu.vector_load_idx %arg20[%broadcast_in_dim3A_698, %broadcast_in_dim3A_715] : memref<4x16xf32, #tpu.memory_space<vmem>>[vector<16xi32>, vector<16xi32>], vector<16xf32>,
          %jit3A_717 = arith.constant 8 : i32
          %div3A_718 = arith.divsi %scan3A_672, %jit3A_717 : i32
          %sign3A_719 = arith.constant 0 : i32
          %sign3A_720 = arith.cmpi sgt, %scan3A_672, %sign3A_719 : i32
          %sign3A_721 = arith.extui %sign3A_720 : i1 to i32
          %sign3A_722 = arith.constant 0 : i32
          %sign3A_723 = arith.cmpi slt, %scan3A_672, %sign3A_722 : i32
          %sign3A_724 = arith.extui %sign3A_723 : i1 to i32
          %sign3A_725 = arith.subi %sign3A_721, %sign3A_724 : i32
          %sign3A_726 = arith.constant 0 : i32
          %sign3A_727 = arith.cmpi sgt, %jit3A_717, %sign3A_726 : i32
          %sign3A_728 = arith.extui %sign3A_727 : i1 to i32
          %sign3A_729 = arith.constant 0 : i32
          %sign3A_730 = arith.cmpi slt, %jit3A_717, %sign3A_729 : i32
          %sign3A_731 = arith.extui %sign3A_730 : i1 to i32
          %sign3A_732 = arith.subi %sign3A_728, %sign3A_731 : i32
          %ne3A_733 = arith.cmpi ne, %sign3A_725, %sign3A_732 : i32
          %rem3A_734 = arith.remsi %scan3A_672, %jit3A_717 : i32
          %ne3A_735 = arith.constant 0 : i32
          %ne3A_736 = arith.cmpi ne, %rem3A_734, %ne3A_735 : i32
          %and3A_737 = arith.andi %ne3A_733, %ne3A_736 : i1
          %sub3A_738 = arith.constant 1 : i32
          %sub3A_739 = arith.subi %div3A_718, %sub3A_738 : i32
          %select_n3A_740 = arith.select %and3A_737, %sub3A_739, %div3A_718 : i32
          %jit3A_741 = arith.constant 8 : i32
          %eq3A_742 = arith.constant 0 : i32
          %eq3A_743 = arith.cmpi eq, %jit3A_741, %eq3A_742 : i32
          %jit3A_744 = arith.constant 1 : i32
          %select_n3A_745 = arith.select %eq3A_743, %jit3A_744, %jit3A_741 : i32
          %rem3A_746 = arith.remsi %scan3A_672, %select_n3A_745 : i32
          %ne3A_747 = arith.constant 0 : i32
          %ne3A_748 = arith.cmpi ne, %rem3A_746, %ne3A_747 : i32
          %lt3A_749 = arith.constant 0 : i32
          %lt3A_750 = arith.cmpi slt, %rem3A_746, %lt3A_749 : i32
          %lt3A_751 = arith.constant 0 : i32
          %lt3A_752 = arith.cmpi slt, %select_n3A_745, %lt3A_751 : i32
          %ne3A_753 = arith.xori %lt3A_750, %lt3A_752 : i1
          %and3A_754 = arith.andi %ne3A_753, %ne3A_748 : i1
          %add3A_755 = arith.addi %rem3A_746, %select_n3A_745 : i32
          %select_n3A_756 = arith.select %and3A_754, %add3A_755, %rem3A_746 : i32
          %get3A = arith.index_cast %select_n3A_740 : i32 to index
          %get3A_757 = arith.index_cast %select_n3A_756 : i32 to index
          %get3A_758 = arith.constant 0 : index
          %get3A_759 = tpu.vector_load %arg18[%get3A, %get3A_757, %get3A_758] {strides = array<i32>} : memref<8x8x128xf32, #tpu.memory_space<vmem>>, vector<16xf32>,
          %get3A_760 = arith.index_cast %scan3A_672 : i32 to index
          %get3A_761 = arith.constant 0 : index
          %get3A_762 = tpu.vector_load %arg19[%get3A_760, %get3A_761] {strides = array<i32>} : memref<64x128xf32, #tpu.memory_space<vmem>>, vector<16xf32>,
          %add3A_763 = arith.addf %get3A_759, %get3A_762 : vector<16xf32>
          %mul3A_764 = arith.mulf %add3A_763, %gather3A_716 : vector<16xf32>
          %swap3A_765 = arith.index_cast %scan3A_672 : i32 to index
          %swap3A_766 = arith.constant 0 : index
          %swap3A_767 = tpu.vector_load %arg19[%swap3A_765, %swap3A_766] {strides = array<i32>} : memref<64x128xf32, #tpu.memory_space<vmem>>, vector<16xf32>,
          tpu.vector_store %arg19[%swap3A_765, %swap3A_766], %mul3A_764 {strides = array<i32>} : memref<64x128xf32, #tpu.memory_space<vmem>>, vector<16xf32>,
          %jit3A_768 = arith.constant 8 : i32
          %div3A_769 = arith.divsi %scan3A_672, %jit3A_768 : i32
          %sign3A_770 = arith.constant 0 : i32
          %sign3A_771 = arith.cmpi sgt, %scan3A_672, %sign3A_770 : i32
          %sign3A_772 = arith.extui %sign3A_771 : i1 to i32
          %sign3A_773 = arith.constant 0 : i32
          %sign3A_774 = arith.cmpi slt, %scan3A_672, %sign3A_773 : i32
          %sign3A_775 = arith.extui %sign3A_774 : i1 to i32
          %sign3A_776 = arith.subi %sign3A_772, %sign3A_775 : i32
          %sign3A_777 = arith.constant 0 : i32
          %sign3A_778 = arith.cmpi sgt, %jit3A_768, %sign3A_777 : i32
          %sign3A_779 = arith.extui %sign3A_778 : i1 to i32
          %sign3A_780 = arith.constant 0 : i32
          %sign3A_781 = arith.cmpi slt, %jit3A_768, %sign3A_780 : i32
          %sign3A_782 = arith.extui %sign3A_781 : i1 to i32
          %sign3A_783 = arith.subi %sign3A_779, %sign3A_782 : i32
          %ne3A_784 = arith.cmpi ne, %sign3A_776, %sign3A_783 : i32
          %rem3A_785 = arith.remsi %scan3A_672, %jit3A_768 : i32
          %ne3A_786 = arith.constant 0 : i32
          %ne3A_787 = arith.cmpi ne, %rem3A_785, %ne3A_786 : i32
          %and3A_788 = arith.andi %ne3A_784, %ne3A_787 : i1
          %sub3A_789 = arith.constant 1 : i32
          %sub3A_790 = arith.subi %div3A_769, %sub3A_789 : i32
          %select_n3A_791 = arith.select %and3A_788, %sub3A_790, %div3A_769 : i32
          %jit3A_792 = arith.constant 8 : i32
          %eq3A_793 = arith.constant 0 : i32
          %eq3A_794 = arith.cmpi eq, %jit3A_792, %eq3A_793 : i32
          %jit3A_795 = arith.constant 1 : i32
          %select_n3A_796 = arith.select %eq3A_794, %jit3A_795, %jit3A_792 : i32
          %rem3A_797 = arith.remsi %scan3A_672, %select_n3A_796 : i32
          %ne3A_798 = arith.constant 0 : i32
          %ne3A_799 = arith.cmpi ne, %rem3A_797, %ne3A_798 : i32
          %lt3A_800 = arith.constant 0 : i32
          %lt3A_801 = arith.cmpi slt, %rem3A_797, %lt3A_800 : i32
          %lt3A_802 = arith.constant 0 : i32
          %lt3A_803 = arith.cmpi slt, %select_n3A_796, %lt3A_802 : i32
          %ne3A_804 = arith.xori %lt3A_801, %lt3A_803 : i1
          %and3A_805 = arith.andi %ne3A_804, %ne3A_799 : i1
          %add3A_806 = arith.addi %rem3A_797, %select_n3A_796 : i32
          %select_n3A_807 = arith.select %and3A_805, %add3A_806, %rem3A_797 : i32
          %get3A_808 = arith.index_cast %select_n3A_791 : i32 to index
          %get3A_809 = arith.index_cast %select_n3A_807 : i32 to index
          %get3A_810 = arith.constant 16 : index
          %get3A_811 = tpu.vector_load %arg18[%get3A_808, %get3A_809, %get3A_810] {strides = array<i32>} : memref<8x8x128xf32, #tpu.memory_space<vmem>>, vector<16xf32>,
          %get3A_812 = arith.index_cast %scan3A_672 : i32 to index
          %get3A_813 = arith.constant 16 : index
          %get3A_814 = tpu.vector_load %arg19[%get3A_812, %get3A_813] {strides = array<i32>} : memref<64x128xf32, #tpu.memory_space<vmem>>, vector<16xf32>,
          %add3A_815 = arith.addf %get3A_811, %get3A_814 : vector<16xf32>
          %mul3A_816 = arith.mulf %add3A_815, %gather3A_716 : vector<16xf32>
          %swap3A_817 = arith.index_cast %scan3A_672 : i32 to index
          %swap3A_818 = arith.constant 16 : index
          %swap3A_819 = tpu.vector_load %arg19[%swap3A_817, %swap3A_818] {strides = array<i32>} : memref<64x128xf32, #tpu.memory_space<vmem>>, vector<16xf32>,
          tpu.vector_store %arg19[%swap3A_817, %swap3A_818], %mul3A_816 {strides = array<i32>} : memref<64x128xf32, #tpu.memory_space<vmem>>, vector<16xf32>,
          %jit3A_820 = arith.constant 8 : i32
          %div3A_821 = arith.divsi %scan3A_672, %jit3A_820 : i32
          %sign3A_822 = arith.constant 0 : i32
          %sign3A_823 = arith.cmpi sgt, %scan3A_672, %sign3A_822 : i32
          %sign3A_824 = arith.extui %sign3A_823 : i1 to i32
          %sign3A_825 = arith.constant 0 : i32
          %sign3A_826 = arith.cmpi slt, %scan3A_672, %sign3A_825 : i32
          %sign3A_827 = arith.extui %sign3A_826 : i1 to i32
          %sign3A_828 = arith.subi %sign3A_824, %sign3A_827 : i32
          %sign3A_829 = arith.constant 0 : i32
          %sign3A_830 = arith.cmpi sgt, %jit3A_820, %sign3A_829 : i32
          %sign3A_831 = arith.extui %sign3A_830 : i1 to i32
          %sign3A_832 = arith.constant 0 : i32
          %sign3A_833 = arith.cmpi slt, %jit3A_820, %sign3A_832 : i32
          %sign3A_834 = arith.extui %sign3A_833 : i1 to i32
          %sign3A_835 = arith.subi %sign3A_831, %sign3A_834 : i32
          %ne3A_836 = arith.cmpi ne, %sign3A_828, %sign3A_835 : i32
          %rem3A_837 = arith.remsi %scan3A_672, %jit3A_820 : i32
          %ne3A_838 = arith.constant 0 : i32
          %ne3A_839 = arith.cmpi ne, %rem3A_837, %ne3A_838 : i32
          %and3A_840 = arith.andi %ne3A_836, %ne3A_839 : i1
          %sub3A_841 = arith.constant 1 : i32
          %sub3A_842 = arith.subi %div3A_821, %sub3A_841 : i32
          %select_n3A_843 = arith.select %and3A_840, %sub3A_842, %div3A_821 : i32
          %jit3A_844 = arith.constant 8 : i32
          %eq3A_845 = arith.constant 0 : i32
          %eq3A_846 = arith.cmpi eq, %jit3A_844, %eq3A_845 : i32
          %jit3A_847 = arith.constant 1 : i32
          %select_n3A_848 = arith.select %eq3A_846, %jit3A_847, %jit3A_844 : i32
          %rem3A_849 = arith.remsi %scan3A_672, %select_n3A_848 : i32
          %ne3A_850 = arith.constant 0 : i32
          %ne3A_851 = arith.cmpi ne, %rem3A_849, %ne3A_850 : i32
          %lt3A_852 = arith.constant 0 : i32
          %lt3A_853 = arith.cmpi slt, %rem3A_849, %lt3A_852 : i32
          %lt3A_854 = arith.constant 0 : i32
          %lt3A_855 = arith.cmpi slt, %select_n3A_848, %lt3A_854 : i32
          %ne3A_856 = arith.xori %lt3A_853, %lt3A_855 : i1
          %and3A_857 = arith.andi %ne3A_856, %ne3A_851 : i1
          %add3A_858 = arith.addi %rem3A_849, %select_n3A_848 : i32
          %select_n3A_859 = arith.select %and3A_857, %add3A_858, %rem3A_849 : i32
          %get3A_860 = arith.index_cast %select_n3A_843 : i32 to index
          %get3A_861 = arith.index_cast %select_n3A_859 : i32 to index
          %get3A_862 = arith.constant 32 : index
          %get3A_863 = tpu.vector_load %arg18[%get3A_860, %get3A_861, %get3A_862] {strides = array<i32>} : memref<8x8x128xf32, #tpu.memory_space<vmem>>, vector<16xf32>,
          %get3A_864 = arith.index_cast %scan3A_672 : i32 to index
          %get3A_865 = arith.constant 32 : index
          %get3A_866 = tpu.vector_load %arg19[%get3A_864, %get3A_865] {strides = array<i32>} : memref<64x128xf32, #tpu.memory_space<vmem>>, vector<16xf32>,
          %add3A_867 = arith.addf %get3A_863, %get3A_866 : vector<16xf32>
          %mul3A_868 = arith.mulf %add3A_867, %gather3A_716 : vector<16xf32>
          %swap3A_869 = arith.index_cast %scan3A_672 : i32 to index
          %swap3A_870 = arith.constant 32 : index
          %swap3A_871 = tpu.vector_load %arg19[%swap3A_869, %swap3A_870] {strides = array<i32>} : memref<64x128xf32, #tpu.memory_space<vmem>>, vector<16xf32>,
          tpu.vector_store %arg19[%swap3A_869, %swap3A_870], %mul3A_868 {strides = array<i32>} : memref<64x128xf32, #tpu.memory_space<vmem>>, vector<16xf32>,
          %jit3A_872 = arith.constant 8 : i32
          %div3A_873 = arith.divsi %scan3A_672, %jit3A_872 : i32
          %sign3A_874 = arith.constant 0 : i32
          %sign3A_875 = arith.cmpi sgt, %scan3A_672, %sign3A_874 : i32
          %sign3A_876 = arith.extui %sign3A_875 : i1 to i32
          %sign3A_877 = arith.constant 0 : i32
          %sign3A_878 = arith.cmpi slt, %scan3A_672, %sign3A_877 : i32
          %sign3A_879 = arith.extui %sign3A_878 : i1 to i32
          %sign3A_880 = arith.subi %sign3A_876, %sign3A_879 : i32
          %sign3A_881 = arith.constant 0 : i32
          %sign3A_882 = arith.cmpi sgt, %jit3A_872, %sign3A_881 : i32
          %sign3A_883 = arith.extui %sign3A_882 : i1 to i32
          %sign3A_884 = arith.constant 0 : i32
          %sign3A_885 = arith.cmpi slt, %jit3A_872, %sign3A_884 : i32
          %sign3A_886 = arith.extui %sign3A_885 : i1 to i32
          %sign3A_887 = arith.subi %sign3A_883, %sign3A_886 : i32
          %ne3A_888 = arith.cmpi ne, %sign3A_880, %sign3A_887 : i32
          %rem3A_889 = arith.remsi %scan3A_672, %jit3A_872 : i32
          %ne3A_890 = arith.constant 0 : i32
          %ne3A_891 = arith.cmpi ne, %rem3A_889, %ne3A_890 : i32
          %and3A_892 = arith.andi %ne3A_888, %ne3A_891 : i1
          %sub3A_893 = arith.constant 1 : i32
          %sub3A_894 = arith.subi %div3A_873, %sub3A_893 : i32
          %select_n3A_895 = arith.select %and3A_892, %sub3A_894, %div3A_873 : i32
          %jit3A_896 = arith.constant 8 : i32
          %eq3A_897 = arith.constant 0 : i32
          %eq3A_898 = arith.cmpi eq, %jit3A_896, %eq3A_897 : i32
          %jit3A_899 = arith.constant 1 : i32
          %select_n3A_900 = arith.select %eq3A_898, %jit3A_899, %jit3A_896 : i32
          %rem3A_901 = arith.remsi %scan3A_672, %select_n3A_900 : i32
          %ne3A_902 = arith.constant 0 : i32
          %ne3A_903 = arith.cmpi ne, %rem3A_901, %ne3A_902 : i32
          %lt3A_904 = arith.constant 0 : i32
          %lt3A_905 = arith.cmpi slt, %rem3A_901, %lt3A_904 : i32
          %lt3A_906 = arith.constant 0 : i32
          %lt3A_907 = arith.cmpi slt, %select_n3A_900, %lt3A_906 : i32
          %ne3A_908 = arith.xori %lt3A_905, %lt3A_907 : i1
          %and3A_909 = arith.andi %ne3A_908, %ne3A_903 : i1
          %add3A_910 = arith.addi %rem3A_901, %select_n3A_900 : i32
          %select_n3A_911 = arith.select %and3A_909, %add3A_910, %rem3A_901 : i32
          %get3A_912 = arith.index_cast %select_n3A_895 : i32 to index
          %get3A_913 = arith.index_cast %select_n3A_911 : i32 to index
          %get3A_914 = arith.constant 48 : index
          %get3A_915 = tpu.vector_load %arg18[%get3A_912, %get3A_913, %get3A_914] {strides = array<i32>} : memref<8x8x128xf32, #tpu.memory_space<vmem>>, vector<16xf32>,
          %get3A_916 = arith.index_cast %scan3A_672 : i32 to index
          %get3A_917 = arith.constant 48 : index
          %get3A_918 = tpu.vector_load %arg19[%get3A_916, %get3A_917] {strides = array<i32>} : memref<64x128xf32, #tpu.memory_space<vmem>>, vector<16xf32>,
          %add3A_919 = arith.addf %get3A_915, %get3A_918 : vector<16xf32>
          %mul3A_920 = arith.mulf %add3A_919, %gather3A_716 : vector<16xf32>
          %swap3A_921 = arith.index_cast %scan3A_672 : i32 to index
          %swap3A_922 = arith.constant 48 : index
          %swap3A_923 = tpu.vector_load %arg19[%swap3A_921, %swap3A_922] {strides = array<i32>} : memref<64x128xf32, #tpu.memory_space<vmem>>, vector<16xf32>,
          tpu.vector_store %arg19[%swap3A_921, %swap3A_922], %mul3A_920 {strides = array<i32>} : memref<64x128xf32, #tpu.memory_space<vmem>>, vector<16xf32>,
          %jit3A_924 = arith.constant 8 : i32
          %div3A_925 = arith.divsi %scan3A_672, %jit3A_924 : i32
          %sign3A_926 = arith.constant 0 : i32
          %sign3A_927 = arith.cmpi sgt, %scan3A_672, %sign3A_926 : i32
          %sign3A_928 = arith.extui %sign3A_927 : i1 to i32
          %sign3A_929 = arith.constant 0 : i32
          %sign3A_930 = arith.cmpi slt, %scan3A_672, %sign3A_929 : i32
          %sign3A_931 = arith.extui %sign3A_930 : i1 to i32
          %sign3A_932 = arith.subi %sign3A_928, %sign3A_931 : i32
          %sign3A_933 = arith.constant 0 : i32
          %sign3A_934 = arith.cmpi sgt, %jit3A_924, %sign3A_933 : i32
          %sign3A_935 = arith.extui %sign3A_934 : i1 to i32
          %sign3A_936 = arith.constant 0 : i32
          %sign3A_937 = arith.cmpi slt, %jit3A_924, %sign3A_936 : i32
          %sign3A_938 = arith.extui %sign3A_937 : i1 to i32
          %sign3A_939 = arith.subi %sign3A_935, %sign3A_938 : i32
          %ne3A_940 = arith.cmpi ne, %sign3A_932, %sign3A_939 : i32
          %rem3A_941 = arith.remsi %scan3A_672, %jit3A_924 : i32
          %ne3A_942 = arith.constant 0 : i32
          %ne3A_943 = arith.cmpi ne, %rem3A_941, %ne3A_942 : i32
          %and3A_944 = arith.andi %ne3A_940, %ne3A_943 : i1
          %sub3A_945 = arith.constant 1 : i32
          %sub3A_946 = arith.subi %div3A_925, %sub3A_945 : i32
          %select_n3A_947 = arith.select %and3A_944, %sub3A_946, %div3A_925 : i32
          %jit3A_948 = arith.constant 8 : i32
          %eq3A_949 = arith.constant 0 : i32
          %eq3A_950 = arith.cmpi eq, %jit3A_948, %eq3A_949 : i32
          %jit3A_951 = arith.constant 1 : i32
          %select_n3A_952 = arith.select %eq3A_950, %jit3A_951, %jit3A_948 : i32
          %rem3A_953 = arith.remsi %scan3A_672, %select_n3A_952 : i32
          %ne3A_954 = arith.constant 0 : i32
          %ne3A_955 = arith.cmpi ne, %rem3A_953, %ne3A_954 : i32
          %lt3A_956 = arith.constant 0 : i32
          %lt3A_957 = arith.cmpi slt, %rem3A_953, %lt3A_956 : i32
          %lt3A_958 = arith.constant 0 : i32
          %lt3A_959 = arith.cmpi slt, %select_n3A_952, %lt3A_958 : i32
          %ne3A_960 = arith.xori %lt3A_957, %lt3A_959 : i1
          %and3A_961 = arith.andi %ne3A_960, %ne3A_955 : i1
          %add3A_962 = arith.addi %rem3A_953, %select_n3A_952 : i32
          %select_n3A_963 = arith.select %and3A_961, %add3A_962, %rem3A_953 : i32
          %get3A_964 = arith.index_cast %select_n3A_947 : i32 to index
          %get3A_965 = arith.index_cast %select_n3A_963 : i32 to index
          %get3A_966 = arith.constant 64 : index
          %get3A_967 = tpu.vector_load %arg18[%get3A_964, %get3A_965, %get3A_966] {strides = array<i32>} : memref<8x8x128xf32, #tpu.memory_space<vmem>>, vector<16xf32>,
          %get3A_968 = arith.index_cast %scan3A_672 : i32 to index
          %get3A_969 = arith.constant 64 : index
          %get3A_970 = tpu.vector_load %arg19[%get3A_968, %get3A_969] {strides = array<i32>} : memref<64x128xf32, #tpu.memory_space<vmem>>, vector<16xf32>,
          %add3A_971 = arith.addf %get3A_967, %get3A_970 : vector<16xf32>
          %mul3A_972 = arith.mulf %add3A_971, %gather3A_716 : vector<16xf32>
          %swap3A_973 = arith.index_cast %scan3A_672 : i32 to index
          %swap3A_974 = arith.constant 64 : index
          %swap3A_975 = tpu.vector_load %arg19[%swap3A_973, %swap3A_974] {strides = array<i32>} : memref<64x128xf32, #tpu.memory_space<vmem>>, vector<16xf32>,
          tpu.vector_store %arg19[%swap3A_973, %swap3A_974], %mul3A_972 {strides = array<i32>} : memref<64x128xf32, #tpu.memory_space<vmem>>, vector<16xf32>,
          %jit3A_976 = arith.constant 8 : i32
          %div3A_977 = arith.divsi %scan3A_672, %jit3A_976 : i32
          %sign3A_978 = arith.constant 0 : i32
          %sign3A_979 = arith.cmpi sgt, %scan3A_672, %sign3A_978 : i32
          %sign3A_980 = arith.extui %sign3A_979 : i1 to i32
          %sign3A_981 = arith.constant 0 : i32
          %sign3A_982 = arith.cmpi slt, %scan3A_672, %sign3A_981 : i32
          %sign3A_983 = arith.extui %sign3A_982 : i1 to i32
          %sign3A_984 = arith.subi %sign3A_980, %sign3A_983 : i32
          %sign3A_985 = arith.constant 0 : i32
          %sign3A_986 = arith.cmpi sgt, %jit3A_976, %sign3A_985 : i32
          %sign3A_987 = arith.extui %sign3A_986 : i1 to i32
          %sign3A_988 = arith.constant 0 : i32
          %sign3A_989 = arith.cmpi slt, %jit3A_976, %sign3A_988 : i32
          %sign3A_990 = arith.extui %sign3A_989 : i1 to i32
          %sign3A_991 = arith.subi %sign3A_987, %sign3A_990 : i32
          %ne3A_992 = arith.cmpi ne, %sign3A_984, %sign3A_991 : i32
          %rem3A_993 = arith.remsi %scan3A_672, %jit3A_976 : i32
          %ne3A_994 = arith.constant 0 : i32
          %ne3A_995 = arith.cmpi ne, %rem3A_993, %ne3A_994 : i32
          %and3A_996 = arith.andi %ne3A_992, %ne3A_995 : i1
          %sub3A_997 = arith.constant 1 : i32
          %sub3A_998 = arith.subi %div3A_977, %sub3A_997 : i32
          %select_n3A_999 = arith.select %and3A_996, %sub3A_998, %div3A_977 : i32
          %jit3A_1000 = arith.constant 8 : i32
          %eq3A_1001 = arith.constant 0 : i32
          %eq3A_1002 = arith.cmpi eq, %jit3A_1000, %eq3A_1001 : i32
          %jit3A_1003 = arith.constant 1 : i32
          %select_n3A_1004 = arith.select %eq3A_1002, %jit3A_1003, %jit3A_1000 : i32
          %rem3A_1005 = arith.remsi %scan3A_672, %select_n3A_1004 : i32
          %ne3A_1006 = arith.constant 0 : i32
          %ne3A_1007 = arith.cmpi ne, %rem3A_1005, %ne3A_1006 : i32
          %lt3A_1008 = arith.constant 0 : i32
          %lt3A_1009 = arith.cmpi slt, %rem3A_1005, %lt3A_1008 : i32
          %lt3A_1010 = arith.constant 0 : i32
          %lt3A_1011 = arith.cmpi slt, %select_n3A_1004, %lt3A_1010 : i32
          %ne3A_1012 = arith.xori %lt3A_1009, %lt3A_1011 : i1
          %and3A_1013 = arith.andi %ne3A_1012, %ne3A_1007 : i1
          %add3A_1014 = arith.addi %rem3A_1005, %select_n3A_1004 : i32
          %select_n3A_1015 = arith.select %and3A_1013, %add3A_1014, %rem3A_1005 : i32
          %get3A_1016 = arith.index_cast %select_n3A_999 : i32 to index
          %get3A_1017 = arith.index_cast %select_n3A_1015 : i32 to index
          %get3A_1018 = arith.constant 80 : index
          %get3A_1019 = tpu.vector_load %arg18[%get3A_1016, %get3A_1017, %get3A_1018] {strides = array<i32>} : memref<8x8x128xf32, #tpu.memory_space<vmem>>, vector<16xf32>,
          %get3A_1020 = arith.index_cast %scan3A_672 : i32 to index
          %get3A_1021 = arith.constant 80 : index
          %get3A_1022 = tpu.vector_load %arg19[%get3A_1020, %get3A_1021] {strides = array<i32>} : memref<64x128xf32, #tpu.memory_space<vmem>>, vector<16xf32>,
          %add3A_1023 = arith.addf %get3A_1019, %get3A_1022 : vector<16xf32>
          %mul3A_1024 = arith.mulf %add3A_1023, %gather3A_716 : vector<16xf32>
          %swap3A_1025 = arith.index_cast %scan3A_672 : i32 to index
          %swap3A_1026 = arith.constant 80 : index
          %swap3A_1027 = tpu.vector_load %arg19[%swap3A_1025, %swap3A_1026] {strides = array<i32>} : memref<64x128xf32, #tpu.memory_space<vmem>>, vector<16xf32>,
          tpu.vector_store %arg19[%swap3A_1025, %swap3A_1026], %mul3A_1024 {strides = array<i32>} : memref<64x128xf32, #tpu.memory_space<vmem>>, vector<16xf32>,
          %jit3A_1028 = arith.constant 8 : i32
          %div3A_1029 = arith.divsi %scan3A_672, %jit3A_1028 : i32
          %sign3A_1030 = arith.constant 0 : i32
          %sign3A_1031 = arith.cmpi sgt, %scan3A_672, %sign3A_1030 : i32
          %sign3A_1032 = arith.extui %sign3A_1031 : i1 to i32
          %sign3A_1033 = arith.constant 0 : i32
          %sign3A_1034 = arith.cmpi slt, %scan3A_672, %sign3A_1033 : i32
          %sign3A_1035 = arith.extui %sign3A_1034 : i1 to i32
          %sign3A_1036 = arith.subi %sign3A_1032, %sign3A_1035 : i32
          %sign3A_1037 = arith.constant 0 : i32
          %sign3A_1038 = arith.cmpi sgt, %jit3A_1028, %sign3A_1037 : i32
          %sign3A_1039 = arith.extui %sign3A_1038 : i1 to i32
          %sign3A_1040 = arith.constant 0 : i32
          %sign3A_1041 = arith.cmpi slt, %jit3A_1028, %sign3A_1040 : i32
          %sign3A_1042 = arith.extui %sign3A_1041 : i1 to i32
          %sign3A_1043 = arith.subi %sign3A_1039, %sign3A_1042 : i32
          %ne3A_1044 = arith.cmpi ne, %sign3A_1036, %sign3A_1043 : i32
          %rem3A_1045 = arith.remsi %scan3A_672, %jit3A_1028 : i32
          %ne3A_1046 = arith.constant 0 : i32
          %ne3A_1047 = arith.cmpi ne, %rem3A_1045, %ne3A_1046 : i32
          %and3A_1048 = arith.andi %ne3A_1044, %ne3A_1047 : i1
          %sub3A_1049 = arith.constant 1 : i32
          %sub3A_1050 = arith.subi %div3A_1029, %sub3A_1049 : i32
          %select_n3A_1051 = arith.select %and3A_1048, %sub3A_1050, %div3A_1029 : i32
          %jit3A_1052 = arith.constant 8 : i32
          %eq3A_1053 = arith.constant 0 : i32
          %eq3A_1054 = arith.cmpi eq, %jit3A_1052, %eq3A_1053 : i32
          %jit3A_1055 = arith.constant 1 : i32
          %select_n3A_1056 = arith.select %eq3A_1054, %jit3A_1055, %jit3A_1052 : i32
          %rem3A_1057 = arith.remsi %scan3A_672, %select_n3A_1056 : i32
          %ne3A_1058 = arith.constant 0 : i32
          %ne3A_1059 = arith.cmpi ne, %rem3A_1057, %ne3A_1058 : i32
          %lt3A_1060 = arith.constant 0 : i32
          %lt3A_1061 = arith.cmpi slt, %rem3A_1057, %lt3A_1060 : i32
          %lt3A_1062 = arith.constant 0 : i32
          %lt3A_1063 = arith.cmpi slt, %select_n3A_1056, %lt3A_1062 : i32
          %ne3A_1064 = arith.xori %lt3A_1061, %lt3A_1063 : i1
          %and3A_1065 = arith.andi %ne3A_1064, %ne3A_1059 : i1
          %add3A_1066 = arith.addi %rem3A_1057, %select_n3A_1056 : i32
          %select_n3A_1067 = arith.select %and3A_1065, %add3A_1066, %rem3A_1057 : i32
          %get3A_1068 = arith.index_cast %select_n3A_1051 : i32 to index
          %get3A_1069 = arith.index_cast %select_n3A_1067 : i32 to index
          %get3A_1070 = arith.constant 96 : index
          %get3A_1071 = tpu.vector_load %arg18[%get3A_1068, %get3A_1069, %get3A_1070] {strides = array<i32>} : memref<8x8x128xf32, #tpu.memory_space<vmem>>, vector<16xf32>,
          %get3A_1072 = arith.index_cast %scan3A_672 : i32 to index
          %get3A_1073 = arith.constant 96 : index
          %get3A_1074 = tpu.vector_load %arg19[%get3A_1072, %get3A_1073] {strides = array<i32>} : memref<64x128xf32, #tpu.memory_space<vmem>>, vector<16xf32>,
          %add3A_1075 = arith.addf %get3A_1071, %get3A_1074 : vector<16xf32>
          %mul3A_1076 = arith.mulf %add3A_1075, %gather3A_716 : vector<16xf32>
          %swap3A_1077 = arith.index_cast %scan3A_672 : i32 to index
          %swap3A_1078 = arith.constant 96 : index
          %swap3A_1079 = tpu.vector_load %arg19[%swap3A_1077, %swap3A_1078] {strides = array<i32>} : memref<64x128xf32, #tpu.memory_space<vmem>>, vector<16xf32>,
          tpu.vector_store %arg19[%swap3A_1077, %swap3A_1078], %mul3A_1076 {strides = array<i32>} : memref<64x128xf32, #tpu.memory_space<vmem>>, vector<16xf32>,
          %jit3A_1080 = arith.constant 8 : i32
          %div3A_1081 = arith.divsi %scan3A_672, %jit3A_1080 : i32
          %sign3A_1082 = arith.constant 0 : i32
          %sign3A_1083 = arith.cmpi sgt, %scan3A_672, %sign3A_1082 : i32
          %sign3A_1084 = arith.extui %sign3A_1083 : i1 to i32
          %sign3A_1085 = arith.constant 0 : i32
          %sign3A_1086 = arith.cmpi slt, %scan3A_672, %sign3A_1085 : i32
          %sign3A_1087 = arith.extui %sign3A_1086 : i1 to i32
          %sign3A_1088 = arith.subi %sign3A_1084, %sign3A_1087 : i32
          %sign3A_1089 = arith.constant 0 : i32
          %sign3A_1090 = arith.cmpi sgt, %jit3A_1080, %sign3A_1089 : i32
          %sign3A_1091 = arith.extui %sign3A_1090 : i1 to i32
          %sign3A_1092 = arith.constant 0 : i32
          %sign3A_1093 = arith.cmpi slt, %jit3A_1080, %sign3A_1092 : i32
          %sign3A_1094 = arith.extui %sign3A_1093 : i1 to i32
          %sign3A_1095 = arith.subi %sign3A_1091, %sign3A_1094 : i32
          %ne3A_1096 = arith.cmpi ne, %sign3A_1088, %sign3A_1095 : i32
          %rem3A_1097 = arith.remsi %scan3A_672, %jit3A_1080 : i32
          %ne3A_1098 = arith.constant 0 : i32
          %ne3A_1099 = arith.cmpi ne, %rem3A_1097, %ne3A_1098 : i32
          %and3A_1100 = arith.andi %ne3A_1096, %ne3A_1099 : i1
          %sub3A_1101 = arith.constant 1 : i32
          %sub3A_1102 = arith.subi %div3A_1081, %sub3A_1101 : i32
          %select_n3A_1103 = arith.select %and3A_1100, %sub3A_1102, %div3A_1081 : i32
          %jit3A_1104 = arith.constant 8 : i32
          %eq3A_1105 = arith.constant 0 : i32
          %eq3A_1106 = arith.cmpi eq, %jit3A_1104, %eq3A_1105 : i32
          %jit3A_1107 = arith.constant 1 : i32
          %select_n3A_1108 = arith.select %eq3A_1106, %jit3A_1107, %jit3A_1104 : i32
          %rem3A_1109 = arith.remsi %scan3A_672, %select_n3A_1108 : i32
          %ne3A_1110 = arith.constant 0 : i32
          %ne3A_1111 = arith.cmpi ne, %rem3A_1109, %ne3A_1110 : i32
          %lt3A_1112 = arith.constant 0 : i32
          %lt3A_1113 = arith.cmpi slt, %rem3A_1109, %lt3A_1112 : i32
          %lt3A_1114 = arith.constant 0 : i32
          %lt3A_1115 = arith.cmpi slt, %select_n3A_1108, %lt3A_1114 : i32
          %ne3A_1116 = arith.xori %lt3A_1113, %lt3A_1115 : i1
          %and3A_1117 = arith.andi %ne3A_1116, %ne3A_1111 : i1
          %add3A_1118 = arith.addi %rem3A_1109, %select_n3A_1108 : i32
          %select_n3A_1119 = arith.select %and3A_1117, %add3A_1118, %rem3A_1109 : i32
          %get3A_1120 = arith.index_cast %select_n3A_1103 : i32 to index
          %get3A_1121 = arith.index_cast %select_n3A_1119 : i32 to index
          %get3A_1122 = arith.constant 112 : index
          %get3A_1123 = tpu.vector_load %arg18[%get3A_1120, %get3A_1121, %get3A_1122] {strides = array<i32>} : memref<8x8x128xf32, #tpu.memory_space<vmem>>, vector<16xf32>,
          %get3A_1124 = arith.index_cast %scan3A_672 : i32 to index
          %get3A_1125 = arith.constant 112 : index
          %get3A_1126 = tpu.vector_load %arg19[%get3A_1124, %get3A_1125] {strides = array<i32>} : memref<64x128xf32, #tpu.memory_space<vmem>>, vector<16xf32>,
          %add3A_1127 = arith.addf %get3A_1123, %get3A_1126 : vector<16xf32>
          %mul3A_1128 = arith.mulf %add3A_1127, %gather3A_716 : vector<16xf32>
          %swap3A_1129 = arith.index_cast %scan3A_672 : i32 to index
          %swap3A_1130 = arith.constant 112 : index
          %swap3A_1131 = tpu.vector_load %arg19[%swap3A_1129, %swap3A_1130] {strides = array<i32>} : memref<64x128xf32, #tpu.memory_space<vmem>>, vector<16xf32>,
          tpu.vector_store %arg19[%swap3A_1129, %swap3A_1130], %mul3A_1128 {strides = array<i32>} : memref<64x128xf32, #tpu.memory_space<vmem>>, vector<16xf32>,
          %scan3A_1132 = arith.constant 0 : i32
          %scan3A_1133 = arith.constant 1 : i32
          %scan3A_1134 = arith.addi %scan3A_672, %scan3A_1133 : i32
          %jit3A_1135 = arith.constant 16 : i32
          %div3A_1136 = arith.divsi %scan3A_1134, %jit3A_1135 : i32
          %sign3A_1137 = arith.constant 0 : i32
          %sign3A_1138 = arith.cmpi sgt, %scan3A_1134, %sign3A_1137 : i32
          %sign3A_1139 = arith.extui %sign3A_1138 : i1 to i32
          %sign3A_1140 = arith.constant 0 : i32
          %sign3A_1141 = arith.cmpi slt, %scan3A_1134, %sign3A_1140 : i32
          %sign3A_1142 = arith.extui %sign3A_1141 : i1 to i32
          %sign3A_1143 = arith.subi %sign3A_1139, %sign3A_1142 : i32
          %sign3A_1144 = arith.constant 0 : i32
          %sign3A_1145 = arith.cmpi sgt, %jit3A_1135, %sign3A_1144 : i32
          %sign3A_1146 = arith.extui %sign3A_1145 : i1 to i32
          %sign3A_1147 = arith.constant 0 : i32
          %sign3A_1148 = arith.cmpi slt, %jit3A_1135, %sign3A_1147 : i32
          %sign3A_1149 = arith.extui %sign3A_1148 : i1 to i32
          %sign3A_1150 = arith.subi %sign3A_1146, %sign3A_1149 : i32
          %ne3A_1151 = arith.cmpi ne, %sign3A_1143, %sign3A_1150 : i32
          %rem3A_1152 = arith.remsi %scan3A_1134, %jit3A_1135 : i32
          %ne3A_1153 = arith.constant 0 : i32
          %ne3A_1154 = arith.cmpi ne, %rem3A_1152, %ne3A_1153 : i32
          %and3A_1155 = arith.andi %ne3A_1151, %ne3A_1154 : i1
          %sub3A_1156 = arith.constant 1 : i32
          %sub3A_1157 = arith.subi %div3A_1136, %sub3A_1156 : i32
          %select_n3A_1158 = arith.select %and3A_1155, %sub3A_1157, %div3A_1136 : i32
          %broadcast_in_dim3A_1159 = vector.broadcast %select_n3A_1158 : i32 to vector<16xi32>
          %jit3A_1160 = arith.constant 16 : i32
          %eq3A_1161 = arith.constant 0 : i32
          %eq3A_1162 = arith.cmpi eq, %jit3A_1160, %eq3A_1161 : i32
          %jit3A_1163 = arith.constant 1 : i32
          %select_n3A_1164 = arith.select %eq3A_1162, %jit3A_1163, %jit3A_1160 : i32
          %rem3A_1165 = arith.remsi %scan3A_1134, %select_n3A_1164 : i32
          %ne3A_1166 = arith.constant 0 : i32
          %ne3A_1167 = arith.cmpi ne, %rem3A_1165, %ne3A_1166 : i32
          %lt3A_1168 = arith.constant 0 : i32
          %lt3A_1169 = arith.cmpi slt, %rem3A_1165, %lt3A_1168 : i32
          %lt3A_1170 = arith.constant 0 : i32
          %lt3A_1171 = arith.cmpi slt, %select_n3A_1164, %lt3A_1170 : i32
          %ne3A_1172 = arith.xori %lt3A_1169, %lt3A_1171 : i1
          %and3A_1173 = arith.andi %ne3A_1172, %ne3A_1167 : i1
          %add3A_1174 = arith.addi %rem3A_1165, %select_n3A_1164 : i32
          %select_n3A_1175 = arith.select %and3A_1173, %add3A_1174, %rem3A_1165 : i32
          %broadcast_in_dim3A_1176 = vector.broadcast %select_n3A_1175 : i32 to vector<16xi32>
          %gather3A_1177 = tpu.vector_load_idx %arg20[%broadcast_in_dim3A_1159, %broadcast_in_dim3A_1176] : memref<4x16xf32, #tpu.memory_space<vmem>>[vector<16xi32>, vector<16xi32>], vector<16xf32>,
          %jit3A_1178 = arith.constant 8 : i32
          %div3A_1179 = arith.divsi %scan3A_1134, %jit3A_1178 : i32
          %sign3A_1180 = arith.constant 0 : i32
          %sign3A_1181 = arith.cmpi sgt, %scan3A_1134, %sign3A_1180 : i32
          %sign3A_1182 = arith.extui %sign3A_1181 : i1 to i32
          %sign3A_1183 = arith.constant 0 : i32
          %sign3A_1184 = arith.cmpi slt, %scan3A_1134, %sign3A_1183 : i32
          %sign3A_1185 = arith.extui %sign3A_1184 : i1 to i32
          %sign3A_1186 = arith.subi %sign3A_1182, %sign3A_1185 : i32
          %sign3A_1187 = arith.constant 0 : i32
          %sign3A_1188 = arith.cmpi sgt, %jit3A_1178, %sign3A_1187 : i32
          %sign3A_1189 = arith.extui %sign3A_1188 : i1 to i32
          %sign3A_1190 = arith.constant 0 : i32
          %sign3A_1191 = arith.cmpi slt, %jit3A_1178, %sign3A_1190 : i32
          %sign3A_1192 = arith.extui %sign3A_1191 : i1 to i32
          %sign3A_1193 = arith.subi %sign3A_1189, %sign3A_1192 : i32
          %ne3A_1194 = arith.cmpi ne, %sign3A_1186, %sign3A_1193 : i32
          %rem3A_1195 = arith.remsi %scan3A_1134, %jit3A_1178 : i32
          %ne3A_1196 = arith.constant 0 : i32
          %ne3A_1197 = arith.cmpi ne, %rem3A_1195, %ne3A_1196 : i32
          %and3A_1198 = arith.andi %ne3A_1194, %ne3A_1197 : i1
          %sub3A_1199 = arith.constant 1 : i32
          %sub3A_1200 = arith.subi %div3A_1179, %sub3A_1199 : i32
          %select_n3A_1201 = arith.select %and3A_1198, %sub3A_1200, %div3A_1179 : i32
          %jit3A_1202 = arith.constant 8 : i32
          %eq3A_1203 = arith.constant 0 : i32
          %eq3A_1204 = arith.cmpi eq, %jit3A_1202, %eq3A_1203 : i32
          %jit3A_1205 = arith.constant 1 : i32
          %select_n3A_1206 = arith.select %eq3A_1204, %jit3A_1205, %jit3A_1202 : i32
          %rem3A_1207 = arith.remsi %scan3A_1134, %select_n3A_1206 : i32
          %ne3A_1208 = arith.constant 0 : i32
          %ne3A_1209 = arith.cmpi ne, %rem3A_1207, %ne3A_1208 : i32
          %lt3A_1210 = arith.constant 0 : i32
          %lt3A_1211 = arith.cmpi slt, %rem3A_1207, %lt3A_1210 : i32
          %lt3A_1212 = arith.constant 0 : i32
          %lt3A_1213 = arith.cmpi slt, %select_n3A_1206, %lt3A_1212 : i32
          %ne3A_1214 = arith.xori %lt3A_1211, %lt3A_1213 : i1
          %and3A_1215 = arith.andi %ne3A_1214, %ne3A_1209 : i1
          %add3A_1216 = arith.addi %rem3A_1207, %select_n3A_1206 : i32
          %select_n3A_1217 = arith.select %and3A_1215, %add3A_1216, %rem3A_1207 : i32
          %get3A_1218 = arith.index_cast %select_n3A_1201 : i32 to index
          %get3A_1219 = arith.index_cast %select_n3A_1217 : i32 to index
          %get3A_1220 = arith.constant 0 : index
          %get3A_1221 = tpu.vector_load %arg18[%get3A_1218, %get3A_1219, %get3A_1220] {strides = array<i32>} : memref<8x8x128xf32, #tpu.memory_space<vmem>>, vector<16xf32>,
          %get3A_1222 = arith.index_cast %scan3A_1134 : i32 to index
          %get3A_1223 = arith.constant 0 : index
          %get3A_1224 = tpu.vector_load %arg19[%get3A_1222, %get3A_1223] {strides = array<i32>} : memref<64x128xf32, #tpu.memory_space<vmem>>, vector<16xf32>,
          %add3A_1225 = arith.addf %get3A_1221, %get3A_1224 : vector<16xf32>
          %mul3A_1226 = arith.mulf %add3A_1225, %gather3A_1177 : vector<16xf32>
          %swap3A_1227 = arith.index_cast %scan3A_1134 : i32 to index
          %swap3A_1228 = arith.constant 0 : index
          %swap3A_1229 = tpu.vector_load %arg19[%swap3A_1227, %swap3A_1228] {strides = array<i32>} : memref<64x128xf32, #tpu.memory_space<vmem>>, vector<16xf32>,
          tpu.vector_store %arg19[%swap3A_1227, %swap3A_1228], %mul3A_1226 {strides = array<i32>} : memref<64x128xf32, #tpu.memory_space<vmem>>, vector<16xf32>,
          %jit3A_1230 = arith.constant 8 : i32
          %div3A_1231 = arith.divsi %scan3A_1134, %jit3A_1230 : i32
          %sign3A_1232 = arith.constant 0 : i32
          %sign3A_1233 = arith.cmpi sgt, %scan3A_1134, %sign3A_1232 : i32
          %sign3A_1234 = arith.extui %sign3A_1233 : i1 to i32
          %sign3A_1235 = arith.constant 0 : i32
          %sign3A_1236 = arith.cmpi slt, %scan3A_1134, %sign3A_1235 : i32
          %sign3A_1237 = arith.extui %sign3A_1236 : i1 to i32
          %sign3A_1238 = arith.subi %sign3A_1234, %sign3A_1237 : i32
          %sign3A_1239 = arith.constant 0 : i32
          %sign3A_1240 = arith.cmpi sgt, %jit3A_1230, %sign3A_1239 : i32
          %sign3A_1241 = arith.extui %sign3A_1240 : i1 to i32
          %sign3A_1242 = arith.constant 0 : i32
          %sign3A_1243 = arith.cmpi slt, %jit3A_1230, %sign3A_1242 : i32
          %sign3A_1244 = arith.extui %sign3A_1243 : i1 to i32
          %sign3A_1245 = arith.subi %sign3A_1241, %sign3A_1244 : i32
          %ne3A_1246 = arith.cmpi ne, %sign3A_1238, %sign3A_1245 : i32
          %rem3A_1247 = arith.remsi %scan3A_1134, %jit3A_1230 : i32
          %ne3A_1248 = arith.constant 0 : i32
          %ne3A_1249 = arith.cmpi ne, %rem3A_1247, %ne3A_1248 : i32
          %and3A_1250 = arith.andi %ne3A_1246, %ne3A_1249 : i1
          %sub3A_1251 = arith.constant 1 : i32
          %sub3A_1252 = arith.subi %div3A_1231, %sub3A_1251 : i32
          %select_n3A_1253 = arith.select %and3A_1250, %sub3A_1252, %div3A_1231 : i32
          %jit3A_1254 = arith.constant 8 : i32
          %eq3A_1255 = arith.constant 0 : i32
          %eq3A_1256 = arith.cmpi eq, %jit3A_1254, %eq3A_1255 : i32
          %jit3A_1257 = arith.constant 1 : i32
          %select_n3A_1258 = arith.select %eq3A_1256, %jit3A_1257, %jit3A_1254 : i32
          %rem3A_1259 = arith.remsi %scan3A_1134, %select_n3A_1258 : i32
          %ne3A_1260 = arith.constant 0 : i32
          %ne3A_1261 = arith.cmpi ne, %rem3A_1259, %ne3A_1260 : i32
          %lt3A_1262 = arith.constant 0 : i32
          %lt3A_1263 = arith.cmpi slt, %rem3A_1259, %lt3A_1262 : i32
          %lt3A_1264 = arith.constant 0 : i32
          %lt3A_1265 = arith.cmpi slt, %select_n3A_1258, %lt3A_1264 : i32
          %ne3A_1266 = arith.xori %lt3A_1263, %lt3A_1265 : i1
          %and3A_1267 = arith.andi %ne3A_1266, %ne3A_1261 : i1
          %add3A_1268 = arith.addi %rem3A_1259, %select_n3A_1258 : i32
          %select_n3A_1269 = arith.select %and3A_1267, %add3A_1268, %rem3A_1259 : i32
          %get3A_1270 = arith.index_cast %select_n3A_1253 : i32 to index
          %get3A_1271 = arith.index_cast %select_n3A_1269 : i32 to index
          %get3A_1272 = arith.constant 16 : index
          %get3A_1273 = tpu.vector_load %arg18[%get3A_1270, %get3A_1271, %get3A_1272] {strides = array<i32>} : memref<8x8x128xf32, #tpu.memory_space<vmem>>, vector<16xf32>,
          %get3A_1274 = arith.index_cast %scan3A_1134 : i32 to index
          %get3A_1275 = arith.constant 16 : index
          %get3A_1276 = tpu.vector_load %arg19[%get3A_1274, %get3A_1275] {strides = array<i32>} : memref<64x128xf32, #tpu.memory_space<vmem>>, vector<16xf32>,
          %add3A_1277 = arith.addf %get3A_1273, %get3A_1276 : vector<16xf32>
          %mul3A_1278 = arith.mulf %add3A_1277, %gather3A_1177 : vector<16xf32>
          %swap3A_1279 = arith.index_cast %scan3A_1134 : i32 to index
          %swap3A_1280 = arith.constant 16 : index
          %swap3A_1281 = tpu.vector_load %arg19[%swap3A_1279, %swap3A_1280] {strides = array<i32>} : memref<64x128xf32, #tpu.memory_space<vmem>>, vector<16xf32>,
          tpu.vector_store %arg19[%swap3A_1279, %swap3A_1280], %mul3A_1278 {strides = array<i32>} : memref<64x128xf32, #tpu.memory_space<vmem>>, vector<16xf32>,
          %jit3A_1282 = arith.constant 8 : i32
          %div3A_1283 = arith.divsi %scan3A_1134, %jit3A_1282 : i32
          %sign3A_1284 = arith.constant 0 : i32
          %sign3A_1285 = arith.cmpi sgt, %scan3A_1134, %sign3A_1284 : i32
          %sign3A_1286 = arith.extui %sign3A_1285 : i1 to i32
          %sign3A_1287 = arith.constant 0 : i32
          %sign3A_1288 = arith.cmpi slt, %scan3A_1134, %sign3A_1287 : i32
          %sign3A_1289 = arith.extui %sign3A_1288 : i1 to i32
          %sign3A_1290 = arith.subi %sign3A_1286, %sign3A_1289 : i32
          %sign3A_1291 = arith.constant 0 : i32
          %sign3A_1292 = arith.cmpi sgt, %jit3A_1282, %sign3A_1291 : i32
          %sign3A_1293 = arith.extui %sign3A_1292 : i1 to i32
          %sign3A_1294 = arith.constant 0 : i32
          %sign3A_1295 = arith.cmpi slt, %jit3A_1282, %sign3A_1294 : i32
          %sign3A_1296 = arith.extui %sign3A_1295 : i1 to i32
          %sign3A_1297 = arith.subi %sign3A_1293, %sign3A_1296 : i32
          %ne3A_1298 = arith.cmpi ne, %sign3A_1290, %sign3A_1297 : i32
          %rem3A_1299 = arith.remsi %scan3A_1134, %jit3A_1282 : i32
          %ne3A_1300 = arith.constant 0 : i32
          %ne3A_1301 = arith.cmpi ne, %rem3A_1299, %ne3A_1300 : i32
          %and3A_1302 = arith.andi %ne3A_1298, %ne3A_1301 : i1
          %sub3A_1303 = arith.constant 1 : i32
          %sub3A_1304 = arith.subi %div3A_1283, %sub3A_1303 : i32
          %select_n3A_1305 = arith.select %and3A_1302, %sub3A_1304, %div3A_1283 : i32
          %jit3A_1306 = arith.constant 8 : i32
          %eq3A_1307 = arith.constant 0 : i32
          %eq3A_1308 = arith.cmpi eq, %jit3A_1306, %eq3A_1307 : i32
          %jit3A_1309 = arith.constant 1 : i32
          %select_n3A_1310 = arith.select %eq3A_1308, %jit3A_1309, %jit3A_1306 : i32
          %rem3A_1311 = arith.remsi %scan3A_1134, %select_n3A_1310 : i32
          %ne3A_1312 = arith.constant 0 : i32
          %ne3A_1313 = arith.cmpi ne, %rem3A_1311, %ne3A_1312 : i32
          %lt3A_1314 = arith.constant 0 : i32
          %lt3A_1315 = arith.cmpi slt, %rem3A_1311, %lt3A_1314 : i32
          %lt3A_1316 = arith.constant 0 : i32
          %lt3A_1317 = arith.cmpi slt, %select_n3A_1310, %lt3A_1316 : i32
          %ne3A_1318 = arith.xori %lt3A_1315, %lt3A_1317 : i1
          %and3A_1319 = arith.andi %ne3A_1318, %ne3A_1313 : i1
          %add3A_1320 = arith.addi %rem3A_1311, %select_n3A_1310 : i32
          %select_n3A_1321 = arith.select %and3A_1319, %add3A_1320, %rem3A_1311 : i32
          %get3A_1322 = arith.index_cast %select_n3A_1305 : i32 to index
          %get3A_1323 = arith.index_cast %select_n3A_1321 : i32 to index
          %get3A_1324 = arith.constant 32 : index
          %get3A_1325 = tpu.vector_load %arg18[%get3A_1322, %get3A_1323, %get3A_1324] {strides = array<i32>} : memref<8x8x128xf32, #tpu.memory_space<vmem>>, vector<16xf32>,
          %get3A_1326 = arith.index_cast %scan3A_1134 : i32 to index
          %get3A_1327 = arith.constant 32 : index
          %get3A_1328 = tpu.vector_load %arg19[%get3A_1326, %get3A_1327] {strides = array<i32>} : memref<64x128xf32, #tpu.memory_space<vmem>>, vector<16xf32>,
          %add3A_1329 = arith.addf %get3A_1325, %get3A_1328 : vector<16xf32>
          %mul3A_1330 = arith.mulf %add3A_1329, %gather3A_1177 : vector<16xf32>
          %swap3A_1331 = arith.index_cast %scan3A_1134 : i32 to index
          %swap3A_1332 = arith.constant 32 : index
          %swap3A_1333 = tpu.vector_load %arg19[%swap3A_1331, %swap3A_1332] {strides = array<i32>} : memref<64x128xf32, #tpu.memory_space<vmem>>, vector<16xf32>,
          tpu.vector_store %arg19[%swap3A_1331, %swap3A_1332], %mul3A_1330 {strides = array<i32>} : memref<64x128xf32, #tpu.memory_space<vmem>>, vector<16xf32>,
          %jit3A_1334 = arith.constant 8 : i32
          %div3A_1335 = arith.divsi %scan3A_1134, %jit3A_1334 : i32
          %sign3A_1336 = arith.constant 0 : i32
          %sign3A_1337 = arith.cmpi sgt, %scan3A_1134, %sign3A_1336 : i32
          %sign3A_1338 = arith.extui %sign3A_1337 : i1 to i32
          %sign3A_1339 = arith.constant 0 : i32
          %sign3A_1340 = arith.cmpi slt, %scan3A_1134, %sign3A_1339 : i32
          %sign3A_1341 = arith.extui %sign3A_1340 : i1 to i32
          %sign3A_1342 = arith.subi %sign3A_1338, %sign3A_1341 : i32
          %sign3A_1343 = arith.constant 0 : i32
          %sign3A_1344 = arith.cmpi sgt, %jit3A_1334, %sign3A_1343 : i32
          %sign3A_1345 = arith.extui %sign3A_1344 : i1 to i32
          %sign3A_1346 = arith.constant 0 : i32
          %sign3A_1347 = arith.cmpi slt, %jit3A_1334, %sign3A_1346 : i32
          %sign3A_1348 = arith.extui %sign3A_1347 : i1 to i32
          %sign3A_1349 = arith.subi %sign3A_1345, %sign3A_1348 : i32
          %ne3A_1350 = arith.cmpi ne, %sign3A_1342, %sign3A_1349 : i32
          %rem3A_1351 = arith.remsi %scan3A_1134, %jit3A_1334 : i32
          %ne3A_1352 = arith.constant 0 : i32
          %ne3A_1353 = arith.cmpi ne, %rem3A_1351, %ne3A_1352 : i32
          %and3A_1354 = arith.andi %ne3A_1350, %ne3A_1353 : i1
          %sub3A_1355 = arith.constant 1 : i32
          %sub3A_1356 = arith.subi %div3A_1335, %sub3A_1355 : i32
          %select_n3A_1357 = arith.select %and3A_1354, %sub3A_1356, %div3A_1335 : i32
          %jit3A_1358 = arith.constant 8 : i32
          %eq3A_1359 = arith.constant 0 : i32
          %eq3A_1360 = arith.cmpi eq, %jit3A_1358, %eq3A_1359 : i32
          %jit3A_1361 = arith.constant 1 : i32
          %select_n3A_1362 = arith.select %eq3A_1360, %jit3A_1361, %jit3A_1358 : i32
          %rem3A_1363 = arith.remsi %scan3A_1134, %select_n3A_1362 : i32
          %ne3A_1364 = arith.constant 0 : i32
          %ne3A_1365 = arith.cmpi ne, %rem3A_1363, %ne3A_1364 : i32
          %lt3A_1366 = arith.constant 0 : i32
          %lt3A_1367 = arith.cmpi slt, %rem3A_1363, %lt3A_1366 : i32
          %lt3A_1368 = arith.constant 0 : i32
          %lt3A_1369 = arith.cmpi slt, %select_n3A_1362, %lt3A_1368 : i32
          %ne3A_1370 = arith.xori %lt3A_1367, %lt3A_1369 : i1
          %and3A_1371 = arith.andi %ne3A_1370, %ne3A_1365 : i1
          %add3A_1372 = arith.addi %rem3A_1363, %select_n3A_1362 : i32
          %select_n3A_1373 = arith.select %and3A_1371, %add3A_1372, %rem3A_1363 : i32
          %get3A_1374 = arith.index_cast %select_n3A_1357 : i32 to index
          %get3A_1375 = arith.index_cast %select_n3A_1373 : i32 to index
          %get3A_1376 = arith.constant 48 : index
          %get3A_1377 = tpu.vector_load %arg18[%get3A_1374, %get3A_1375, %get3A_1376] {strides = array<i32>} : memref<8x8x128xf32, #tpu.memory_space<vmem>>, vector<16xf32>,
          %get3A_1378 = arith.index_cast %scan3A_1134 : i32 to index
          %get3A_1379 = arith.constant 48 : index
          %get3A_1380 = tpu.vector_load %arg19[%get3A_1378, %get3A_1379] {strides = array<i32>} : memref<64x128xf32, #tpu.memory_space<vmem>>, vector<16xf32>,
          %add3A_1381 = arith.addf %get3A_1377, %get3A_1380 : vector<16xf32>
          %mul3A_1382 = arith.mulf %add3A_1381, %gather3A_1177 : vector<16xf32>
          %swap3A_1383 = arith.index_cast %scan3A_1134 : i32 to index
          %swap3A_1384 = arith.constant 48 : index
          %swap3A_1385 = tpu.vector_load %arg19[%swap3A_1383, %swap3A_1384] {strides = array<i32>} : memref<64x128xf32, #tpu.memory_space<vmem>>, vector<16xf32>,
          tpu.vector_store %arg19[%swap3A_1383, %swap3A_1384], %mul3A_1382 {strides = array<i32>} : memref<64x128xf32, #tpu.memory_space<vmem>>, vector<16xf32>,
          %jit3A_1386 = arith.constant 8 : i32
          %div3A_1387 = arith.divsi %scan3A_1134, %jit3A_1386 : i32
          %sign3A_1388 = arith.constant 0 : i32
          %sign3A_1389 = arith.cmpi sgt, %scan3A_1134, %sign3A_1388 : i32
          %sign3A_1390 = arith.extui %sign3A_1389 : i1 to i32
          %sign3A_1391 = arith.constant 0 : i32
          %sign3A_1392 = arith.cmpi slt, %scan3A_1134, %sign3A_1391 : i32
          %sign3A_1393 = arith.extui %sign3A_1392 : i1 to i32
          %sign3A_1394 = arith.subi %sign3A_1390, %sign3A_1393 : i32
          %sign3A_1395 = arith.constant 0 : i32
          %sign3A_1396 = arith.cmpi sgt, %jit3A_1386, %sign3A_1395 : i32
          %sign3A_1397 = arith.extui %sign3A_1396 : i1 to i32
          %sign3A_1398 = arith.constant 0 : i32
          %sign3A_1399 = arith.cmpi slt, %jit3A_1386, %sign3A_1398 : i32
          %sign3A_1400 = arith.extui %sign3A_1399 : i1 to i32
          %sign3A_1401 = arith.subi %sign3A_1397, %sign3A_1400 : i32
          %ne3A_1402 = arith.cmpi ne, %sign3A_1394, %sign3A_1401 : i32
          %rem3A_1403 = arith.remsi %scan3A_1134, %jit3A_1386 : i32
          %ne3A_1404 = arith.constant 0 : i32
          %ne3A_1405 = arith.cmpi ne, %rem3A_1403, %ne3A_1404 : i32
          %and3A_1406 = arith.andi %ne3A_1402, %ne3A_1405 : i1
          %sub3A_1407 = arith.constant 1 : i32
          %sub3A_1408 = arith.subi %div3A_1387, %sub3A_1407 : i32
          %select_n3A_1409 = arith.select %and3A_1406, %sub3A_1408, %div3A_1387 : i32
          %jit3A_1410 = arith.constant 8 : i32
          %eq3A_1411 = arith.constant 0 : i32
          %eq3A_1412 = arith.cmpi eq, %jit3A_1410, %eq3A_1411 : i32
          %jit3A_1413 = arith.constant 1 : i32
          %select_n3A_1414 = arith.select %eq3A_1412, %jit3A_1413, %jit3A_1410 : i32
          %rem3A_1415 = arith.remsi %scan3A_1134, %select_n3A_1414 : i32
          %ne3A_1416 = arith.constant 0 : i32
          %ne3A_1417 = arith.cmpi ne, %rem3A_1415, %ne3A_1416 : i32
          %lt3A_1418 = arith.constant 0 : i32
          %lt3A_1419 = arith.cmpi slt, %rem3A_1415, %lt3A_1418 : i32
          %lt3A_1420 = arith.constant 0 : i32
          %lt3A_1421 = arith.cmpi slt, %select_n3A_1414, %lt3A_1420 : i32
          %ne3A_1422 = arith.xori %lt3A_1419, %lt3A_1421 : i1
          %and3A_1423 = arith.andi %ne3A_1422, %ne3A_1417 : i1
          %add3A_1424 = arith.addi %rem3A_1415, %select_n3A_1414 : i32
          %select_n3A_1425 = arith.select %and3A_1423, %add3A_1424, %rem3A_1415 : i32
          %get3A_1426 = arith.index_cast %select_n3A_1409 : i32 to index
          %get3A_1427 = arith.index_cast %select_n3A_1425 : i32 to index
          %get3A_1428 = arith.constant 64 : index
          %get3A_1429 = tpu.vector_load %arg18[%get3A_1426, %get3A_1427, %get3A_1428] {strides = array<i32>} : memref<8x8x128xf32, #tpu.memory_space<vmem>>, vector<16xf32>,
          %get3A_1430 = arith.index_cast %scan3A_1134 : i32 to index
          %get3A_1431 = arith.constant 64 : index
          %get3A_1432 = tpu.vector_load %arg19[%get3A_1430, %get3A_1431] {strides = array<i32>} : memref<64x128xf32, #tpu.memory_space<vmem>>, vector<16xf32>,
          %add3A_1433 = arith.addf %get3A_1429, %get3A_1432 : vector<16xf32>
          %mul3A_1434 = arith.mulf %add3A_1433, %gather3A_1177 : vector<16xf32>
          %swap3A_1435 = arith.index_cast %scan3A_1134 : i32 to index
          %swap3A_1436 = arith.constant 64 : index
          %swap3A_1437 = tpu.vector_load %arg19[%swap3A_1435, %swap3A_1436] {strides = array<i32>} : memref<64x128xf32, #tpu.memory_space<vmem>>, vector<16xf32>,
          tpu.vector_store %arg19[%swap3A_1435, %swap3A_1436], %mul3A_1434 {strides = array<i32>} : memref<64x128xf32, #tpu.memory_space<vmem>>, vector<16xf32>,
          %jit3A_1438 = arith.constant 8 : i32
          %div3A_1439 = arith.divsi %scan3A_1134, %jit3A_1438 : i32
          %sign3A_1440 = arith.constant 0 : i32
          %sign3A_1441 = arith.cmpi sgt, %scan3A_1134, %sign3A_1440 : i32
          %sign3A_1442 = arith.extui %sign3A_1441 : i1 to i32
          %sign3A_1443 = arith.constant 0 : i32
          %sign3A_1444 = arith.cmpi slt, %scan3A_1134, %sign3A_1443 : i32
          %sign3A_1445 = arith.extui %sign3A_1444 : i1 to i32
          %sign3A_1446 = arith.subi %sign3A_1442, %sign3A_1445 : i32
          %sign3A_1447 = arith.constant 0 : i32
          %sign3A_1448 = arith.cmpi sgt, %jit3A_1438, %sign3A_1447 : i32
          %sign3A_1449 = arith.extui %sign3A_1448 : i1 to i32
          %sign3A_1450 = arith.constant 0 : i32
          %sign3A_1451 = arith.cmpi slt, %jit3A_1438, %sign3A_1450 : i32
          %sign3A_1452 = arith.extui %sign3A_1451 : i1 to i32
          %sign3A_1453 = arith.subi %sign3A_1449, %sign3A_1452 : i32
          %ne3A_1454 = arith.cmpi ne, %sign3A_1446, %sign3A_1453 : i32
          %rem3A_1455 = arith.remsi %scan3A_1134, %jit3A_1438 : i32
          %ne3A_1456 = arith.constant 0 : i32
          %ne3A_1457 = arith.cmpi ne, %rem3A_1455, %ne3A_1456 : i32
          %and3A_1458 = arith.andi %ne3A_1454, %ne3A_1457 : i1
          %sub3A_1459 = arith.constant 1 : i32
          %sub3A_1460 = arith.subi %div3A_1439, %sub3A_1459 : i32
          %select_n3A_1461 = arith.select %and3A_1458, %sub3A_1460, %div3A_1439 : i32
          %jit3A_1462 = arith.constant 8 : i32
          %eq3A_1463 = arith.constant 0 : i32
          %eq3A_1464 = arith.cmpi eq, %jit3A_1462, %eq3A_1463 : i32
          %jit3A_1465 = arith.constant 1 : i32
          %select_n3A_1466 = arith.select %eq3A_1464, %jit3A_1465, %jit3A_1462 : i32
          %rem3A_1467 = arith.remsi %scan3A_1134, %select_n3A_1466 : i32
          %ne3A_1468 = arith.constant 0 : i32
          %ne3A_1469 = arith.cmpi ne, %rem3A_1467, %ne3A_1468 : i32
          %lt3A_1470 = arith.constant 0 : i32
          %lt3A_1471 = arith.cmpi slt, %rem3A_1467, %lt3A_1470 : i32
          %lt3A_1472 = arith.constant 0 : i32
          %lt3A_1473 = arith.cmpi slt, %select_n3A_1466, %lt3A_1472 : i32
          %ne3A_1474 = arith.xori %lt3A_1471, %lt3A_1473 : i1
          %and3A_1475 = arith.andi %ne3A_1474, %ne3A_1469 : i1
          %add3A_1476 = arith.addi %rem3A_1467, %select_n3A_1466 : i32
          %select_n3A_1477 = arith.select %and3A_1475, %add3A_1476, %rem3A_1467 : i32
          %get3A_1478 = arith.index_cast %select_n3A_1461 : i32 to index
          %get3A_1479 = arith.index_cast %select_n3A_1477 : i32 to index
          %get3A_1480 = arith.constant 80 : index
          %get3A_1481 = tpu.vector_load %arg18[%get3A_1478, %get3A_1479, %get3A_1480] {strides = array<i32>} : memref<8x8x128xf32, #tpu.memory_space<vmem>>, vector<16xf32>,
          %get3A_1482 = arith.index_cast %scan3A_1134 : i32 to index
          %get3A_1483 = arith.constant 80 : index
          %get3A_1484 = tpu.vector_load %arg19[%get3A_1482, %get3A_1483] {strides = array<i32>} : memref<64x128xf32, #tpu.memory_space<vmem>>, vector<16xf32>,
          %add3A_1485 = arith.addf %get3A_1481, %get3A_1484 : vector<16xf32>
          %mul3A_1486 = arith.mulf %add3A_1485, %gather3A_1177 : vector<16xf32>
          %swap3A_1487 = arith.index_cast %scan3A_1134 : i32 to index
          %swap3A_1488 = arith.constant 80 : index
          %swap3A_1489 = tpu.vector_load %arg19[%swap3A_1487, %swap3A_1488] {strides = array<i32>} : memref<64x128xf32, #tpu.memory_space<vmem>>, vector<16xf32>,
          tpu.vector_store %arg19[%swap3A_1487, %swap3A_1488], %mul3A_1486 {strides = array<i32>} : memref<64x128xf32, #tpu.memory_space<vmem>>, vector<16xf32>,
          %jit3A_1490 = arith.constant 8 : i32
          %div3A_1491 = arith.divsi %scan3A_1134, %jit3A_1490 : i32
          %sign3A_1492 = arith.constant 0 : i32
          %sign3A_1493 = arith.cmpi sgt, %scan3A_1134, %sign3A_1492 : i32
          %sign3A_1494 = arith.extui %sign3A_1493 : i1 to i32
          %sign3A_1495 = arith.constant 0 : i32
          %sign3A_1496 = arith.cmpi slt, %scan3A_1134, %sign3A_1495 : i32
          %sign3A_1497 = arith.extui %sign3A_1496 : i1 to i32
          %sign3A_1498 = arith.subi %sign3A_1494, %sign3A_1497 : i32
          %sign3A_1499 = arith.constant 0 : i32
          %sign3A_1500 = arith.cmpi sgt, %jit3A_1490, %sign3A_1499 : i32
          %sign3A_1501 = arith.extui %sign3A_1500 : i1 to i32
          %sign3A_1502 = arith.constant 0 : i32
          %sign3A_1503 = arith.cmpi slt, %jit3A_1490, %sign3A_1502 : i32
          %sign3A_1504 = arith.extui %sign3A_1503 : i1 to i32
          %sign3A_1505 = arith.subi %sign3A_1501, %sign3A_1504 : i32
          %ne3A_1506 = arith.cmpi ne, %sign3A_1498, %sign3A_1505 : i32
          %rem3A_1507 = arith.remsi %scan3A_1134, %jit3A_1490 : i32
          %ne3A_1508 = arith.constant 0 : i32
          %ne3A_1509 = arith.cmpi ne, %rem3A_1507, %ne3A_1508 : i32
          %and3A_1510 = arith.andi %ne3A_1506, %ne3A_1509 : i1
          %sub3A_1511 = arith.constant 1 : i32
          %sub3A_1512 = arith.subi %div3A_1491, %sub3A_1511 : i32
          %select_n3A_1513 = arith.select %and3A_1510, %sub3A_1512, %div3A_1491 : i32
          %jit3A_1514 = arith.constant 8 : i32
          %eq3A_1515 = arith.constant 0 : i32
          %eq3A_1516 = arith.cmpi eq, %jit3A_1514, %eq3A_1515 : i32
          %jit3A_1517 = arith.constant 1 : i32
          %select_n3A_1518 = arith.select %eq3A_1516, %jit3A_1517, %jit3A_1514 : i32
          %rem3A_1519 = arith.remsi %scan3A_1134, %select_n3A_1518 : i32
          %ne3A_1520 = arith.constant 0 : i32
          %ne3A_1521 = arith.cmpi ne, %rem3A_1519, %ne3A_1520 : i32
          %lt3A_1522 = arith.constant 0 : i32
          %lt3A_1523 = arith.cmpi slt, %rem3A_1519, %lt3A_1522 : i32
          %lt3A_1524 = arith.constant 0 : i32
          %lt3A_1525 = arith.cmpi slt, %select_n3A_1518, %lt3A_1524 : i32
          %ne3A_1526 = arith.xori %lt3A_1523, %lt3A_1525 : i1
          %and3A_1527 = arith.andi %ne3A_1526, %ne3A_1521 : i1
          %add3A_1528 = arith.addi %rem3A_1519, %select_n3A_1518 : i32
          %select_n3A_1529 = arith.select %and3A_1527, %add3A_1528, %rem3A_1519 : i32
          %get3A_1530 = arith.index_cast %select_n3A_1513 : i32 to index
          %get3A_1531 = arith.index_cast %select_n3A_1529 : i32 to index
          %get3A_1532 = arith.constant 96 : index
          %get3A_1533 = tpu.vector_load %arg18[%get3A_1530, %get3A_1531, %get3A_1532] {strides = array<i32>} : memref<8x8x128xf32, #tpu.memory_space<vmem>>, vector<16xf32>,
          %get3A_1534 = arith.index_cast %scan3A_1134 : i32 to index
          %get3A_1535 = arith.constant 96 : index
          %get3A_1536 = tpu.vector_load %arg19[%get3A_1534, %get3A_1535] {strides = array<i32>} : memref<64x128xf32, #tpu.memory_space<vmem>>, vector<16xf32>,
          %add3A_1537 = arith.addf %get3A_1533, %get3A_1536 : vector<16xf32>
          %mul3A_1538 = arith.mulf %add3A_1537, %gather3A_1177 : vector<16xf32>
          %swap3A_1539 = arith.index_cast %scan3A_1134 : i32 to index
          %swap3A_1540 = arith.constant 96 : index
          %swap3A_1541 = tpu.vector_load %arg19[%swap3A_1539, %swap3A_1540] {strides = array<i32>} : memref<64x128xf32, #tpu.memory_space<vmem>>, vector<16xf32>,
          tpu.vector_store %arg19[%swap3A_1539, %swap3A_1540], %mul3A_1538 {strides = array<i32>} : memref<64x128xf32, #tpu.memory_space<vmem>>, vector<16xf32>,
          %jit3A_1542 = arith.constant 8 : i32
          %div3A_1543 = arith.divsi %scan3A_1134, %jit3A_1542 : i32
          %sign3A_1544 = arith.constant 0 : i32
          %sign3A_1545 = arith.cmpi sgt, %scan3A_1134, %sign3A_1544 : i32
          %sign3A_1546 = arith.extui %sign3A_1545 : i1 to i32
          %sign3A_1547 = arith.constant 0 : i32
          %sign3A_1548 = arith.cmpi slt, %scan3A_1134, %sign3A_1547 : i32
          %sign3A_1549 = arith.extui %sign3A_1548 : i1 to i32
          %sign3A_1550 = arith.subi %sign3A_1546, %sign3A_1549 : i32
          %sign3A_1551 = arith.constant 0 : i32
          %sign3A_1552 = arith.cmpi sgt, %jit3A_1542, %sign3A_1551 : i32
          %sign3A_1553 = arith.extui %sign3A_1552 : i1 to i32
          %sign3A_1554 = arith.constant 0 : i32
          %sign3A_1555 = arith.cmpi slt, %jit3A_1542, %sign3A_1554 : i32
          %sign3A_1556 = arith.extui %sign3A_1555 : i1 to i32
          %sign3A_1557 = arith.subi %sign3A_1553, %sign3A_1556 : i32
          %ne3A_1558 = arith.cmpi ne, %sign3A_1550, %sign3A_1557 : i32
          %rem3A_1559 = arith.remsi %scan3A_1134, %jit3A_1542 : i32
          %ne3A_1560 = arith.constant 0 : i32
          %ne3A_1561 = arith.cmpi ne, %rem3A_1559, %ne3A_1560 : i32
          %and3A_1562 = arith.andi %ne3A_1558, %ne3A_1561 : i1
          %sub3A_1563 = arith.constant 1 : i32
          %sub3A_1564 = arith.subi %div3A_1543, %sub3A_1563 : i32
          %select_n3A_1565 = arith.select %and3A_1562, %sub3A_1564, %div3A_1543 : i32
          %jit3A_1566 = arith.constant 8 : i32
          %eq3A_1567 = arith.constant 0 : i32
          %eq3A_1568 = arith.cmpi eq, %jit3A_1566, %eq3A_1567 : i32
          %jit3A_1569 = arith.constant 1 : i32
          %select_n3A_1570 = arith.select %eq3A_1568, %jit3A_1569, %jit3A_1566 : i32
          %rem3A_1571 = arith.remsi %scan3A_1134, %select_n3A_1570 : i32
          %ne3A_1572 = arith.constant 0 : i32
          %ne3A_1573 = arith.cmpi ne, %rem3A_1571, %ne3A_1572 : i32
          %lt3A_1574 = arith.constant 0 : i32
          %lt3A_1575 = arith.cmpi slt, %rem3A_1571, %lt3A_1574 : i32
          %lt3A_1576 = arith.constant 0 : i32
          %lt3A_1577 = arith.cmpi slt, %select_n3A_1570, %lt3A_1576 : i32
          %ne3A_1578 = arith.xori %lt3A_1575, %lt3A_1577 : i1
          %and3A_1579 = arith.andi %ne3A_1578, %ne3A_1573 : i1
          %add3A_1580 = arith.addi %rem3A_1571, %select_n3A_1570 : i32
          %select_n3A_1581 = arith.select %and3A_1579, %add3A_1580, %rem3A_1571 : i32
          %get3A_1582 = arith.index_cast %select_n3A_1565 : i32 to index
          %get3A_1583 = arith.index_cast %select_n3A_1581 : i32 to index
          %get3A_1584 = arith.constant 112 : index
          %get3A_1585 = tpu.vector_load %arg18[%get3A_1582, %get3A_1583, %get3A_1584] {strides = array<i32>} : memref<8x8x128xf32, #tpu.memory_space<vmem>>, vector<16xf32>,
          %get3A_1586 = arith.index_cast %scan3A_1134 : i32 to index
          %get3A_1587 = arith.constant 112 : index
          %get3A_1588 = tpu.vector_load %arg19[%get3A_1586, %get3A_1587] {strides = array<i32>} : memref<64x128xf32, #tpu.memory_space<vmem>>, vector<16xf32>,
          %add3A_1589 = arith.addf %get3A_1585, %get3A_1588 : vector<16xf32>
          %mul3A_1590 = arith.mulf %add3A_1589, %gather3A_1177 : vector<16xf32>
          %swap3A_1591 = arith.index_cast %scan3A_1134 : i32 to index
          %swap3A_1592 = arith.constant 112 : index
          %swap3A_1593 = tpu.vector_load %arg19[%swap3A_1591, %swap3A_1592] {strides = array<i32>} : memref<64x128xf32, #tpu.memory_space<vmem>>, vector<16xf32>,
          tpu.vector_store %arg19[%swap3A_1591, %swap3A_1592], %mul3A_1590 {strides = array<i32>} : memref<64x128xf32, #tpu.memory_space<vmem>>, vector<16xf32>,
          %scan3A_1594 = arith.constant 0 : i32
          scf.yield %scan3A_1594 : i32
        }
        %scan3A_658 = arith.constant 64 : i32
        %dma_start3A_659 = arith.constant 0 : i32
        %dma_start3A_660 = tpu.memref_slice %arg11[%add3A_118, %dma_start3A_659] : memref<16x64xi32, #tpu.memory_space<vmem>> -> memref<1x64xi32, #tpu.memory_space<vmem>>
        %dma_start3A_661 = tpu.memref_squeeze %dma_start3A_660 : memref<1x64xi32, #tpu.memory_space<vmem>> -> memref<64xi32, #tpu.memory_space<vmem>>
        %dma_start3A_662 = arith.constant 0 : i32
        %dma_start3A_663 = arith.constant 0 : i32
        %dma_start3A_664 = tpu.memref_slice %arg21[%dma_start3A_662, %dma_start3A_663] : memref<10112x128xf32, #tpu.memory_space<vmem_shared>> -> memref<10112x128xf32, #tpu.memory_space<vmem_shared>>
        tpu.enqueue_indirect_dma source(%arg19 : memref<64x128xf32, #tpu.memory_space<vmem>>) target(%dma_start3A_664 : memref<10112x128xf32, #tpu.memory_space<vmem_shared>>) offsets(%dma_start3A_661 : memref<64xi32, #tpu.memory_space<vmem>>) semaphore(%arg27 : memref<!tpu.dma_semaphore, #tpu.memory_space<semaphore_mem>>) {add = true}
        %dma_wait3A_665 = arith.constant 0 : i32
        %dma_wait3A_666 = tpu.memref_slice %arg11[%add3A_118, %dma_wait3A_665] : memref<16x64xi32, #tpu.memory_space<vmem>> -> memref<1x64xi32, #tpu.memory_space<vmem>>
        %dma_wait3A_667 = tpu.memref_squeeze %dma_wait3A_666 : memref<1x64xi32, #tpu.memory_space<vmem>> -> memref<64xi32, #tpu.memory_space<vmem>>
        %dma_wait3A_668 = arith.constant 0 : i32
        %dma_wait3A_669 = arith.constant 0 : i32
        %dma_wait3A_670 = tpu.memref_slice %arg21[%dma_wait3A_668, %dma_wait3A_669] : memref<10112x128xf32, #tpu.memory_space<vmem_shared>> -> memref<10112x128xf32, #tpu.memory_space<vmem_shared>>
        tpu.wait_indirect_dma semaphore(%arg27 : memref<!tpu.dma_semaphore, #tpu.memory_space<semaphore_mem>>) src(%arg19 : memref<64x128xf32, #tpu.memory_space<vmem>>) dst(%dma_wait3A_670 : memref<10112x128xf32, #tpu.memory_space<vmem_shared>>)
        %scan3A_671 = arith.constant 0 : i32
        scf.yield %scan3A_671 : i32
      }
      %scan3A_109 = arith.constant 8 : i32
      %scan3A_110 = arith.constant 0 : i32
      scf.yield %scan3A_110 : i32
    }
    %scan3A_10 = arith.constant 10 : i32
    %barrier3A_11 = arith.constant 0 : index
    tpu.barrier barrier_id(%barrier3A_11)
    "tpu.region"() ({
      %run_scoped3A = tpu.sem_alloc : memref<!tpu.dma_semaphore, #tpu.memory_space<semaphore_mem>>
      %dma_start3A = arith.constant 0 : i32
      %dma_start3A_12 = arith.constant 0 : i32
      %dma_start3A_13 = tpu.memref_slice %arg9[%arg0, %dma_start3A, %dma_start3A_12] : memref<2x10112x128xf32, #tpu.memory_space<hbm>> -> memref<1x10112x128xf32, #tpu.memory_space<hbm>>
      %dma_start3A_14 = tpu.memref_squeeze %dma_start3A_13 : memref<1x10112x128xf32, #tpu.memory_space<hbm>> -> memref<10112x128xf32, #tpu.memory_space<hbm>>
      %dma_start3A_15 = arith.constant 0 : i32
      %dma_start3A_16 = tpu.memref_slice %dma_start3A_14[%multiple_of3A, %dma_start3A_15] : memref<10112x128xf32, #tpu.memory_space<hbm>> -> memref<632x128xf32, #tpu.memory_space<hbm>>
      %dma_start3A_17 = arith.constant 0 : i32
      %dma_start3A_18 = tpu.memref_slice %arg21[%multiple_of3A, %dma_start3A_17] : memref<10112x128xf32, #tpu.memory_space<vmem_shared>> -> memref<632x128xf32, #tpu.memory_space<vmem_shared>>
      tpu.enqueue_dma source(%dma_start3A_18 : memref<632x128xf32, #tpu.memory_space<vmem_shared>>) target(%dma_start3A_16 : memref<632x128xf32, #tpu.memory_space<hbm>>) target_semaphore(%run_scoped3A : memref<!tpu.dma_semaphore, #tpu.memory_space<semaphore_mem>>)
      %dma_wait3A = arith.constant 0 : i32
      %dma_wait3A_19 = arith.constant 0 : i32
      %dma_wait3A_20 = tpu.memref_slice %arg9[%arg0, %dma_wait3A, %dma_wait3A_19] : memref<2x10112x128xf32, #tpu.memory_space<hbm>> -> memref<1x10112x128xf32, #tpu.memory_space<hbm>>
      %dma_wait3A_21 = tpu.memref_squeeze %dma_wait3A_20 : memref<1x10112x128xf32, #tpu.memory_space<hbm>> -> memref<10112x128xf32, #tpu.memory_space<hbm>>
      %dma_wait3A_22 = arith.constant 0 : i32
      %dma_wait3A_23 = tpu.memref_slice %dma_wait3A_21[%multiple_of3A, %dma_wait3A_22] : memref<10112x128xf32, #tpu.memory_space<hbm>> -> memref<632x128xf32, #tpu.memory_space<hbm>>
      %dma_wait3A_24 = arith.constant 0 : i32
      %dma_wait3A_25 = tpu.memref_slice %arg21[%multiple_of3A, %dma_wait3A_24] : memref<10112x128xf32, #tpu.memory_space<vmem_shared>> -> memref<632x128xf32, #tpu.memory_space<vmem_shared>>
      tpu.wait_dma2 semaphore(%run_scoped3A : memref<!tpu.dma_semaphore, #tpu.memory_space<semaphore_mem>>) src(%dma_wait3A_25 : memref<632x128xf32, #tpu.memory_space<vmem_shared>>) dst(%dma_wait3A_23 : memref<632x128xf32, #tpu.memory_space<hbm>>)
      tpu.yield
    }) : () -> ()
    return
  }
}

#map = affine_map<(d0, d1) -> (0, 0)>
#map1 = affine_map<(d0, d1) -> (0, 0, 0)>
module attributes {stable_mosaic.version = 14 : i64} {
  func.func @_k3_body(%arg0: i32, %arg1: i32, %arg2: memref<2560x128xi32, #tpu.memory_space<hbm>>, %arg3: memref<2560x128xi32, #tpu.memory_space<hbm>>, %arg4: memref<327680x16xf32, #tpu.memory_space<hbm>>, %arg5: memref<10112x16xf32, #tpu.memory_space<hbm>>, %arg6: memref<10112x16xf32, #tpu.memory_space<hbm>>, %arg7: memref<10112x16xf32, #tpu.memory_space<hbm>>, %arg8: memref<327680x16xf32, #tpu.memory_space<hbm>>, %arg9: memref<2x10112x16xf32, #tpu.memory_space<hbm>>, %arg10: memref<8x128xi32, #tpu.memory_space<vmem>>, %arg11: memref<8x128xi32, #tpu.memory_space<vmem>>, %arg12: memref<1024x16xf32, #tpu.memory_space<vmem>>, %arg13: memref<1024x16xf32, #tpu.memory_space<vmem>>, %arg14: memref<1024x16xf32, #tpu.memory_space<vmem>>, %arg15: memref<1024x16xf32, #tpu.memory_space<vmem>>, %arg16: memref<10112x16xf32, #tpu.memory_space<vmem_shared>>, %arg17: memref<!tpu.dma_semaphore, #tpu.memory_space<semaphore_mem>>, %arg18: memref<!tpu.dma_semaphore, #tpu.memory_space<semaphore_mem>>, %arg19: memref<!tpu.dma_semaphore, #tpu.memory_space<semaphore_mem>>, %arg20: memref<!tpu.dma_semaphore, #tpu.memory_space<semaphore_mem>>) attributes {dimension_semantics = [#tpu.dimension_semantics<core_parallel>, #tpu.dimension_semantics<subcore_parallel>], iteration_bounds = array<i64: 2, 16>, scalar_prefetch = 0 : i64, scratch_operands = 11 : i64, tpu.core_type = #tpu.core_type<sc_vector_subcore>, window_params = [{transform_indices = #map}, {transform_indices = #map}, {transform_indices = #map}, {transform_indices = #map}, {transform_indices = #map}, {transform_indices = #map}, {transform_indices = #map}, {transform_indices = #map1}]} {
    %mul3A = arith.constant 2 : i32
    %mul3A_0 = arith.muli %arg1, %mul3A : i32
    %add3A = arith.addi %mul3A_0, %arg0 : i32
    %mul3A_1 = arith.constant 632 : i32
    %mul3A_2 = arith.muli %arg1, %mul3A_1 : i32
    %multiple_of3A = tpu.assume_multiple %mul3A_2, 8 : i32
    "tpu.region"() ({
      %run_scoped3A = tpu.sem_alloc : memref<!tpu.dma_semaphore, #tpu.memory_space<semaphore_mem>>
      %dma_start3A = arith.constant 0 : i32
      %dma_start3A_10 = tpu.memref_slice %arg16[%multiple_of3A, %dma_start3A] : memref<10112x16xf32, #tpu.memory_space<vmem_shared>> -> memref<632x16xf32, #tpu.memory_space<vmem_shared>>
      %dma_start3A_11 = arith.constant 0 : i32
      %dma_start3A_12 = tpu.memref_slice %arg7[%multiple_of3A, %dma_start3A_11] : memref<10112x16xf32, #tpu.memory_space<hbm>> -> memref<632x16xf32, #tpu.memory_space<hbm>>
      tpu.enqueue_dma source(%dma_start3A_12 : memref<632x16xf32, #tpu.memory_space<hbm>>) target(%dma_start3A_10 : memref<632x16xf32, #tpu.memory_space<vmem_shared>>) target_semaphore(%run_scoped3A : memref<!tpu.dma_semaphore, #tpu.memory_space<semaphore_mem>>)
      %dma_wait3A = arith.constant 0 : i32
      %dma_wait3A_13 = tpu.memref_slice %arg16[%multiple_of3A, %dma_wait3A] : memref<10112x16xf32, #tpu.memory_space<vmem_shared>> -> memref<632x16xf32, #tpu.memory_space<vmem_shared>>
      %dma_wait3A_14 = arith.constant 0 : i32
      %dma_wait3A_15 = tpu.memref_slice %arg7[%multiple_of3A, %dma_wait3A_14] : memref<10112x16xf32, #tpu.memory_space<hbm>> -> memref<632x16xf32, #tpu.memory_space<hbm>>
      tpu.wait_dma2 semaphore(%run_scoped3A : memref<!tpu.dma_semaphore, #tpu.memory_space<semaphore_mem>>) src(%dma_wait3A_15 : memref<632x16xf32, #tpu.memory_space<hbm>>) dst(%dma_wait3A_13 : memref<632x16xf32, #tpu.memory_space<vmem_shared>>)
      tpu.yield
    }) : () -> ()
    %barrier3A = arith.constant 0 : index
    tpu.barrier barrier_id(%barrier3A)
    %scan3A = arith.constant 0 : i32
    %scan3A_3 = arith.constant 0 : i32
    %scan3A_4 = arith.constant 10 : i32
    %scan3A_5 = arith.addi %scan3A_3, %scan3A_4 : i32
    %scan3A_6 = arith.constant 1 : i32
    %scan3A_7 = scf.for %scan3A_10 = %scan3A_3 to %scan3A_5 step %scan3A_6 iter_args(%scan3A_11 = %scan3A) -> (i32)  : i32 {
      %mul3A_12 = arith.constant 10240 : i32
      %mul3A_13 = arith.muli %add3A, %mul3A_12 : i32
      %mul3A_14 = arith.constant 1024 : i32
      %mul3A_15 = arith.muli %scan3A_10, %mul3A_14 : i32
      %add3A_16 = arith.addi %mul3A_13, %mul3A_15 : i32
      %multiple_of3A_17 = tpu.assume_multiple %add3A_16, 8 : i32
      %jit3A = arith.constant 128 : i32
      %div3A = arith.divsi %multiple_of3A_17, %jit3A : i32
      %sign3A = arith.constant 0 : i32
      %sign3A_18 = arith.cmpi sgt, %multiple_of3A_17, %sign3A : i32
      %sign3A_19 = arith.extui %sign3A_18 : i1 to i32
      %sign3A_20 = arith.constant 0 : i32
      %sign3A_21 = arith.cmpi slt, %multiple_of3A_17, %sign3A_20 : i32
      %sign3A_22 = arith.extui %sign3A_21 : i1 to i32
      %sign3A_23 = arith.subi %sign3A_19, %sign3A_22 : i32
      %sign3A_24 = arith.constant 0 : i32
      %sign3A_25 = arith.cmpi sgt, %jit3A, %sign3A_24 : i32
      %sign3A_26 = arith.extui %sign3A_25 : i1 to i32
      %sign3A_27 = arith.constant 0 : i32
      %sign3A_28 = arith.cmpi slt, %jit3A, %sign3A_27 : i32
      %sign3A_29 = arith.extui %sign3A_28 : i1 to i32
      %sign3A_30 = arith.subi %sign3A_26, %sign3A_29 : i32
      %ne3A = arith.cmpi ne, %sign3A_23, %sign3A_30 : i32
      %rem3A = arith.remsi %multiple_of3A_17, %jit3A : i32
      %ne3A_31 = arith.constant 0 : i32
      %ne3A_32 = arith.cmpi ne, %rem3A, %ne3A_31 : i32
      %and3A = arith.andi %ne3A, %ne3A_32 : i1
      %sub3A = arith.constant 1 : i32
      %sub3A_33 = arith.subi %div3A, %sub3A : i32
      %select_n3A = arith.select %and3A, %sub3A_33, %div3A : i32
      %multiple_of3A_34 = tpu.assume_multiple %select_n3A, 8 : i32
      %dma_start3A = arith.constant 0 : i32
      %dma_start3A_35 = tpu.memref_slice %arg2[%multiple_of3A_34, %dma_start3A] : memref<2560x128xi32, #tpu.memory_space<hbm>> -> memref<8x128xi32, #tpu.memory_space<hbm>>
      %dma_start3A_36 = arith.constant 0 : i32
      %dma_start3A_37 = tpu.memref_slice %arg2[%multiple_of3A_34, %dma_start3A_36] : memref<2560x128xi32, #tpu.memory_space<hbm>> -> memref<8x128xi32, #tpu.memory_space<hbm>>
      tpu.enqueue_dma source(%dma_start3A_37 : memref<8x128xi32, #tpu.memory_space<hbm>>) target(%arg10 : memref<8x128xi32, #tpu.memory_space<vmem>>) target_semaphore(%arg17 : memref<!tpu.dma_semaphore, #tpu.memory_space<semaphore_mem>>)
      %dma_start3A_38 = arith.constant 0 : i32
      %dma_start3A_39 = tpu.memref_slice %arg3[%multiple_of3A_34, %dma_start3A_38] : memref<2560x128xi32, #tpu.memory_space<hbm>> -> memref<8x128xi32, #tpu.memory_space<hbm>>
      %dma_start3A_40 = arith.constant 0 : i32
      %dma_start3A_41 = tpu.memref_slice %arg3[%multiple_of3A_34, %dma_start3A_40] : memref<2560x128xi32, #tpu.memory_space<hbm>> -> memref<8x128xi32, #tpu.memory_space<hbm>>
      tpu.enqueue_dma source(%dma_start3A_41 : memref<8x128xi32, #tpu.memory_space<hbm>>) target(%arg11 : memref<8x128xi32, #tpu.memory_space<vmem>>) target_semaphore(%arg17 : memref<!tpu.dma_semaphore, #tpu.memory_space<semaphore_mem>>)
      %dma_start3A_42 = arith.constant 0 : i32
      %dma_start3A_43 = tpu.memref_slice %arg4[%multiple_of3A_17, %dma_start3A_42] : memref<327680x16xf32, #tpu.memory_space<hbm>> -> memref<1024x16xf32, #tpu.memory_space<hbm>>
      %dma_start3A_44 = arith.constant 0 : i32
      %dma_start3A_45 = tpu.memref_slice %arg4[%multiple_of3A_17, %dma_start3A_44] : memref<327680x16xf32, #tpu.memory_space<hbm>> -> memref<1024x16xf32, #tpu.memory_space<hbm>>
      tpu.enqueue_dma source(%dma_start3A_45 : memref<1024x16xf32, #tpu.memory_space<hbm>>) target(%arg12 : memref<1024x16xf32, #tpu.memory_space<vmem>>) target_semaphore(%arg18 : memref<!tpu.dma_semaphore, #tpu.memory_space<semaphore_mem>>)
      %dma_wait3A = arith.constant 0 : i32
      %dma_wait3A_46 = tpu.memref_slice %arg2[%multiple_of3A_34, %dma_wait3A] : memref<2560x128xi32, #tpu.memory_space<hbm>> -> memref<8x128xi32, #tpu.memory_space<hbm>>
      %dma_wait3A_47 = arith.constant 0 : i32
      %dma_wait3A_48 = tpu.memref_slice %arg2[%multiple_of3A_34, %dma_wait3A_47] : memref<2560x128xi32, #tpu.memory_space<hbm>> -> memref<8x128xi32, #tpu.memory_space<hbm>>
      tpu.wait_dma2 semaphore(%arg17 : memref<!tpu.dma_semaphore, #tpu.memory_space<semaphore_mem>>) src(%dma_wait3A_48 : memref<8x128xi32, #tpu.memory_space<hbm>>) dst(%arg10 : memref<8x128xi32, #tpu.memory_space<vmem>>)
      %dma_wait3A_49 = arith.constant 0 : i32
      %dma_wait3A_50 = tpu.memref_slice %arg3[%multiple_of3A_34, %dma_wait3A_49] : memref<2560x128xi32, #tpu.memory_space<hbm>> -> memref<8x128xi32, #tpu.memory_space<hbm>>
      %dma_wait3A_51 = arith.constant 0 : i32
      %dma_wait3A_52 = tpu.memref_slice %arg3[%multiple_of3A_34, %dma_wait3A_51] : memref<2560x128xi32, #tpu.memory_space<hbm>> -> memref<8x128xi32, #tpu.memory_space<hbm>>
      tpu.wait_dma2 semaphore(%arg17 : memref<!tpu.dma_semaphore, #tpu.memory_space<semaphore_mem>>) src(%dma_wait3A_52 : memref<8x128xi32, #tpu.memory_space<hbm>>) dst(%arg11 : memref<8x128xi32, #tpu.memory_space<vmem>>)
      %dma_start3A_53 = arith.constant 0 : i32
      %dma_start3A_54 = arith.constant 0 : i32
      %dma_start3A_55 = arith.constant 0 : i32
      %dma_start3A_56 = tpu.memref_slice %arg13[%dma_start3A_54, %dma_start3A_55] : memref<1024x16xf32, #tpu.memory_space<vmem>> -> memref<128x16xf32, #tpu.memory_space<vmem>>
      %dma_start3A_57 = arith.constant 0 : i32
      %dma_start3A_58 = tpu.memref_slice %arg10[%dma_start3A_53, %dma_start3A_57] : memref<8x128xi32, #tpu.memory_space<vmem>> -> memref<1x128xi32, #tpu.memory_space<vmem>>
      %dma_start3A_59 = tpu.memref_squeeze %dma_start3A_58 : memref<1x128xi32, #tpu.memory_space<vmem>> -> memref<128xi32, #tpu.memory_space<vmem>>
      %dma_start3A_60 = arith.constant 0 : i32
      %dma_start3A_61 = arith.constant 0 : i32
      %dma_start3A_62 = tpu.memref_slice %arg5[%dma_start3A_60, %dma_start3A_61] : memref<10112x16xf32, #tpu.memory_space<hbm>> -> memref<10112x16xf32, #tpu.memory_space<hbm>>
      tpu.enqueue_indirect_dma source(%dma_start3A_62 : memref<10112x16xf32, #tpu.memory_space<hbm>>) target(%dma_start3A_56 : memref<128x16xf32, #tpu.memory_space<vmem>>) offsets(%dma_start3A_59 : memref<128xi32, #tpu.memory_space<vmem>>) semaphore(%arg19 : memref<!tpu.dma_semaphore, #tpu.memory_space<semaphore_mem>>)
      %dma_start3A_63 = arith.constant 0 : i32
      %dma_start3A_64 = arith.constant 0 : i32
      %dma_start3A_65 = arith.constant 0 : i32
      %dma_start3A_66 = tpu.memref_slice %arg14[%dma_start3A_64, %dma_start3A_65] : memref<1024x16xf32, #tpu.memory_space<vmem>> -> memref<128x16xf32, #tpu.memory_space<vmem>>
      %dma_start3A_67 = arith.constant 0 : i32
      %dma_start3A_68 = tpu.memref_slice %arg11[%dma_start3A_63, %dma_start3A_67] : memref<8x128xi32, #tpu.memory_space<vmem>> -> memref<1x128xi32, #tpu.memory_space<vmem>>
      %dma_start3A_69 = tpu.memref_squeeze %dma_start3A_68 : memref<1x128xi32, #tpu.memory_space<vmem>> -> memref<128xi32, #tpu.memory_space<vmem>>
      %dma_start3A_70 = arith.constant 0 : i32
      %dma_start3A_71 = arith.constant 0 : i32
      %dma_start3A_72 = tpu.memref_slice %arg6[%dma_start3A_70, %dma_start3A_71] : memref<10112x16xf32, #tpu.memory_space<hbm>> -> memref<10112x16xf32, #tpu.memory_space<hbm>>
      tpu.enqueue_indirect_dma source(%dma_start3A_72 : memref<10112x16xf32, #tpu.memory_space<hbm>>) target(%dma_start3A_66 : memref<128x16xf32, #tpu.memory_space<vmem>>) offsets(%dma_start3A_69 : memref<128xi32, #tpu.memory_space<vmem>>) semaphore(%arg19 : memref<!tpu.dma_semaphore, #tpu.memory_space<semaphore_mem>>)
      %dma_start3A_73 = arith.constant 1 : i32
      %dma_start3A_74 = arith.constant 128 : i32
      %dma_start3A_75 = arith.constant 0 : i32
      %dma_start3A_76 = tpu.memref_slice %arg13[%dma_start3A_74, %dma_start3A_75] : memref<1024x16xf32, #tpu.memory_space<vmem>> -> memref<128x16xf32, #tpu.memory_space<vmem>>
      %dma_start3A_77 = arith.constant 0 : i32
      %dma_start3A_78 = tpu.memref_slice %arg10[%dma_start3A_73, %dma_start3A_77] : memref<8x128xi32, #tpu.memory_space<vmem>> -> memref<1x128xi32, #tpu.memory_space<vmem>>
      %dma_start3A_79 = tpu.memref_squeeze %dma_start3A_78 : memref<1x128xi32, #tpu.memory_space<vmem>> -> memref<128xi32, #tpu.memory_space<vmem>>
      %dma_start3A_80 = arith.constant 0 : i32
      %dma_start3A_81 = arith.constant 0 : i32
      %dma_start3A_82 = tpu.memref_slice %arg5[%dma_start3A_80, %dma_start3A_81] : memref<10112x16xf32, #tpu.memory_space<hbm>> -> memref<10112x16xf32, #tpu.memory_space<hbm>>
      tpu.enqueue_indirect_dma source(%dma_start3A_82 : memref<10112x16xf32, #tpu.memory_space<hbm>>) target(%dma_start3A_76 : memref<128x16xf32, #tpu.memory_space<vmem>>) offsets(%dma_start3A_79 : memref<128xi32, #tpu.memory_space<vmem>>) semaphore(%arg19 : memref<!tpu.dma_semaphore, #tpu.memory_space<semaphore_mem>>)
      %dma_start3A_83 = arith.constant 1 : i32
      %dma_start3A_84 = arith.constant 128 : i32
      %dma_start3A_85 = arith.constant 0 : i32
      %dma_start3A_86 = tpu.memref_slice %arg14[%dma_start3A_84, %dma_start3A_85] : memref<1024x16xf32, #tpu.memory_space<vmem>> -> memref<128x16xf32, #tpu.memory_space<vmem>>
      %dma_start3A_87 = arith.constant 0 : i32
      %dma_start3A_88 = tpu.memref_slice %arg11[%dma_start3A_83, %dma_start3A_87] : memref<8x128xi32, #tpu.memory_space<vmem>> -> memref<1x128xi32, #tpu.memory_space<vmem>>
      %dma_start3A_89 = tpu.memref_squeeze %dma_start3A_88 : memref<1x128xi32, #tpu.memory_space<vmem>> -> memref<128xi32, #tpu.memory_space<vmem>>
      %dma_start3A_90 = arith.constant 0 : i32
      %dma_start3A_91 = arith.constant 0 : i32
      %dma_start3A_92 = tpu.memref_slice %arg6[%dma_start3A_90, %dma_start3A_91] : memref<10112x16xf32, #tpu.memory_space<hbm>> -> memref<10112x16xf32, #tpu.memory_space<hbm>>
      tpu.enqueue_indirect_dma source(%dma_start3A_92 : memref<10112x16xf32, #tpu.memory_space<hbm>>) target(%dma_start3A_86 : memref<128x16xf32, #tpu.memory_space<vmem>>) offsets(%dma_start3A_89 : memref<128xi32, #tpu.memory_space<vmem>>) semaphore(%arg19 : memref<!tpu.dma_semaphore, #tpu.memory_space<semaphore_mem>>)
      %dma_start3A_93 = arith.constant 2 : i32
      %dma_start3A_94 = arith.constant 256 : i32
      %dma_start3A_95 = arith.constant 0 : i32
      %dma_start3A_96 = tpu.memref_slice %arg13[%dma_start3A_94, %dma_start3A_95] : memref<1024x16xf32, #tpu.memory_space<vmem>> -> memref<128x16xf32, #tpu.memory_space<vmem>>
      %dma_start3A_97 = arith.constant 0 : i32
      %dma_start3A_98 = tpu.memref_slice %arg10[%dma_start3A_93, %dma_start3A_97] : memref<8x128xi32, #tpu.memory_space<vmem>> -> memref<1x128xi32, #tpu.memory_space<vmem>>
      %dma_start3A_99 = tpu.memref_squeeze %dma_start3A_98 : memref<1x128xi32, #tpu.memory_space<vmem>> -> memref<128xi32, #tpu.memory_space<vmem>>
      %dma_start3A_100 = arith.constant 0 : i32
      %dma_start3A_101 = arith.constant 0 : i32
      %dma_start3A_102 = tpu.memref_slice %arg5[%dma_start3A_100, %dma_start3A_101] : memref<10112x16xf32, #tpu.memory_space<hbm>> -> memref<10112x16xf32, #tpu.memory_space<hbm>>
      tpu.enqueue_indirect_dma source(%dma_start3A_102 : memref<10112x16xf32, #tpu.memory_space<hbm>>) target(%dma_start3A_96 : memref<128x16xf32, #tpu.memory_space<vmem>>) offsets(%dma_start3A_99 : memref<128xi32, #tpu.memory_space<vmem>>) semaphore(%arg19 : memref<!tpu.dma_semaphore, #tpu.memory_space<semaphore_mem>>)
      %dma_start3A_103 = arith.constant 2 : i32
      %dma_start3A_104 = arith.constant 256 : i32
      %dma_start3A_105 = arith.constant 0 : i32
      %dma_start3A_106 = tpu.memref_slice %arg14[%dma_start3A_104, %dma_start3A_105] : memref<1024x16xf32, #tpu.memory_space<vmem>> -> memref<128x16xf32, #tpu.memory_space<vmem>>
      %dma_start3A_107 = arith.constant 0 : i32
      %dma_start3A_108 = tpu.memref_slice %arg11[%dma_start3A_103, %dma_start3A_107] : memref<8x128xi32, #tpu.memory_space<vmem>> -> memref<1x128xi32, #tpu.memory_space<vmem>>
      %dma_start3A_109 = tpu.memref_squeeze %dma_start3A_108 : memref<1x128xi32, #tpu.memory_space<vmem>> -> memref<128xi32, #tpu.memory_space<vmem>>
      %dma_start3A_110 = arith.constant 0 : i32
      %dma_start3A_111 = arith.constant 0 : i32
      %dma_start3A_112 = tpu.memref_slice %arg6[%dma_start3A_110, %dma_start3A_111] : memref<10112x16xf32, #tpu.memory_space<hbm>> -> memref<10112x16xf32, #tpu.memory_space<hbm>>
      tpu.enqueue_indirect_dma source(%dma_start3A_112 : memref<10112x16xf32, #tpu.memory_space<hbm>>) target(%dma_start3A_106 : memref<128x16xf32, #tpu.memory_space<vmem>>) offsets(%dma_start3A_109 : memref<128xi32, #tpu.memory_space<vmem>>) semaphore(%arg19 : memref<!tpu.dma_semaphore, #tpu.memory_space<semaphore_mem>>)
      %dma_start3A_113 = arith.constant 3 : i32
      %dma_start3A_114 = arith.constant 384 : i32
      %dma_start3A_115 = arith.constant 0 : i32
      %dma_start3A_116 = tpu.memref_slice %arg13[%dma_start3A_114, %dma_start3A_115] : memref<1024x16xf32, #tpu.memory_space<vmem>> -> memref<128x16xf32, #tpu.memory_space<vmem>>
      %dma_start3A_117 = arith.constant 0 : i32
      %dma_start3A_118 = tpu.memref_slice %arg10[%dma_start3A_113, %dma_start3A_117] : memref<8x128xi32, #tpu.memory_space<vmem>> -> memref<1x128xi32, #tpu.memory_space<vmem>>
      %dma_start3A_119 = tpu.memref_squeeze %dma_start3A_118 : memref<1x128xi32, #tpu.memory_space<vmem>> -> memref<128xi32, #tpu.memory_space<vmem>>
      %dma_start3A_120 = arith.constant 0 : i32
      %dma_start3A_121 = arith.constant 0 : i32
      %dma_start3A_122 = tpu.memref_slice %arg5[%dma_start3A_120, %dma_start3A_121] : memref<10112x16xf32, #tpu.memory_space<hbm>> -> memref<10112x16xf32, #tpu.memory_space<hbm>>
      tpu.enqueue_indirect_dma source(%dma_start3A_122 : memref<10112x16xf32, #tpu.memory_space<hbm>>) target(%dma_start3A_116 : memref<128x16xf32, #tpu.memory_space<vmem>>) offsets(%dma_start3A_119 : memref<128xi32, #tpu.memory_space<vmem>>) semaphore(%arg19 : memref<!tpu.dma_semaphore, #tpu.memory_space<semaphore_mem>>)
      %dma_start3A_123 = arith.constant 3 : i32
      %dma_start3A_124 = arith.constant 384 : i32
      %dma_start3A_125 = arith.constant 0 : i32
      %dma_start3A_126 = tpu.memref_slice %arg14[%dma_start3A_124, %dma_start3A_125] : memref<1024x16xf32, #tpu.memory_space<vmem>> -> memref<128x16xf32, #tpu.memory_space<vmem>>
      %dma_start3A_127 = arith.constant 0 : i32
      %dma_start3A_128 = tpu.memref_slice %arg11[%dma_start3A_123, %dma_start3A_127] : memref<8x128xi32, #tpu.memory_space<vmem>> -> memref<1x128xi32, #tpu.memory_space<vmem>>
      %dma_start3A_129 = tpu.memref_squeeze %dma_start3A_128 : memref<1x128xi32, #tpu.memory_space<vmem>> -> memref<128xi32, #tpu.memory_space<vmem>>
      %dma_start3A_130 = arith.constant 0 : i32
      %dma_start3A_131 = arith.constant 0 : i32
      %dma_start3A_132 = tpu.memref_slice %arg6[%dma_start3A_130, %dma_start3A_131] : memref<10112x16xf32, #tpu.memory_space<hbm>> -> memref<10112x16xf32, #tpu.memory_space<hbm>>
      tpu.enqueue_indirect_dma source(%dma_start3A_132 : memref<10112x16xf32, #tpu.memory_space<hbm>>) target(%dma_start3A_126 : memref<128x16xf32, #tpu.memory_space<vmem>>) offsets(%dma_start3A_129 : memref<128xi32, #tpu.memory_space<vmem>>) semaphore(%arg19 : memref<!tpu.dma_semaphore, #tpu.memory_space<semaphore_mem>>)
      %dma_start3A_133 = arith.constant 4 : i32
      %dma_start3A_134 = arith.constant 512 : i32
      %dma_start3A_135 = arith.constant 0 : i32
      %dma_start3A_136 = tpu.memref_slice %arg13[%dma_start3A_134, %dma_start3A_135] : memref<1024x16xf32, #tpu.memory_space<vmem>> -> memref<128x16xf32, #tpu.memory_space<vmem>>
      %dma_start3A_137 = arith.constant 0 : i32
      %dma_start3A_138 = tpu.memref_slice %arg10[%dma_start3A_133, %dma_start3A_137] : memref<8x128xi32, #tpu.memory_space<vmem>> -> memref<1x128xi32, #tpu.memory_space<vmem>>
      %dma_start3A_139 = tpu.memref_squeeze %dma_start3A_138 : memref<1x128xi32, #tpu.memory_space<vmem>> -> memref<128xi32, #tpu.memory_space<vmem>>
      %dma_start3A_140 = arith.constant 0 : i32
      %dma_start3A_141 = arith.constant 0 : i32
      %dma_start3A_142 = tpu.memref_slice %arg5[%dma_start3A_140, %dma_start3A_141] : memref<10112x16xf32, #tpu.memory_space<hbm>> -> memref<10112x16xf32, #tpu.memory_space<hbm>>
      tpu.enqueue_indirect_dma source(%dma_start3A_142 : memref<10112x16xf32, #tpu.memory_space<hbm>>) target(%dma_start3A_136 : memref<128x16xf32, #tpu.memory_space<vmem>>) offsets(%dma_start3A_139 : memref<128xi32, #tpu.memory_space<vmem>>) semaphore(%arg19 : memref<!tpu.dma_semaphore, #tpu.memory_space<semaphore_mem>>)
      %dma_start3A_143 = arith.constant 4 : i32
      %dma_start3A_144 = arith.constant 512 : i32
      %dma_start3A_145 = arith.constant 0 : i32
      %dma_start3A_146 = tpu.memref_slice %arg14[%dma_start3A_144, %dma_start3A_145] : memref<1024x16xf32, #tpu.memory_space<vmem>> -> memref<128x16xf32, #tpu.memory_space<vmem>>
      %dma_start3A_147 = arith.constant 0 : i32
      %dma_start3A_148 = tpu.memref_slice %arg11[%dma_start3A_143, %dma_start3A_147] : memref<8x128xi32, #tpu.memory_space<vmem>> -> memref<1x128xi32, #tpu.memory_space<vmem>>
      %dma_start3A_149 = tpu.memref_squeeze %dma_start3A_148 : memref<1x128xi32, #tpu.memory_space<vmem>> -> memref<128xi32, #tpu.memory_space<vmem>>
      %dma_start3A_150 = arith.constant 0 : i32
      %dma_start3A_151 = arith.constant 0 : i32
      %dma_start3A_152 = tpu.memref_slice %arg6[%dma_start3A_150, %dma_start3A_151] : memref<10112x16xf32, #tpu.memory_space<hbm>> -> memref<10112x16xf32, #tpu.memory_space<hbm>>
      tpu.enqueue_indirect_dma source(%dma_start3A_152 : memref<10112x16xf32, #tpu.memory_space<hbm>>) target(%dma_start3A_146 : memref<128x16xf32, #tpu.memory_space<vmem>>) offsets(%dma_start3A_149 : memref<128xi32, #tpu.memory_space<vmem>>) semaphore(%arg19 : memref<!tpu.dma_semaphore, #tpu.memory_space<semaphore_mem>>)
      %dma_start3A_153 = arith.constant 5 : i32
      %dma_start3A_154 = arith.constant 640 : i32
      %dma_start3A_155 = arith.constant 0 : i32
      %dma_start3A_156 = tpu.memref_slice %arg13[%dma_start3A_154, %dma_start3A_155] : memref<1024x16xf32, #tpu.memory_space<vmem>> -> memref<128x16xf32, #tpu.memory_space<vmem>>
      %dma_start3A_157 = arith.constant 0 : i32
      %dma_start3A_158 = tpu.memref_slice %arg10[%dma_start3A_153, %dma_start3A_157] : memref<8x128xi32, #tpu.memory_space<vmem>> -> memref<1x128xi32, #tpu.memory_space<vmem>>
      %dma_start3A_159 = tpu.memref_squeeze %dma_start3A_158 : memref<1x128xi32, #tpu.memory_space<vmem>> -> memref<128xi32, #tpu.memory_space<vmem>>
      %dma_start3A_160 = arith.constant 0 : i32
      %dma_start3A_161 = arith.constant 0 : i32
      %dma_start3A_162 = tpu.memref_slice %arg5[%dma_start3A_160, %dma_start3A_161] : memref<10112x16xf32, #tpu.memory_space<hbm>> -> memref<10112x16xf32, #tpu.memory_space<hbm>>
      tpu.enqueue_indirect_dma source(%dma_start3A_162 : memref<10112x16xf32, #tpu.memory_space<hbm>>) target(%dma_start3A_156 : memref<128x16xf32, #tpu.memory_space<vmem>>) offsets(%dma_start3A_159 : memref<128xi32, #tpu.memory_space<vmem>>) semaphore(%arg19 : memref<!tpu.dma_semaphore, #tpu.memory_space<semaphore_mem>>)
      %dma_start3A_163 = arith.constant 5 : i32
      %dma_start3A_164 = arith.constant 640 : i32
      %dma_start3A_165 = arith.constant 0 : i32
      %dma_start3A_166 = tpu.memref_slice %arg14[%dma_start3A_164, %dma_start3A_165] : memref<1024x16xf32, #tpu.memory_space<vmem>> -> memref<128x16xf32, #tpu.memory_space<vmem>>
      %dma_start3A_167 = arith.constant 0 : i32
      %dma_start3A_168 = tpu.memref_slice %arg11[%dma_start3A_163, %dma_start3A_167] : memref<8x128xi32, #tpu.memory_space<vmem>> -> memref<1x128xi32, #tpu.memory_space<vmem>>
      %dma_start3A_169 = tpu.memref_squeeze %dma_start3A_168 : memref<1x128xi32, #tpu.memory_space<vmem>> -> memref<128xi32, #tpu.memory_space<vmem>>
      %dma_start3A_170 = arith.constant 0 : i32
      %dma_start3A_171 = arith.constant 0 : i32
      %dma_start3A_172 = tpu.memref_slice %arg6[%dma_start3A_170, %dma_start3A_171] : memref<10112x16xf32, #tpu.memory_space<hbm>> -> memref<10112x16xf32, #tpu.memory_space<hbm>>
      tpu.enqueue_indirect_dma source(%dma_start3A_172 : memref<10112x16xf32, #tpu.memory_space<hbm>>) target(%dma_start3A_166 : memref<128x16xf32, #tpu.memory_space<vmem>>) offsets(%dma_start3A_169 : memref<128xi32, #tpu.memory_space<vmem>>) semaphore(%arg19 : memref<!tpu.dma_semaphore, #tpu.memory_space<semaphore_mem>>)
      %dma_start3A_173 = arith.constant 6 : i32
      %dma_start3A_174 = arith.constant 768 : i32
      %dma_start3A_175 = arith.constant 0 : i32
      %dma_start3A_176 = tpu.memref_slice %arg13[%dma_start3A_174, %dma_start3A_175] : memref<1024x16xf32, #tpu.memory_space<vmem>> -> memref<128x16xf32, #tpu.memory_space<vmem>>
      %dma_start3A_177 = arith.constant 0 : i32
      %dma_start3A_178 = tpu.memref_slice %arg10[%dma_start3A_173, %dma_start3A_177] : memref<8x128xi32, #tpu.memory_space<vmem>> -> memref<1x128xi32, #tpu.memory_space<vmem>>
      %dma_start3A_179 = tpu.memref_squeeze %dma_start3A_178 : memref<1x128xi32, #tpu.memory_space<vmem>> -> memref<128xi32, #tpu.memory_space<vmem>>
      %dma_start3A_180 = arith.constant 0 : i32
      %dma_start3A_181 = arith.constant 0 : i32
      %dma_start3A_182 = tpu.memref_slice %arg5[%dma_start3A_180, %dma_start3A_181] : memref<10112x16xf32, #tpu.memory_space<hbm>> -> memref<10112x16xf32, #tpu.memory_space<hbm>>
      tpu.enqueue_indirect_dma source(%dma_start3A_182 : memref<10112x16xf32, #tpu.memory_space<hbm>>) target(%dma_start3A_176 : memref<128x16xf32, #tpu.memory_space<vmem>>) offsets(%dma_start3A_179 : memref<128xi32, #tpu.memory_space<vmem>>) semaphore(%arg19 : memref<!tpu.dma_semaphore, #tpu.memory_space<semaphore_mem>>)
      %dma_start3A_183 = arith.constant 6 : i32
      %dma_start3A_184 = arith.constant 768 : i32
      %dma_start3A_185 = arith.constant 0 : i32
      %dma_start3A_186 = tpu.memref_slice %arg14[%dma_start3A_184, %dma_start3A_185] : memref<1024x16xf32, #tpu.memory_space<vmem>> -> memref<128x16xf32, #tpu.memory_space<vmem>>
      %dma_start3A_187 = arith.constant 0 : i32
      %dma_start3A_188 = tpu.memref_slice %arg11[%dma_start3A_183, %dma_start3A_187] : memref<8x128xi32, #tpu.memory_space<vmem>> -> memref<1x128xi32, #tpu.memory_space<vmem>>
      %dma_start3A_189 = tpu.memref_squeeze %dma_start3A_188 : memref<1x128xi32, #tpu.memory_space<vmem>> -> memref<128xi32, #tpu.memory_space<vmem>>
      %dma_start3A_190 = arith.constant 0 : i32
      %dma_start3A_191 = arith.constant 0 : i32
      %dma_start3A_192 = tpu.memref_slice %arg6[%dma_start3A_190, %dma_start3A_191] : memref<10112x16xf32, #tpu.memory_space<hbm>> -> memref<10112x16xf32, #tpu.memory_space<hbm>>
      tpu.enqueue_indirect_dma source(%dma_start3A_192 : memref<10112x16xf32, #tpu.memory_space<hbm>>) target(%dma_start3A_186 : memref<128x16xf32, #tpu.memory_space<vmem>>) offsets(%dma_start3A_189 : memref<128xi32, #tpu.memory_space<vmem>>) semaphore(%arg19 : memref<!tpu.dma_semaphore, #tpu.memory_space<semaphore_mem>>)
      %dma_start3A_193 = arith.constant 7 : i32
      %dma_start3A_194 = arith.constant 896 : i32
      %dma_start3A_195 = arith.constant 0 : i32
      %dma_start3A_196 = tpu.memref_slice %arg13[%dma_start3A_194, %dma_start3A_195] : memref<1024x16xf32, #tpu.memory_space<vmem>> -> memref<128x16xf32, #tpu.memory_space<vmem>>
      %dma_start3A_197 = arith.constant 0 : i32
      %dma_start3A_198 = tpu.memref_slice %arg10[%dma_start3A_193, %dma_start3A_197] : memref<8x128xi32, #tpu.memory_space<vmem>> -> memref<1x128xi32, #tpu.memory_space<vmem>>
      %dma_start3A_199 = tpu.memref_squeeze %dma_start3A_198 : memref<1x128xi32, #tpu.memory_space<vmem>> -> memref<128xi32, #tpu.memory_space<vmem>>
      %dma_start3A_200 = arith.constant 0 : i32
      %dma_start3A_201 = arith.constant 0 : i32
      %dma_start3A_202 = tpu.memref_slice %arg5[%dma_start3A_200, %dma_start3A_201] : memref<10112x16xf32, #tpu.memory_space<hbm>> -> memref<10112x16xf32, #tpu.memory_space<hbm>>
      tpu.enqueue_indirect_dma source(%dma_start3A_202 : memref<10112x16xf32, #tpu.memory_space<hbm>>) target(%dma_start3A_196 : memref<128x16xf32, #tpu.memory_space<vmem>>) offsets(%dma_start3A_199 : memref<128xi32, #tpu.memory_space<vmem>>) semaphore(%arg19 : memref<!tpu.dma_semaphore, #tpu.memory_space<semaphore_mem>>)
      %dma_start3A_203 = arith.constant 7 : i32
      %dma_start3A_204 = arith.constant 896 : i32
      %dma_start3A_205 = arith.constant 0 : i32
      %dma_start3A_206 = tpu.memref_slice %arg14[%dma_start3A_204, %dma_start3A_205] : memref<1024x16xf32, #tpu.memory_space<vmem>> -> memref<128x16xf32, #tpu.memory_space<vmem>>
      %dma_start3A_207 = arith.constant 0 : i32
      %dma_start3A_208 = tpu.memref_slice %arg11[%dma_start3A_203, %dma_start3A_207] : memref<8x128xi32, #tpu.memory_space<vmem>> -> memref<1x128xi32, #tpu.memory_space<vmem>>
      %dma_start3A_209 = tpu.memref_squeeze %dma_start3A_208 : memref<1x128xi32, #tpu.memory_space<vmem>> -> memref<128xi32, #tpu.memory_space<vmem>>
      %dma_start3A_210 = arith.constant 0 : i32
      %dma_start3A_211 = arith.constant 0 : i32
      %dma_start3A_212 = tpu.memref_slice %arg6[%dma_start3A_210, %dma_start3A_211] : memref<10112x16xf32, #tpu.memory_space<hbm>> -> memref<10112x16xf32, #tpu.memory_space<hbm>>
      tpu.enqueue_indirect_dma source(%dma_start3A_212 : memref<10112x16xf32, #tpu.memory_space<hbm>>) target(%dma_start3A_206 : memref<128x16xf32, #tpu.memory_space<vmem>>) offsets(%dma_start3A_209 : memref<128xi32, #tpu.memory_space<vmem>>) semaphore(%arg19 : memref<!tpu.dma_semaphore, #tpu.memory_space<semaphore_mem>>)
      %dma_wait3A_213 = arith.constant 0 : i32
      %dma_wait3A_214 = tpu.memref_slice %arg4[%multiple_of3A_17, %dma_wait3A_213] : memref<327680x16xf32, #tpu.memory_space<hbm>> -> memref<1024x16xf32, #tpu.memory_space<hbm>>
      %dma_wait3A_215 = arith.constant 0 : i32
      %dma_wait3A_216 = tpu.memref_slice %arg4[%multiple_of3A_17, %dma_wait3A_215] : memref<327680x16xf32, #tpu.memory_space<hbm>> -> memref<1024x16xf32, #tpu.memory_space<hbm>>
      tpu.wait_dma2 semaphore(%arg18 : memref<!tpu.dma_semaphore, #tpu.memory_space<semaphore_mem>>) src(%dma_wait3A_216 : memref<1024x16xf32, #tpu.memory_space<hbm>>) dst(%arg12 : memref<1024x16xf32, #tpu.memory_space<vmem>>)
      %dma_wait3A_217 = arith.constant 0 : i32
      %dma_wait3A_218 = arith.constant 0 : i32
      %dma_wait3A_219 = arith.constant 0 : i32
      %dma_wait3A_220 = tpu.memref_slice %arg13[%dma_wait3A_218, %dma_wait3A_219] : memref<1024x16xf32, #tpu.memory_space<vmem>> -> memref<128x16xf32, #tpu.memory_space<vmem>>
      %dma_wait3A_221 = arith.constant 0 : i32
      %dma_wait3A_222 = tpu.memref_slice %arg10[%dma_wait3A_217, %dma_wait3A_221] : memref<8x128xi32, #tpu.memory_space<vmem>> -> memref<1x128xi32, #tpu.memory_space<vmem>>
      %dma_wait3A_223 = tpu.memref_squeeze %dma_wait3A_222 : memref<1x128xi32, #tpu.memory_space<vmem>> -> memref<128xi32, #tpu.memory_space<vmem>>
      %dma_wait3A_224 = arith.constant 0 : i32
      %dma_wait3A_225 = arith.constant 0 : i32
      %dma_wait3A_226 = tpu.memref_slice %arg5[%dma_wait3A_224, %dma_wait3A_225] : memref<10112x16xf32, #tpu.memory_space<hbm>> -> memref<10112x16xf32, #tpu.memory_space<hbm>>
      tpu.wait_indirect_dma semaphore(%arg19 : memref<!tpu.dma_semaphore, #tpu.memory_space<semaphore_mem>>) src(%dma_wait3A_226 : memref<10112x16xf32, #tpu.memory_space<hbm>>) dst(%dma_wait3A_220 : memref<128x16xf32, #tpu.memory_space<vmem>>)
      %dma_wait3A_227 = arith.constant 0 : i32
      %dma_wait3A_228 = arith.constant 0 : i32
      %dma_wait3A_229 = arith.constant 0 : i32
      %dma_wait3A_230 = tpu.memref_slice %arg14[%dma_wait3A_228, %dma_wait3A_229] : memref<1024x16xf32, #tpu.memory_space<vmem>> -> memref<128x16xf32, #tpu.memory_space<vmem>>
      %dma_wait3A_231 = arith.constant 0 : i32
      %dma_wait3A_232 = tpu.memref_slice %arg11[%dma_wait3A_227, %dma_wait3A_231] : memref<8x128xi32, #tpu.memory_space<vmem>> -> memref<1x128xi32, #tpu.memory_space<vmem>>
      %dma_wait3A_233 = tpu.memref_squeeze %dma_wait3A_232 : memref<1x128xi32, #tpu.memory_space<vmem>> -> memref<128xi32, #tpu.memory_space<vmem>>
      %dma_wait3A_234 = arith.constant 0 : i32
      %dma_wait3A_235 = arith.constant 0 : i32
      %dma_wait3A_236 = tpu.memref_slice %arg6[%dma_wait3A_234, %dma_wait3A_235] : memref<10112x16xf32, #tpu.memory_space<hbm>> -> memref<10112x16xf32, #tpu.memory_space<hbm>>
      tpu.wait_indirect_dma semaphore(%arg19 : memref<!tpu.dma_semaphore, #tpu.memory_space<semaphore_mem>>) src(%dma_wait3A_236 : memref<10112x16xf32, #tpu.memory_space<hbm>>) dst(%dma_wait3A_230 : memref<128x16xf32, #tpu.memory_space<vmem>>)
      %dma_wait3A_237 = arith.constant 1 : i32
      %dma_wait3A_238 = arith.constant 128 : i32
      %dma_wait3A_239 = arith.constant 0 : i32
      %dma_wait3A_240 = tpu.memref_slice %arg13[%dma_wait3A_238, %dma_wait3A_239] : memref<1024x16xf32, #tpu.memory_space<vmem>> -> memref<128x16xf32, #tpu.memory_space<vmem>>
      %dma_wait3A_241 = arith.constant 0 : i32
      %dma_wait3A_242 = tpu.memref_slice %arg10[%dma_wait3A_237, %dma_wait3A_241] : memref<8x128xi32, #tpu.memory_space<vmem>> -> memref<1x128xi32, #tpu.memory_space<vmem>>
      %dma_wait3A_243 = tpu.memref_squeeze %dma_wait3A_242 : memref<1x128xi32, #tpu.memory_space<vmem>> -> memref<128xi32, #tpu.memory_space<vmem>>
      %dma_wait3A_244 = arith.constant 0 : i32
      %dma_wait3A_245 = arith.constant 0 : i32
      %dma_wait3A_246 = tpu.memref_slice %arg5[%dma_wait3A_244, %dma_wait3A_245] : memref<10112x16xf32, #tpu.memory_space<hbm>> -> memref<10112x16xf32, #tpu.memory_space<hbm>>
      tpu.wait_indirect_dma semaphore(%arg19 : memref<!tpu.dma_semaphore, #tpu.memory_space<semaphore_mem>>) src(%dma_wait3A_246 : memref<10112x16xf32, #tpu.memory_space<hbm>>) dst(%dma_wait3A_240 : memref<128x16xf32, #tpu.memory_space<vmem>>)
      %dma_wait3A_247 = arith.constant 1 : i32
      %dma_wait3A_248 = arith.constant 128 : i32
      %dma_wait3A_249 = arith.constant 0 : i32
      %dma_wait3A_250 = tpu.memref_slice %arg14[%dma_wait3A_248, %dma_wait3A_249] : memref<1024x16xf32, #tpu.memory_space<vmem>> -> memref<128x16xf32, #tpu.memory_space<vmem>>
      %dma_wait3A_251 = arith.constant 0 : i32
      %dma_wait3A_252 = tpu.memref_slice %arg11[%dma_wait3A_247, %dma_wait3A_251] : memref<8x128xi32, #tpu.memory_space<vmem>> -> memref<1x128xi32, #tpu.memory_space<vmem>>
      %dma_wait3A_253 = tpu.memref_squeeze %dma_wait3A_252 : memref<1x128xi32, #tpu.memory_space<vmem>> -> memref<128xi32, #tpu.memory_space<vmem>>
      %dma_wait3A_254 = arith.constant 0 : i32
      %dma_wait3A_255 = arith.constant 0 : i32
      %dma_wait3A_256 = tpu.memref_slice %arg6[%dma_wait3A_254, %dma_wait3A_255] : memref<10112x16xf32, #tpu.memory_space<hbm>> -> memref<10112x16xf32, #tpu.memory_space<hbm>>
      tpu.wait_indirect_dma semaphore(%arg19 : memref<!tpu.dma_semaphore, #tpu.memory_space<semaphore_mem>>) src(%dma_wait3A_256 : memref<10112x16xf32, #tpu.memory_space<hbm>>) dst(%dma_wait3A_250 : memref<128x16xf32, #tpu.memory_space<vmem>>)
      %dma_wait3A_257 = arith.constant 2 : i32
      %dma_wait3A_258 = arith.constant 256 : i32
      %dma_wait3A_259 = arith.constant 0 : i32
      %dma_wait3A_260 = tpu.memref_slice %arg13[%dma_wait3A_258, %dma_wait3A_259] : memref<1024x16xf32, #tpu.memory_space<vmem>> -> memref<128x16xf32, #tpu.memory_space<vmem>>
      %dma_wait3A_261 = arith.constant 0 : i32
      %dma_wait3A_262 = tpu.memref_slice %arg10[%dma_wait3A_257, %dma_wait3A_261] : memref<8x128xi32, #tpu.memory_space<vmem>> -> memref<1x128xi32, #tpu.memory_space<vmem>>
      %dma_wait3A_263 = tpu.memref_squeeze %dma_wait3A_262 : memref<1x128xi32, #tpu.memory_space<vmem>> -> memref<128xi32, #tpu.memory_space<vmem>>
      %dma_wait3A_264 = arith.constant 0 : i32
      %dma_wait3A_265 = arith.constant 0 : i32
      %dma_wait3A_266 = tpu.memref_slice %arg5[%dma_wait3A_264, %dma_wait3A_265] : memref<10112x16xf32, #tpu.memory_space<hbm>> -> memref<10112x16xf32, #tpu.memory_space<hbm>>
      tpu.wait_indirect_dma semaphore(%arg19 : memref<!tpu.dma_semaphore, #tpu.memory_space<semaphore_mem>>) src(%dma_wait3A_266 : memref<10112x16xf32, #tpu.memory_space<hbm>>) dst(%dma_wait3A_260 : memref<128x16xf32, #tpu.memory_space<vmem>>)
      %dma_wait3A_267 = arith.constant 2 : i32
      %dma_wait3A_268 = arith.constant 256 : i32
      %dma_wait3A_269 = arith.constant 0 : i32
      %dma_wait3A_270 = tpu.memref_slice %arg14[%dma_wait3A_268, %dma_wait3A_269] : memref<1024x16xf32, #tpu.memory_space<vmem>> -> memref<128x16xf32, #tpu.memory_space<vmem>>
      %dma_wait3A_271 = arith.constant 0 : i32
      %dma_wait3A_272 = tpu.memref_slice %arg11[%dma_wait3A_267, %dma_wait3A_271] : memref<8x128xi32, #tpu.memory_space<vmem>> -> memref<1x128xi32, #tpu.memory_space<vmem>>
      %dma_wait3A_273 = tpu.memref_squeeze %dma_wait3A_272 : memref<1x128xi32, #tpu.memory_space<vmem>> -> memref<128xi32, #tpu.memory_space<vmem>>
      %dma_wait3A_274 = arith.constant 0 : i32
      %dma_wait3A_275 = arith.constant 0 : i32
      %dma_wait3A_276 = tpu.memref_slice %arg6[%dma_wait3A_274, %dma_wait3A_275] : memref<10112x16xf32, #tpu.memory_space<hbm>> -> memref<10112x16xf32, #tpu.memory_space<hbm>>
      tpu.wait_indirect_dma semaphore(%arg19 : memref<!tpu.dma_semaphore, #tpu.memory_space<semaphore_mem>>) src(%dma_wait3A_276 : memref<10112x16xf32, #tpu.memory_space<hbm>>) dst(%dma_wait3A_270 : memref<128x16xf32, #tpu.memory_space<vmem>>)
      %dma_wait3A_277 = arith.constant 3 : i32
      %dma_wait3A_278 = arith.constant 384 : i32
      %dma_wait3A_279 = arith.constant 0 : i32
      %dma_wait3A_280 = tpu.memref_slice %arg13[%dma_wait3A_278, %dma_wait3A_279] : memref<1024x16xf32, #tpu.memory_space<vmem>> -> memref<128x16xf32, #tpu.memory_space<vmem>>
      %dma_wait3A_281 = arith.constant 0 : i32
      %dma_wait3A_282 = tpu.memref_slice %arg10[%dma_wait3A_277, %dma_wait3A_281] : memref<8x128xi32, #tpu.memory_space<vmem>> -> memref<1x128xi32, #tpu.memory_space<vmem>>
      %dma_wait3A_283 = tpu.memref_squeeze %dma_wait3A_282 : memref<1x128xi32, #tpu.memory_space<vmem>> -> memref<128xi32, #tpu.memory_space<vmem>>
      %dma_wait3A_284 = arith.constant 0 : i32
      %dma_wait3A_285 = arith.constant 0 : i32
      %dma_wait3A_286 = tpu.memref_slice %arg5[%dma_wait3A_284, %dma_wait3A_285] : memref<10112x16xf32, #tpu.memory_space<hbm>> -> memref<10112x16xf32, #tpu.memory_space<hbm>>
      tpu.wait_indirect_dma semaphore(%arg19 : memref<!tpu.dma_semaphore, #tpu.memory_space<semaphore_mem>>) src(%dma_wait3A_286 : memref<10112x16xf32, #tpu.memory_space<hbm>>) dst(%dma_wait3A_280 : memref<128x16xf32, #tpu.memory_space<vmem>>)
      %dma_wait3A_287 = arith.constant 3 : i32
      %dma_wait3A_288 = arith.constant 384 : i32
      %dma_wait3A_289 = arith.constant 0 : i32
      %dma_wait3A_290 = tpu.memref_slice %arg14[%dma_wait3A_288, %dma_wait3A_289] : memref<1024x16xf32, #tpu.memory_space<vmem>> -> memref<128x16xf32, #tpu.memory_space<vmem>>
      %dma_wait3A_291 = arith.constant 0 : i32
      %dma_wait3A_292 = tpu.memref_slice %arg11[%dma_wait3A_287, %dma_wait3A_291] : memref<8x128xi32, #tpu.memory_space<vmem>> -> memref<1x128xi32, #tpu.memory_space<vmem>>
      %dma_wait3A_293 = tpu.memref_squeeze %dma_wait3A_292 : memref<1x128xi32, #tpu.memory_space<vmem>> -> memref<128xi32, #tpu.memory_space<vmem>>
      %dma_wait3A_294 = arith.constant 0 : i32
      %dma_wait3A_295 = arith.constant 0 : i32
      %dma_wait3A_296 = tpu.memref_slice %arg6[%dma_wait3A_294, %dma_wait3A_295] : memref<10112x16xf32, #tpu.memory_space<hbm>> -> memref<10112x16xf32, #tpu.memory_space<hbm>>
      tpu.wait_indirect_dma semaphore(%arg19 : memref<!tpu.dma_semaphore, #tpu.memory_space<semaphore_mem>>) src(%dma_wait3A_296 : memref<10112x16xf32, #tpu.memory_space<hbm>>) dst(%dma_wait3A_290 : memref<128x16xf32, #tpu.memory_space<vmem>>)
      %dma_wait3A_297 = arith.constant 4 : i32
      %dma_wait3A_298 = arith.constant 512 : i32
      %dma_wait3A_299 = arith.constant 0 : i32
      %dma_wait3A_300 = tpu.memref_slice %arg13[%dma_wait3A_298, %dma_wait3A_299] : memref<1024x16xf32, #tpu.memory_space<vmem>> -> memref<128x16xf32, #tpu.memory_space<vmem>>
      %dma_wait3A_301 = arith.constant 0 : i32
      %dma_wait3A_302 = tpu.memref_slice %arg10[%dma_wait3A_297, %dma_wait3A_301] : memref<8x128xi32, #tpu.memory_space<vmem>> -> memref<1x128xi32, #tpu.memory_space<vmem>>
      %dma_wait3A_303 = tpu.memref_squeeze %dma_wait3A_302 : memref<1x128xi32, #tpu.memory_space<vmem>> -> memref<128xi32, #tpu.memory_space<vmem>>
      %dma_wait3A_304 = arith.constant 0 : i32
      %dma_wait3A_305 = arith.constant 0 : i32
      %dma_wait3A_306 = tpu.memref_slice %arg5[%dma_wait3A_304, %dma_wait3A_305] : memref<10112x16xf32, #tpu.memory_space<hbm>> -> memref<10112x16xf32, #tpu.memory_space<hbm>>
      tpu.wait_indirect_dma semaphore(%arg19 : memref<!tpu.dma_semaphore, #tpu.memory_space<semaphore_mem>>) src(%dma_wait3A_306 : memref<10112x16xf32, #tpu.memory_space<hbm>>) dst(%dma_wait3A_300 : memref<128x16xf32, #tpu.memory_space<vmem>>)
      %dma_wait3A_307 = arith.constant 4 : i32
      %dma_wait3A_308 = arith.constant 512 : i32
      %dma_wait3A_309 = arith.constant 0 : i32
      %dma_wait3A_310 = tpu.memref_slice %arg14[%dma_wait3A_308, %dma_wait3A_309] : memref<1024x16xf32, #tpu.memory_space<vmem>> -> memref<128x16xf32, #tpu.memory_space<vmem>>
      %dma_wait3A_311 = arith.constant 0 : i32
      %dma_wait3A_312 = tpu.memref_slice %arg11[%dma_wait3A_307, %dma_wait3A_311] : memref<8x128xi32, #tpu.memory_space<vmem>> -> memref<1x128xi32, #tpu.memory_space<vmem>>
      %dma_wait3A_313 = tpu.memref_squeeze %dma_wait3A_312 : memref<1x128xi32, #tpu.memory_space<vmem>> -> memref<128xi32, #tpu.memory_space<vmem>>
      %dma_wait3A_314 = arith.constant 0 : i32
      %dma_wait3A_315 = arith.constant 0 : i32
      %dma_wait3A_316 = tpu.memref_slice %arg6[%dma_wait3A_314, %dma_wait3A_315] : memref<10112x16xf32, #tpu.memory_space<hbm>> -> memref<10112x16xf32, #tpu.memory_space<hbm>>
      tpu.wait_indirect_dma semaphore(%arg19 : memref<!tpu.dma_semaphore, #tpu.memory_space<semaphore_mem>>) src(%dma_wait3A_316 : memref<10112x16xf32, #tpu.memory_space<hbm>>) dst(%dma_wait3A_310 : memref<128x16xf32, #tpu.memory_space<vmem>>)
      %dma_wait3A_317 = arith.constant 5 : i32
      %dma_wait3A_318 = arith.constant 640 : i32
      %dma_wait3A_319 = arith.constant 0 : i32
      %dma_wait3A_320 = tpu.memref_slice %arg13[%dma_wait3A_318, %dma_wait3A_319] : memref<1024x16xf32, #tpu.memory_space<vmem>> -> memref<128x16xf32, #tpu.memory_space<vmem>>
      %dma_wait3A_321 = arith.constant 0 : i32
      %dma_wait3A_322 = tpu.memref_slice %arg10[%dma_wait3A_317, %dma_wait3A_321] : memref<8x128xi32, #tpu.memory_space<vmem>> -> memref<1x128xi32, #tpu.memory_space<vmem>>
      %dma_wait3A_323 = tpu.memref_squeeze %dma_wait3A_322 : memref<1x128xi32, #tpu.memory_space<vmem>> -> memref<128xi32, #tpu.memory_space<vmem>>
      %dma_wait3A_324 = arith.constant 0 : i32
      %dma_wait3A_325 = arith.constant 0 : i32
      %dma_wait3A_326 = tpu.memref_slice %arg5[%dma_wait3A_324, %dma_wait3A_325] : memref<10112x16xf32, #tpu.memory_space<hbm>> -> memref<10112x16xf32, #tpu.memory_space<hbm>>
      tpu.wait_indirect_dma semaphore(%arg19 : memref<!tpu.dma_semaphore, #tpu.memory_space<semaphore_mem>>) src(%dma_wait3A_326 : memref<10112x16xf32, #tpu.memory_space<hbm>>) dst(%dma_wait3A_320 : memref<128x16xf32, #tpu.memory_space<vmem>>)
      %dma_wait3A_327 = arith.constant 5 : i32
      %dma_wait3A_328 = arith.constant 640 : i32
      %dma_wait3A_329 = arith.constant 0 : i32
      %dma_wait3A_330 = tpu.memref_slice %arg14[%dma_wait3A_328, %dma_wait3A_329] : memref<1024x16xf32, #tpu.memory_space<vmem>> -> memref<128x16xf32, #tpu.memory_space<vmem>>
      %dma_wait3A_331 = arith.constant 0 : i32
      %dma_wait3A_332 = tpu.memref_slice %arg11[%dma_wait3A_327, %dma_wait3A_331] : memref<8x128xi32, #tpu.memory_space<vmem>> -> memref<1x128xi32, #tpu.memory_space<vmem>>
      %dma_wait3A_333 = tpu.memref_squeeze %dma_wait3A_332 : memref<1x128xi32, #tpu.memory_space<vmem>> -> memref<128xi32, #tpu.memory_space<vmem>>
      %dma_wait3A_334 = arith.constant 0 : i32
      %dma_wait3A_335 = arith.constant 0 : i32
      %dma_wait3A_336 = tpu.memref_slice %arg6[%dma_wait3A_334, %dma_wait3A_335] : memref<10112x16xf32, #tpu.memory_space<hbm>> -> memref<10112x16xf32, #tpu.memory_space<hbm>>
      tpu.wait_indirect_dma semaphore(%arg19 : memref<!tpu.dma_semaphore, #tpu.memory_space<semaphore_mem>>) src(%dma_wait3A_336 : memref<10112x16xf32, #tpu.memory_space<hbm>>) dst(%dma_wait3A_330 : memref<128x16xf32, #tpu.memory_space<vmem>>)
      %dma_wait3A_337 = arith.constant 6 : i32
      %dma_wait3A_338 = arith.constant 768 : i32
      %dma_wait3A_339 = arith.constant 0 : i32
      %dma_wait3A_340 = tpu.memref_slice %arg13[%dma_wait3A_338, %dma_wait3A_339] : memref<1024x16xf32, #tpu.memory_space<vmem>> -> memref<128x16xf32, #tpu.memory_space<vmem>>
      %dma_wait3A_341 = arith.constant 0 : i32
      %dma_wait3A_342 = tpu.memref_slice %arg10[%dma_wait3A_337, %dma_wait3A_341] : memref<8x128xi32, #tpu.memory_space<vmem>> -> memref<1x128xi32, #tpu.memory_space<vmem>>
      %dma_wait3A_343 = tpu.memref_squeeze %dma_wait3A_342 : memref<1x128xi32, #tpu.memory_space<vmem>> -> memref<128xi32, #tpu.memory_space<vmem>>
      %dma_wait3A_344 = arith.constant 0 : i32
      %dma_wait3A_345 = arith.constant 0 : i32
      %dma_wait3A_346 = tpu.memref_slice %arg5[%dma_wait3A_344, %dma_wait3A_345] : memref<10112x16xf32, #tpu.memory_space<hbm>> -> memref<10112x16xf32, #tpu.memory_space<hbm>>
      tpu.wait_indirect_dma semaphore(%arg19 : memref<!tpu.dma_semaphore, #tpu.memory_space<semaphore_mem>>) src(%dma_wait3A_346 : memref<10112x16xf32, #tpu.memory_space<hbm>>) dst(%dma_wait3A_340 : memref<128x16xf32, #tpu.memory_space<vmem>>)
      %dma_wait3A_347 = arith.constant 6 : i32
      %dma_wait3A_348 = arith.constant 768 : i32
      %dma_wait3A_349 = arith.constant 0 : i32
      %dma_wait3A_350 = tpu.memref_slice %arg14[%dma_wait3A_348, %dma_wait3A_349] : memref<1024x16xf32, #tpu.memory_space<vmem>> -> memref<128x16xf32, #tpu.memory_space<vmem>>
      %dma_wait3A_351 = arith.constant 0 : i32
      %dma_wait3A_352 = tpu.memref_slice %arg11[%dma_wait3A_347, %dma_wait3A_351] : memref<8x128xi32, #tpu.memory_space<vmem>> -> memref<1x128xi32, #tpu.memory_space<vmem>>
      %dma_wait3A_353 = tpu.memref_squeeze %dma_wait3A_352 : memref<1x128xi32, #tpu.memory_space<vmem>> -> memref<128xi32, #tpu.memory_space<vmem>>
      %dma_wait3A_354 = arith.constant 0 : i32
      %dma_wait3A_355 = arith.constant 0 : i32
      %dma_wait3A_356 = tpu.memref_slice %arg6[%dma_wait3A_354, %dma_wait3A_355] : memref<10112x16xf32, #tpu.memory_space<hbm>> -> memref<10112x16xf32, #tpu.memory_space<hbm>>
      tpu.wait_indirect_dma semaphore(%arg19 : memref<!tpu.dma_semaphore, #tpu.memory_space<semaphore_mem>>) src(%dma_wait3A_356 : memref<10112x16xf32, #tpu.memory_space<hbm>>) dst(%dma_wait3A_350 : memref<128x16xf32, #tpu.memory_space<vmem>>)
      %dma_wait3A_357 = arith.constant 7 : i32
      %dma_wait3A_358 = arith.constant 896 : i32
      %dma_wait3A_359 = arith.constant 0 : i32
      %dma_wait3A_360 = tpu.memref_slice %arg13[%dma_wait3A_358, %dma_wait3A_359] : memref<1024x16xf32, #tpu.memory_space<vmem>> -> memref<128x16xf32, #tpu.memory_space<vmem>>
      %dma_wait3A_361 = arith.constant 0 : i32
      %dma_wait3A_362 = tpu.memref_slice %arg10[%dma_wait3A_357, %dma_wait3A_361] : memref<8x128xi32, #tpu.memory_space<vmem>> -> memref<1x128xi32, #tpu.memory_space<vmem>>
      %dma_wait3A_363 = tpu.memref_squeeze %dma_wait3A_362 : memref<1x128xi32, #tpu.memory_space<vmem>> -> memref<128xi32, #tpu.memory_space<vmem>>
      %dma_wait3A_364 = arith.constant 0 : i32
      %dma_wait3A_365 = arith.constant 0 : i32
      %dma_wait3A_366 = tpu.memref_slice %arg5[%dma_wait3A_364, %dma_wait3A_365] : memref<10112x16xf32, #tpu.memory_space<hbm>> -> memref<10112x16xf32, #tpu.memory_space<hbm>>
      tpu.wait_indirect_dma semaphore(%arg19 : memref<!tpu.dma_semaphore, #tpu.memory_space<semaphore_mem>>) src(%dma_wait3A_366 : memref<10112x16xf32, #tpu.memory_space<hbm>>) dst(%dma_wait3A_360 : memref<128x16xf32, #tpu.memory_space<vmem>>)
      %dma_wait3A_367 = arith.constant 7 : i32
      %dma_wait3A_368 = arith.constant 896 : i32
      %dma_wait3A_369 = arith.constant 0 : i32
      %dma_wait3A_370 = tpu.memref_slice %arg14[%dma_wait3A_368, %dma_wait3A_369] : memref<1024x16xf32, #tpu.memory_space<vmem>> -> memref<128x16xf32, #tpu.memory_space<vmem>>
      %dma_wait3A_371 = arith.constant 0 : i32
      %dma_wait3A_372 = tpu.memref_slice %arg11[%dma_wait3A_367, %dma_wait3A_371] : memref<8x128xi32, #tpu.memory_space<vmem>> -> memref<1x128xi32, #tpu.memory_space<vmem>>
      %dma_wait3A_373 = tpu.memref_squeeze %dma_wait3A_372 : memref<1x128xi32, #tpu.memory_space<vmem>> -> memref<128xi32, #tpu.memory_space<vmem>>
      %dma_wait3A_374 = arith.constant 0 : i32
      %dma_wait3A_375 = arith.constant 0 : i32
      %dma_wait3A_376 = tpu.memref_slice %arg6[%dma_wait3A_374, %dma_wait3A_375] : memref<10112x16xf32, #tpu.memory_space<hbm>> -> memref<10112x16xf32, #tpu.memory_space<hbm>>
      tpu.wait_indirect_dma semaphore(%arg19 : memref<!tpu.dma_semaphore, #tpu.memory_space<semaphore_mem>>) src(%dma_wait3A_376 : memref<10112x16xf32, #tpu.memory_space<hbm>>) dst(%dma_wait3A_370 : memref<128x16xf32, #tpu.memory_space<vmem>>)
      %scan3A_377 = arith.constant 0 : i32
      %scan3A_378 = arith.constant 0 : i32
      %scan3A_379 = arith.constant 1024 : i32
      %scan3A_380 = arith.addi %scan3A_378, %scan3A_379 : i32
      %scan3A_381 = arith.constant 1 : i32
      %scan3A_382 = scf.for %scan3A_553 = %scan3A_378 to %scan3A_380 step %scan3A_381 iter_args(%scan3A_554 = %scan3A_377) -> (i32)  : i32 {
        %get3A = arith.index_cast %scan3A_553 : i32 to index
        %get3A_555 = arith.constant 0 : index
        %get3A_556 = tpu.vector_load %arg12[%get3A, %get3A_555] {strides = array<i32>} : memref<1024x16xf32, #tpu.memory_space<vmem>>, vector<16xf32>,
        %get3A_557 = arith.index_cast %scan3A_553 : i32 to index
        %get3A_558 = arith.constant 0 : index
        %get3A_559 = tpu.vector_load %arg13[%get3A_557, %get3A_558] {strides = array<i32>} : memref<1024x16xf32, #tpu.memory_space<vmem>>, vector<16xf32>,
        %add3A_560 = arith.addf %get3A_556, %get3A_559 : vector<16xf32>
        %get3A_561 = arith.index_cast %scan3A_553 : i32 to index
        %get3A_562 = arith.constant 0 : index
        %get3A_563 = tpu.vector_load %arg14[%get3A_561, %get3A_562] {strides = array<i32>} : memref<1024x16xf32, #tpu.memory_space<vmem>>, vector<16xf32>,
        %add3A_564 = arith.addf %add3A_560, %get3A_563 : vector<16xf32>
        %ge3A = arith.constant 0.000000e+00 : f32
        %ge3A_565 = vector.broadcast %ge3A : f32 to vector<16xf32>
        %ge3A_566 = arith.cmpf oge, %add3A_564, %ge3A_565 : vector<16xf32>
        %mul3A_567 = arith.constant 0.00999999977 : f32
        %mul3A_568 = vector.broadcast %mul3A_567 : f32 to vector<16xf32>
        %mul3A_569 = arith.mulf %mul3A_568, %add3A_564 : vector<16xf32>
        %select_n3A_570 = arith.select %ge3A_566, %add3A_564, %mul3A_569 : vector<16xi1>, vector<16xf32>
        %exp3A = math.exp %select_n3A_570 : vector<16xf32>
        %swap3A = arith.index_cast %scan3A_553 : i32 to index
        %swap3A_571 = arith.constant 0 : index
        %swap3A_572 = tpu.vector_load %arg15[%swap3A, %swap3A_571] {strides = array<i32>} : memref<1024x16xf32, #tpu.memory_space<vmem>>, vector<16xf32>,
        tpu.vector_store %arg15[%swap3A, %swap3A_571], %exp3A {strides = array<i32>} : memref<1024x16xf32, #tpu.memory_space<vmem>>, vector<16xf32>,
        %scan3A_573 = arith.constant 0 : i32
        scf.yield %scan3A_573 : i32
      }
      %scan3A_383 = arith.constant 1024 : i32
      %dma_start3A_384 = arith.constant 0 : i32
      %dma_start3A_385 = tpu.memref_slice %arg8[%multiple_of3A_17, %dma_start3A_384] : memref<327680x16xf32, #tpu.memory_space<hbm>> -> memref<1024x16xf32, #tpu.memory_space<hbm>>
      %dma_start3A_386 = arith.constant 0 : i32
      %dma_start3A_387 = tpu.memref_slice %arg8[%multiple_of3A_17, %dma_start3A_386] : memref<327680x16xf32, #tpu.memory_space<hbm>> -> memref<1024x16xf32, #tpu.memory_space<hbm>>
      tpu.enqueue_dma source(%arg15 : memref<1024x16xf32, #tpu.memory_space<vmem>>) target(%dma_start3A_387 : memref<1024x16xf32, #tpu.memory_space<hbm>>) target_semaphore(%arg18 : memref<!tpu.dma_semaphore, #tpu.memory_space<semaphore_mem>>)
      %dma_start3A_388 = arith.constant 0 : i32
      %dma_start3A_389 = arith.constant 0 : i32
      %dma_start3A_390 = arith.constant 0 : i32
      %dma_start3A_391 = tpu.memref_slice %arg15[%dma_start3A_389, %dma_start3A_390] : memref<1024x16xf32, #tpu.memory_space<vmem>> -> memref<128x16xf32, #tpu.memory_space<vmem>>
      %dma_start3A_392 = arith.constant 0 : i32
      %dma_start3A_393 = tpu.memref_slice %arg11[%dma_start3A_388, %dma_start3A_392] : memref<8x128xi32, #tpu.memory_space<vmem>> -> memref<1x128xi32, #tpu.memory_space<vmem>>
      %dma_start3A_394 = tpu.memref_squeeze %dma_start3A_393 : memref<1x128xi32, #tpu.memory_space<vmem>> -> memref<128xi32, #tpu.memory_space<vmem>>
      %dma_start3A_395 = arith.constant 0 : i32
      %dma_start3A_396 = arith.constant 0 : i32
      %dma_start3A_397 = tpu.memref_slice %arg16[%dma_start3A_395, %dma_start3A_396] : memref<10112x16xf32, #tpu.memory_space<vmem_shared>> -> memref<10112x16xf32, #tpu.memory_space<vmem_shared>>
      tpu.enqueue_indirect_dma source(%dma_start3A_391 : memref<128x16xf32, #tpu.memory_space<vmem>>) target(%dma_start3A_397 : memref<10112x16xf32, #tpu.memory_space<vmem_shared>>) offsets(%dma_start3A_394 : memref<128xi32, #tpu.memory_space<vmem>>) semaphore(%arg20 : memref<!tpu.dma_semaphore, #tpu.memory_space<semaphore_mem>>) {add = true}
      %dma_start3A_398 = arith.constant 1 : i32
      %dma_start3A_399 = arith.constant 128 : i32
      %dma_start3A_400 = arith.constant 0 : i32
      %dma_start3A_401 = tpu.memref_slice %arg15[%dma_start3A_399, %dma_start3A_400] : memref<1024x16xf32, #tpu.memory_space<vmem>> -> memref<128x16xf32, #tpu.memory_space<vmem>>
      %dma_start3A_402 = arith.constant 0 : i32
      %dma_start3A_403 = tpu.memref_slice %arg11[%dma_start3A_398, %dma_start3A_402] : memref<8x128xi32, #tpu.memory_space<vmem>> -> memref<1x128xi32, #tpu.memory_space<vmem>>
      %dma_start3A_404 = tpu.memref_squeeze %dma_start3A_403 : memref<1x128xi32, #tpu.memory_space<vmem>> -> memref<128xi32, #tpu.memory_space<vmem>>
      %dma_start3A_405 = arith.constant 0 : i32
      %dma_start3A_406 = arith.constant 0 : i32
      %dma_start3A_407 = tpu.memref_slice %arg16[%dma_start3A_405, %dma_start3A_406] : memref<10112x16xf32, #tpu.memory_space<vmem_shared>> -> memref<10112x16xf32, #tpu.memory_space<vmem_shared>>
      tpu.enqueue_indirect_dma source(%dma_start3A_401 : memref<128x16xf32, #tpu.memory_space<vmem>>) target(%dma_start3A_407 : memref<10112x16xf32, #tpu.memory_space<vmem_shared>>) offsets(%dma_start3A_404 : memref<128xi32, #tpu.memory_space<vmem>>) semaphore(%arg20 : memref<!tpu.dma_semaphore, #tpu.memory_space<semaphore_mem>>) {add = true}
      %dma_start3A_408 = arith.constant 2 : i32
      %dma_start3A_409 = arith.constant 256 : i32
      %dma_start3A_410 = arith.constant 0 : i32
      %dma_start3A_411 = tpu.memref_slice %arg15[%dma_start3A_409, %dma_start3A_410] : memref<1024x16xf32, #tpu.memory_space<vmem>> -> memref<128x16xf32, #tpu.memory_space<vmem>>
      %dma_start3A_412 = arith.constant 0 : i32
      %dma_start3A_413 = tpu.memref_slice %arg11[%dma_start3A_408, %dma_start3A_412] : memref<8x128xi32, #tpu.memory_space<vmem>> -> memref<1x128xi32, #tpu.memory_space<vmem>>
      %dma_start3A_414 = tpu.memref_squeeze %dma_start3A_413 : memref<1x128xi32, #tpu.memory_space<vmem>> -> memref<128xi32, #tpu.memory_space<vmem>>
      %dma_start3A_415 = arith.constant 0 : i32
      %dma_start3A_416 = arith.constant 0 : i32
      %dma_start3A_417 = tpu.memref_slice %arg16[%dma_start3A_415, %dma_start3A_416] : memref<10112x16xf32, #tpu.memory_space<vmem_shared>> -> memref<10112x16xf32, #tpu.memory_space<vmem_shared>>
      tpu.enqueue_indirect_dma source(%dma_start3A_411 : memref<128x16xf32, #tpu.memory_space<vmem>>) target(%dma_start3A_417 : memref<10112x16xf32, #tpu.memory_space<vmem_shared>>) offsets(%dma_start3A_414 : memref<128xi32, #tpu.memory_space<vmem>>) semaphore(%arg20 : memref<!tpu.dma_semaphore, #tpu.memory_space<semaphore_mem>>) {add = true}
      %dma_start3A_418 = arith.constant 3 : i32
      %dma_start3A_419 = arith.constant 384 : i32
      %dma_start3A_420 = arith.constant 0 : i32
      %dma_start3A_421 = tpu.memref_slice %arg15[%dma_start3A_419, %dma_start3A_420] : memref<1024x16xf32, #tpu.memory_space<vmem>> -> memref<128x16xf32, #tpu.memory_space<vmem>>
      %dma_start3A_422 = arith.constant 0 : i32
      %dma_start3A_423 = tpu.memref_slice %arg11[%dma_start3A_418, %dma_start3A_422] : memref<8x128xi32, #tpu.memory_space<vmem>> -> memref<1x128xi32, #tpu.memory_space<vmem>>
      %dma_start3A_424 = tpu.memref_squeeze %dma_start3A_423 : memref<1x128xi32, #tpu.memory_space<vmem>> -> memref<128xi32, #tpu.memory_space<vmem>>
      %dma_start3A_425 = arith.constant 0 : i32
      %dma_start3A_426 = arith.constant 0 : i32
      %dma_start3A_427 = tpu.memref_slice %arg16[%dma_start3A_425, %dma_start3A_426] : memref<10112x16xf32, #tpu.memory_space<vmem_shared>> -> memref<10112x16xf32, #tpu.memory_space<vmem_shared>>
      tpu.enqueue_indirect_dma source(%dma_start3A_421 : memref<128x16xf32, #tpu.memory_space<vmem>>) target(%dma_start3A_427 : memref<10112x16xf32, #tpu.memory_space<vmem_shared>>) offsets(%dma_start3A_424 : memref<128xi32, #tpu.memory_space<vmem>>) semaphore(%arg20 : memref<!tpu.dma_semaphore, #tpu.memory_space<semaphore_mem>>) {add = true}
      %dma_start3A_428 = arith.constant 4 : i32
      %dma_start3A_429 = arith.constant 512 : i32
      %dma_start3A_430 = arith.constant 0 : i32
      %dma_start3A_431 = tpu.memref_slice %arg15[%dma_start3A_429, %dma_start3A_430] : memref<1024x16xf32, #tpu.memory_space<vmem>> -> memref<128x16xf32, #tpu.memory_space<vmem>>
      %dma_start3A_432 = arith.constant 0 : i32
      %dma_start3A_433 = tpu.memref_slice %arg11[%dma_start3A_428, %dma_start3A_432] : memref<8x128xi32, #tpu.memory_space<vmem>> -> memref<1x128xi32, #tpu.memory_space<vmem>>
      %dma_start3A_434 = tpu.memref_squeeze %dma_start3A_433 : memref<1x128xi32, #tpu.memory_space<vmem>> -> memref<128xi32, #tpu.memory_space<vmem>>
      %dma_start3A_435 = arith.constant 0 : i32
      %dma_start3A_436 = arith.constant 0 : i32
      %dma_start3A_437 = tpu.memref_slice %arg16[%dma_start3A_435, %dma_start3A_436] : memref<10112x16xf32, #tpu.memory_space<vmem_shared>> -> memref<10112x16xf32, #tpu.memory_space<vmem_shared>>
      tpu.enqueue_indirect_dma source(%dma_start3A_431 : memref<128x16xf32, #tpu.memory_space<vmem>>) target(%dma_start3A_437 : memref<10112x16xf32, #tpu.memory_space<vmem_shared>>) offsets(%dma_start3A_434 : memref<128xi32, #tpu.memory_space<vmem>>) semaphore(%arg20 : memref<!tpu.dma_semaphore, #tpu.memory_space<semaphore_mem>>) {add = true}
      %dma_start3A_438 = arith.constant 5 : i32
      %dma_start3A_439 = arith.constant 640 : i32
      %dma_start3A_440 = arith.constant 0 : i32
      %dma_start3A_441 = tpu.memref_slice %arg15[%dma_start3A_439, %dma_start3A_440] : memref<1024x16xf32, #tpu.memory_space<vmem>> -> memref<128x16xf32, #tpu.memory_space<vmem>>
      %dma_start3A_442 = arith.constant 0 : i32
      %dma_start3A_443 = tpu.memref_slice %arg11[%dma_start3A_438, %dma_start3A_442] : memref<8x128xi32, #tpu.memory_space<vmem>> -> memref<1x128xi32, #tpu.memory_space<vmem>>
      %dma_start3A_444 = tpu.memref_squeeze %dma_start3A_443 : memref<1x128xi32, #tpu.memory_space<vmem>> -> memref<128xi32, #tpu.memory_space<vmem>>
      %dma_start3A_445 = arith.constant 0 : i32
      %dma_start3A_446 = arith.constant 0 : i32
      %dma_start3A_447 = tpu.memref_slice %arg16[%dma_start3A_445, %dma_start3A_446] : memref<10112x16xf32, #tpu.memory_space<vmem_shared>> -> memref<10112x16xf32, #tpu.memory_space<vmem_shared>>
      tpu.enqueue_indirect_dma source(%dma_start3A_441 : memref<128x16xf32, #tpu.memory_space<vmem>>) target(%dma_start3A_447 : memref<10112x16xf32, #tpu.memory_space<vmem_shared>>) offsets(%dma_start3A_444 : memref<128xi32, #tpu.memory_space<vmem>>) semaphore(%arg20 : memref<!tpu.dma_semaphore, #tpu.memory_space<semaphore_mem>>) {add = true}
      %dma_start3A_448 = arith.constant 6 : i32
      %dma_start3A_449 = arith.constant 768 : i32
      %dma_start3A_450 = arith.constant 0 : i32
      %dma_start3A_451 = tpu.memref_slice %arg15[%dma_start3A_449, %dma_start3A_450] : memref<1024x16xf32, #tpu.memory_space<vmem>> -> memref<128x16xf32, #tpu.memory_space<vmem>>
      %dma_start3A_452 = arith.constant 0 : i32
      %dma_start3A_453 = tpu.memref_slice %arg11[%dma_start3A_448, %dma_start3A_452] : memref<8x128xi32, #tpu.memory_space<vmem>> -> memref<1x128xi32, #tpu.memory_space<vmem>>
      %dma_start3A_454 = tpu.memref_squeeze %dma_start3A_453 : memref<1x128xi32, #tpu.memory_space<vmem>> -> memref<128xi32, #tpu.memory_space<vmem>>
      %dma_start3A_455 = arith.constant 0 : i32
      %dma_start3A_456 = arith.constant 0 : i32
      %dma_start3A_457 = tpu.memref_slice %arg16[%dma_start3A_455, %dma_start3A_456] : memref<10112x16xf32, #tpu.memory_space<vmem_shared>> -> memref<10112x16xf32, #tpu.memory_space<vmem_shared>>
      tpu.enqueue_indirect_dma source(%dma_start3A_451 : memref<128x16xf32, #tpu.memory_space<vmem>>) target(%dma_start3A_457 : memref<10112x16xf32, #tpu.memory_space<vmem_shared>>) offsets(%dma_start3A_454 : memref<128xi32, #tpu.memory_space<vmem>>) semaphore(%arg20 : memref<!tpu.dma_semaphore, #tpu.memory_space<semaphore_mem>>) {add = true}
      %dma_start3A_458 = arith.constant 7 : i32
      %dma_start3A_459 = arith.constant 896 : i32
      %dma_start3A_460 = arith.constant 0 : i32
      %dma_start3A_461 = tpu.memref_slice %arg15[%dma_start3A_459, %dma_start3A_460] : memref<1024x16xf32, #tpu.memory_space<vmem>> -> memref<128x16xf32, #tpu.memory_space<vmem>>
      %dma_start3A_462 = arith.constant 0 : i32
      %dma_start3A_463 = tpu.memref_slice %arg11[%dma_start3A_458, %dma_start3A_462] : memref<8x128xi32, #tpu.memory_space<vmem>> -> memref<1x128xi32, #tpu.memory_space<vmem>>
      %dma_start3A_464 = tpu.memref_squeeze %dma_start3A_463 : memref<1x128xi32, #tpu.memory_space<vmem>> -> memref<128xi32, #tpu.memory_space<vmem>>
      %dma_start3A_465 = arith.constant 0 : i32
      %dma_start3A_466 = arith.constant 0 : i32
      %dma_start3A_467 = tpu.memref_slice %arg16[%dma_start3A_465, %dma_start3A_466] : memref<10112x16xf32, #tpu.memory_space<vmem_shared>> -> memref<10112x16xf32, #tpu.memory_space<vmem_shared>>
      tpu.enqueue_indirect_dma source(%dma_start3A_461 : memref<128x16xf32, #tpu.memory_space<vmem>>) target(%dma_start3A_467 : memref<10112x16xf32, #tpu.memory_space<vmem_shared>>) offsets(%dma_start3A_464 : memref<128xi32, #tpu.memory_space<vmem>>) semaphore(%arg20 : memref<!tpu.dma_semaphore, #tpu.memory_space<semaphore_mem>>) {add = true}
      %dma_wait3A_468 = arith.constant 0 : i32
      %dma_wait3A_469 = tpu.memref_slice %arg8[%multiple_of3A_17, %dma_wait3A_468] : memref<327680x16xf32, #tpu.memory_space<hbm>> -> memref<1024x16xf32, #tpu.memory_space<hbm>>
      %dma_wait3A_470 = arith.constant 0 : i32
      %dma_wait3A_471 = tpu.memref_slice %arg8[%multiple_of3A_17, %dma_wait3A_470] : memref<327680x16xf32, #tpu.memory_space<hbm>> -> memref<1024x16xf32, #tpu.memory_space<hbm>>
      tpu.wait_dma2 semaphore(%arg18 : memref<!tpu.dma_semaphore, #tpu.memory_space<semaphore_mem>>) src(%arg15 : memref<1024x16xf32, #tpu.memory_space<vmem>>) dst(%dma_wait3A_471 : memref<1024x16xf32, #tpu.memory_space<hbm>>)
      %dma_wait3A_472 = arith.constant 0 : i32
      %dma_wait3A_473 = arith.constant 0 : i32
      %dma_wait3A_474 = arith.constant 0 : i32
      %dma_wait3A_475 = tpu.memref_slice %arg15[%dma_wait3A_473, %dma_wait3A_474] : memref<1024x16xf32, #tpu.memory_space<vmem>> -> memref<128x16xf32, #tpu.memory_space<vmem>>
      %dma_wait3A_476 = arith.constant 0 : i32
      %dma_wait3A_477 = tpu.memref_slice %arg11[%dma_wait3A_472, %dma_wait3A_476] : memref<8x128xi32, #tpu.memory_space<vmem>> -> memref<1x128xi32, #tpu.memory_space<vmem>>
      %dma_wait3A_478 = tpu.memref_squeeze %dma_wait3A_477 : memref<1x128xi32, #tpu.memory_space<vmem>> -> memref<128xi32, #tpu.memory_space<vmem>>
      %dma_wait3A_479 = arith.constant 0 : i32
      %dma_wait3A_480 = arith.constant 0 : i32
      %dma_wait3A_481 = tpu.memref_slice %arg16[%dma_wait3A_479, %dma_wait3A_480] : memref<10112x16xf32, #tpu.memory_space<vmem_shared>> -> memref<10112x16xf32, #tpu.memory_space<vmem_shared>>
      tpu.wait_indirect_dma semaphore(%arg20 : memref<!tpu.dma_semaphore, #tpu.memory_space<semaphore_mem>>) src(%dma_wait3A_475 : memref<128x16xf32, #tpu.memory_space<vmem>>) dst(%dma_wait3A_481 : memref<10112x16xf32, #tpu.memory_space<vmem_shared>>)
      %dma_wait3A_482 = arith.constant 1 : i32
      %dma_wait3A_483 = arith.constant 128 : i32
      %dma_wait3A_484 = arith.constant 0 : i32
      %dma_wait3A_485 = tpu.memref_slice %arg15[%dma_wait3A_483, %dma_wait3A_484] : memref<1024x16xf32, #tpu.memory_space<vmem>> -> memref<128x16xf32, #tpu.memory_space<vmem>>
      %dma_wait3A_486 = arith.constant 0 : i32
      %dma_wait3A_487 = tpu.memref_slice %arg11[%dma_wait3A_482, %dma_wait3A_486] : memref<8x128xi32, #tpu.memory_space<vmem>> -> memref<1x128xi32, #tpu.memory_space<vmem>>
      %dma_wait3A_488 = tpu.memref_squeeze %dma_wait3A_487 : memref<1x128xi32, #tpu.memory_space<vmem>> -> memref<128xi32, #tpu.memory_space<vmem>>
      %dma_wait3A_489 = arith.constant 0 : i32
      %dma_wait3A_490 = arith.constant 0 : i32
      %dma_wait3A_491 = tpu.memref_slice %arg16[%dma_wait3A_489, %dma_wait3A_490] : memref<10112x16xf32, #tpu.memory_space<vmem_shared>> -> memref<10112x16xf32, #tpu.memory_space<vmem_shared>>
      tpu.wait_indirect_dma semaphore(%arg20 : memref<!tpu.dma_semaphore, #tpu.memory_space<semaphore_mem>>) src(%dma_wait3A_485 : memref<128x16xf32, #tpu.memory_space<vmem>>) dst(%dma_wait3A_491 : memref<10112x16xf32, #tpu.memory_space<vmem_shared>>)
      %dma_wait3A_492 = arith.constant 2 : i32
      %dma_wait3A_493 = arith.constant 256 : i32
      %dma_wait3A_494 = arith.constant 0 : i32
      %dma_wait3A_495 = tpu.memref_slice %arg15[%dma_wait3A_493, %dma_wait3A_494] : memref<1024x16xf32, #tpu.memory_space<vmem>> -> memref<128x16xf32, #tpu.memory_space<vmem>>
      %dma_wait3A_496 = arith.constant 0 : i32
      %dma_wait3A_497 = tpu.memref_slice %arg11[%dma_wait3A_492, %dma_wait3A_496] : memref<8x128xi32, #tpu.memory_space<vmem>> -> memref<1x128xi32, #tpu.memory_space<vmem>>
      %dma_wait3A_498 = tpu.memref_squeeze %dma_wait3A_497 : memref<1x128xi32, #tpu.memory_space<vmem>> -> memref<128xi32, #tpu.memory_space<vmem>>
      %dma_wait3A_499 = arith.constant 0 : i32
      %dma_wait3A_500 = arith.constant 0 : i32
      %dma_wait3A_501 = tpu.memref_slice %arg16[%dma_wait3A_499, %dma_wait3A_500] : memref<10112x16xf32, #tpu.memory_space<vmem_shared>> -> memref<10112x16xf32, #tpu.memory_space<vmem_shared>>
      tpu.wait_indirect_dma semaphore(%arg20 : memref<!tpu.dma_semaphore, #tpu.memory_space<semaphore_mem>>) src(%dma_wait3A_495 : memref<128x16xf32, #tpu.memory_space<vmem>>) dst(%dma_wait3A_501 : memref<10112x16xf32, #tpu.memory_space<vmem_shared>>)
      %dma_wait3A_502 = arith.constant 3 : i32
      %dma_wait3A_503 = arith.constant 384 : i32
      %dma_wait3A_504 = arith.constant 0 : i32
      %dma_wait3A_505 = tpu.memref_slice %arg15[%dma_wait3A_503, %dma_wait3A_504] : memref<1024x16xf32, #tpu.memory_space<vmem>> -> memref<128x16xf32, #tpu.memory_space<vmem>>
      %dma_wait3A_506 = arith.constant 0 : i32
      %dma_wait3A_507 = tpu.memref_slice %arg11[%dma_wait3A_502, %dma_wait3A_506] : memref<8x128xi32, #tpu.memory_space<vmem>> -> memref<1x128xi32, #tpu.memory_space<vmem>>
      %dma_wait3A_508 = tpu.memref_squeeze %dma_wait3A_507 : memref<1x128xi32, #tpu.memory_space<vmem>> -> memref<128xi32, #tpu.memory_space<vmem>>
      %dma_wait3A_509 = arith.constant 0 : i32
      %dma_wait3A_510 = arith.constant 0 : i32
      %dma_wait3A_511 = tpu.memref_slice %arg16[%dma_wait3A_509, %dma_wait3A_510] : memref<10112x16xf32, #tpu.memory_space<vmem_shared>> -> memref<10112x16xf32, #tpu.memory_space<vmem_shared>>
      tpu.wait_indirect_dma semaphore(%arg20 : memref<!tpu.dma_semaphore, #tpu.memory_space<semaphore_mem>>) src(%dma_wait3A_505 : memref<128x16xf32, #tpu.memory_space<vmem>>) dst(%dma_wait3A_511 : memref<10112x16xf32, #tpu.memory_space<vmem_shared>>)
      %dma_wait3A_512 = arith.constant 4 : i32
      %dma_wait3A_513 = arith.constant 512 : i32
      %dma_wait3A_514 = arith.constant 0 : i32
      %dma_wait3A_515 = tpu.memref_slice %arg15[%dma_wait3A_513, %dma_wait3A_514] : memref<1024x16xf32, #tpu.memory_space<vmem>> -> memref<128x16xf32, #tpu.memory_space<vmem>>
      %dma_wait3A_516 = arith.constant 0 : i32
      %dma_wait3A_517 = tpu.memref_slice %arg11[%dma_wait3A_512, %dma_wait3A_516] : memref<8x128xi32, #tpu.memory_space<vmem>> -> memref<1x128xi32, #tpu.memory_space<vmem>>
      %dma_wait3A_518 = tpu.memref_squeeze %dma_wait3A_517 : memref<1x128xi32, #tpu.memory_space<vmem>> -> memref<128xi32, #tpu.memory_space<vmem>>
      %dma_wait3A_519 = arith.constant 0 : i32
      %dma_wait3A_520 = arith.constant 0 : i32
      %dma_wait3A_521 = tpu.memref_slice %arg16[%dma_wait3A_519, %dma_wait3A_520] : memref<10112x16xf32, #tpu.memory_space<vmem_shared>> -> memref<10112x16xf32, #tpu.memory_space<vmem_shared>>
      tpu.wait_indirect_dma semaphore(%arg20 : memref<!tpu.dma_semaphore, #tpu.memory_space<semaphore_mem>>) src(%dma_wait3A_515 : memref<128x16xf32, #tpu.memory_space<vmem>>) dst(%dma_wait3A_521 : memref<10112x16xf32, #tpu.memory_space<vmem_shared>>)
      %dma_wait3A_522 = arith.constant 5 : i32
      %dma_wait3A_523 = arith.constant 640 : i32
      %dma_wait3A_524 = arith.constant 0 : i32
      %dma_wait3A_525 = tpu.memref_slice %arg15[%dma_wait3A_523, %dma_wait3A_524] : memref<1024x16xf32, #tpu.memory_space<vmem>> -> memref<128x16xf32, #tpu.memory_space<vmem>>
      %dma_wait3A_526 = arith.constant 0 : i32
      %dma_wait3A_527 = tpu.memref_slice %arg11[%dma_wait3A_522, %dma_wait3A_526] : memref<8x128xi32, #tpu.memory_space<vmem>> -> memref<1x128xi32, #tpu.memory_space<vmem>>
      %dma_wait3A_528 = tpu.memref_squeeze %dma_wait3A_527 : memref<1x128xi32, #tpu.memory_space<vmem>> -> memref<128xi32, #tpu.memory_space<vmem>>
      %dma_wait3A_529 = arith.constant 0 : i32
      %dma_wait3A_530 = arith.constant 0 : i32
      %dma_wait3A_531 = tpu.memref_slice %arg16[%dma_wait3A_529, %dma_wait3A_530] : memref<10112x16xf32, #tpu.memory_space<vmem_shared>> -> memref<10112x16xf32, #tpu.memory_space<vmem_shared>>
      tpu.wait_indirect_dma semaphore(%arg20 : memref<!tpu.dma_semaphore, #tpu.memory_space<semaphore_mem>>) src(%dma_wait3A_525 : memref<128x16xf32, #tpu.memory_space<vmem>>) dst(%dma_wait3A_531 : memref<10112x16xf32, #tpu.memory_space<vmem_shared>>)
      %dma_wait3A_532 = arith.constant 6 : i32
      %dma_wait3A_533 = arith.constant 768 : i32
      %dma_wait3A_534 = arith.constant 0 : i32
      %dma_wait3A_535 = tpu.memref_slice %arg15[%dma_wait3A_533, %dma_wait3A_534] : memref<1024x16xf32, #tpu.memory_space<vmem>> -> memref<128x16xf32, #tpu.memory_space<vmem>>
      %dma_wait3A_536 = arith.constant 0 : i32
      %dma_wait3A_537 = tpu.memref_slice %arg11[%dma_wait3A_532, %dma_wait3A_536] : memref<8x128xi32, #tpu.memory_space<vmem>> -> memref<1x128xi32, #tpu.memory_space<vmem>>
      %dma_wait3A_538 = tpu.memref_squeeze %dma_wait3A_537 : memref<1x128xi32, #tpu.memory_space<vmem>> -> memref<128xi32, #tpu.memory_space<vmem>>
      %dma_wait3A_539 = arith.constant 0 : i32
      %dma_wait3A_540 = arith.constant 0 : i32
      %dma_wait3A_541 = tpu.memref_slice %arg16[%dma_wait3A_539, %dma_wait3A_540] : memref<10112x16xf32, #tpu.memory_space<vmem_shared>> -> memref<10112x16xf32, #tpu.memory_space<vmem_shared>>
      tpu.wait_indirect_dma semaphore(%arg20 : memref<!tpu.dma_semaphore, #tpu.memory_space<semaphore_mem>>) src(%dma_wait3A_535 : memref<128x16xf32, #tpu.memory_space<vmem>>) dst(%dma_wait3A_541 : memref<10112x16xf32, #tpu.memory_space<vmem_shared>>)
      %dma_wait3A_542 = arith.constant 7 : i32
      %dma_wait3A_543 = arith.constant 896 : i32
      %dma_wait3A_544 = arith.constant 0 : i32
      %dma_wait3A_545 = tpu.memref_slice %arg15[%dma_wait3A_543, %dma_wait3A_544] : memref<1024x16xf32, #tpu.memory_space<vmem>> -> memref<128x16xf32, #tpu.memory_space<vmem>>
      %dma_wait3A_546 = arith.constant 0 : i32
      %dma_wait3A_547 = tpu.memref_slice %arg11[%dma_wait3A_542, %dma_wait3A_546] : memref<8x128xi32, #tpu.memory_space<vmem>> -> memref<1x128xi32, #tpu.memory_space<vmem>>
      %dma_wait3A_548 = tpu.memref_squeeze %dma_wait3A_547 : memref<1x128xi32, #tpu.memory_space<vmem>> -> memref<128xi32, #tpu.memory_space<vmem>>
      %dma_wait3A_549 = arith.constant 0 : i32
      %dma_wait3A_550 = arith.constant 0 : i32
      %dma_wait3A_551 = tpu.memref_slice %arg16[%dma_wait3A_549, %dma_wait3A_550] : memref<10112x16xf32, #tpu.memory_space<vmem_shared>> -> memref<10112x16xf32, #tpu.memory_space<vmem_shared>>
      tpu.wait_indirect_dma semaphore(%arg20 : memref<!tpu.dma_semaphore, #tpu.memory_space<semaphore_mem>>) src(%dma_wait3A_545 : memref<128x16xf32, #tpu.memory_space<vmem>>) dst(%dma_wait3A_551 : memref<10112x16xf32, #tpu.memory_space<vmem_shared>>)
      %scan3A_552 = arith.constant 0 : i32
      scf.yield %scan3A_552 : i32
    }
    %scan3A_8 = arith.constant 10 : i32
    %barrier3A_9 = arith.constant 0 : index
    tpu.barrier barrier_id(%barrier3A_9)
    "tpu.region"() ({
      %run_scoped3A = tpu.sem_alloc : memref<!tpu.dma_semaphore, #tpu.memory_space<semaphore_mem>>
      %dma_start3A = arith.constant 0 : i32
      %dma_start3A_10 = arith.constant 0 : i32
      %dma_start3A_11 = tpu.memref_slice %arg9[%arg0, %dma_start3A, %dma_start3A_10] : memref<2x10112x16xf32, #tpu.memory_space<hbm>> -> memref<1x10112x16xf32, #tpu.memory_space<hbm>>
      %dma_start3A_12 = tpu.memref_squeeze %dma_start3A_11 : memref<1x10112x16xf32, #tpu.memory_space<hbm>> -> memref<10112x16xf32, #tpu.memory_space<hbm>>
      %dma_start3A_13 = arith.constant 0 : i32
      %dma_start3A_14 = tpu.memref_slice %dma_start3A_12[%multiple_of3A, %dma_start3A_13] : memref<10112x16xf32, #tpu.memory_space<hbm>> -> memref<632x16xf32, #tpu.memory_space<hbm>>
      %dma_start3A_15 = arith.constant 0 : i32
      %dma_start3A_16 = tpu.memref_slice %arg16[%multiple_of3A, %dma_start3A_15] : memref<10112x16xf32, #tpu.memory_space<vmem_shared>> -> memref<632x16xf32, #tpu.memory_space<vmem_shared>>
      tpu.enqueue_dma source(%dma_start3A_16 : memref<632x16xf32, #tpu.memory_space<vmem_shared>>) target(%dma_start3A_14 : memref<632x16xf32, #tpu.memory_space<hbm>>) target_semaphore(%run_scoped3A : memref<!tpu.dma_semaphore, #tpu.memory_space<semaphore_mem>>)
      %dma_wait3A = arith.constant 0 : i32
      %dma_wait3A_17 = arith.constant 0 : i32
      %dma_wait3A_18 = tpu.memref_slice %arg9[%arg0, %dma_wait3A, %dma_wait3A_17] : memref<2x10112x16xf32, #tpu.memory_space<hbm>> -> memref<1x10112x16xf32, #tpu.memory_space<hbm>>
      %dma_wait3A_19 = tpu.memref_squeeze %dma_wait3A_18 : memref<1x10112x16xf32, #tpu.memory_space<hbm>> -> memref<10112x16xf32, #tpu.memory_space<hbm>>
      %dma_wait3A_20 = arith.constant 0 : i32
      %dma_wait3A_21 = tpu.memref_slice %dma_wait3A_19[%multiple_of3A, %dma_wait3A_20] : memref<10112x16xf32, #tpu.memory_space<hbm>> -> memref<632x16xf32, #tpu.memory_space<hbm>>
      %dma_wait3A_22 = arith.constant 0 : i32
      %dma_wait3A_23 = tpu.memref_slice %arg16[%multiple_of3A, %dma_wait3A_22] : memref<10112x16xf32, #tpu.memory_space<vmem_shared>> -> memref<632x16xf32, #tpu.memory_space<vmem_shared>>
      tpu.wait_dma2 semaphore(%run_scoped3A : memref<!tpu.dma_semaphore, #tpu.memory_space<semaphore_mem>>) src(%dma_wait3A_23 : memref<632x16xf32, #tpu.memory_space<vmem_shared>>) dst(%dma_wait3A_21 : memref<632x16xf32, #tpu.memory_space<hbm>>)
      tpu.yield
    }) : () -> ()
    return
  }
}

module attributes {stable_mosaic.version = 14 : i64} {
  func.func @_k2_body(%arg0: i32, %arg1: memref<2000x128xf32, #tpu.memory_space<vmem>>, %arg2: memref<128x128xf32, #tpu.memory_space<vmem>>, %arg3: memref<128xf32, #tpu.memory_space<vmem>>, %arg4: memref<128x16xf32, #tpu.memory_space<vmem>>, %arg5: memref<16xf32, #tpu.memory_space<vmem>>, %arg6: memref<2000x128xf32, #tpu.memory_space<vmem>>, %arg7: memref<2000x16xf32, #tpu.memory_space<vmem>>) attributes {dimension_semantics = [#tpu.dimension_semantics<arbitrary>], iteration_bounds = array<i64: 160>, scalar_prefetch = 0 : i64, scratch_operands = 0 : i64, tpu.core_type = #tpu.core_type<tc>, window_params = [{transform_indices = @transform_0, window_bounds = array<i64: 2000, 128>}, {pipeline_mode = #tpu.pipeline_mode<synchronous>, transform_indices = @transform_1, window_bounds = array<i64: 128, 128>}, {pipeline_mode = #tpu.pipeline_mode<synchronous>, transform_indices = @transform_2, window_bounds = array<i64: 128>}, {pipeline_mode = #tpu.pipeline_mode<synchronous>, transform_indices = @transform_3, window_bounds = array<i64: 128, 16>}, {pipeline_mode = #tpu.pipeline_mode<synchronous>, transform_indices = @transform_4, window_bounds = array<i64: 16>}, {transform_indices = @transform_5, window_bounds = array<i64: 2000, 128>}, {transform_indices = @transform_6, window_bounds = array<i64: 2000, 16>}]} {
    %get3A = arith.constant 0 : index
    %get3A_0 = arith.constant 0 : index
    %get3A_1 = vector.load %arg1[%get3A, %get3A_0] : memref<2000x128xf32, #tpu.memory_space<vmem>>, vector<2000x128xf32>
    %convert_element_type3A = arith.truncf %get3A_1 : vector<2000x128xf32> to vector<2000x128xbf16>
    %get3A_2 = arith.constant 0 : index
    %get3A_3 = arith.constant 0 : index
    %get3A_4 = vector.load %arg2[%get3A_2, %get3A_3] : memref<128x128xf32, #tpu.memory_space<vmem>>, vector<128x128xf32>
    %convert_element_type3A_5 = arith.truncf %get3A_4 : vector<128x128xf32> to vector<128x128xbf16>
    %dot_general3A = arith.constant dense<0.000000e+00> : vector<2000x128xf32>
    %dot_general3A_6 = tpu.matmul %convert_element_type3A, %convert_element_type3A_5, %dot_general3A {dimension_numbers = #tpu.dot_dimension_numbers<[1], [0], [0], [1], [0, 0, 1, 1], [], []>, transpose_lhs_hint = false} : vector<2000x128xbf16>, vector<128x128xbf16>, vector<2000x128xf32> -> vector<2000x128xf32>
    %get3A_7 = arith.constant 0 : index
    %get3A_8 = vector.load %arg3[%get3A_7] : memref<128xf32, #tpu.memory_space<vmem>>, vector<128xf32>
    %broadcast_in_dim3A = vector.shape_cast %get3A_8 : vector<128xf32> to vector<1x128xf32>
    %add3A = vector.broadcast %broadcast_in_dim3A : vector<1x128xf32> to vector<2000x128xf32>
    %add3A_9 = arith.addf %dot_general3A_6, %add3A : vector<2000x128xf32>
    %swap3A = arith.constant 0 : index
    %swap3A_10 = arith.constant 0 : index
    %swap3A_11 = vector.load %arg6[%swap3A, %swap3A_10] : memref<2000x128xf32, #tpu.memory_space<vmem>>, vector<2000x128xf32>
    tpu.vector_store %arg6[%swap3A, %swap3A_10], %add3A_9 {strides = array<i32>} : memref<2000x128xf32, #tpu.memory_space<vmem>>, vector<2000x128xf32>,
    %convert_element_type3A_12 = arith.truncf %add3A_9 : vector<2000x128xf32> to vector<2000x128xbf16>
    %get3A_13 = arith.constant 0 : index
    %get3A_14 = arith.constant 0 : index
    %get3A_15 = vector.load %arg4[%get3A_13, %get3A_14] : memref<128x16xf32, #tpu.memory_space<vmem>>, vector<128x16xf32>
    %convert_element_type3A_16 = arith.truncf %get3A_15 : vector<128x16xf32> to vector<128x16xbf16>
    %dot_general3A_17 = arith.constant dense<0.000000e+00> : vector<2000x16xf32>
    %dot_general3A_18 = tpu.matmul %convert_element_type3A_12, %convert_element_type3A_16, %dot_general3A_17 {dimension_numbers = #tpu.dot_dimension_numbers<[1], [0], [0], [1], [0, 0, 1, 1], [], []>, transpose_lhs_hint = false} : vector<2000x128xbf16>, vector<128x16xbf16>, vector<2000x16xf32> -> vector<2000x16xf32>
    %get3A_19 = arith.constant 0 : index
    %get3A_20 = vector.load %arg5[%get3A_19] : memref<16xf32, #tpu.memory_space<vmem>>, vector<16xf32>
    %broadcast_in_dim3A_21 = vector.shape_cast %get3A_20 : vector<16xf32> to vector<1x16xf32>
    %add3A_22 = vector.broadcast %broadcast_in_dim3A_21 : vector<1x16xf32> to vector<2000x16xf32>
    %add3A_23 = arith.addf %dot_general3A_18, %add3A_22 : vector<2000x16xf32>
    %swap3A_24 = arith.constant 0 : index
    %swap3A_25 = arith.constant 0 : index
    %swap3A_26 = vector.load %arg7[%swap3A_24, %swap3A_25] : memref<2000x16xf32, #tpu.memory_space<vmem>>, vector<2000x16xf32>
    tpu.vector_store %arg7[%swap3A_24, %swap3A_25], %add3A_23 {strides = array<i32>} : memref<2000x16xf32, #tpu.memory_space<vmem>>, vector<2000x16xf32>,
    return
  }
  func.func @transform_0(%arg0: i32) -> (i32, i32) {
    %c0_i32 = arith.constant 0 : i32
    %c0_i32_0 = arith.constant 0 : i32
    return %arg0, %c0_i32 : i32, i32
  }
  func.func @transform_1(%arg0: i32) -> (i32, i32) {
    %c0_i32 = arith.constant 0 : i32
    %c0_i32_0 = arith.constant 0 : i32
    %c0_i32_1 = arith.constant 0 : i32
    return %c0_i32, %c0_i32_0 : i32, i32
  }
  func.func @transform_2(%arg0: i32) -> i32 {
    %c0_i32 = arith.constant 0 : i32
    %c0_i32_0 = arith.constant 0 : i32
    return %c0_i32 : i32
  }
  func.func @transform_3(%arg0: i32) -> (i32, i32) {
    %c0_i32 = arith.constant 0 : i32
    %c0_i32_0 = arith.constant 0 : i32
    %c0_i32_1 = arith.constant 0 : i32
    return %c0_i32, %c0_i32_0 : i32, i32
  }
  func.func @transform_4(%arg0: i32) -> i32 {
    %c0_i32 = arith.constant 0 : i32
    %c0_i32_0 = arith.constant 0 : i32
    return %c0_i32 : i32
  }
  func.func @transform_5(%arg0: i32) -> (i32, i32) {
    %c0_i32 = arith.constant 0 : i32
    %c0_i32_0 = arith.constant 0 : i32
    return %arg0, %c0_i32 : i32, i32
  }
  func.func @transform_6(%arg0: i32) -> (i32, i32) {
    %c0_i32 = arith.constant 0 : i32
    %c0_i32_0 = arith.constant 0 : i32
    return %arg0, %c0_i32 : i32, i32
  }
}

module attributes {stable_mosaic.version = 14 : i64} {
  func.func @_k1_body(%arg0: memref<10112x128xf32, #tpu.memory_space<vmem>>, %arg1: memref<128x128xf32, #tpu.memory_space<vmem>>, %arg2: memref<128x128xf32, #tpu.memory_space<vmem>>, %arg3: memref<128x16xf32, #tpu.memory_space<vmem>>, %arg4: memref<10112x128xf32, #tpu.memory_space<vmem>>, %arg5: memref<10112x128xf32, #tpu.memory_space<vmem>>, %arg6: memref<10112x16xf32, #tpu.memory_space<vmem>>, %arg7: memref<10112x16xf32, #tpu.memory_space<vmem>>) attributes {dimension_semantics = [], scalar_prefetch = 0 : i64, scratch_operands = 0 : i64, tpu.core_type = #tpu.core_type<tc>} {
    %get3A = arith.constant 0 : index
    %get3A_0 = arith.constant 0 : index
    %get3A_1 = vector.load %arg0[%get3A, %get3A_0] : memref<10112x128xf32, #tpu.memory_space<vmem>>, vector<10112x128xf32>
    %get3A_2 = arith.constant 0 : index
    %get3A_3 = arith.constant 0 : index
    %get3A_4 = vector.load %arg1[%get3A_2, %get3A_3] : memref<128x128xf32, #tpu.memory_space<vmem>>, vector<128x128xf32>
    %dot_general3A = arith.constant dense<0.000000e+00> : vector<10112x128xf32>
    %dot_general3A_5 = tpu.matmul %get3A_1, %get3A_4, %dot_general3A {dimension_numbers = #tpu.dot_dimension_numbers<[1], [0], [0], [1], [0, 0, 1, 1], [], []>, transpose_lhs_hint = false} : vector<10112x128xf32>, vector<128x128xf32>, vector<10112x128xf32> -> vector<10112x128xf32>
    %get3A_6 = arith.constant 0 : index
    %get3A_7 = arith.constant 0 : index
    %get3A_8 = vector.load %arg2[%get3A_6, %get3A_7] : memref<128x128xf32, #tpu.memory_space<vmem>>, vector<128x128xf32>
    %dot_general3A_9 = arith.constant dense<0.000000e+00> : vector<10112x128xf32>
    %dot_general3A_10 = tpu.matmul %get3A_1, %get3A_8, %dot_general3A_9 {dimension_numbers = #tpu.dot_dimension_numbers<[1], [0], [0], [1], [0, 0, 1, 1], [], []>, transpose_lhs_hint = false} : vector<10112x128xf32>, vector<128x128xf32>, vector<10112x128xf32> -> vector<10112x128xf32>
    %swap3A = arith.constant 0 : index
    %swap3A_11 = arith.constant 0 : index
    %swap3A_12 = vector.load %arg4[%swap3A, %swap3A_11] : memref<10112x128xf32, #tpu.memory_space<vmem>>, vector<10112x128xf32>
    tpu.vector_store %arg4[%swap3A, %swap3A_11], %dot_general3A_5 {strides = array<i32>} : memref<10112x128xf32, #tpu.memory_space<vmem>>, vector<10112x128xf32>,
    %swap3A_13 = arith.constant 0 : index
    %swap3A_14 = arith.constant 0 : index
    %swap3A_15 = vector.load %arg5[%swap3A_13, %swap3A_14] : memref<10112x128xf32, #tpu.memory_space<vmem>>, vector<10112x128xf32>
    tpu.vector_store %arg5[%swap3A_13, %swap3A_14], %dot_general3A_10 {strides = array<i32>} : memref<10112x128xf32, #tpu.memory_space<vmem>>, vector<10112x128xf32>,
    %get3A_16 = arith.constant 0 : index
    %get3A_17 = arith.constant 0 : index
    %get3A_18 = vector.load %arg3[%get3A_16, %get3A_17] : memref<128x16xf32, #tpu.memory_space<vmem>>, vector<128x16xf32>
    %dot_general3A_19 = arith.constant dense<0.000000e+00> : vector<10112x16xf32>
    %dot_general3A_20 = tpu.matmul %dot_general3A_5, %get3A_18, %dot_general3A_19 {dimension_numbers = #tpu.dot_dimension_numbers<[1], [0], [0], [1], [0, 0, 1, 1], [], []>, transpose_lhs_hint = false} : vector<10112x128xf32>, vector<128x16xf32>, vector<10112x16xf32> -> vector<10112x16xf32>
    %swap3A_21 = arith.constant 0 : index
    %swap3A_22 = arith.constant 0 : index
    %swap3A_23 = vector.load %arg6[%swap3A_21, %swap3A_22] : memref<10112x16xf32, #tpu.memory_space<vmem>>, vector<10112x16xf32>
    tpu.vector_store %arg6[%swap3A_21, %swap3A_22], %dot_general3A_20 {strides = array<i32>} : memref<10112x16xf32, #tpu.memory_space<vmem>>, vector<10112x16xf32>,
    %get3A_24 = arith.constant 0 : index
    %get3A_25 = arith.constant 0 : index
    %get3A_26 = vector.load %arg3[%get3A_24, %get3A_25] : memref<128x16xf32, #tpu.memory_space<vmem>>, vector<128x16xf32>
    %dot_general3A_27 = arith.constant dense<0.000000e+00> : vector<10112x16xf32>
    %dot_general3A_28 = tpu.matmul %dot_general3A_10, %get3A_26, %dot_general3A_27 {dimension_numbers = #tpu.dot_dimension_numbers<[1], [0], [0], [1], [0, 0, 1, 1], [], []>, transpose_lhs_hint = false} : vector<10112x128xf32>, vector<128x16xf32>, vector<10112x16xf32> -> vector<10112x16xf32>
    %swap3A_29 = arith.constant 0 : index
    %swap3A_30 = arith.constant 0 : index
    %swap3A_31 = vector.load %arg7[%swap3A_29, %swap3A_30] : memref<10112x16xf32, #tpu.memory_space<vmem>>, vector<10112x16xf32>
    tpu.vector_store %arg7[%swap3A_29, %swap3A_30], %dot_general3A_28 {strides = array<i32>} : memref<10112x16xf32, #tpu.memory_space<vmem>>, vector<10112x16xf32>,
    return
  }
}

module attributes {stable_mosaic.version = 14 : i64} {
  func.func @_k3b_body(%arg0: memref<10112x16xf32, #tpu.memory_space<vmem>>, %arg1: memref<10112x16xf32, #tpu.memory_space<vmem>>, %arg2: memref<10112x16xf32, #tpu.memory_space<vmem>>) attributes {dimension_semantics = [], scalar_prefetch = 0 : i64, scratch_operands = 0 : i64, tpu.core_type = #tpu.core_type<tc>} {
    %get3A = arith.constant 0 : index
    %get3A_0 = arith.constant 0 : index
    %get3A_1 = vector.load %arg0[%get3A, %get3A_0] : memref<10112x16xf32, #tpu.memory_space<vmem>>, vector<10112x16xf32>
    %get3A_2 = arith.constant 0 : index
    %get3A_3 = arith.constant 0 : index
    %get3A_4 = vector.load %arg1[%get3A_2, %get3A_3] : memref<10112x16xf32, #tpu.memory_space<vmem>>, vector<10112x16xf32>
    %add3A = arith.addf %get3A_1, %get3A_4 : vector<10112x16xf32>
    %swap3A = arith.constant 0 : index
    %swap3A_5 = arith.constant 0 : index
    %swap3A_6 = vector.load %arg2[%swap3A, %swap3A_5] : memref<10112x16xf32, #tpu.memory_space<vmem>>, vector<10112x16xf32>
    tpu.vector_store %arg2[%swap3A, %swap3A_5], %add3A {strides = array<i32>} : memref<10112x16xf32, #tpu.memory_space<vmem>>, vector<10112x16xf32>,
    return
  }
}

module attributes {stable_mosaic.version = 14 : i64} {
  func.func @_k5_body(%arg0: memref<10112x128xf32, #tpu.memory_space<vmem>>, %arg1: memref<128x128xf32, #tpu.memory_space<vmem>>, %arg2: memref<128xf32, #tpu.memory_space<vmem>>, %arg3: memref<10112x128xf32, #tpu.memory_space<vmem>>, %arg4: memref<10112x128xf32, #tpu.memory_space<vmem>>, %arg5: memref<10112x16xf32, #tpu.memory_space<vmem>>, %arg6: memref<10112x128xf32, #tpu.memory_space<vmem>>, %arg7: memref<10112x128xf32, #tpu.memory_space<vmem>>) attributes {dimension_semantics = [], scalar_prefetch = 0 : i64, scratch_operands = 0 : i64, tpu.core_type = #tpu.core_type<tc>} {
    %get3A = arith.constant 0 : index
    %get3A_0 = arith.constant 0 : index
    %get3A_1 = vector.load %arg0[%get3A, %get3A_0] : memref<10112x128xf32, #tpu.memory_space<vmem>>, vector<10112x128xf32>
    %get3A_2 = arith.constant 0 : index
    %get3A_3 = arith.constant 0 : index
    %get3A_4 = vector.load %arg1[%get3A_2, %get3A_3] : memref<128x128xf32, #tpu.memory_space<vmem>>, vector<128x128xf32>
    %dot_general3A = arith.constant dense<0.000000e+00> : vector<10112x128xf32>
    %dot_general3A_5 = tpu.matmul %get3A_1, %get3A_4, %dot_general3A {dimension_numbers = #tpu.dot_dimension_numbers<[1], [0], [0], [1], [0, 0, 1, 1], [], []>, transpose_lhs_hint = false} : vector<10112x128xf32>, vector<128x128xf32>, vector<10112x128xf32> -> vector<10112x128xf32>
    %get3A_6 = arith.constant 0 : index
    %get3A_7 = arith.constant 0 : index
    %get3A_8 = vector.load %arg5[%get3A_6, %get3A_7] : memref<10112x16xf32, #tpu.memory_space<vmem>>, vector<10112x16xf32>
    %slice3A = vector.extract_strided_slice %get3A_8 {offsets = [0, 0], sizes = [10112, 1], strides = [1, 1]} : vector<10112x16xf32> to vector<10112x1xf32>
    %gt3A = arith.constant 0.000000e+00 : f32
    %gt3A_9 = vector.broadcast %gt3A : f32 to vector<10112x1xf32>
    %gt3A_10 = arith.cmpf ogt, %slice3A, %gt3A_9 : vector<10112x1xf32>
    %jit3A = arith.constant 1.000000e+00 : f32
    %jit3A_11 = arith.constant 0.000000e+00 : f32
    %broadcast_in_dim3A = vector.broadcast %jit3A : f32 to vector<10112x1xf32>
    %broadcast_in_dim3A_12 = vector.broadcast %jit3A_11 : f32 to vector<10112x1xf32>
    %select_n3A = arith.select %gt3A_10, %broadcast_in_dim3A, %broadcast_in_dim3A_12 : vector<10112x1xi1>, vector<10112x1xf32>
    %get3A_13 = arith.constant 0 : index
    %get3A_14 = arith.constant 0 : index
    %get3A_15 = vector.load %arg3[%get3A_13, %get3A_14] : memref<10112x128xf32, #tpu.memory_space<vmem>>, vector<10112x128xf32>
    %get3A_16 = arith.constant 0 : index
    %get3A_17 = arith.constant 0 : index
    %get3A_18 = vector.load %arg4[%get3A_16, %get3A_17] : memref<10112x128xf32, #tpu.memory_space<vmem>>, vector<10112x128xf32>
    %add3A = arith.addf %get3A_15, %get3A_18 : vector<10112x128xf32>
    %get3A_19 = arith.constant 0 : index
    %get3A_20 = arith.constant 0 : index
    %get3A_21 = vector.load %arg6[%get3A_19, %get3A_20] : memref<10112x128xf32, #tpu.memory_space<vmem>>, vector<10112x128xf32>
    %mul3A = vector.broadcast %select_n3A : vector<10112x1xf32> to vector<10112x128xf32>
    %mul3A_22 = arith.mulf %mul3A, %get3A_21 : vector<10112x128xf32>
    %add3A_23 = arith.addf %add3A, %mul3A_22 : vector<10112x128xf32>
    %add3A_24 = arith.addf %add3A_23, %dot_general3A_5 : vector<10112x128xf32>
    %get3A_25 = arith.constant 0 : index
    %get3A_26 = vector.load %arg2[%get3A_25] : memref<128xf32, #tpu.memory_space<vmem>>, vector<128xf32>
    %broadcast_in_dim3A_27 = vector.shape_cast %get3A_26 : vector<128xf32> to vector<1x128xf32>
    %add3A_28 = vector.broadcast %broadcast_in_dim3A_27 : vector<1x128xf32> to vector<10112x128xf32>
    %add3A_29 = arith.addf %add3A_24, %add3A_28 : vector<10112x128xf32>
    %ge3A = arith.constant 0.000000e+00 : f32
    %ge3A_30 = vector.broadcast %ge3A : f32 to vector<10112x128xf32>
    %ge3A_31 = arith.cmpf oge, %add3A_29, %ge3A_30 : vector<10112x128xf32>
    %mul3A_32 = arith.constant 0.229166672 : f32
    %mul3A_33 = vector.broadcast %mul3A_32 : f32 to vector<10112x128xf32>
    %mul3A_34 = arith.mulf %mul3A_33, %add3A_29 : vector<10112x128xf32>
    %select_n3A_35 = arith.select %ge3A_31, %add3A_29, %mul3A_34 : vector<10112x128xi1>, vector<10112x128xf32>
    %swap3A = arith.constant 0 : index
    %swap3A_36 = arith.constant 0 : index
    %swap3A_37 = vector.load %arg7[%swap3A, %swap3A_36] : memref<10112x128xf32, #tpu.memory_space<vmem>>, vector<10112x128xf32>
    tpu.vector_store %arg7[%swap3A, %swap3A_36], %select_n3A_35 {strides = array<i32>} : memref<10112x128xf32, #tpu.memory_space<vmem>>, vector<10112x128xf32>,
    return
  }
}

</mosaic_0001>

<sc_bundles>
// kernel: kernel.11.cloned.1.call-start
scs
__scs_entry_jumppad:
0x0: {  	(pc) =	sbr.rel $0x88, $3  }
0x1: {  	(tag) =	ssettag $0x0;
	lr =	simm.s32 $0x1  }
0x2: {  	[smem:$0x3F98] =	sst lr;
	_ =	strace $0xD0000000  }
0x3: {  	_ = 	snop  }
0x4: {  	_ = 	snop  }
0x5: {  	_ = 	snop  }
0x6: {  	_ = 	snop  }
0x7: {  	_ = 	snop  }
__scs_overlays_trampoline_lowered:
0x8: {  	[smem:$0x3FA7] =	sst s0  }
0x9: {  	[smem:$0x3FA8] =	sst s1  }
0xa: {  	[smem:$0x3FA9] =	sst s2  }
0xb: {  	[smem:$0x3FAA] =	sst s3  }
0xc: {  	[smem:$0x3FAB] =	sst s4  }
0xd: {  	[smem:$0x3FAC] =	sst s5  }
0xe: {  	[smem:$0x3FAD] =	sst s6  }
0xf: {  	[smem:$0x3FAE] =	sst s7  }
0x10: {  	[smem:$0x3FAF] =	sst s8  }
0x11: {  	[smem:$0x3FB0] =	sst s9;
	s0 =	simm.s32 @!p0 $0x0  }
0x12: {  	s1 =	sld [smem:$0x3F96];
	s0 =	simm.s32 @p0 $0x1  }
0x13: {  	[smem:$0x3FB1] =	sst s0;
	s0 =	simm.s32 @!p1 $0x0  }
0x14: {  	s2 =	sld [smem:$0x3F95];
	s0 =	simm.s32 @p1 $0x1  }
0x15: {  	[smem:$0x3FB2] =	sst s0;
	s0 =	simm.s32 @!p2 $0x0  }
0x16: {  	s3 =	sld [smem:$0x3FDB];
	s0 =	simm.s32 @p2 $0x1  }
0x17: {  	s4 =	simm.s32 $0x1BF5;
	[smem:$0x3FB4] =	sst s0  }
0x18: {  	s0 =	sld [smem:$0x3F97];
	_ =	swait.ge [sflag:s4], $0x0  }
0x19: {  	s7 =	sld [smem:$0x3F98]  }
0x1a: {  	s8 =	sadd.s32 $0xFFFFE003, lr  }
0x1b: {  	s9 =	sadd.s32 $0xFFFFFEF7, lr;
	s5 =	simm.s32 $0xFFFFFFFF;
	p2 =	slt.u32 s8, $0xFFFFF086  }
0x1c: {  	p1 =	slt.u32 s9, $0xF7A;
	s5 =	simm.s32 @!p2 $0x0  }
0x1d: {  	s5 =	simm.s32 @p1 $0x1;
	p0 =	seq.s32 s7, s2  }
0x1e: {  	s7 =	smul.u32 @!p0 $0xF7A, s2;
	p2 =	seq.s32 @!p0 s5, $0x0  }
0x1f: {  	s9 =	smul.u32 $0xF7A, s1;
	s8 =	simm.s32 @!p0 $0x1BF5;
	p2 =	por !p2, p0  }
0x20: {  	[sflag:s8] =	ssyncset.s32 @!p0 $0xFFFFF086;
	s6 =	sadd.s32 @!p0 s3, s7;
	s7 =	simm.s32 @!p0 $0x108  }
0x21: {  	s3 =	sadd.s32 s3, s9;
	s6 =	sadd.s32 @!p0 $0x88, s6;
	s7 =	simm.s32 @p2 $0x1082  }
0x22: {  	[simem:s7], [sflag:s8] =	dma.local @!p0 [hbm:s6], $0xF7A  }
0x23: {  	s9 =	sor.u32 $0xD0000000, s2;
	s6 =	simm.s32 $0x108;
	_ =	swait.ge @!p0 [sflag:s8], $0x0  }
0x24: {  	s3 =	sadd.s32 $0x88, s3;
	s6 =	simm.s32 @!p1 $0x1082;
	[sflag:s4] =	ssyncset.s32 $0xFFFFF086  }
0x25: {  	[simem:s6], [sflag:s4] =	dma.local [hbm:s3], $0xF7A  }
0x26: {  	[smem:$0x3F98] =	sst s1;
	(tag) =	ssettag s2;
	_ =	strace s9  }
0x27: {  	s1 =	sld [smem:$0x3FA8]  }
0x28: {  	s2 =	sld [smem:$0x3FA9]  }
0x29: {  	s4 =	sld [smem:$0x3FAB]  }
0x2a: {  	p0 =	seq.s32 s5, $0x0;
	s5 =	sld [smem:$0x3FAC]  }
0x2b: {  	s6 =	sld [smem:$0x3FAD]  }
0x2c: {  	s7 =	sld [smem:$0x3FAE]  }
0x2d: {  	s3 =	simm.s32 $0x108;
	s8 =	sld [smem:$0x3FAF]  }
0x2e: {  	s3 =	simm.s32 @!p0 $0x1082;
	s9 =	sld [smem:$0x3FB0]  }
0x2f: {  	lr =	sadd.s32 s0, s3;
	s0 =	sld [smem:$0x3FA7]  }
0x30: {  	s3 =	sld [smem:$0x3FAA]  }
0x31: {  	[smem:$0x3FB3] =	sst s10  }
0x32: {  	s10 =	sld [smem:$0x3FB1];
	_ =	sdelay $0x3  }
0x33: {  	p0 =	seq.s32 s10, $0x1;
	s10 =	sld [smem:$0x3FB3];
	_ =	sdelay $0x3  }
0x34: {  	[smem:$0x3FB3] =	sst s10  }
0x35: {  	s10 =	sld [smem:$0x3FB2];
	_ =	sdelay $0x3  }
0x36: {  	p1 =	seq.s32 s10, $0x1;
	s10 =	sld [smem:$0x3FB3];
	_ =	sdelay $0x3  }
0x37: {  	[smem:$0x3FB3] =	sst s10  }
0x38: {  	s10 =	sld [smem:$0x3FB4]  }
0x39: {  	_ = 	snop;
	(pc) =	sbr.ind lr, $3  }
0x3a: {  	_ = 	snop  }
0x3b: {  	_ = 	snop  }
0x3c: {  	p2 =	seq.s32 s10, $0x1;
	s10 =	sld [smem:$0x3FB3]  }
0x3d: {  	_ =	shalt  }
0x3e: {  	_ =	shalt  }
0x3f: {  	_ =	shalt  }
0x40: {  	_ =	shalt  }
0x41: {  	_ =	shalt  }
0x42: {  	_ =	shalt  }
0x43: {  	_ =	shalt  }
0x44: {  	_ =	shalt  }
0x45: {  	_ =	shalt  }
0x46: {  	_ =	shalt  }
0x47: {  	_ =	shalt  }
0x48: {  	_ =	shalt  }
0x49: {  	_ =	shalt  }
0x4a: {  	_ =	shalt  }
0x4b: {  	_ =	shalt  }
0x4c: {  	_ =	shalt  }
0x4d: {  	_ =	shalt  }
0x4e: {  	_ =	shalt  }
0x4f: {  	_ =	shalt  }
0x50: {  	_ =	shalt  }
0x51: {  	_ =	shalt  }
0x52: {  	_ =	shalt  }
0x53: {  	_ =	shalt  }
0x54: {  	_ =	shalt  }
0x55: {  	_ =	shalt  }
0x56: {  	_ =	shalt  }
0x57: {  	_ =	shalt  }
0x58: {  	_ =	shalt  }
0x59: {  	_ =	shalt  }
0x5a: {  	_ =	shalt  }
0x5b: {  	_ =	shalt  }
0x5c: {  	_ =	shalt  }
0x5d: {  	_ =	shalt  }
0x5e: {  	_ =	shalt  }
0x5f: {  	_ =	shalt  }
0x60: {  	_ =	shalt  }
0x61: {  	_ =	shalt  }
0x62: {  	_ =	shalt  }
0x63: {  	_ =	shalt  }
0x64: {  	_ =	shalt  }
0x65: {  	_ =	shalt  }
0x66: {  	_ =	shalt  }
0x67: {  	_ =	shalt  }
0x68: {  	_ =	shalt  }
0x69: {  	_ =	shalt  }
0x6a: {  	_ =	shalt  }
0x6b: {  	_ =	shalt  }
0x6c: {  	_ =	shalt  }
0x6d: {  	_ =	shalt  }
0x6e: {  	_ =	shalt  }
0x6f: {  	_ =	shalt  }
0x70: {  	_ =	shalt  }
0x71: {  	_ =	shalt  }
0x72: {  	_ =	shalt  }
0x73: {  	_ =	shalt  }
0x74: {  	_ =	shalt  }
0x75: {  	_ =	shalt  }
0x76: {  	_ =	shalt  }
0x77: {  	_ =	shalt  }
0x78: {  	_ =	shalt  }
0x79: {  	_ =	shalt  }
0x7a: {  	_ =	shalt  }
0x7b: {  	_ =	shalt  }
0x7c: {  	_ =	shalt  }
0x7d: {  	_ =	shalt  }
0x7e: {  	_ =	shalt  }
0x7f: {  	_ =	shalt  }
0x80: {  	_ =	shalt  }
0x81: {  	_ =	shalt  }
0x82: {  	_ =	shalt  }
0x83: {  	_ =	shalt  }
0x84: {  	_ =	shalt  }
0x85: {  	_ =	shalt  }
0x86: {  	_ =	shalt  }
0x87: {  	_ =	shalt  }
.Lfunc_end0:
.L_simem_size_0:
called_computation.1_lowered:
.L_overlay_start_0:
0x88: {  	s2 =	sld [smem:$0x3FD9]  }
0x89: {  	s3 =	sld [smem:$0x3FFE];
	_ =	sdelay $0x1  }
0x8a: {  	s1 =	srdreg.scid  }
0x8b: {  	s0 =	sand.u32 $0x1, s1  }
0x8c: {  	s17 =	sshll.u32 s0, $0xA;
	s2 =	sadd.s32 s3, s2  }
0x8d: {  	s2 =	sadd.s32 s2, s17  }
0x8e: {  	[smem:$0x3FBF] =	sst s2  }
0x8f: {  	_ = 	snop  }
0x90: {  	s2 =	sld [smem:$0x3FD0];
	(tm) =	ssettm $0x1  }
0x91: {  	s18 =	sld [smem:$0x3FFB];
	_ =	sdelay $0x3  }
0x92: {  	_ =	strace s18  }
0x93: {  	s3 =	sld [smem:$0x3FFC];
	_ =	sdelay $0x3  }
0x94: {  	_ =	strace s3  }
0x95: {  	s3 =	sld [smem:$0x3FFD];
	_ =	sdelay $0x3  }
0x96: {  	_ =	strace s3  }
0x97: {  	_ =	strace $0x8FFFFFFF  }
0x98: {  	s19 =	sld [smem:$0x3FDB];
	_ =	sdelay $0x1  }
0x99: {  	s4 =	simm.s32 $_scs_section_size  }
0x9a: {  	s5 =	simm.s32 $_size__tile_overlayer_lowered;
	s6 =	simm.s32 $_tile_overlayer_lowered  }
0x9b: {  	s22 =	simm.s32 $0x1BFF;
	s21 =	sshll.u32 s6, $0x1;
	s3 =	sadd.s32 s4, s19  }
0x9c: {  	s7 =	simm.s32 $0x0;
	s20 =	sshll.u32 s5, $0x1;
	s5 =	sadd.s32 s21, s3  }
0x9d: {  	[timem:s7], [sflag:s22] =	dma.local [hbm:s5], s20  }
0x9e: {  	_ =	swait.ge [sflag:s22], s20  }
0x9f: {  	s4 =	ssub.s32 $0x0, s20;
	[sflag:s22] =	ssyncset.done $0x0  }
0xa0: {  	[sflag:s22] =	ssyncadd.s32 s4;
	_ =	sdelay $0x1  }
0xa1: {  	s23 =	simm.s32 $0x1B8B  }
0xa2: {  	_ =	swait.ge [sflag:s23], $0x1  }
0xa3: {  	[sflag:s23] =	ssyncset.done $0x0  }
0xa4: {  	s25 =	simm.s32 $0x1B8E;
	s24 =	sld [smem:$0x3FFE];
	[sflag:s23] =	ssyncadd.s32 $0xFFFFFFFF  }
0xa5: {  	s26 =	simm.s32 $execute0_lowered;
	[smem:$0x3FD2] =	sst s25  }
0xa6: {  	s5 =	sshll.u32 s26, $0x1;
	_ =	strace $0x80000049;
	[dreg:$0x1] =	wrdreg $0xFFFFFFFF  }
0xa7: {  	s28 =	simm.s32 $_size_execute0_lowered;
	s3 =	sadd.s32 s3, s5;
	[dreg:$0x0] =	wrdreg $0x0  }
0xa8: {  	s5 =	sshll.u32 s28, $0x1;
	[dreg:$0x2] =	wrdreg s3  }
0xa9: {  	[dreg:$0x3] =	wrdreg s5  }
0xaa: {  	[dreg:$0x4] =	wrdreg $0xC0  }
0xab: {  	_ =	task [dreg:s7], $0x5FFFF  }
0xac: {  	[dreg:$0x1] =	wrdreg $0xFFFFFFFF  }
0xad: {  	[dreg:$0x0] =	wrdreg $0x60  }
0xae: {  	[dreg:$0x2] =	wrdreg s2  }
0xaf: {  	[dreg:$0x3] =	wrdreg s24  }
0xb0: {  	[dreg:$0x4] =	wrdreg $0x98400  }
0xb1: {  	[dreg:$0x5] =	wrdreg $0x9  }
0xb2: {  	_ =	task.clear_ibuf [dreg:s7], $0x6FFFF;
	_ =	strace $0x90000049  }
0xb3: {  	s29 =	simm.s32 $0x9;
	_ =	strace $0x8000004B  }
0xb4: {  	_ =	swait.ge [sflag:s29], $0x1  }
0xb5: {  	[sflag:s29] =	ssyncadd.s32 $0xFFFFFFFF  }
0xb6: {  	_ =	strace $0x9000004B  }
0xb7: {  	_ =	sfence  }
0xb8: {  	s30 =	sld [smem:$0x0];
	_ =	sdelay $0x2  }
0xb9: {  	s31 =	sshll.u32 s1, $0xD;
	s1 =	sshrl.u32 s1, $0x2  }
0xba: {  	s3 =	sand.u32 $0x4000, s31;
	s1 =	sadd.s32 s1, s30  }
0xbb: {  	s0 =	sor.u32 s3, s0;
	s1 =	sshll.u32 s1, $0x11  }
0xbc: {  	s0 =	sor.u32 s1, s0  }
0xbd: {  	s0 =	sadd.s32 $0x8F2B, s0  }
0xbe: {  	[sflag:s0] =	ssyncadd.remote.s32 $0x1  }
0xbf: {  	_ =	sfence.sel $0xFFFF  }
0xc0: {  	[dreg:$0x0] =	wrdreg $0xFFFFFFFF;
	(pc) =	sbr.abs _section_cstart, $3  }
0xc1: {  	[dreg:$0x1] =	wrdreg $0xFFFFFFFF  }
0xc2: {  	_ =	task.clear_ibuf [dreg:s7], $0x2FFFF;
	_ =	strace $0x9FFFFFFF  }
0xc3: {  	(tm) =	ssettm $0x7FFFFFFF  }
tec
execute0_lowered:
.L_overlay_start_1:
0x0: {  	(tag) =	ssettag $0x1  }
0x1: {  	s0 =	rddreg [dreg:$0x1]  }
0x2: {  	s2 =	rddreg [dreg:$0x2]  }
0x3: {  	s4 =	simm.s32 $0x0;
	s14 =	stileid.u32;
	s3 =	srdreg.scid  }
0x4: {  	s18 =	simm.s32 $0x800;
	s20 =	simm.s32 $0x40;
	s22 =	simm.s32 $0x3000  }
0x5: {  	s23 =	simm.s32 $0x2;
	s29 =	simm.s32 $0x5400;
	s30 =	simm.s32 $0x7800  }
0x6: {  	v0 =	vlaneseq.u32;
	s31 =	simm.s32 $0x9800;
	[smem:$0x7FF] =	sst s4;
	s1 =	sadd.s32 $0x2400, s0  }
0x7: {  	s24 =	smul.u32 $0x13C00, s14;
	s6 =	sadd.s32 $0x9BA00, s0;
	s7 =	sadd.s32 $0x82C00, s0;
	v0 =	vmul.u32 $0x10, v0  }
0x8: {  	s3 =	sand.u32 $0x1, s3;
	s8 =	sadd.s32 $0x533C00, s0;
	s9 =	sadd.s32 $0x33C00, s0  }
0x9: {  	s13 =	sshll.u32 s14, $0x1;
	s26 =	sshll.u32 s14, $0x6;
	_ =	strace $0x8000004A;
	v1 =	vor.u32 $0x1, v0  }
0xa: {  	[dreg:$0x4] =	wrdreg s1;
	s10 =	smul.u32 $0x27800, s3;
	s12 =	ssub.s32 $0x2, s3;
	v2 =	vor.u32 $0x2, v0;
	v3 =	vor.u32 $0x3, v0;
	v4 =	vor.u32 $0x4, v0  }
0xb: {  	s3 =	sor.u32 s3, s13;
	s13 =	simm.s32 $0x7;
	s5 =	sshrl.u32 s24, $0x3;
	v5 =	vor.u32 $0x5, v0;
	v6 =	vor.u32 $0x6, v0;
	v8 =	vor.u32 $0x100, v0  }
0xc: {  	s25 =	sshrl.u32 s12, $0x1;
	s1 =	sadd.s32 s24, s2;
	s3 =	smul.u32 $0x2800, s3;
	v9 =	vor.u32 $0x101, v0;
	v10 =	vor.u32 $0x102, v0;
	v11 =	vor.u32 $0x103, v0  }
0xd: {  	v12 =	vor.u32 $0x104, v0;
	v13 =	vor.u32 $0x105, v0;
	v14 =	vor.u32 $0x106, v0;
	s11 =	sadd.s32 s5, s0;
	s0 =	sadd.s32 s10, s0;
	s10 =	ssub.s32 s12, s25  }
0xe: {  	v15 =	vor.u32 $0x107, v0;
	v16 =	vor.u32 $0x200, v0;
	v17 =	vor.u32 $0x201, v0;
	s12 =	sshrl.u32 s1, $0x3;
	s25 =	simm.s32 $0x3;
	[dreg:$0x7] =	wrdreg s3  }
0xf: {  	v7 =	vor.u32 $0x7, v0;
	v18 =	vor.u32 $0x202, v0;
	v19 =	vor.u32 $0x203, v0;
	s11 =	sadd.s32 $0x163200, s11;
	s0 =	sadd.s32 $0x18AA00, s0;
	[dreg:$0x9] =	wrdreg s12  }
0x10: {  	v20 =	vor.u32 $0x204, v0;
	v21 =	vor.u32 $0x205, v0;
	v22 =	vor.u32 $0x206, v0;
	s28 =	smax.u32 s10, $0x1;
	s3 =	simm.s32 $0x5;
	[dreg:$0x5] =	wrdreg s11  }
0x11: {  	v23 =	vor.u32 $0x207, v0;
	v24 =	vor.u32 $0x300, v0;
	v25 =	vor.u32 $0x301, v0;
	s10 =	simm.s32 $0x6;
	[dreg:$0x8] =	wrdreg s28;
	s0 =	sadd.s32 s5, s0  }
0x12: {  	v26 =	vor.u32 $0x302, v0;
	v27 =	vor.u32 $0x303, v0;
	v28 =	vor.u32 $0x304, v0;
	s11 =	sor.u32 $0x1C07, s26;
	s26 =	simm.s32 $0x5000;
	[dreg:$0xa] =	wrdreg s0  }
0x13: {  	v29 =	vor.u32 $0x305, v0;
	v30 =	vor.u32 $0x306, v0;
	v31 =	vor.u32 $0x307, v0;
	s5 =	simm.s32 $0x0;
	s0 =	simm.s32 $0x4;
	[dreg:$0x6] =	wrdreg s11  }
.LBB2_1:
0x14: {  	[dreg:$0xb] =	wrdreg s5  }
0x15: {  	s1 =	rddreg [dreg:$0x5]  }
0x16: {  	[spmem:s12], [sflag:s11] =	dma.local [hbm:s1], $0x2780  }
0x17: {  	_ =	swait.ge [sflag:s13], $0x2780  }
0x18: {  	[sflag:s13] =	ssyncset.done $0x0  }
0x19: {  	[sflag:s13] =	ssyncadd.s32 $0xFFFFD880  }
0x1a: {  	s1 =	simm.s32 $0x0;
	[bflag:$0x0] =	sbarrier.arrive $0xFFFF  }
.LBB2_2:
0x1b: {  	s14 =	sshll.u32 s1, $0xA;
	s5 =	rddreg [dreg:$0x7]  }
0x1c: {  	[dreg:$0xc] =	wrdreg s1;
	s11 =	sadd.s32 s5, s14  }
0x1d: {  	s15 =	rddreg [dreg:$0x0];
	s1 =	sshrl.u32 s11, $0x3  }
0x1e: {  	s16 =	rddreg [dreg:$0x4];
	s14 =	simm.s32 $0x0;
	s5 =	sadd.s32 s15, s1  }
0x1f: {  	[tilespmem:s14], [sflag:$0x1] =	stream.linear.gather [hbm4b:s5+s14], $0x400, $0x38;
	[tilespmem:$0x1D440] =	vst v63  }
0x20: {  	s17 =	simm.s32 $0x400;
	s12 =	simm.s32 $0x1;
	s1 =	sadd.s32 s16, s1  }
0x21: {  	[tilespmem:s17], [sflag:$0x1] =	stream.linear.gather [hbm4b:s1+s14], $0x400, $0x38;
	[tilespmem:$0x1D440] =	vst v63  }
0x22: {  	_ =	swait.ge [sflag:s12], $0x400  }
0x23: {  	[sflag:s12] =	ssyncset.done $0x0  }
0x24: {  	[sflag:s12] =	ssyncadd.s32 $0xFFFFFC00  }
0x25: {  	_ =	swait.ge [sflag:s12], $0x400  }
0x26: {  	s19 =	sshll.u32 s11, $0x1;
	[sflag:s12] =	ssyncset.done $0x0  }
0x27: {  	s21 =	sshll.u32 s11, $0x4;
	s1 =	sadd.s32 s6, s19;
	[sflag:s12] =	ssyncadd.s32 $0xFFFFFC00  }
0x28: {  	[tilespmem:s18], [sflag:$0x2] =	stream.linear.gather [hbm4b:s1+s14], $0x400, $0x38;
	[tilespmem:$0x1D440] =	vst v63  }
0x29: {  	s24 =	simm.s32 $0x1000;
	s1 =	sadd.s32 s8, s21  }
0x2a: {  	[tilespmem:s24], [sflag:$0x2] =	stream.linear.gather [hbm4b:s1+s14], $0x2000, $0x38;
	[tilespmem:$0x1D440] =	vst v63  }
0x2b: {  	s28 =	simm.s32 $0xC00  }
0x2c: {  	[tilespmem:s28], [sflag:$0x3] =	stream.indirect.gather [hbm4b:s7+s20], $0x10, s17, s20, $0xb8;
	[tilespmem:$0x1D440] =	vst v63  }
0x2d: {  	_ = 	snop  }
0x2e: {  	[tilespmem:s22], [sflag:$0x3] =	stream.indirect.gather [hbm4b:s9+s20], $0x80, s14, s20, $0xb8;
	[tilespmem:$0x1D440] =	vst v63  }
.LBB2_3:
0x2f: {  	_ =	swait.ge [sflag:s23], $0x400  }
0x30: {  	[sflag:s23] =	ssyncset.done $0x0  }
0x31: {  	[sflag:s23] =	ssyncadd.s32 $0xFFFFFC00  }
0x32: {  	_ =	swait.ge [sflag:s23], $0x2000  }
0x33: {  	[sflag:s23] =	ssyncset.done $0x0  }
0x34: {  	[sflag:s23] =	ssyncadd.s32 $0xFFFFE000  }
0x35: {  	s13 =	sshll.u32 s14, $0x7;
	_ =	swait.ge [sflag:s25], $0x400  }
0x36: {  	s1 =	sor.u32 $0x40, s13;
	[sflag:s25] =	ssyncset.done $0x0  }
0x37: {  	s5 =	sor.u32 s11, s1;
	[sflag:s25] =	ssyncadd.s32 $0xFFFFFC00  }
0x38: {  	s12 =	sshll.u32 s5, $0x1;
	_ =	swait.ge [sflag:s25], $0x2000  }
0x39: {  	s5 =	sshll.u32 s5, $0x4;
	s12 =	sand.u32 $0x1FFFFF80, s12;
	[sflag:s25] =	ssyncset.done $0x0  }
0x3a: {  	s5 =	sand.u32 $0x1FFFFC00, s5;
	s12 =	sadd.s32 s6, s12;
	[sflag:s25] =	ssyncadd.s32 $0xFFFFE000  }
0x3b: {  	[tilespmem:s26], [sflag:$0x4] =	stream.linear.gather [hbm4b:s12+s4], $0x400, $0x38;
	[tilespmem:$0x1D440] =	vst v63  }
0x3c: {  	s24 =	simm.s32 $0x5800;
	s5 =	sadd.s32 s8, s5  }
0x3d: {  	[tilespmem:s24], [sflag:$0x4] =	stream.linear.gather [hbm4b:s5+s4], $0x2000, $0x38;
	[tilespmem:$0x1D440] =	vst v63  }
0x3e: {  	s15 =	sadd.s32 $0x440, s13  }
0x3f: {  	[tilespmem:s29], [sflag:$0x5] =	stream.indirect.gather [hbm4b:s7+s20], $0x10, s15, s20, $0xb8;
	[tilespmem:$0x1D440] =	vst v63  }
0x40: {  	s28 =	simm.s32 $0xC40  }
0x41: {  	[tilespmem:s30], [sflag:$0x5] =	stream.indirect.gather [hbm4b:s9+s20], $0x80, s1, s20, $0xb8;
	[tilespmem:$0x1D440] =	vst v63  }
0x42: {  	v32 =	vld [tilespmem:s28+$0xFFFFFFC0];
	_ =	sdelay $0x4  }
0x43: {  	(erf) = vrcp.f32 v32;
	_ =	sdelay $0x3  }
0x44: {  	s1 =	simm.s32 $0x840  }
0x45: {  	v49 =	vld [tilespmem:s1+$0xFFFFFFC0];
	_ =	sdelay $0x3  }
0x46: {  	v33 =	vpop (erf)  }
0x47: {  	v32 =	vmul.f32 v33, v49;
	_ =	sdelay $0x1  }
0x48: {  	[tilespmem:s1+$0xFFFFFFC0] =	vst v32  }
0x49: {  	v32 =	vld [tilespmem:s28+$0xFFFFFFD0];
	_ =	sdelay $0x4  }
0x4a: {  	(erf) = vrcp.f32 v32;
	_ =	sdelay $0x4  }
0x4b: {  	v50 =	vld [tilespmem:s1+$0xFFFFFFD0];
	_ =	sdelay $0x3  }
0x4c: {  	v51 =	vpop (erf)  }
0x4d: {  	v32 =	vmul.f32 v51, v50;
	_ =	sdelay $0x1  }
0x4e: {  	[tilespmem:s1+$0xFFFFFFD0] =	vst v32  }
0x4f: {  	v32 =	vld [tilespmem:s28+$0xFFFFFFE0];
	_ =	sdelay $0x4  }
0x50: {  	(erf) = vrcp.f32 v32;
	_ =	sdelay $0x4  }
0x51: {  	v52 =	vld [tilespmem:s1+$0xFFFFFFE0];
	_ =	sdelay $0x3  }
0x52: {  	v53 =	vpop (erf)  }
0x53: {  	v32 =	vmul.f32 v53, v52;
	_ =	sdelay $0x1  }
0x54: {  	[tilespmem:s1+$0xFFFFFFE0] =	vst v32  }
0x55: {  	v32 =	vld [tilespmem:s28+$0xFFFFFFF0];
	_ =	sdelay $0x4  }
0x56: {  	(erf) = vrcp.f32 v32;
	_ =	sdelay $0x4  }
0x57: {  	v54 =	vld [tilespmem:s1+$0xFFFFFFF0];
	_ =	sdelay $0x3  }
0x58: {  	v55 =	vpop (erf)  }
0x59: {  	v32 =	vmul.f32 v55, v54;
	_ =	sdelay $0x1  }
0x5a: {  	[tilespmem:s1+$0xFFFFFFF0] =	vst v32  }
0x5b: {  	v32 =	vld [tilespmem:s28+$0x0];
	_ =	sdelay $0x4  }
0x5c: {  	(erf) = vrcp.f32 v32;
	_ =	sdelay $0x4  }
0x5d: {  	v56 =	vld [tilespmem:s1+$0x0];
	_ =	sdelay $0x3  }
0x5e: {  	v57 =	vpop (erf)  }
0x5f: {  	v32 =	vmul.f32 v57, v56;
	_ =	sdelay $0x1  }
0x60: {  	[tilespmem:s1+$0x0] =	vst v32  }
0x61: {  	v32 =	vld [tilespmem:s28+$0x10];
	_ =	sdelay $0x4  }
0x62: {  	(erf) = vrcp.f32 v32;
	_ =	sdelay $0x4  }
0x63: {  	v58 =	vld [tilespmem:s1+$0x10];
	_ =	sdelay $0x3  }
0x64: {  	v59 =	vpop (erf)  }
0x65: {  	v32 =	vmul.f32 v59, v58;
	_ =	sdelay $0x1  }
0x66: {  	[tilespmem:s1+$0x10] =	vst v32  }
0x67: {  	v32 =	vld [tilespmem:s28+$0x20];
	_ =	sdelay $0x4  }
0x68: {  	(erf) = vrcp.f32 v32;
	_ =	sdelay $0x4  }
0x69: {  	v60 =	vld [tilespmem:s1+$0x20];
	_ =	sdelay $0x3  }
0x6a: {  	v61 =	vpop (erf)  }
0x6b: {  	v32 =	vmul.f32 v61, v60;
	_ =	sdelay $0x1  }
0x6c: {  	[tilespmem:s1+$0x20] =	vst v32  }
0x6d: {  	v32 =	vld [tilespmem:s28+$0x30];
	_ =	sdelay $0x4  }
0x6e: {  	(erf) = vrcp.f32 v32;
	_ =	sdelay $0x4  }
0x6f: {  	v62 =	vld [tilespmem:s1+$0x30];
	_ =	sdelay $0x3  }
0x70: {  	v63 =	vpop (erf)  }
0x71: {  	v32 =	vmul.f32 v63, v62;
	_ =	sdelay $0x1  }
0x72: {  	s12 =	simm.s32 $0xCC0;
	s5 =	simm.s32 $0x0;
	[tilespmem:s1+$0x30] =	vst v32  }
.LBB2_4:
0x73: {  	v32 =	vld [tilespmem:s12+$0xFFFFFFC0];
	s5 =	sadd.s32 $0x8, s5  }
0x74: {  	p0 =	slt.u32 s5, $0x38;
	_ =	sdelay $0x3  }
0x75: {  	(erf) = vrcp.f32 v32;
	_ =	sdelay $0x3  }
0x76: {  	s1 =	sadd.s32 $0x80, s1  }
0x77: {  	v32 =	vld [tilespmem:s1+$0xFFFFFFC0];
	_ =	sdelay $0x3  }
0x78: {  	v33 =	vpop (erf)  }
0x79: {  	v32 =	vmul.f32 v33, v32;
	_ =	sdelay $0x1  }
0x7a: {  	[tilespmem:s1+$0xFFFFFFC0] =	vst v32  }
0x7b: {  	v32 =	vld [tilespmem:s12+$0xFFFFFFD0];
	_ =	sdelay $0x4  }
0x7c: {  	(erf) = vrcp.f32 v32;
	_ =	sdelay $0x4  }
0x7d: {  	v32 =	vld [tilespmem:s1+$0xFFFFFFD0];
	_ =	sdelay $0x3  }
0x7e: {  	v33 =	vpop (erf)  }
0x7f: {  	v32 =	vmul.f32 v33, v32;
	_ =	sdelay $0x1  }
0x80: {  	[tilespmem:s1+$0xFFFFFFD0] =	vst v32  }
0x81: {  	v32 =	vld [tilespmem:s12+$0xFFFFFFE0];
	_ =	sdelay $0x4  }
0x82: {  	(erf) = vrcp.f32 v32;
	_ =	sdelay $0x4  }
0x83: {  	v32 =	vld [tilespmem:s1+$0xFFFFFFE0];
	_ =	sdelay $0x3  }
0x84: {  	v33 =	vpop (erf)  }
0x85: {  	v32 =	vmul.f32 v33, v32;
	_ =	sdelay $0x1  }
0x86: {  	[tilespmem:s1+$0xFFFFFFE0] =	vst v32  }
0x87: {  	v32 =	vld [tilespmem:s12+$0xFFFFFFF0];
	_ =	sdelay $0x4  }
0x88: {  	(erf) = vrcp.f32 v32;
	_ =	sdelay $0x4  }
0x89: {  	v32 =	vld [tilespmem:s1+$0xFFFFFFF0];
	_ =	sdelay $0x3  }
0x8a: {  	v33 =	vpop (erf)  }
0x8b: {  	v32 =	vmul.f32 v33, v32;
	_ =	sdelay $0x1  }
0x8c: {  	[tilespmem:s1+$0xFFFFFFF0] =	vst v32  }
0x8d: {  	v32 =	vld [tilespmem:s12+$0x0];
	_ =	sdelay $0x4  }
0x8e: {  	(erf) = vrcp.f32 v32;
	_ =	sdelay $0x4  }
0x8f: {  	v32 =	vld [tilespmem:s1+$0x0];
	_ =	sdelay $0x3  }
0x90: {  	v33 =	vpop (erf)  }
0x91: {  	v32 =	vmul.f32 v33, v32;
	_ =	sdelay $0x1  }
0x92: {  	[tilespmem:s1+$0x0] =	vst v32  }
0x93: {  	v32 =	vld [tilespmem:s12+$0x10];
	_ =	sdelay $0x4  }
0x94: {  	(erf) = vrcp.f32 v32;
	_ =	sdelay $0x4  }
0x95: {  	v32 =	vld [tilespmem:s1+$0x10];
	_ =	sdelay $0x3  }
0x96: {  	v33 =	vpop (erf)  }
0x97: {  	v32 =	vmul.f32 v33, v32;
	_ =	sdelay $0x1  }
0x98: {  	[tilespmem:s1+$0x10] =	vst v32  }
0x99: {  	v32 =	vld [tilespmem:s12+$0x20];
	_ =	sdelay $0x4  }
0x9a: {  	(erf) = vrcp.f32 v32;
	_ =	sdelay $0x4  }
0x9b: {  	v32 =	vld [tilespmem:s1+$0x20];
	_ =	sdelay $0x3  }
0x9c: {  	v33 =	vpop (erf)  }
0x9d: {  	v32 =	vmul.f32 v33, v32;
	_ =	sdelay $0x1  }
0x9e: {  	[tilespmem:s1+$0x20] =	vst v32  }
0x9f: {  	v32 =	vld [tilespmem:s12+$0x30];
	_ =	sdelay $0x4  }
0xa0: {  	(erf) = vrcp.f32 v32;
	_ =	sdelay $0x4  }
0xa1: {  	v32 =	vld [tilespmem:s1+$0x30];
	_ =	sdelay $0x2  }
.Ltmp0:
0xa2: {  	(pc) =	sbr.rel @p0 .LBB2_4-.Ltmp0, $3  }
0xa3: {  	v33 =	vpop (erf)  }
0xa4: {  	v32 =	vmul.f32 v33, v32;
	_ =	sdelay $0x1  }
0xa5: {  	s12 =	sadd.s32 $0x80, s12;
	[tilespmem:s1+$0x30] =	vst v32  }
0xa6: {  	_ =	sdelay $0x3  }
0xa7: {  	v32 =	vld.idx.msk [tilespmem:v0+s18+$0x0], $0xffff  }
0xa8: {  	v33 =	vld.idx.msk [tilespmem:v1+s18+$0x0], $0xffff;
	_ =	sdelay $0x1  }
0xa9: {  	v34 =	vld.idx.msk [tilespmem:v2+s18+$0x0], $0xffff;
	_ =	sdelay $0x1  }
0xaa: {  	v35 =	vld.idx.msk [tilespmem:v3+s18+$0x0], $0xffff  }
0xab: {  	v32 =	vadd.f32 v33, v32  }
0xac: {  	v58 =	vld.idx.msk [tilespmem:v4+s18+$0x0], $0xffff  }
0xad: {  	v32 =	vadd.f32 v34, v32  }
0xae: {  	v59 =	vld.idx.msk [tilespmem:v5+s18+$0x0], $0xffff  }
0xaf: {  	v32 =	vadd.f32 v35, v32  }
0xb0: {  	v60 =	vld.idx.msk [tilespmem:v6+s18+$0x0], $0xffff  }
0xb1: {  	v32 =	vadd.f32 v58, v32  }
0xb2: {  	v61 =	vld.idx.msk [tilespmem:v7+s18+$0x0], $0xffff  }
0xb3: {  	v32 =	vadd.f32 v59, v32;
	_ =	sdelay $0x1  }
0xb4: {  	v32 =	vadd.f32 v60, v32;
	_ =	sdelay $0x1  }
0xb5: {  	v32 =	vadd.f32 v61, v32;
	_ =	sdelay $0x1  }
0xb6: {  	v32 =	vmul.f32 $1.250000000e-01, v32;
	_ =	sdelay $0x1  }
0xb7: {  	[tilespmem:$0x9800] =	vst v32  }
0xb8: {  	v32 =	vld.idx.msk [tilespmem:v8+s18+$0x0], $0xffff  }
0xb9: {  	v62 =	vld.idx.msk [tilespmem:v9+s18+$0x0], $0xffff;
	_ =	sdelay $0x1  }
0xba: {  	v63 =	vld.idx.msk [tilespmem:v10+s18+$0x0], $0xffff;
	_ =	sdelay $0x1  }
0xbb: {  	v36 =	vld.idx.msk [tilespmem:v11+s18+$0x0], $0xffff  }
0xbc: {  	v32 =	vadd.f32 v62, v32  }
0xbd: {  	v37 =	vld.idx.msk [tilespmem:v12+s18+$0x0], $0xffff  }
0xbe: {  	v32 =	vadd.f32 v63, v32  }
0xbf: {  	v38 =	vld.idx.msk [tilespmem:v13+s18+$0x0], $0xffff  }
0xc0: {  	v32 =	vadd.f32 v36, v32  }
0xc1: {  	v39 =	vld.idx.msk [tilespmem:v14+s18+$0x0], $0xffff  }
0xc2: {  	v32 =	vadd.f32 v37, v32  }
0xc3: {  	v40 =	vld.idx.msk [tilespmem:v15+s18+$0x0], $0xffff  }
0xc4: {  	v32 =	vadd.f32 v38, v32;
	_ =	sdelay $0x1  }
0xc5: {  	v32 =	vadd.f32 v39, v32;
	_ =	sdelay $0x1  }
0xc6: {  	v32 =	vadd.f32 v40, v32;
	_ =	sdelay $0x1  }
0xc7: {  	v32 =	vmul.f32 $1.250000000e-01, v32;
	_ =	sdelay $0x1  }
0xc8: {  	[tilespmem:$0x9810] =	vst v32  }
0xc9: {  	v32 =	vld.idx.msk [tilespmem:v16+s18+$0x0], $0xffff  }
0xca: {  	v41 =	vld.idx.msk [tilespmem:v17+s18+$0x0], $0xffff;
	_ =	sdelay $0x1  }
0xcb: {  	v42 =	vld.idx.msk [tilespmem:v18+s18+$0x0], $0xffff;
	_ =	sdelay $0x1  }
0xcc: {  	v43 =	vld.idx.msk [tilespmem:v19+s18+$0x0], $0xffff  }
0xcd: {  	v32 =	vadd.f32 v41, v32  }
0xce: {  	v44 =	vld.idx.msk [tilespmem:v20+s18+$0x0], $0xffff  }
0xcf: {  	v32 =	vadd.f32 v42, v32  }
0xd0: {  	v45 =	vld.idx.msk [tilespmem:v21+s18+$0x0], $0xffff  }
0xd1: {  	v32 =	vadd.f32 v43, v32  }
0xd2: {  	v46 =	vld.idx.msk [tilespmem:v22+s18+$0x0], $0xffff  }
0xd3: {  	v32 =	vadd.f32 v44, v32  }
0xd4: {  	v47 =	vld.idx.msk [tilespmem:v23+s18+$0x0], $0xffff  }
0xd5: {  	v32 =	vadd.f32 v45, v32;
	_ =	sdelay $0x1  }
0xd6: {  	v32 =	vadd.f32 v46, v32;
	_ =	sdelay $0x1  }
0xd7: {  	v32 =	vadd.f32 v47, v32;
	_ =	sdelay $0x1  }
0xd8: {  	v32 =	vmul.f32 $1.250000000e-01, v32;
	_ =	sdelay $0x1  }
0xd9: {  	[tilespmem:$0x9820] =	vst v32  }
0xda: {  	v32 =	vld.idx.msk [tilespmem:v24+s18+$0x0], $0xffff  }
0xdb: {  	v48 =	vld.idx.msk [tilespmem:v25+s18+$0x0], $0xffff;
	_ =	sdelay $0x1  }
0xdc: {  	v49 =	vld.idx.msk [tilespmem:v26+s18+$0x0], $0xffff;
	_ =	sdelay $0x1  }
0xdd: {  	v50 =	vld.idx.msk [tilespmem:v27+s18+$0x0], $0xffff  }
0xde: {  	v32 =	vadd.f32 v48, v32  }
0xdf: {  	v51 =	vld.idx.msk [tilespmem:v28+s18+$0x0], $0xffff  }
0xe0: {  	v32 =	vadd.f32 v49, v32  }
0xe1: {  	v52 =	vld.idx.msk [tilespmem:v29+s18+$0x0], $0xffff  }
0xe2: {  	v32 =	vadd.f32 v50, v32  }
0xe3: {  	v53 =	vld.idx.msk [tilespmem:v30+s18+$0x0], $0xffff  }
0xe4: {  	v32 =	vadd.f32 v51, v32  }
0xe5: {  	v54 =	vld.idx.msk [tilespmem:v31+s18+$0x0], $0xffff  }
0xe6: {  	v32 =	vadd.f32 v52, v32;
	_ =	sdelay $0x1  }
0xe7: {  	s1 =	simm.s32 $0x0;
	v32 =	vadd.f32 v53, v32  }
0xe8: {  	v55 =	vmov s1  }
0xe9: {  	s5 =	sand.u32 $0xFFFFFFF0, s1;
	v56 =	vand.u32 $0xE, v55;
	v32 =	vadd.f32 v54, v32  }
0xea: {  	v33 =	vor.u32 s5, v56  }
0xeb: {  	v33 =	vbroadcast v33, $0x0;
	v32 =	vmul.f32 $1.250000000e-01, v32;
	_ =	sdelay $0x1  }
0xec: {  	s21 =	simm.s32 $0x3080;
	[tilespmem:$0x9830] =	vst v32  }
0xed: {  	s19 =	simm.s32 $0x1040;
	v32 =	vld [tilespmem:s21+$0xFFFFFF80]  }
0xee: {  	v57 =	vld [tilespmem:s19+$0xFFFFFFC0];
	_ =	sdelay $0x1  }
0xef: {  	v33 =	vld.idx.msk [tilespmem:v33+s31+$0x0], $0xffff;
	_ =	sdelay $0x2  }
0xf0: {  	v32 =	vadd.f32 v32, v57;
	_ =	sdelay $0x1  }
0xf1: {  	v32 =	vmul.f32 v32, v33;
	_ =	sdelay $0x1  }
0xf2: {  	v58 =	vld [tilespmem:s21+$0xFFFFFF90];
	[tilespmem:s21+$0xFFFFFF80] =	vst v32  }
0xf3: {  	v59 =	vld [tilespmem:s19+$0xFFFFFFD0];
	_ =	sdelay $0x4  }
0xf4: {  	v32 =	vadd.f32 v58, v59;
	_ =	sdelay $0x1  }
0xf5: {  	v32 =	vmul.f32 v32, v33;
	_ =	sdelay $0x1  }
0xf6: {  	v60 =	vld [tilespmem:s21+$0xFFFFFFA0];
	[tilespmem:s21+$0xFFFFFF90] =	vst v32  }
0xf7: {  	v61 =	vld [tilespmem:s19+$0xFFFFFFE0];
	_ =	sdelay $0x4  }
0xf8: {  	v32 =	vadd.f32 v60, v61;
	_ =	sdelay $0x1  }
0xf9: {  	v32 =	vmul.f32 v32, v33;
	_ =	sdelay $0x1  }
0xfa: {  	v62 =	vld [tilespmem:s21+$0xFFFFFFB0];
	[tilespmem:s21+$0xFFFFFFA0] =	vst v32  }
0xfb: {  	v63 =	vld [tilespmem:s19+$0xFFFFFFF0];
	_ =	sdelay $0x4  }
0xfc: {  	v32 =	vadd.f32 v62, v63;
	_ =	sdelay $0x1  }
0xfd: {  	v32 =	vmul.f32 v32, v33;
	_ =	sdelay $0x1  }
0xfe: {  	v36 =	vld [tilespmem:s21+$0xFFFFFFC0];
	[tilespmem:s21+$0xFFFFFFB0] =	vst v32  }
0xff: {  	v37 =	vld [tilespmem:s19+$0x0];
	_ =	sdelay $0x4  }
0x100: {  	v32 =	vadd.f32 v36, v37;
	_ =	sdelay $0x1  }
0x101: {  	v32 =	vmul.f32 v32, v33;
	_ =	sdelay $0x1  }
0x102: {  	v38 =	vld [tilespmem:s21+$0xFFFFFFD0];
	[tilespmem:s21+$0xFFFFFFC0] =	vst v32  }
0x103: {  	v39 =	vld [tilespmem:s19+$0x10];
	_ =	sdelay $0x4  }
0x104: {  	v32 =	vadd.f32 v38, v39;
	_ =	sdelay $0x1  }
0x105: {  	v32 =	vmul.f32 v32, v33;
	_ =	sdelay $0x1  }
0x106: {  	v40 =	vld [tilespmem:s21+$0xFFFFFFE0];
	[tilespmem:s21+$0xFFFFFFD0] =	vst v32  }
0x107: {  	v41 =	vld [tilespmem:s19+$0x20];
	_ =	sdelay $0x4  }
0x108: {  	v32 =	vadd.f32 v40, v41;
	_ =	sdelay $0x1  }
0x109: {  	v32 =	vmul.f32 v32, v33;
	_ =	sdelay $0x1  }
0x10a: {  	v42 =	vld [tilespmem:s21+$0xFFFFFFF0];
	[tilespmem:s21+$0xFFFFFFE0] =	vst v32  }
0x10b: {  	v43 =	vld [tilespmem:s19+$0x30];
	_ =	sdelay $0x1  }
0x10c: {  	s12 =	simm.s32 $0x1  }
0x10d: {  	v44 =	vmov s12  }
0x10e: {  	v35 =	vand.u32 $0xF, v44  }
0x10f: {  	v45 =	vor.u32 s5, v35;
	v32 =	vadd.f32 v42, v43  }
0x110: {  	v34 =	vbroadcast v45, $0x0  }
0x111: {  	s24 =	simm.s32 $0x80;
	v32 =	vmul.f32 v32, v33  }
0x112: {  	s28 =	sand.u32 $0x1C00, s1;
	s5 =	sand.u32 $0x380, s24  }
0x113: {  	s5 =	sor.u32 s5, s28;
	v46 =	vld [tilespmem:s21+$0x0];
	[tilespmem:s21+$0xFFFFFFF0] =	vst v32  }
0x114: {  	v47 =	vld [tilespmem:s5+$0x1000];
	_ =	sdelay $0x1  }
0x115: {  	v34 =	vld.idx.msk [tilespmem:v34+s31+$0x0], $0xffff;
	_ =	sdelay $0x2  }
0x116: {  	v32 =	vadd.f32 v46, v47;
	_ =	sdelay $0x1  }
0x117: {  	v32 =	vmul.f32 v32, v34;
	_ =	sdelay $0x1  }
0x118: {  	v48 =	vld [tilespmem:s21+$0x10];
	[tilespmem:s21+$0x0] =	vst v32  }
0x119: {  	v49 =	vld [tilespmem:s5+$0x1010];
	_ =	sdelay $0x4  }
0x11a: {  	v32 =	vadd.f32 v48, v49;
	_ =	sdelay $0x1  }
0x11b: {  	v32 =	vmul.f32 v32, v34;
	_ =	sdelay $0x1  }
0x11c: {  	v50 =	vld [tilespmem:s21+$0x20];
	[tilespmem:s21+$0x10] =	vst v32  }
0x11d: {  	v51 =	vld [tilespmem:s5+$0x1020];
	_ =	sdelay $0x4  }
0x11e: {  	v32 =	vadd.f32 v50, v51;
	_ =	sdelay $0x1  }
0x11f: {  	v32 =	vmul.f32 v32, v34;
	_ =	sdelay $0x1  }
0x120: {  	v52 =	vld [tilespmem:s21+$0x30];
	[tilespmem:s21+$0x20] =	vst v32  }
0x121: {  	v53 =	vld [tilespmem:s5+$0x1030];
	_ =	sdelay $0x4  }
0x122: {  	v32 =	vadd.f32 v52, v53;
	_ =	sdelay $0x1  }
0x123: {  	v32 =	vmul.f32 v32, v34;
	_ =	sdelay $0x1  }
0x124: {  	v54 =	vld [tilespmem:s21+$0x40];
	[tilespmem:s21+$0x30] =	vst v32  }
0x125: {  	v55 =	vld [tilespmem:s5+$0x1040];
	_ =	sdelay $0x4  }
0x126: {  	v32 =	vadd.f32 v54, v55;
	_ =	sdelay $0x1  }
0x127: {  	v32 =	vmul.f32 v32, v34;
	_ =	sdelay $0x1  }
0x128: {  	v56 =	vld [tilespmem:s21+$0x50];
	[tilespmem:s21+$0x40] =	vst v32  }
0x129: {  	v57 =	vld [tilespmem:s5+$0x1050];
	_ =	sdelay $0x4  }
0x12a: {  	v32 =	vadd.f32 v56, v57;
	_ =	sdelay $0x1  }
0x12b: {  	v32 =	vmul.f32 v32, v34;
	_ =	sdelay $0x1  }
0x12c: {  	v58 =	vld [tilespmem:s21+$0x60];
	[tilespmem:s21+$0x50] =	vst v32  }
0x12d: {  	v59 =	vld [tilespmem:s5+$0x1060];
	_ =	sdelay $0x4  }
0x12e: {  	v32 =	vadd.f32 v58, v59;
	_ =	sdelay $0x1  }
0x12f: {  	v32 =	vmul.f32 v32, v34;
	_ =	sdelay $0x1  }
0x130: {  	v60 =	vld [tilespmem:s21+$0x70];
	[tilespmem:s21+$0x60] =	vst v32  }
0x131: {  	v61 =	vld [tilespmem:s5+$0x1070]  }
0x132: {  	s12 =	simm.s32 $0x2  }
0x133: {  	v62 =	vmov s12  }
0x134: {  	s17 =	sand.u32 $0xFFFFFFF0, s12;
	v35 =	vand.u32 $0xE, v62  }
0x135: {  	v63 =	vor.u32 s17, v35  }
0x136: {  	v32 =	vbroadcast v63, $0x0;
	v33 =	vadd.f32 v60, v61;
	_ =	sdelay $0x1  }
0x137: {  	s16 =	simm.s32 $0x4;
	s5 =	simm.s32 $0x3180;
	v33 =	vmul.f32 v33, v34  }
.LBB2_6:
0x138: {  	s1 =	sadd.s32 $0x100, s1;
	s19 =	sadd.s32 $0x100, s19  }
0x139: {  	v34 =	vld [tilespmem:s5+$0xFFFFFF80];
	[tilespmem:s21+$0x70] =	vst v33;
	s24 =	smov.u32 s16;
	s28 =	sadd.s32 $0x2, s16;
	s21 =	smov.u32 s5  }
0x13a: {  	p0 =	slt.u32 s16, $0x3E;
	v33 =	vld [tilespmem:s19+$0xFFFFFFC0]  }
0x13b: {  	v32 =	vld.idx.msk [tilespmem:v32+s31+$0x0], $0xffff;
	_ =	sdelay $0x3  }
0x13c: {  	v33 =	vadd.f32 v34, v33;
	_ =	sdelay $0x1  }
0x13d: {  	v33 =	vmul.f32 v33, v32;
	_ =	sdelay $0x1  }
0x13e: {  	[tilespmem:s5+$0xFFFFFF80] =	vst v33;
	v33 =	vld [tilespmem:s5+$0xFFFFFF90]  }
0x13f: {  	v34 =	vld [tilespmem:s19+$0xFFFFFFD0];
	_ =	sdelay $0x4  }
0x140: {  	v33 =	vadd.f32 v33, v34;
	_ =	sdelay $0x1  }
0x141: {  	v33 =	vmul.f32 v33, v32;
	_ =	sdelay $0x1  }
0x142: {  	[tilespmem:s5+$0xFFFFFF90] =	vst v33;
	v33 =	vld [tilespmem:s5+$0xFFFFFFA0]  }
0x143: {  	v34 =	vld [tilespmem:s19+$0xFFFFFFE0];
	_ =	sdelay $0x4  }
0x144: {  	v33 =	vadd.f32 v33, v34;
	_ =	sdelay $0x1  }
0x145: {  	v33 =	vmul.f32 v33, v32;
	_ =	sdelay $0x1  }
0x146: {  	[tilespmem:s5+$0xFFFFFFA0] =	vst v33;
	v33 =	vld [tilespmem:s5+$0xFFFFFFB0]  }
0x147: {  	v34 =	vld [tilespmem:s19+$0xFFFFFFF0];
	_ =	sdelay $0x4  }
0x148: {  	v33 =	vadd.f32 v33, v34;
	_ =	sdelay $0x1  }
0x149: {  	v33 =	vmul.f32 v33, v32;
	_ =	sdelay $0x1  }
0x14a: {  	[tilespmem:s5+$0xFFFFFFB0] =	vst v33;
	v33 =	vld [tilespmem:s5+$0xFFFFFFC0]  }
0x14b: {  	v34 =	vld [tilespmem:s19+$0x0];
	_ =	sdelay $0x4  }
0x14c: {  	v33 =	vadd.f32 v33, v34;
	_ =	sdelay $0x1  }
0x14d: {  	v33 =	vmul.f32 v33, v32;
	_ =	sdelay $0x1  }
0x14e: {  	[tilespmem:s5+$0xFFFFFFC0] =	vst v33;
	v33 =	vld [tilespmem:s5+$0xFFFFFFD0]  }
0x14f: {  	v34 =	vld [tilespmem:s19+$0x10];
	_ =	sdelay $0x4  }
0x150: {  	v33 =	vadd.f32 v33, v34;
	_ =	sdelay $0x1  }
0x151: {  	v33 =	vmul.f32 v33, v32;
	_ =	sdelay $0x1  }
0x152: {  	[tilespmem:s5+$0xFFFFFFD0] =	vst v33;
	v33 =	vld [tilespmem:s5+$0xFFFFFFE0]  }
0x153: {  	v34 =	vld [tilespmem:s19+$0x20];
	_ =	sdelay $0x4  }
0x154: {  	v33 =	vadd.f32 v33, v34;
	_ =	sdelay $0x1  }
0x155: {  	v33 =	vmul.f32 v33, v32;
	_ =	sdelay $0x1  }
0x156: {  	[tilespmem:s5+$0xFFFFFFE0] =	vst v33;
	v33 =	vld [tilespmem:s5+$0xFFFFFFF0]  }
0x157: {  	v34 =	vld [tilespmem:s19+$0x30]  }
0x158: {  	s16 =	sadd.s32 $0x1, s12;
	s12 =	smov.u32 s24  }
0x159: {  	v35 =	vmov s16  }
0x15a: {  	v35 =	vand.u32 $0xF, v35  }
0x15b: {  	v35 =	vor.u32 s17, v35  }
0x15c: {  	v33 =	vadd.f32 v33, v34;
	v34 =	vbroadcast v35, $0x0;
	_ =	sdelay $0x1  }
0x15d: {  	s16 =	sadd.s32 $0x80, s1;
	v32 =	vmul.f32 v33, v32  }
0x15e: {  	s16 =	sand.u32 $0x380, s16;
	s17 =	sand.u32 $0x1C00, s1  }
0x15f: {  	s17 =	sor.u32 s16, s17;
	[tilespmem:s5+$0xFFFFFFF0] =	vst v32;
	v32 =	vld [tilespmem:s5+$0x0]  }
0x160: {  	v33 =	vld [tilespmem:s17+$0x1000]  }
0x161: {  	v34 =	vld.idx.msk [tilespmem:v34+s31+$0x0], $0xffff;
	_ =	sdelay $0x3  }
0x162: {  	v32 =	vadd.f32 v32, v33;
	_ =	sdelay $0x1  }
0x163: {  	v32 =	vmul.f32 v32, v34;
	_ =	sdelay $0x1  }
0x164: {  	[tilespmem:s5+$0x0] =	vst v32;
	v32 =	vld [tilespmem:s5+$0x10]  }
0x165: {  	v33 =	vld [tilespmem:s17+$0x1010];
	_ =	sdelay $0x4  }
0x166: {  	v32 =	vadd.f32 v32, v33;
	_ =	sdelay $0x1  }
0x167: {  	v32 =	vmul.f32 v32, v34;
	_ =	sdelay $0x1  }
0x168: {  	[tilespmem:s5+$0x10] =	vst v32;
	v32 =	vld [tilespmem:s5+$0x20]  }
0x169: {  	v33 =	vld [tilespmem:s17+$0x1020];
	_ =	sdelay $0x4  }
0x16a: {  	v32 =	vadd.f32 v32, v33;
	_ =	sdelay $0x1  }
0x16b: {  	v32 =	vmul.f32 v32, v34;
	_ =	sdelay $0x1  }
0x16c: {  	[tilespmem:s5+$0x20] =	vst v32;
	v32 =	vld [tilespmem:s5+$0x30]  }
0x16d: {  	v33 =	vld [tilespmem:s17+$0x1030];
	_ =	sdelay $0x4  }
0x16e: {  	v32 =	vadd.f32 v32, v33;
	_ =	sdelay $0x1  }
0x16f: {  	v32 =	vmul.f32 v32, v34;
	_ =	sdelay $0x1  }
0x170: {  	[tilespmem:s5+$0x30] =	vst v32;
	v32 =	vld [tilespmem:s5+$0x40]  }
0x171: {  	v33 =	vld [tilespmem:s17+$0x1040];
	_ =	sdelay $0x4  }
0x172: {  	v32 =	vadd.f32 v32, v33;
	_ =	sdelay $0x1  }
0x173: {  	v32 =	vmul.f32 v32, v34;
	_ =	sdelay $0x1  }
0x174: {  	[tilespmem:s5+$0x40] =	vst v32;
	v32 =	vld [tilespmem:s5+$0x50]  }
0x175: {  	v33 =	vld [tilespmem:s17+$0x1050];
	_ =	sdelay $0x4  }
0x176: {  	v32 =	vadd.f32 v32, v33;
	_ =	sdelay $0x1  }
0x177: {  	v32 =	vmul.f32 v32, v34;
	_ =	sdelay $0x1  }
0x178: {  	[tilespmem:s5+$0x50] =	vst v32;
	v32 =	vld [tilespmem:s5+$0x60]  }
0x179: {  	v33 =	vld [tilespmem:s17+$0x1060];
	_ =	sdelay $0x4  }
0x17a: {  	v32 =	vadd.f32 v32, v33;
	_ =	sdelay $0x1  }
0x17b: {  	v32 =	vmul.f32 v32, v34;
	_ =	sdelay $0x1  }
0x17c: {  	[tilespmem:s5+$0x60] =	vst v32;
	v33 =	vld [tilespmem:s5+$0x70]  }
0x17d: {  	v35 =	vld [tilespmem:s17+$0x1070];
	_ =	sdelay $0x1  }
0x17e: {  	v32 =	vmov s12  }
0x17f: {  	s17 =	sand.u32 $0xFFFFFFF0, s12;
	v32 =	vand.u32 $0xE, v32  }
.Ltmp1:
0x180: {  	v32 =	vor.u32 s17, v32;
	(pc) =	sbr.rel @p0 .LBB2_6-.Ltmp1, $3  }
0x181: {  	v32 =	vbroadcast v32, $0x0;
	v33 =	vadd.f32 v33, v35;
	_ =	sdelay $0x1  }
0x182: {  	v33 =	vmul.f32 v33, v34  }
0x183: {  	s16 =	smov.u32 s28;
	s5 =	sadd.s32 $0x100, s5  }
0x184: {  	_ = 	snop  }
0x185: {  	v34 =	vld [tilespmem:s5+$0xFFFFFF80];
	[tilespmem:s21+$0x70] =	vst v33;
	s16 =	sadd.s32 $0x100, s19  }
0x186: {  	v33 =	vld [tilespmem:s16+$0xFFFFFFC0];
	_ =	sdelay $0x1  }
0x187: {  	v32 =	vld.idx.msk [tilespmem:v32+s31+$0x0], $0xffff;
	_ =	sdelay $0x2  }
0x188: {  	v33 =	vadd.f32 v34, v33;
	_ =	sdelay $0x1  }
0x189: {  	v33 =	vmul.f32 v33, v32;
	_ =	sdelay $0x1  }
0x18a: {  	v44 =	vld [tilespmem:s5+$0xFFFFFF90];
	[tilespmem:s5+$0xFFFFFF80] =	vst v33  }
0x18b: {  	v45 =	vld [tilespmem:s16+$0xFFFFFFD0];
	_ =	sdelay $0x4  }
0x18c: {  	v33 =	vadd.f32 v44, v45;
	_ =	sdelay $0x1  }
0x18d: {  	v33 =	vmul.f32 v33, v32;
	_ =	sdelay $0x1  }
0x18e: {  	v46 =	vld [tilespmem:s5+$0xFFFFFFA0];
	[tilespmem:s5+$0xFFFFFF90] =	vst v33  }
0x18f: {  	v47 =	vld [tilespmem:s16+$0xFFFFFFE0];
	_ =	sdelay $0x4  }
0x190: {  	v33 =	vadd.f32 v46, v47;
	_ =	sdelay $0x1  }
0x191: {  	v33 =	vmul.f32 v33, v32;
	_ =	sdelay $0x1  }
0x192: {  	v48 =	vld [tilespmem:s5+$0xFFFFFFB0];
	[tilespmem:s5+$0xFFFFFFA0] =	vst v33  }
0x193: {  	v49 =	vld [tilespmem:s16+$0xFFFFFFF0];
	_ =	sdelay $0x4  }
0x194: {  	v33 =	vadd.f32 v48, v49;
	_ =	sdelay $0x1  }
0x195: {  	v33 =	vmul.f32 v33, v32;
	_ =	sdelay $0x1  }
0x196: {  	v50 =	vld [tilespmem:s5+$0xFFFFFFC0];
	[tilespmem:s5+$0xFFFFFFB0] =	vst v33  }
0x197: {  	v51 =	vld [tilespmem:s16+$0x0];
	_ =	sdelay $0x4  }
0x198: {  	v33 =	vadd.f32 v50, v51;
	_ =	sdelay $0x1  }
0x199: {  	v33 =	vmul.f32 v33, v32;
	_ =	sdelay $0x1  }
0x19a: {  	v52 =	vld [tilespmem:s5+$0xFFFFFFD0];
	[tilespmem:s5+$0xFFFFFFC0] =	vst v33  }
0x19b: {  	v53 =	vld [tilespmem:s16+$0x10];
	_ =	sdelay $0x4  }
0x19c: {  	v33 =	vadd.f32 v52, v53;
	_ =	sdelay $0x1  }
0x19d: {  	v33 =	vmul.f32 v33, v32;
	_ =	sdelay $0x1  }
0x19e: {  	v54 =	vld [tilespmem:s5+$0xFFFFFFE0];
	[tilespmem:s5+$0xFFFFFFD0] =	vst v33  }
0x19f: {  	v55 =	vld [tilespmem:s16+$0x20];
	_ =	sdelay $0x4  }
0x1a0: {  	v33 =	vadd.f32 v54, v55;
	_ =	sdelay $0x1  }
0x1a1: {  	v33 =	vmul.f32 v33, v32;
	_ =	sdelay $0x1  }
0x1a2: {  	v56 =	vld [tilespmem:s5+$0xFFFFFFF0];
	[tilespmem:s5+$0xFFFFFFE0] =	vst v33  }
0x1a3: {  	v57 =	vld [tilespmem:s16+$0x30];
	_ =	sdelay $0x1  }
0x1a4: {  	s12 =	sadd.s32 $0x1, s12  }
0x1a5: {  	v35 =	vmov s12  }
0x1a6: {  	v35 =	vand.u32 $0xF, v35  }
0x1a7: {  	v58 =	vor.u32 s17, v35;
	v33 =	vadd.f32 v56, v57  }
0x1a8: {  	s1 =	sadd.s32 $0x100, s1;
	v34 =	vbroadcast v58, $0x0  }
0x1a9: {  	s21 =	sadd.s32 $0x80, s1;
	v32 =	vmul.f32 v33, v32  }
0x1aa: {  	s1 =	sand.u32 $0x1C00, s1;
	s12 =	sand.u32 $0x380, s21  }
0x1ab: {  	v59 =	vld [tilespmem:s5+$0x0];
	s1 =	sor.u32 s12, s1;
	[tilespmem:s5+$0xFFFFFFF0] =	vst v32  }
0x1ac: {  	v60 =	vld [tilespmem:s1+$0x1000];
	_ =	sdelay $0x1  }
0x1ad: {  	v34 =	vld.idx.msk [tilespmem:v34+s31+$0x0], $0xffff;
	_ =	sdelay $0x2  }
0x1ae: {  	v32 =	vadd.f32 v59, v60;
	_ =	sdelay $0x1  }
0x1af: {  	v32 =	vmul.f32 v32, v34;
	_ =	sdelay $0x1  }
0x1b0: {  	v61 =	vld [tilespmem:s5+$0x10];
	[tilespmem:s5+$0x0] =	vst v32  }
0x1b1: {  	v62 =	vld [tilespmem:s1+$0x1010];
	_ =	sdelay $0x4  }
0x1b2: {  	v32 =	vadd.f32 v61, v62;
	_ =	sdelay $0x1  }
0x1b3: {  	v32 =	vmul.f32 v32, v34;
	_ =	sdelay $0x1  }
0x1b4: {  	v63 =	vld [tilespmem:s5+$0x20];
	[tilespmem:s5+$0x10] =	vst v32  }
0x1b5: {  	v36 =	vld [tilespmem:s1+$0x1020];
	_ =	sdelay $0x4  }
0x1b6: {  	v32 =	vadd.f32 v63, v36;
	_ =	sdelay $0x1  }
0x1b7: {  	v32 =	vmul.f32 v32, v34;
	_ =	sdelay $0x1  }
0x1b8: {  	v37 =	vld [tilespmem:s5+$0x30];
	[tilespmem:s5+$0x20] =	vst v32  }
0x1b9: {  	v38 =	vld [tilespmem:s1+$0x1030];
	_ =	sdelay $0x4  }
0x1ba: {  	v32 =	vadd.f32 v37, v38;
	_ =	sdelay $0x1  }
0x1bb: {  	v32 =	vmul.f32 v32, v34;
	_ =	sdelay $0x1  }
0x1bc: {  	v39 =	vld [tilespmem:s5+$0x40];
	[tilespmem:s5+$0x30] =	vst v32  }
0x1bd: {  	v40 =	vld [tilespmem:s1+$0x1040];
	_ =	sdelay $0x4  }
0x1be: {  	v32 =	vadd.f32 v39, v40;
	_ =	sdelay $0x1  }
0x1bf: {  	v32 =	vmul.f32 v32, v34;
	_ =	sdelay $0x1  }
0x1c0: {  	v41 =	vld [tilespmem:s5+$0x50];
	[tilespmem:s5+$0x40] =	vst v32  }
0x1c1: {  	v42 =	vld [tilespmem:s1+$0x1050];
	_ =	sdelay $0x4  }
0x1c2: {  	v32 =	vadd.f32 v41, v42;
	_ =	sdelay $0x1  }
0x1c3: {  	v32 =	vmul.f32 v32, v34;
	_ =	sdelay $0x1  }
0x1c4: {  	v43 =	vld [tilespmem:s5+$0x60];
	[tilespmem:s5+$0x50] =	vst v32  }
0x1c5: {  	v44 =	vld [tilespmem:s1+$0x1060];
	_ =	sdelay $0x4  }
0x1c6: {  	v32 =	vadd.f32 v43, v44;
	_ =	sdelay $0x1  }
0x1c7: {  	v32 =	vmul.f32 v32, v34;
	_ =	sdelay $0x1  }
0x1c8: {  	v45 =	vld [tilespmem:s5+$0x70];
	[tilespmem:s5+$0x60] =	vst v32  }
0x1c9: {  	v46 =	vld [tilespmem:s1+$0x1070];
	_ =	sdelay $0x4  }
0x1ca: {  	v32 =	vadd.f32 v45, v46;
	_ =	sdelay $0x1  }
0x1cb: {  	v32 =	vmul.f32 v32, v34  }
0x1cc: {  	s24 =	sand.u32 $0x3FFFFF80, s13  }
0x1cd: {  	s1 =	sadd.s32 $0x400, s24;
	[tilespmem:s5+$0x70] =	vst v32  }
0x1ce: {  	[spmem:s2] =	stream.indirect.scatter.add.f32 [tilespmem:s22], [sflag:$0x6], $0x80, s1, s20, $0xb8;
	[tilespmem:$0x1D440] =	vst v63  }
0x1cf: {  	_ =	swait.ge [sflag:s0], $0x400  }
0x1d0: {  	[sflag:s0] =	ssyncset.done $0x0  }
0x1d1: {  	[sflag:s0] =	ssyncadd.s32 $0xFFFFFC00  }
0x1d2: {  	_ =	swait.ge [sflag:s0], $0x2000  }
0x1d3: {  	[sflag:s0] =	ssyncset.done $0x0  }
0x1d4: {  	[sflag:s0] =	ssyncadd.s32 $0xFFFFE000  }
0x1d5: {  	_ =	swait.ge [sflag:s3], $0x400  }
0x1d6: {  	[sflag:s3] =	ssyncset.done $0x0  }
0x1d7: {  	[sflag:s3] =	ssyncadd.s32 $0xFFFFFC00  }
0x1d8: {  	p0 =	seq.s32 s14, $0x7;
	_ =	swait.ge [sflag:s3], $0x2000  }
0x1d9: {  	s1 =	sadd.s32 @!p0 $0x80, s13;
	[sflag:s3] =	ssyncset.done $0x0  }
0x1da: {  	s17 =	simm.s32 @!p0 $0x800;
	s5 =	sadd.s32 @!p0 s11, s1;
	[sflag:s3] =	ssyncadd.s32 $0xFFFFE000  }
0x1db: {  	s16 =	simm.s32 @!p0 $0x0;
	s12 =	sshll.u32 @!p0 s5, $0x1;
	_ =	swait.ge [sflag:s10], $0x2000  }
0x1dc: {  	s5 =	sshll.u32 @!p0 s5, $0x4;
	s12 =	sand.u32 @!p0 $0x1FFFFF00, s12;
	[sflag:s10] =	ssyncset.done $0x0  }
0x1dd: {  	s5 =	sand.u32 @!p0 $0x1FFFF800, s5;
	s12 =	sadd.s32 @!p0 s6, s12;
	[sflag:s10] =	ssyncadd.s32 $0xFFFFE000  }
0x1de: {  	[tilespmem:s17], [sflag:$0x2] =	stream.linear.gather @!p0 [hbm4b:s12+s16], $0x400, $0x38;
	[tilespmem:$0x1D440] =	vst v63  }
0x1df: {  	s5 =	sadd.s32 @!p0 s8, s5;
	s12 =	simm.s32 @!p0 $0x1000  }
0x1e0: {  	[tilespmem:s12], [sflag:$0x2] =	stream.linear.gather @!p0 [hbm4b:s5+s16], $0x2000, $0x38;
	[tilespmem:$0x1D440] =	vst v63  }
0x1e1: {  	s5 =	sadd.s32 @!p0 $0x480, s13;
	s12 =	simm.s32 @!p0 $0x40;
	s13 =	simm.s32 @!p0 $0xC00  }
0x1e2: {  	[tilespmem:s13], [sflag:$0x3] =	stream.indirect.gather @!p0 [hbm4b:s7+s12], $0x10, s5, s12, $0xb8;
	[tilespmem:$0x1D440] =	vst v63  }
0x1e3: {  	s28 =	simm.s32 $0x5440;
	s5 =	simm.s32 @!p0 $0x3000  }
0x1e4: {  	[tilespmem:s5], [sflag:$0x3] =	stream.indirect.gather @!p0 [hbm4b:s9+s12], $0x80, s1, s12, $0xb8;
	[tilespmem:$0x1D440] =	vst v63  }
0x1e5: {  	v47 =	vld [tilespmem:s28+$0xFFFFFFC0];
	_ =	sdelay $0x4  }
0x1e6: {  	(erf) = vrcp.f32 v47;
	_ =	sdelay $0x3  }
0x1e7: {  	s1 =	simm.s32 $0x5040  }
0x1e8: {  	v48 =	vld [tilespmem:s1+$0xFFFFFFC0];
	_ =	sdelay $0x3  }
0x1e9: {  	v49 =	vpop (erf)  }
0x1ea: {  	v32 =	vmul.f32 v49, v48;
	_ =	sdelay $0x1  }
0x1eb: {  	[tilespmem:s1+$0xFFFFFFC0] =	vst v32  }
0x1ec: {  	v32 =	vld [tilespmem:s28+$0xFFFFFFD0];
	_ =	sdelay $0x4  }
0x1ed: {  	(erf) = vrcp.f32 v32;
	_ =	sdelay $0x4  }
0x1ee: {  	v50 =	vld [tilespmem:s1+$0xFFFFFFD0];
	_ =	sdelay $0x3  }
0x1ef: {  	v51 =	vpop (erf)  }
0x1f0: {  	v32 =	vmul.f32 v51, v50;
	_ =	sdelay $0x1  }
0x1f1: {  	[tilespmem:s1+$0xFFFFFFD0] =	vst v32  }
0x1f2: {  	v32 =	vld [tilespmem:s28+$0xFFFFFFE0];
	_ =	sdelay $0x4  }
0x1f3: {  	(erf) = vrcp.f32 v32;
	_ =	sdelay $0x4  }
0x1f4: {  	v52 =	vld [tilespmem:s1+$0xFFFFFFE0];
	_ =	sdelay $0x3  }
0x1f5: {  	v53 =	vpop (erf)  }
0x1f6: {  	v32 =	vmul.f32 v53, v52;
	_ =	sdelay $0x1  }
0x1f7: {  	[tilespmem:s1+$0xFFFFFFE0] =	vst v32  }
0x1f8: {  	v32 =	vld [tilespmem:s28+$0xFFFFFFF0];
	_ =	sdelay $0x4  }
0x1f9: {  	(erf) = vrcp.f32 v32;
	_ =	sdelay $0x4  }
0x1fa: {  	v54 =	vld [tilespmem:s1+$0xFFFFFFF0];
	_ =	sdelay $0x3  }
0x1fb: {  	v55 =	vpop (erf)  }
0x1fc: {  	v32 =	vmul.f32 v55, v54;
	_ =	sdelay $0x1  }
0x1fd: {  	[tilespmem:s1+$0xFFFFFFF0] =	vst v32  }
0x1fe: {  	v32 =	vld [tilespmem:s28+$0x0];
	_ =	sdelay $0x4  }
0x1ff: {  	(erf) = vrcp.f32 v32;
	_ =	sdelay $0x4  }
0x200: {  	v56 =	vld [tilespmem:s1+$0x0];
	_ =	sdelay $0x3  }
0x201: {  	v57 =	vpop (erf)  }
0x202: {  	v32 =	vmul.f32 v57, v56;
	_ =	sdelay $0x1  }
0x203: {  	[tilespmem:s1+$0x0] =	vst v32  }
0x204: {  	v32 =	vld [tilespmem:s28+$0x10];
	_ =	sdelay $0x4  }
0x205: {  	(erf) = vrcp.f32 v32;
	_ =	sdelay $0x4  }
0x206: {  	v58 =	vld [tilespmem:s1+$0x10];
	_ =	sdelay $0x3  }
0x207: {  	v59 =	vpop (erf)  }
0x208: {  	v32 =	vmul.f32 v59, v58;
	_ =	sdelay $0x1  }
0x209: {  	[tilespmem:s1+$0x10] =	vst v32  }
0x20a: {  	v32 =	vld [tilespmem:s28+$0x20];
	_ =	sdelay $0x4  }
0x20b: {  	(erf) = vrcp.f32 v32;
	_ =	sdelay $0x4  }
0x20c: {  	v60 =	vld [tilespmem:s1+$0x20];
	_ =	sdelay $0x3  }
0x20d: {  	v61 =	vpop (erf)  }
0x20e: {  	v32 =	vmul.f32 v61, v60;
	_ =	sdelay $0x1  }
0x20f: {  	[tilespmem:s1+$0x20] =	vst v32  }
0x210: {  	v32 =	vld [tilespmem:s28+$0x30];
	_ =	sdelay $0x4  }
0x211: {  	(erf) = vrcp.f32 v32;
	_ =	sdelay $0x4  }
0x212: {  	v62 =	vld [tilespmem:s1+$0x30];
	_ =	sdelay $0x3  }
0x213: {  	v63 =	vpop (erf)  }
0x214: {  	v32 =	vmul.f32 v63, v62;
	_ =	sdelay $0x1  }
0x215: {  	s5 =	simm.s32 $0x0;
	s12 =	simm.s32 $0x54C0;
	[tilespmem:s1+$0x30] =	vst v32  }
.LBB2_8:
0x216: {  	v32 =	vld [tilespmem:s12+$0xFFFFFFC0];
	s5 =	sadd.s32 $0x8, s5  }
0x217: {  	p0 =	slt.u32 s5, $0x38;
	_ =	sdelay $0x3  }
0x218: {  	(erf) = vrcp.f32 v32;
	_ =	sdelay $0x3  }
0x219: {  	s1 =	sadd.s32 $0x80, s1  }
0x21a: {  	v32 =	vld [tilespmem:s1+$0xFFFFFFC0];
	_ =	sdelay $0x3  }
0x21b: {  	v33 =	vpop (erf)  }
0x21c: {  	v32 =	vmul.f32 v33, v32;
	_ =	sdelay $0x1  }
0x21d: {  	[tilespmem:s1+$0xFFFFFFC0] =	vst v32  }
0x21e: {  	v32 =	vld [tilespmem:s12+$0xFFFFFFD0];
	_ =	sdelay $0x4  }
0x21f: {  	(erf) = vrcp.f32 v32;
	_ =	sdelay $0x4  }
0x220: {  	v32 =	vld [tilespmem:s1+$0xFFFFFFD0];
	_ =	sdelay $0x3  }
0x221: {  	v33 =	vpop (erf)  }
0x222: {  	v32 =	vmul.f32 v33, v32;
	_ =	sdelay $0x1  }
0x223: {  	[tilespmem:s1+$0xFFFFFFD0] =	vst v32  }
0x224: {  	v32 =	vld [tilespmem:s12+$0xFFFFFFE0];
	_ =	sdelay $0x4  }
0x225: {  	(erf) = vrcp.f32 v32;
	_ =	sdelay $0x4  }
0x226: {  	v32 =	vld [tilespmem:s1+$0xFFFFFFE0];
	_ =	sdelay $0x3  }
0x227: {  	v33 =	vpop (erf)  }
0x228: {  	v32 =	vmul.f32 v33, v32;
	_ =	sdelay $0x1  }
0x229: {  	[tilespmem:s1+$0xFFFFFFE0] =	vst v32  }
0x22a: {  	v32 =	vld [tilespmem:s12+$0xFFFFFFF0];
	_ =	sdelay $0x4  }
0x22b: {  	(erf) = vrcp.f32 v32;
	_ =	sdelay $0x4  }
0x22c: {  	v32 =	vld [tilespmem:s1+$0xFFFFFFF0];
	_ =	sdelay $0x3  }
0x22d: {  	v33 =	vpop (erf)  }
0x22e: {  	v32 =	vmul.f32 v33, v32;
	_ =	sdelay $0x1  }
0x22f: {  	[tilespmem:s1+$0xFFFFFFF0] =	vst v32  }
0x230: {  	v32 =	vld [tilespmem:s12+$0x0];
	_ =	sdelay $0x4  }
0x231: {  	(erf) = vrcp.f32 v32;
	_ =	sdelay $0x4  }
0x232: {  	v32 =	vld [tilespmem:s1+$0x0];
	_ =	sdelay $0x3  }
0x233: {  	v33 =	vpop (erf)  }
0x234: {  	v32 =	vmul.f32 v33, v32;
	_ =	sdelay $0x1  }
0x235: {  	[tilespmem:s1+$0x0] =	vst v32  }
0x236: {  	v32 =	vld [tilespmem:s12+$0x10];
	_ =	sdelay $0x4  }
0x237: {  	(erf) = vrcp.f32 v32;
	_ =	sdelay $0x4  }
0x238: {  	v32 =	vld [tilespmem:s1+$0x10];
	_ =	sdelay $0x3  }
0x239: {  	v33 =	vpop (erf)  }
0x23a: {  	v32 =	vmul.f32 v33, v32;
	_ =	sdelay $0x1  }
0x23b: {  	[tilespmem:s1+$0x10] =	vst v32  }
0x23c: {  	v32 =	vld [tilespmem:s12+$0x20];
	_ =	sdelay $0x4  }
0x23d: {  	(erf) = vrcp.f32 v32;
	_ =	sdelay $0x4  }
0x23e: {  	v32 =	vld [tilespmem:s1+$0x20];
	_ =	sdelay $0x3  }
0x23f: {  	v33 =	vpop (erf)  }
0x240: {  	v32 =	vmul.f32 v33, v32;
	_ =	sdelay $0x1  }
0x241: {  	[tilespmem:s1+$0x20] =	vst v32  }
0x242: {  	v32 =	vld [tilespmem:s12+$0x30];
	_ =	sdelay $0x4  }
0x243: {  	(erf) = vrcp.f32 v32;
	_ =	sdelay $0x4  }
0x244: {  	v32 =	vld [tilespmem:s1+$0x30];
	_ =	sdelay $0x2  }
.Ltmp2:
0x245: {  	(pc) =	sbr.rel @p0 .LBB2_8-.Ltmp2, $3  }
0x246: {  	v33 =	vpop (erf)  }
0x247: {  	v32 =	vmul.f32 v33, v32;
	_ =	sdelay $0x1  }
0x248: {  	s12 =	sadd.s32 $0x80, s12;
	[tilespmem:s1+$0x30] =	vst v32  }
0x249: {  	_ =	sdelay $0x3  }
0x24a: {  	v32 =	vld.idx.msk [tilespmem:v0+s26+$0x0], $0xffff  }
0x24b: {  	v33 =	vld.idx.msk [tilespmem:v1+s26+$0x0], $0xffff;
	_ =	sdelay $0x1  }
0x24c: {  	v34 =	vld.idx.msk [tilespmem:v2+s26+$0x0], $0xffff;
	_ =	sdelay $0x1  }
0x24d: {  	v35 =	vld.idx.msk [tilespmem:v3+s26+$0x0], $0xffff  }
0x24e: {  	v32 =	vadd.f32 v33, v32  }
0x24f: {  	v58 =	vld.idx.msk [tilespmem:v4+s26+$0x0], $0xffff  }
0x250: {  	v32 =	vadd.f32 v34, v32  }
0x251: {  	v59 =	vld.idx.msk [tilespmem:v5+s26+$0x0], $0xffff  }
0x252: {  	v32 =	vadd.f32 v35, v32  }
0x253: {  	v60 =	vld.idx.msk [tilespmem:v6+s26+$0x0], $0xffff  }
0x254: {  	v32 =	vadd.f32 v58, v32  }
0x255: {  	v61 =	vld.idx.msk [tilespmem:v7+s26+$0x0], $0xffff  }
0x256: {  	v32 =	vadd.f32 v59, v32;
	_ =	sdelay $0x1  }
0x257: {  	v32 =	vadd.f32 v60, v32;
	_ =	sdelay $0x1  }
0x258: {  	v32 =	vadd.f32 v61, v32;
	_ =	sdelay $0x1  }
0x259: {  	v32 =	vmul.f32 $1.250000000e-01, v32;
	_ =	sdelay $0x1  }
0x25a: {  	[tilespmem:$0x9800] =	vst v32  }
0x25b: {  	v32 =	vld.idx.msk [tilespmem:v8+s26+$0x0], $0xffff  }
0x25c: {  	v62 =	vld.idx.msk [tilespmem:v9+s26+$0x0], $0xffff;
	_ =	sdelay $0x1  }
0x25d: {  	v63 =	vld.idx.msk [tilespmem:v10+s26+$0x0], $0xffff;
	_ =	sdelay $0x1  }
0x25e: {  	v36 =	vld.idx.msk [tilespmem:v11+s26+$0x0], $0xffff  }
0x25f: {  	v32 =	vadd.f32 v62, v32  }
0x260: {  	v37 =	vld.idx.msk [tilespmem:v12+s26+$0x0], $0xffff  }
0x261: {  	v32 =	vadd.f32 v63, v32  }
0x262: {  	v38 =	vld.idx.msk [tilespmem:v13+s26+$0x0], $0xffff  }
0x263: {  	v32 =	vadd.f32 v36, v32  }
0x264: {  	v39 =	vld.idx.msk [tilespmem:v14+s26+$0x0], $0xffff  }
0x265: {  	v32 =	vadd.f32 v37, v32  }
0x266: {  	v40 =	vld.idx.msk [tilespmem:v15+s26+$0x0], $0xffff  }
0x267: {  	v32 =	vadd.f32 v38, v32;
	_ =	sdelay $0x1  }
0x268: {  	v32 =	vadd.f32 v39, v32;
	_ =	sdelay $0x1  }
0x269: {  	v32 =	vadd.f32 v40, v32;
	_ =	sdelay $0x1  }
0x26a: {  	v32 =	vmul.f32 $1.250000000e-01, v32;
	_ =	sdelay $0x1  }
0x26b: {  	[tilespmem:$0x9810] =	vst v32  }
0x26c: {  	v32 =	vld.idx.msk [tilespmem:v16+s26+$0x0], $0xffff  }
0x26d: {  	v41 =	vld.idx.msk [tilespmem:v17+s26+$0x0], $0xffff;
	_ =	sdelay $0x1  }
0x26e: {  	v42 =	vld.idx.msk [tilespmem:v18+s26+$0x0], $0xffff;
	_ =	sdelay $0x1  }
0x26f: {  	v43 =	vld.idx.msk [tilespmem:v19+s26+$0x0], $0xffff  }
0x270: {  	v32 =	vadd.f32 v41, v32  }
0x271: {  	v44 =	vld.idx.msk [tilespmem:v20+s26+$0x0], $0xffff  }
0x272: {  	v32 =	vadd.f32 v42, v32  }
0x273: {  	v45 =	vld.idx.msk [tilespmem:v21+s26+$0x0], $0xffff  }
0x274: {  	v32 =	vadd.f32 v43, v32  }
0x275: {  	v46 =	vld.idx.msk [tilespmem:v22+s26+$0x0], $0xffff  }
0x276: {  	v32 =	vadd.f32 v44, v32  }
0x277: {  	v47 =	vld.idx.msk [tilespmem:v23+s26+$0x0], $0xffff  }
0x278: {  	v32 =	vadd.f32 v45, v32;
	_ =	sdelay $0x1  }
0x279: {  	v32 =	vadd.f32 v46, v32;
	_ =	sdelay $0x1  }
0x27a: {  	v32 =	vadd.f32 v47, v32;
	_ =	sdelay $0x1  }
0x27b: {  	v32 =	vmul.f32 $1.250000000e-01, v32;
	_ =	sdelay $0x1  }
0x27c: {  	[tilespmem:$0x9820] =	vst v32  }
0x27d: {  	v32 =	vld.idx.msk [tilespmem:v24+s26+$0x0], $0xffff  }
0x27e: {  	v48 =	vld.idx.msk [tilespmem:v25+s26+$0x0], $0xffff;
	_ =	sdelay $0x1  }
0x27f: {  	v49 =	vld.idx.msk [tilespmem:v26+s26+$0x0], $0xffff;
	_ =	sdelay $0x1  }
0x280: {  	v50 =	vld.idx.msk [tilespmem:v27+s26+$0x0], $0xffff  }
0x281: {  	v32 =	vadd.f32 v48, v32  }
0x282: {  	v51 =	vld.idx.msk [tilespmem:v28+s26+$0x0], $0xffff  }
0x283: {  	v32 =	vadd.f32 v49, v32  }
0x284: {  	v52 =	vld.idx.msk [tilespmem:v29+s26+$0x0], $0xffff  }
0x285: {  	v32 =	vadd.f32 v50, v32  }
0x286: {  	v53 =	vld.idx.msk [tilespmem:v30+s26+$0x0], $0xffff  }
0x287: {  	v32 =	vadd.f32 v51, v32  }
0x288: {  	v54 =	vld.idx.msk [tilespmem:v31+s26+$0x0], $0xffff  }
0x289: {  	v32 =	vadd.f32 v52, v32;
	_ =	sdelay $0x1  }
0x28a: {  	s1 =	simm.s32 $0x0;
	v32 =	vadd.f32 v53, v32  }
0x28b: {  	v55 =	vmov s1  }
0x28c: {  	s5 =	sand.u32 $0xFFFFFFF0, s1;
	v56 =	vand.u32 $0xE, v55;
	v32 =	vadd.f32 v54, v32  }
0x28d: {  	v33 =	vor.u32 s5, v56  }
0x28e: {  	v33 =	vbroadcast v33, $0x0;
	v32 =	vmul.f32 $1.250000000e-01, v32;
	_ =	sdelay $0x1  }
0x28f: {  	s19 =	simm.s32 $0x7880;
	[tilespmem:$0x9830] =	vst v32  }
0x290: {  	s13 =	simm.s32 $0x5840;
	v32 =	vld [tilespmem:s19+$0xFFFFFF80]  }
0x291: {  	v57 =	vld [tilespmem:s13+$0xFFFFFFC0];
	_ =	sdelay $0x1  }
0x292: {  	v33 =	vld.idx.msk [tilespmem:v33+s31+$0x0], $0xffff;
	_ =	sdelay $0x2  }
0x293: {  	v32 =	vadd.f32 v32, v57;
	_ =	sdelay $0x1  }
0x294: {  	v32 =	vmul.f32 v32, v33;
	_ =	sdelay $0x1  }
0x295: {  	v58 =	vld [tilespmem:s19+$0xFFFFFF90];
	[tilespmem:s19+$0xFFFFFF80] =	vst v32  }
0x296: {  	v59 =	vld [tilespmem:s13+$0xFFFFFFD0];
	_ =	sdelay $0x4  }
0x297: {  	v32 =	vadd.f32 v58, v59;
	_ =	sdelay $0x1  }
0x298: {  	v32 =	vmul.f32 v32, v33;
	_ =	sdelay $0x1  }
0x299: {  	v60 =	vld [tilespmem:s19+$0xFFFFFFA0];
	[tilespmem:s19+$0xFFFFFF90] =	vst v32  }
0x29a: {  	v61 =	vld [tilespmem:s13+$0xFFFFFFE0];
	_ =	sdelay $0x4  }
0x29b: {  	v32 =	vadd.f32 v60, v61;
	_ =	sdelay $0x1  }
0x29c: {  	v32 =	vmul.f32 v32, v33;
	_ =	sdelay $0x1  }
0x29d: {  	v62 =	vld [tilespmem:s19+$0xFFFFFFB0];
	[tilespmem:s19+$0xFFFFFFA0] =	vst v32  }
0x29e: {  	v63 =	vld [tilespmem:s13+$0xFFFFFFF0];
	_ =	sdelay $0x4  }
0x29f: {  	v32 =	vadd.f32 v62, v63;
	_ =	sdelay $0x1  }
0x2a0: {  	v32 =	vmul.f32 v32, v33;
	_ =	sdelay $0x1  }
0x2a1: {  	v36 =	vld [tilespmem:s19+$0xFFFFFFC0];
	[tilespmem:s19+$0xFFFFFFB0] =	vst v32  }
0x2a2: {  	v37 =	vld [tilespmem:s13+$0x0];
	_ =	sdelay $0x4  }
0x2a3: {  	v32 =	vadd.f32 v36, v37;
	_ =	sdelay $0x1  }
0x2a4: {  	v32 =	vmul.f32 v32, v33;
	_ =	sdelay $0x1  }
0x2a5: {  	v38 =	vld [tilespmem:s19+$0xFFFFFFD0];
	[tilespmem:s19+$0xFFFFFFC0] =	vst v32  }
0x2a6: {  	v39 =	vld [tilespmem:s13+$0x10];
	_ =	sdelay $0x4  }
0x2a7: {  	v32 =	vadd.f32 v38, v39;
	_ =	sdelay $0x1  }
0x2a8: {  	v32 =	vmul.f32 v32, v33;
	_ =	sdelay $0x1  }
0x2a9: {  	v40 =	vld [tilespmem:s19+$0xFFFFFFE0];
	[tilespmem:s19+$0xFFFFFFD0] =	vst v32  }
0x2aa: {  	v41 =	vld [tilespmem:s13+$0x20];
	_ =	sdelay $0x4  }
0x2ab: {  	v32 =	vadd.f32 v40, v41;
	_ =	sdelay $0x1  }
0x2ac: {  	v32 =	vmul.f32 v32, v33;
	_ =	sdelay $0x1  }
0x2ad: {  	v42 =	vld [tilespmem:s19+$0xFFFFFFF0];
	[tilespmem:s19+$0xFFFFFFE0] =	vst v32  }
0x2ae: {  	v43 =	vld [tilespmem:s13+$0x30];
	_ =	sdelay $0x1  }
0x2af: {  	s12 =	simm.s32 $0x1  }
0x2b0: {  	v44 =	vmov s12  }
0x2b1: {  	v35 =	vand.u32 $0xF, v44  }
0x2b2: {  	v45 =	vor.u32 s5, v35;
	v32 =	vadd.f32 v42, v43  }
0x2b3: {  	v34 =	vbroadcast v45, $0x0  }
0x2b4: {  	s24 =	simm.s32 $0x80;
	v32 =	vmul.f32 v32, v33  }
0x2b5: {  	s28 =	sand.u32 $0x1C00, s1;
	s5 =	sand.u32 $0x380, s24  }
0x2b6: {  	s5 =	sor.u32 s5, s28;
	v46 =	vld [tilespmem:s19+$0x0];
	[tilespmem:s19+$0xFFFFFFF0] =	vst v32  }
0x2b7: {  	v47 =	vld [tilespmem:s5+$0x5800];
	_ =	sdelay $0x1  }
0x2b8: {  	v34 =	vld.idx.msk [tilespmem:v34+s31+$0x0], $0xffff;
	_ =	sdelay $0x2  }
0x2b9: {  	v32 =	vadd.f32 v46, v47;
	_ =	sdelay $0x1  }
0x2ba: {  	v32 =	vmul.f32 v32, v34;
	_ =	sdelay $0x1  }
0x2bb: {  	v48 =	vld [tilespmem:s19+$0x10];
	[tilespmem:s19+$0x0] =	vst v32  }
0x2bc: {  	v49 =	vld [tilespmem:s5+$0x5810];
	_ =	sdelay $0x4  }
0x2bd: {  	v32 =	vadd.f32 v48, v49;
	_ =	sdelay $0x1  }
0x2be: {  	v32 =	vmul.f32 v32, v34;
	_ =	sdelay $0x1  }
0x2bf: {  	v50 =	vld [tilespmem:s19+$0x20];
	[tilespmem:s19+$0x10] =	vst v32  }
0x2c0: {  	v51 =	vld [tilespmem:s5+$0x5820];
	_ =	sdelay $0x4  }
0x2c1: {  	v32 =	vadd.f32 v50, v51;
	_ =	sdelay $0x1  }
0x2c2: {  	v32 =	vmul.f32 v32, v34;
	_ =	sdelay $0x1  }
0x2c3: {  	v52 =	vld [tilespmem:s19+$0x30];
	[tilespmem:s19+$0x20] =	vst v32  }
0x2c4: {  	v53 =	vld [tilespmem:s5+$0x5830];
	_ =	sdelay $0x4  }
0x2c5: {  	v32 =	vadd.f32 v52, v53;
	_ =	sdelay $0x1  }
0x2c6: {  	v32 =	vmul.f32 v32, v34;
	_ =	sdelay $0x1  }
0x2c7: {  	v54 =	vld [tilespmem:s19+$0x40];
	[tilespmem:s19+$0x30] =	vst v32  }
0x2c8: {  	v55 =	vld [tilespmem:s5+$0x5840];
	_ =	sdelay $0x4  }
0x2c9: {  	v32 =	vadd.f32 v54, v55;
	_ =	sdelay $0x1  }
0x2ca: {  	v32 =	vmul.f32 v32, v34;
	_ =	sdelay $0x1  }
0x2cb: {  	v56 =	vld [tilespmem:s19+$0x50];
	[tilespmem:s19+$0x40] =	vst v32  }
0x2cc: {  	v57 =	vld [tilespmem:s5+$0x5850];
	_ =	sdelay $0x4  }
0x2cd: {  	v32 =	vadd.f32 v56, v57;
	_ =	sdelay $0x1  }
0x2ce: {  	v32 =	vmul.f32 v32, v34;
	_ =	sdelay $0x1  }
0x2cf: {  	v58 =	vld [tilespmem:s19+$0x60];
	[tilespmem:s19+$0x50] =	vst v32  }
0x2d0: {  	v59 =	vld [tilespmem:s5+$0x5860];
	_ =	sdelay $0x4  }
0x2d1: {  	v32 =	vadd.f32 v58, v59;
	_ =	sdelay $0x1  }
0x2d2: {  	v32 =	vmul.f32 v32, v34;
	_ =	sdelay $0x1  }
0x2d3: {  	v60 =	vld [tilespmem:s19+$0x70];
	[tilespmem:s19+$0x60] =	vst v32  }
0x2d4: {  	v61 =	vld [tilespmem:s5+$0x5870]  }
0x2d5: {  	s12 =	simm.s32 $0x2  }
0x2d6: {  	v62 =	vmov s12  }
0x2d7: {  	s17 =	sand.u32 $0xFFFFFFF0, s12;
	v35 =	vand.u32 $0xE, v62  }
0x2d8: {  	v63 =	vor.u32 s17, v35  }
0x2d9: {  	v32 =	vbroadcast v63, $0x0;
	v33 =	vadd.f32 v60, v61;
	_ =	sdelay $0x1  }
0x2da: {  	s24 =	simm.s32 $0x4;
	s5 =	simm.s32 $0x7980;
	v33 =	vmul.f32 v33, v34  }
.LBB2_10:
0x2db: {  	s1 =	sadd.s32 $0x100, s1;
	s13 =	sadd.s32 $0x100, s13  }
0x2dc: {  	v34 =	vld [tilespmem:s5+$0xFFFFFF80];
	[tilespmem:s19+$0x70] =	vst v33;
	s21 =	smov.u32 s24;
	s16 =	sadd.s32 $0x2, s24;
	s19 =	smov.u32 s5  }
0x2dd: {  	p0 =	slt.u32 s24, $0x3E;
	v33 =	vld [tilespmem:s13+$0xFFFFFFC0]  }
0x2de: {  	v32 =	vld.idx.msk [tilespmem:v32+s31+$0x0], $0xffff;
	_ =	sdelay $0x3  }
0x2df: {  	v33 =	vadd.f32 v34, v33;
	_ =	sdelay $0x1  }
0x2e0: {  	v33 =	vmul.f32 v33, v32;
	_ =	sdelay $0x1  }
0x2e1: {  	[tilespmem:s5+$0xFFFFFF80] =	vst v33;
	v33 =	vld [tilespmem:s5+$0xFFFFFF90]  }
0x2e2: {  	v34 =	vld [tilespmem:s13+$0xFFFFFFD0];
	_ =	sdelay $0x4  }
0x2e3: {  	v33 =	vadd.f32 v33, v34;
	_ =	sdelay $0x1  }
0x2e4: {  	v33 =	vmul.f32 v33, v32;
	_ =	sdelay $0x1  }
0x2e5: {  	[tilespmem:s5+$0xFFFFFF90] =	vst v33;
	v33 =	vld [tilespmem:s5+$0xFFFFFFA0]  }
0x2e6: {  	v34 =	vld [tilespmem:s13+$0xFFFFFFE0];
	_ =	sdelay $0x4  }
0x2e7: {  	v33 =	vadd.f32 v33, v34;
	_ =	sdelay $0x1  }
0x2e8: {  	v33 =	vmul.f32 v33, v32;
	_ =	sdelay $0x1  }
0x2e9: {  	[tilespmem:s5+$0xFFFFFFA0] =	vst v33;
	v33 =	vld [tilespmem:s5+$0xFFFFFFB0]  }
0x2ea: {  	v34 =	vld [tilespmem:s13+$0xFFFFFFF0];
	_ =	sdelay $0x4  }
0x2eb: {  	v33 =	vadd.f32 v33, v34;
	_ =	sdelay $0x1  }
0x2ec: {  	v33 =	vmul.f32 v33, v32;
	_ =	sdelay $0x1  }
0x2ed: {  	[tilespmem:s5+$0xFFFFFFB0] =	vst v33;
	v33 =	vld [tilespmem:s5+$0xFFFFFFC0]  }
0x2ee: {  	v34 =	vld [tilespmem:s13+$0x0];
	_ =	sdelay $0x4  }
0x2ef: {  	v33 =	vadd.f32 v33, v34;
	_ =	sdelay $0x1  }
0x2f0: {  	v33 =	vmul.f32 v33, v32;
	_ =	sdelay $0x1  }
0x2f1: {  	[tilespmem:s5+$0xFFFFFFC0] =	vst v33;
	v33 =	vld [tilespmem:s5+$0xFFFFFFD0]  }
0x2f2: {  	v34 =	vld [tilespmem:s13+$0x10];
	_ =	sdelay $0x4  }
0x2f3: {  	v33 =	vadd.f32 v33, v34;
	_ =	sdelay $0x1  }
0x2f4: {  	v33 =	vmul.f32 v33, v32;
	_ =	sdelay $0x1  }
0x2f5: {  	[tilespmem:s5+$0xFFFFFFD0] =	vst v33;
	v33 =	vld [tilespmem:s5+$0xFFFFFFE0]  }
0x2f6: {  	v34 =	vld [tilespmem:s13+$0x20];
	_ =	sdelay $0x4  }
0x2f7: {  	v33 =	vadd.f32 v33, v34;
	_ =	sdelay $0x1  }
0x2f8: {  	v33 =	vmul.f32 v33, v32;
	_ =	sdelay $0x1  }
0x2f9: {  	[tilespmem:s5+$0xFFFFFFE0] =	vst v33;
	v33 =	vld [tilespmem:s5+$0xFFFFFFF0]  }
0x2fa: {  	v34 =	vld [tilespmem:s13+$0x30]  }
0x2fb: {  	s24 =	sadd.s32 $0x1, s12;
	s12 =	smov.u32 s21  }
0x2fc: {  	v35 =	vmov s24  }
0x2fd: {  	v35 =	vand.u32 $0xF, v35  }
0x2fe: {  	v35 =	vor.u32 s17, v35  }
0x2ff: {  	v33 =	vadd.f32 v33, v34;
	v34 =	vbroadcast v35, $0x0;
	_ =	sdelay $0x1  }
0x300: {  	s17 =	sadd.s32 $0x80, s1;
	v32 =	vmul.f32 v33, v32  }
0x301: {  	s21 =	sand.u32 $0x1C00, s1;
	s17 =	sand.u32 $0x380, s17  }
0x302: {  	s17 =	sor.u32 s17, s21;
	[tilespmem:s5+$0xFFFFFFF0] =	vst v32;
	v32 =	vld [tilespmem:s5+$0x0]  }
0x303: {  	v33 =	vld [tilespmem:s17+$0x5800]  }
0x304: {  	v34 =	vld.idx.msk [tilespmem:v34+s31+$0x0], $0xffff;
	_ =	sdelay $0x3  }
0x305: {  	v32 =	vadd.f32 v32, v33;
	_ =	sdelay $0x1  }
0x306: {  	v32 =	vmul.f32 v32, v34;
	_ =	sdelay $0x1  }
0x307: {  	[tilespmem:s5+$0x0] =	vst v32;
	v32 =	vld [tilespmem:s5+$0x10]  }
0x308: {  	v33 =	vld [tilespmem:s17+$0x5810];
	_ =	sdelay $0x4  }
0x309: {  	v32 =	vadd.f32 v32, v33;
	_ =	sdelay $0x1  }
0x30a: {  	v32 =	vmul.f32 v32, v34;
	_ =	sdelay $0x1  }
0x30b: {  	[tilespmem:s5+$0x10] =	vst v32;
	v32 =	vld [tilespmem:s5+$0x20]  }
0x30c: {  	v33 =	vld [tilespmem:s17+$0x5820];
	_ =	sdelay $0x4  }
0x30d: {  	v32 =	vadd.f32 v32, v33;
	_ =	sdelay $0x1  }
0x30e: {  	v32 =	vmul.f32 v32, v34;
	_ =	sdelay $0x1  }
0x30f: {  	[tilespmem:s5+$0x20] =	vst v32;
	v32 =	vld [tilespmem:s5+$0x30]  }
0x310: {  	v33 =	vld [tilespmem:s17+$0x5830];
	_ =	sdelay $0x4  }
0x311: {  	v32 =	vadd.f32 v32, v33;
	_ =	sdelay $0x1  }
0x312: {  	v32 =	vmul.f32 v32, v34;
	_ =	sdelay $0x1  }
0x313: {  	[tilespmem:s5+$0x30] =	vst v32;
	v32 =	vld [tilespmem:s5+$0x40]  }
0x314: {  	v33 =	vld [tilespmem:s17+$0x5840];
	_ =	sdelay $0x4  }
0x315: {  	v32 =	vadd.f32 v32, v33;
	_ =	sdelay $0x1  }
0x316: {  	v32 =	vmul.f32 v32, v34;
	_ =	sdelay $0x1  }
0x317: {  	[tilespmem:s5+$0x40] =	vst v32;
	v32 =	vld [tilespmem:s5+$0x50]  }
0x318: {  	v33 =	vld [tilespmem:s17+$0x5850];
	_ =	sdelay $0x4  }
0x319: {  	v32 =	vadd.f32 v32, v33;
	_ =	sdelay $0x1  }
0x31a: {  	v32 =	vmul.f32 v32, v34;
	_ =	sdelay $0x1  }
0x31b: {  	[tilespmem:s5+$0x50] =	vst v32;
	v32 =	vld [tilespmem:s5+$0x60]  }
0x31c: {  	v33 =	vld [tilespmem:s17+$0x5860];
	_ =	sdelay $0x4  }
0x31d: {  	v32 =	vadd.f32 v32, v33;
	_ =	sdelay $0x1  }
0x31e: {  	v32 =	vmul.f32 v32, v34;
	_ =	sdelay $0x1  }
0x31f: {  	[tilespmem:s5+$0x60] =	vst v32;
	v33 =	vld [tilespmem:s5+$0x70]  }
0x320: {  	v35 =	vld [tilespmem:s17+$0x5870];
	_ =	sdelay $0x1  }
0x321: {  	v32 =	vmov s12  }
0x322: {  	s17 =	sand.u32 $0xFFFFFFF0, s12;
	v32 =	vand.u32 $0xE, v32  }
.Ltmp3:
0x323: {  	v32 =	vor.u32 s17, v32;
	(pc) =	sbr.rel @p0 .LBB2_10-.Ltmp3, $3  }
0x324: {  	v32 =	vbroadcast v32, $0x0;
	v33 =	vadd.f32 v33, v35;
	_ =	sdelay $0x1  }
0x325: {  	v33 =	vmul.f32 v33, v34  }
0x326: {  	s24 =	smov.u32 s16;
	s5 =	sadd.s32 $0x100, s5  }
0x327: {  	_ = 	snop  }
0x328: {  	v34 =	vld [tilespmem:s5+$0xFFFFFF80];
	[tilespmem:s19+$0x70] =	vst v33;
	s13 =	sadd.s32 $0x100, s13  }
0x329: {  	v33 =	vld [tilespmem:s13+$0xFFFFFFC0];
	_ =	sdelay $0x1  }
0x32a: {  	v32 =	vld.idx.msk [tilespmem:v32+s31+$0x0], $0xffff;
	_ =	sdelay $0x2  }
0x32b: {  	v33 =	vadd.f32 v34, v33;
	_ =	sdelay $0x1  }
0x32c: {  	v33 =	vmul.f32 v33, v32;
	_ =	sdelay $0x1  }
0x32d: {  	v61 =	vld [tilespmem:s5+$0xFFFFFF90];
	[tilespmem:s5+$0xFFFFFF80] =	vst v33  }
0x32e: {  	v62 =	vld [tilespmem:s13+$0xFFFFFFD0];
	_ =	sdelay $0x4  }
0x32f: {  	v33 =	vadd.f32 v61, v62;
	_ =	sdelay $0x1  }
0x330: {  	v33 =	vmul.f32 v33, v32;
	_ =	sdelay $0x1  }
0x331: {  	v63 =	vld [tilespmem:s5+$0xFFFFFFA0];
	[tilespmem:s5+$0xFFFFFF90] =	vst v33  }
0x332: {  	v36 =	vld [tilespmem:s13+$0xFFFFFFE0];
	_ =	sdelay $0x4  }
0x333: {  	v33 =	vadd.f32 v63, v36;
	_ =	sdelay $0x1  }
0x334: {  	v33 =	vmul.f32 v33, v32;
	_ =	sdelay $0x1  }
0x335: {  	v37 =	vld [tilespmem:s5+$0xFFFFFFB0];
	[tilespmem:s5+$0xFFFFFFA0] =	vst v33  }
0x336: {  	v38 =	vld [tilespmem:s13+$0xFFFFFFF0];
	_ =	sdelay $0x4  }
0x337: {  	v33 =	vadd.f32 v37, v38;
	_ =	sdelay $0x1  }
0x338: {  	v33 =	vmul.f32 v33, v32;
	_ =	sdelay $0x1  }
0x339: {  	v39 =	vld [tilespmem:s5+$0xFFFFFFC0];
	[tilespmem:s5+$0xFFFFFFB0] =	vst v33  }
0x33a: {  	v40 =	vld [tilespmem:s13+$0x0];
	_ =	sdelay $0x4  }
0x33b: {  	v33 =	vadd.f32 v39, v40;
	_ =	sdelay $0x1  }
0x33c: {  	v33 =	vmul.f32 v33, v32;
	_ =	sdelay $0x1  }
0x33d: {  	v41 =	vld [tilespmem:s5+$0xFFFFFFD0];
	[tilespmem:s5+$0xFFFFFFC0] =	vst v33  }
0x33e: {  	v42 =	vld [tilespmem:s13+$0x10];
	_ =	sdelay $0x4  }
0x33f: {  	v33 =	vadd.f32 v41, v42;
	_ =	sdelay $0x1  }
0x340: {  	v33 =	vmul.f32 v33, v32;
	_ =	sdelay $0x1  }
0x341: {  	v43 =	vld [tilespmem:s5+$0xFFFFFFE0];
	[tilespmem:s5+$0xFFFFFFD0] =	vst v33  }
0x342: {  	v44 =	vld [tilespmem:s13+$0x20];
	_ =	sdelay $0x4  }
0x343: {  	v33 =	vadd.f32 v43, v44;
	_ =	sdelay $0x1  }
0x344: {  	v33 =	vmul.f32 v33, v32;
	_ =	sdelay $0x1  }
0x345: {  	v45 =	vld [tilespmem:s5+$0xFFFFFFF0];
	[tilespmem:s5+$0xFFFFFFE0] =	vst v33  }
0x346: {  	v46 =	vld [tilespmem:s13+$0x30];
	_ =	sdelay $0x1  }
0x347: {  	s12 =	sadd.s32 $0x1, s12  }
0x348: {  	v35 =	vmov s12  }
0x349: {  	v35 =	vand.u32 $0xF, v35  }
0x34a: {  	v47 =	vor.u32 s17, v35;
	v33 =	vadd.f32 v45, v46  }
0x34b: {  	s1 =	sadd.s32 $0x100, s1;
	v34 =	vbroadcast v47, $0x0  }
0x34c: {  	s28 =	sadd.s32 $0x80, s1;
	v32 =	vmul.f32 v33, v32  }
0x34d: {  	s1 =	sand.u32 $0x1C00, s1;
	s12 =	sand.u32 $0x380, s28  }
0x34e: {  	v48 =	vld [tilespmem:s5+$0x0];
	s1 =	sor.u32 s12, s1;
	[tilespmem:s5+$0xFFFFFFF0] =	vst v32  }
0x34f: {  	v49 =	vld [tilespmem:s1+$0x5800];
	_ =	sdelay $0x1  }
0x350: {  	v34 =	vld.idx.msk [tilespmem:v34+s31+$0x0], $0xffff;
	_ =	sdelay $0x2  }
0x351: {  	v32 =	vadd.f32 v48, v49;
	_ =	sdelay $0x1  }
0x352: {  	v32 =	vmul.f32 v32, v34;
	_ =	sdelay $0x1  }
0x353: {  	v50 =	vld [tilespmem:s5+$0x10];
	[tilespmem:s5+$0x0] =	vst v32  }
0x354: {  	v51 =	vld [tilespmem:s1+$0x5810];
	_ =	sdelay $0x4  }
0x355: {  	v32 =	vadd.f32 v50, v51;
	_ =	sdelay $0x1  }
0x356: {  	v32 =	vmul.f32 v32, v34;
	_ =	sdelay $0x1  }
0x357: {  	v52 =	vld [tilespmem:s5+$0x20];
	[tilespmem:s5+$0x10] =	vst v32  }
0x358: {  	v53 =	vld [tilespmem:s1+$0x5820];
	_ =	sdelay $0x4  }
0x359: {  	v32 =	vadd.f32 v52, v53;
	_ =	sdelay $0x1  }
0x35a: {  	v32 =	vmul.f32 v32, v34;
	_ =	sdelay $0x1  }
0x35b: {  	v54 =	vld [tilespmem:s5+$0x30];
	[tilespmem:s5+$0x20] =	vst v32  }
0x35c: {  	v55 =	vld [tilespmem:s1+$0x5830];
	_ =	sdelay $0x4  }
0x35d: {  	v32 =	vadd.f32 v54, v55;
	_ =	sdelay $0x1  }
0x35e: {  	v32 =	vmul.f32 v32, v34;
	_ =	sdelay $0x1  }
0x35f: {  	v56 =	vld [tilespmem:s5+$0x40];
	[tilespmem:s5+$0x30] =	vst v32  }
0x360: {  	v57 =	vld [tilespmem:s1+$0x5840];
	_ =	sdelay $0x4  }
0x361: {  	v32 =	vadd.f32 v56, v57;
	_ =	sdelay $0x1  }
0x362: {  	v32 =	vmul.f32 v32, v34;
	_ =	sdelay $0x1  }
0x363: {  	v58 =	vld [tilespmem:s5+$0x50];
	[tilespmem:s5+$0x40] =	vst v32  }
0x364: {  	v59 =	vld [tilespmem:s1+$0x5850];
	_ =	sdelay $0x4  }
0x365: {  	v32 =	vadd.f32 v58, v59;
	_ =	sdelay $0x1  }
0x366: {  	v32 =	vmul.f32 v32, v34;
	_ =	sdelay $0x1  }
0x367: {  	v60 =	vld [tilespmem:s5+$0x60];
	[tilespmem:s5+$0x50] =	vst v32  }
0x368: {  	v61 =	vld [tilespmem:s1+$0x5860];
	_ =	sdelay $0x4  }
0x369: {  	v32 =	vadd.f32 v60, v61;
	_ =	sdelay $0x1  }
0x36a: {  	v32 =	vmul.f32 v32, v34;
	_ =	sdelay $0x1  }
0x36b: {  	v62 =	vld [tilespmem:s5+$0x70];
	[tilespmem:s5+$0x60] =	vst v32  }
0x36c: {  	v63 =	vld [tilespmem:s1+$0x5870];
	_ =	sdelay $0x4  }
0x36d: {  	v32 =	vadd.f32 v62, v63;
	_ =	sdelay $0x1  }
0x36e: {  	s14 =	sadd.s32 $0x1, s14;
	v32 =	vmul.f32 v32, v34  }
0x36f: {  	p0 =	sne.s32 s14, $0x8  }
.Ltmp4:
0x370: {  	[tilespmem:s5+$0x70] =	vst v32;
	(pc) =	sbr.rel @p0 .LBB2_3-.Ltmp4, $4  }
0x371: {  	[spmem:s2] =	stream.indirect.scatter.add.f32 [tilespmem:s30], [sflag:$0x6], $0x80, s15, s20, $0xb8;
	[tilespmem:$0x1D440] =	vst v63  }
0x372: {  	_ =	swait.ge [sflag:s10], $0x2000  }
0x373: {  	[sflag:s10] =	ssyncset.done $0x0  }
0x374: {  	[sflag:s10] =	ssyncadd.s32 $0xFFFFE000  }
0x375: {  	s1 =	rddreg [dreg:$0xc]  }
0x376: {  	s1 =	sadd.s32 $0x1, s1  }
0x377: {  	p0 =	sne.s32 s1, $0xA  }
.Ltmp5:
0x378: {  	_ = 	snop;
	(pc) =	sbr.rel @p0 .LBB2_2-.Ltmp5, $1  }
0x379: {  	_ =	sdelay $0x3  }
0x37a: {  	[bflag:$0x0] =	sbarrier.arrive $0xFFFF  }
0x37b: {  	s11 =	rddreg [dreg:$0x6]  }
0x37c: {  	s12 =	rddreg [dreg:$0x9]  }
0x37d: {  	s13 =	simm.s32 $0x7;
	s1 =	rddreg [dreg:$0xa]  }
0x37e: {  	[hbm:s1], [sflag:s11] =	dma.local [spmem:s12], $0x2780  }
0x37f: {  	_ =	swait.ge [sflag:s13], $0x2780  }
0x380: {  	s5 =	rddreg [dreg:$0xb]  }
0x381: {  	s28 =	rddreg [dreg:$0x8];
	s5 =	sadd.s32 $0x1, s5  }
0x382: {  	p0 =	sne.s32 s5, s28  }
.Ltmp6:
0x383: {  	_ = 	snop;
	(pc) =	sbr.rel @p0 .LBB2_1-.Ltmp6, $3  }
0x384: {  	_ =	sdelay $0x1  }
0x385: {  	[sflag:s13] =	ssyncset.done $0x0  }
0x386: {  	[sflag:s13] =	ssyncadd.s32 $0xFFFFD880  }
0x387: {  	_ =	sfence.sel $0x180000  }
0x388: {  	[bflag:$0x0] =	sbarrier.arrive $0xFFFF  }
0x389: {  	_ =	strace $0x9000004A  }
0x38a: {  	s0 =	stileid.u32;
	[bflag:$0x2] =	sbarrier.arrive $0xFFFF  }
0x38b: {  	p0 =	sne.s32 s0, $0x0;
	s0 =	rddreg [dreg:$0x3]  }
0x38c: {  	s0 =	sadd.s32 @!p0 $0x100000, s0  }
0x38d: {  	[sflag:s0] =	ssyncadd.tile.s32 @!p0 $0x1;
	_ =	shalt  }
.Lfunc_end2:
_tile_overlayer_lowered:
.L_overlay_start_2:
0x38e: {  	(tag) =	ssettag $0x2  }
0x38f: {  	s0 =	rddreg [dreg:$0x0];
	s2 =	stileid.u32  }
0x390: {  	s1 =	rddreg [dreg:$0x1];
	p0 =	sne.s32 s2, $0x0  }
0x391: {  	s3 =	rddreg [dreg:$0x2];
	[bflag:$0x3] =	sbarrier.arrive $0xFFFF;
	s2 =	simm.s32 @!p0 $0x1C07  }
0x392: {  	[timem:s3], [sflag:s2] =	dma.local @!p0 [hbm:s0], s1  }
0x393: {  	s0 =	simm.s32 @!p0 $0x7  }
0x394: {  	_ =	swait.ge @!p0 [sflag:s0], s1  }
0x395: {  	s1 =	ssub.s32 @!p0 $0x0, s1;
	[sflag:s0] =	ssyncset.done @!p0 $0x0  }
0x396: {  	[sflag:s0] =	ssyncadd.s32 @!p0 s1  }
0x397: {  	[bflag:$0x3] =	sbarrier.arrive $0xFFFF  }
0x398: {  	_ =	shalt  }

// kernel: kernel.8.cloned.1.call-start
scs
__scs_entry_jumppad:
0x0: {  	(pc) =	sbr.rel $0x88, $3  }
0x1: {  	(tag) =	ssettag $0x0;
	lr =	simm.s32 $0x1  }
0x2: {  	[smem:$0x3F98] =	sst lr;
	_ =	strace $0xD0000000  }
0x3: {  	_ = 	snop  }
0x4: {  	_ = 	snop  }
0x5: {  	_ = 	snop  }
0x6: {  	_ = 	snop  }
0x7: {  	_ = 	snop  }
__scs_overlays_trampoline_lowered:
0x8: {  	[smem:$0x3FA7] =	sst s0  }
0x9: {  	[smem:$0x3FA8] =	sst s1  }
0xa: {  	[smem:$0x3FA9] =	sst s2  }
0xb: {  	[smem:$0x3FAA] =	sst s3  }
0xc: {  	[smem:$0x3FAB] =	sst s4  }
0xd: {  	[smem:$0x3FAC] =	sst s5  }
0xe: {  	[smem:$0x3FAD] =	sst s6  }
0xf: {  	[smem:$0x3FAE] =	sst s7  }
0x10: {  	[smem:$0x3FAF] =	sst s8  }
0x11: {  	[smem:$0x3FB0] =	sst s9;
	s0 =	simm.s32 @!p0 $0x0  }
0x12: {  	s1 =	sld [smem:$0x3F96];
	s0 =	simm.s32 @p0 $0x1  }
0x13: {  	[smem:$0x3FB1] =	sst s0;
	s0 =	simm.s32 @!p1 $0x0  }
0x14: {  	s2 =	sld [smem:$0x3F95];
	s0 =	simm.s32 @p1 $0x1  }
0x15: {  	[smem:$0x3FB2] =	sst s0;
	s0 =	simm.s32 @!p2 $0x0  }
0x16: {  	s3 =	sld [smem:$0x3FDB];
	s0 =	simm.s32 @p2 $0x1  }
0x17: {  	s4 =	simm.s32 $0x1BF5;
	[smem:$0x3FB4] =	sst s0  }
0x18: {  	s0 =	sld [smem:$0x3F97];
	_ =	swait.ge [sflag:s4], $0x0  }
0x19: {  	s7 =	sld [smem:$0x3F98]  }
0x1a: {  	s8 =	sadd.s32 $0xFFFFE003, lr  }
0x1b: {  	s9 =	sadd.s32 $0xFFFFFEF7, lr;
	s5 =	simm.s32 $0xFFFFFFFF;
	p2 =	slt.u32 s8, $0xFFFFF086  }
0x1c: {  	p1 =	slt.u32 s9, $0xF7A;
	s5 =	simm.s32 @!p2 $0x0  }
0x1d: {  	s5 =	simm.s32 @p1 $0x1;
	p0 =	seq.s32 s7, s2  }
0x1e: {  	s7 =	smul.u32 @!p0 $0xF7A, s2;
	p2 =	seq.s32 @!p0 s5, $0x0  }
0x1f: {  	s9 =	smul.u32 $0xF7A, s1;
	s8 =	simm.s32 @!p0 $0x1BF5;
	p2 =	por !p2, p0  }
0x20: {  	[sflag:s8] =	ssyncset.s32 @!p0 $0xFFFFF086;
	s6 =	sadd.s32 @!p0 s3, s7;
	s7 =	simm.s32 @!p0 $0x108  }
0x21: {  	s3 =	sadd.s32 s3, s9;
	s6 =	sadd.s32 @!p0 $0x88, s6;
	s7 =	simm.s32 @p2 $0x1082  }
0x22: {  	[simem:s7], [sflag:s8] =	dma.local @!p0 [hbm:s6], $0xF7A  }
0x23: {  	s9 =	sor.u32 $0xD0000000, s2;
	s6 =	simm.s32 $0x108;
	_ =	swait.ge @!p0 [sflag:s8], $0x0  }
0x24: {  	s3 =	sadd.s32 $0x88, s3;
	s6 =	simm.s32 @!p1 $0x1082;
	[sflag:s4] =	ssyncset.s32 $0xFFFFF086  }
0x25: {  	[simem:s6], [sflag:s4] =	dma.local [hbm:s3], $0xF7A  }
0x26: {  	[smem:$0x3F98] =	sst s1;
	(tag) =	ssettag s2;
	_ =	strace s9  }
0x27: {  	s1 =	sld [smem:$0x3FA8]  }
0x28: {  	s2 =	sld [smem:$0x3FA9]  }
0x29: {  	s4 =	sld [smem:$0x3FAB]  }
0x2a: {  	p0 =	seq.s32 s5, $0x0;
	s5 =	sld [smem:$0x3FAC]  }
0x2b: {  	s6 =	sld [smem:$0x3FAD]  }
0x2c: {  	s7 =	sld [smem:$0x3FAE]  }
0x2d: {  	s3 =	simm.s32 $0x108;
	s8 =	sld [smem:$0x3FAF]  }
0x2e: {  	s3 =	simm.s32 @!p0 $0x1082;
	s9 =	sld [smem:$0x3FB0]  }
0x2f: {  	lr =	sadd.s32 s0, s3;
	s0 =	sld [smem:$0x3FA7]  }
0x30: {  	s3 =	sld [smem:$0x3FAA]  }
0x31: {  	[smem:$0x3FB3] =	sst s10  }
0x32: {  	s10 =	sld [smem:$0x3FB1];
	_ =	sdelay $0x3  }
0x33: {  	p0 =	seq.s32 s10, $0x1;
	s10 =	sld [smem:$0x3FB3];
	_ =	sdelay $0x3  }
0x34: {  	[smem:$0x3FB3] =	sst s10  }
0x35: {  	s10 =	sld [smem:$0x3FB2];
	_ =	sdelay $0x3  }
0x36: {  	p1 =	seq.s32 s10, $0x1;
	s10 =	sld [smem:$0x3FB3];
	_ =	sdelay $0x3  }
0x37: {  	[smem:$0x3FB3] =	sst s10  }
0x38: {  	s10 =	sld [smem:$0x3FB4]  }
0x39: {  	_ = 	snop;
	(pc) =	sbr.ind lr, $3  }
0x3a: {  	_ = 	snop  }
0x3b: {  	_ = 	snop  }
0x3c: {  	p2 =	seq.s32 s10, $0x1;
	s10 =	sld [smem:$0x3FB3]  }
0x3d: {  	_ =	shalt  }
0x3e: {  	_ =	shalt  }
0x3f: {  	_ =	shalt  }
0x40: {  	_ =	shalt  }
0x41: {  	_ =	shalt  }
0x42: {  	_ =	shalt  }
0x43: {  	_ =	shalt  }
0x44: {  	_ =	shalt  }
0x45: {  	_ =	shalt  }
0x46: {  	_ =	shalt  }
0x47: {  	_ =	shalt  }
0x48: {  	_ =	shalt  }
0x49: {  	_ =	shalt  }
0x4a: {  	_ =	shalt  }
0x4b: {  	_ =	shalt  }
0x4c: {  	_ =	shalt  }
0x4d: {  	_ =	shalt  }
0x4e: {  	_ =	shalt  }
0x4f: {  	_ =	shalt  }
0x50: {  	_ =	shalt  }
0x51: {  	_ =	shalt  }
0x52: {  	_ =	shalt  }
0x53: {  	_ =	shalt  }
0x54: {  	_ =	shalt  }
0x55: {  	_ =	shalt  }
0x56: {  	_ =	shalt  }
0x57: {  	_ =	shalt  }
0x58: {  	_ =	shalt  }
0x59: {  	_ =	shalt  }
0x5a: {  	_ =	shalt  }
0x5b: {  	_ =	shalt  }
0x5c: {  	_ =	shalt  }
0x5d: {  	_ =	shalt  }
0x5e: {  	_ =	shalt  }
0x5f: {  	_ =	shalt  }
0x60: {  	_ =	shalt  }
0x61: {  	_ =	shalt  }
0x62: {  	_ =	shalt  }
0x63: {  	_ =	shalt  }
0x64: {  	_ =	shalt  }
0x65: {  	_ =	shalt  }
0x66: {  	_ =	shalt  }
0x67: {  	_ =	shalt  }
0x68: {  	_ =	shalt  }
0x69: {  	_ =	shalt  }
0x6a: {  	_ =	shalt  }
0x6b: {  	_ =	shalt  }
0x6c: {  	_ =	shalt  }
0x6d: {  	_ =	shalt  }
0x6e: {  	_ =	shalt  }
0x6f: {  	_ =	shalt  }
0x70: {  	_ =	shalt  }
0x71: {  	_ =	shalt  }
0x72: {  	_ =	shalt  }
0x73: {  	_ =	shalt  }
0x74: {  	_ =	shalt  }
0x75: {  	_ =	shalt  }
0x76: {  	_ =	shalt  }
0x77: {  	_ =	shalt  }
0x78: {  	_ =	shalt  }
0x79: {  	_ =	shalt  }
0x7a: {  	_ =	shalt  }
0x7b: {  	_ =	shalt  }
0x7c: {  	_ =	shalt  }
0x7d: {  	_ =	shalt  }
0x7e: {  	_ =	shalt  }
0x7f: {  	_ =	shalt  }
0x80: {  	_ =	shalt  }
0x81: {  	_ =	shalt  }
0x82: {  	_ =	shalt  }
0x83: {  	_ =	shalt  }
0x84: {  	_ =	shalt  }
0x85: {  	_ =	shalt  }
0x86: {  	_ =	shalt  }
0x87: {  	_ =	shalt  }
.Lfunc_end0:
.L_simem_size_0:
called_computation_lowered:
.L_overlay_start_0:
0x88: {  	s2 =	sld [smem:$0x3FD9]  }
0x89: {  	s3 =	sld [smem:$0x3FFE];
	_ =	sdelay $0x1  }
0x8a: {  	s1 =	srdreg.scid  }
0x8b: {  	s0 =	sand.u32 $0x1, s1  }
0x8c: {  	s17 =	sshll.u32 s0, $0xA;
	s2 =	sadd.s32 s3, s2  }
0x8d: {  	s2 =	sadd.s32 s2, s17  }
0x8e: {  	[smem:$0x3FBF] =	sst s2  }
0x8f: {  	_ = 	snop  }
0x90: {  	s2 =	sld [smem:$0x3FD0];
	(tm) =	ssettm $0x1  }
0x91: {  	s18 =	sld [smem:$0x3FFB];
	_ =	sdelay $0x3  }
0x92: {  	_ =	strace s18  }
0x93: {  	s3 =	sld [smem:$0x3FFC];
	_ =	sdelay $0x3  }
0x94: {  	_ =	strace s3  }
0x95: {  	s3 =	sld [smem:$0x3FFD];
	_ =	sdelay $0x3  }
0x96: {  	_ =	strace s3  }
0x97: {  	_ =	strace $0x8FFFFFFF  }
0x98: {  	s19 =	sld [smem:$0x3FDB];
	_ =	sdelay $0x1  }
0x99: {  	s4 =	simm.s32 $_scs_section_size  }
0x9a: {  	s5 =	simm.s32 $_size__tile_overlayer_lowered;
	s6 =	simm.s32 $_tile_overlayer_lowered  }
0x9b: {  	s22 =	simm.s32 $0x1BFF;
	s21 =	sshll.u32 s6, $0x1;
	s3 =	sadd.s32 s4, s19  }
0x9c: {  	s7 =	simm.s32 $0x0;
	s20 =	sshll.u32 s5, $0x1;
	s5 =	sadd.s32 s21, s3  }
0x9d: {  	[timem:s7], [sflag:s22] =	dma.local [hbm:s5], s20  }
0x9e: {  	_ =	swait.ge [sflag:s22], s20  }
0x9f: {  	s4 =	ssub.s32 $0x0, s20;
	[sflag:s22] =	ssyncset.done $0x0  }
0xa0: {  	[sflag:s22] =	ssyncadd.s32 s4;
	_ =	sdelay $0x1  }
0xa1: {  	s23 =	simm.s32 $0x1B8B  }
0xa2: {  	_ =	swait.ge [sflag:s23], $0x1  }
0xa3: {  	[sflag:s23] =	ssyncset.done $0x0  }
0xa4: {  	s25 =	simm.s32 $0x1B8E;
	s24 =	sld [smem:$0x3FFE];
	[sflag:s23] =	ssyncadd.s32 $0xFFFFFFFF  }
0xa5: {  	s26 =	simm.s32 $execute0_lowered;
	[smem:$0x3FD2] =	sst s25  }
0xa6: {  	s5 =	sshll.u32 s26, $0x1;
	_ =	strace $0x80000046;
	[dreg:$0x1] =	wrdreg $0xFFFFFFFF  }
0xa7: {  	s28 =	simm.s32 $_size_execute0_lowered;
	s3 =	sadd.s32 s3, s5;
	[dreg:$0x0] =	wrdreg $0x0  }
0xa8: {  	s5 =	sshll.u32 s28, $0x1;
	[dreg:$0x2] =	wrdreg s3  }
0xa9: {  	[dreg:$0x3] =	wrdreg s5  }
0xaa: {  	[dreg:$0x4] =	wrdreg $0xC0  }
0xab: {  	_ =	task [dreg:s7], $0x5FFFF  }
0xac: {  	[dreg:$0x1] =	wrdreg $0xFFFFFFFF  }
0xad: {  	[dreg:$0x0] =	wrdreg $0x60  }
0xae: {  	[dreg:$0x2] =	wrdreg s2  }
0xaf: {  	[dreg:$0x3] =	wrdreg s24  }
0xb0: {  	[dreg:$0x4] =	wrdreg $0x108000  }
0xb1: {  	[dreg:$0x5] =	wrdreg $0x9  }
0xb2: {  	_ =	task.clear_ibuf [dreg:s7], $0x6FFFF;
	_ =	strace $0x90000046  }
0xb3: {  	s29 =	simm.s32 $0x9;
	_ =	strace $0x80000048  }
0xb4: {  	_ =	swait.ge [sflag:s29], $0x1  }
0xb5: {  	[sflag:s29] =	ssyncadd.s32 $0xFFFFFFFF  }
0xb6: {  	_ =	strace $0x90000048  }
0xb7: {  	_ =	sfence  }
0xb8: {  	s30 =	sld [smem:$0x0];
	_ =	sdelay $0x2  }
0xb9: {  	s31 =	sshll.u32 s1, $0xD;
	s1 =	sshrl.u32 s1, $0x2  }
0xba: {  	s3 =	sand.u32 $0x4000, s31;
	s1 =	sadd.s32 s1, s30  }
0xbb: {  	s0 =	sor.u32 s3, s0;
	s1 =	sshll.u32 s1, $0x11  }
0xbc: {  	s0 =	sor.u32 s1, s0  }
0xbd: {  	s0 =	sadd.s32 $0x8F2B, s0  }
0xbe: {  	[sflag:s0] =	ssyncadd.remote.s32 $0x1  }
0xbf: {  	_ =	sfence.sel $0xFFFF  }
0xc0: {  	[dreg:$0x0] =	wrdreg $0xFFFFFFFF;
	(pc) =	sbr.abs _section_cstart, $3  }
0xc1: {  	[dreg:$0x1] =	wrdreg $0xFFFFFFFF  }
0xc2: {  	_ =	task.clear_ibuf [dreg:s7], $0x2FFFF;
	_ =	strace $0x9FFFFFFF  }
0xc3: {  	(tm) =	ssettm $0x7FFFFFFF  }
tec
execute0_lowered:
.L_overlay_start_1:
0x0: {  	(tag) =	ssettag $0x1  }
0x1: {  	s0 =	rddreg [dreg:$0x1]  }
0x2: {  	s2 =	rddreg [dreg:$0x2];
	s1 =	simm.s32 $0x0;
	s14 =	stileid.u32  }
0x3: {  	s3 =	srdreg.scid;
	s17 =	simm.s32 $0x5;
	s16 =	simm.s32 $0x400  }
0x4: {  	s18 =	simm.s32 $0x1;
	s19 =	simm.s32 $0x80;
	s23 =	simm.s32 $0x480  }
0x5: {  	s29 =	simm.s32 $0x500;
	s22 =	simm.s32 $0x700;
	s30 =	simm.s32 $0x780  }
0x6: {  	s20 =	simm.s32 $0xF800;
	s21 =	simm.s32 $0x10000;
	s24 =	simm.s32 $0x0  }
0x7: {  	[smem:$0x7FF] =	sst s1;
	s5 =	sadd.s32 $0x2400, s0;
	s25 =	smul.u32 $0x2780, s14  }
0x8: {  	s6 =	sadd.s32 $0xA33C00, s0;
	s7 =	sadd.s32 $0x82C00, s0;
	s3 =	sand.u32 $0x1, s3  }
0x9: {  	s8 =	sadd.s32 $0x87C00, s0;
	s9 =	sadd.s32 $0x9BA00, s0;
	s13 =	sshll.u32 s14, $0x1  }
0xa: {  	s28 =	sshll.u32 s14, $0x6;
	_ =	strace $0x80000047;
	s10 =	smul.u32 $0x4F00, s3  }
0xb: {  	s12 =	ssub.s32 $0x2, s3;
	s3 =	sor.u32 s3, s13;
	s14 =	sor.u32 $0x1C05, s28  }
0xc: {  	s13 =	simm.s32 $0xC800;
	s4 =	sshrl.u32 s25, $0x3;
	s26 =	sshrl.u32 s12, $0x1  }
0xd: {  	s1 =	sadd.s32 s25, s2;
	s25 =	simm.s32 $0x4;
	[dreg:$0x5] =	wrdreg s14  }
0xe: {  	s11 =	sadd.s32 s4, s0;
	s0 =	sadd.s32 s10, s0;
	s10 =	ssub.s32 s12, s26  }
0xf: {  	s12 =	smul.u32 $0x2800, s3;
	s15 =	sshrl.u32 s1, $0x3;
	s3 =	simm.s32 $0x580  }
0x10: {  	s11 =	sadd.s32 $0x8CC00, s11;
	s0 =	sadd.s32 $0x91C00, s0;
	[dreg:$0x7] =	wrdreg s15  }
0x11: {  	s31 =	smax.u32 s10, $0x1;
	s10 =	simm.s32 $0x3;
	[dreg:$0x4] =	wrdreg s11  }
0x12: {  	[dreg:$0x6] =	wrdreg s31;
	s0 =	sadd.s32 s4, s0;
	s11 =	simm.s32 $0x600  }
0x13: {  	s4 =	simm.s32 $0x680;
	[dreg:$0x8] =	wrdreg s0;
	s0 =	simm.s32 $0x2  }
.LBB2_1:
0x14: {  	[dreg:$0x9] =	wrdreg s24  }
0x15: {  	s1 =	rddreg [dreg:$0x4]  }
0x16: {  	[spmem:s15], [sflag:s14] =	dma.local [hbm:s1], $0x4F0  }
0x17: {  	_ =	swait.ge [sflag:s17], $0x4F0  }
0x18: {  	[sflag:s17] =	ssyncset.done $0x0  }
0x19: {  	[sflag:s17] =	ssyncadd.s32 $0xFFFFFB10  }
0x1a: {  	s26 =	simm.s32 $0x0;
	[bflag:$0x0] =	sbarrier.arrive $0xFFFF  }
.LBB2_2:
0x1b: {  	s1 =	sshll.u32 s26, $0xA  }
0x1c: {  	s1 =	sadd.s32 s12, s1  }
0x1d: {  	s15 =	rddreg [dreg:$0x0];
	s14 =	sshrl.u32 s1, $0x3  }
0x1e: {  	s24 =	simm.s32 $0x0;
	s15 =	sadd.s32 s15, s14  }
0x1f: {  	[tilespmem:s24], [sflag:$0x1] =	stream.linear.gather [hbm4b:s15+s24], $0x400, $0x38;
	[tilespmem:$0x12F80] =	vst v63  }
0x20: {  	s28 =	sshll.u32 s1, $0x1;
	s14 =	sadd.s32 s5, s14  }
0x21: {  	[tilespmem:s16], [sflag:$0x1] =	stream.linear.gather [hbm4b:s14+s24], $0x400, $0x38;
	[tilespmem:$0x12F80] =	vst v63  }
0x22: {  	s1 =	sadd.s32 s6, s28;
	s15 =	simm.s32 $0x800  }
0x23: {  	[tilespmem:s15], [sflag:$0x2] =	stream.linear.gather [hbm4b:s1+s24], $0x4000, $0x38;
	[tilespmem:$0x12F80] =	vst v63  }
0x24: {  	_ =	swait.ge [sflag:s18], $0x400  }
0x25: {  	[sflag:s18] =	ssyncset.done $0x0  }
0x26: {  	[sflag:s18] =	ssyncadd.s32 $0xFFFFFC00  }
0x27: {  	_ =	swait.ge [sflag:s18], $0x400  }
0x28: {  	[sflag:s18] =	ssyncset.done $0x0  }
0x29: {  	s17 =	simm.s32 $0x4800;
	[sflag:s18] =	ssyncadd.s32 $0xFFFFFC00  }
0x2a: {  	[tilespmem:s17], [sflag:$0x3] =	stream.indirect.gather [hbm4b:s7+s19], $0x10, s24, s19, $0xb8;
	[tilespmem:$0x12F80] =	vst v63  }
0x2b: {  	s24 =	simm.s32 $0x8800  }
0x2c: {  	[tilespmem:s24], [sflag:$0x3] =	stream.indirect.gather [hbm4b:s8+s19], $0x10, s16, s19, $0xb8;
	[tilespmem:$0x12F80] =	vst v63  }
0x2d: {  	s14 =	simm.s32 $0x5000  }
0x2e: {  	[tilespmem:s14], [sflag:$0x3] =	stream.indirect.gather [hbm4b:s7+s19], $0x10, s19, s19, $0xb8;
	[tilespmem:$0x12F80] =	vst v63  }
0x2f: {  	s15 =	simm.s32 $0x9000  }
0x30: {  	[tilespmem:s15], [sflag:$0x3] =	stream.indirect.gather [hbm4b:s8+s19], $0x10, s23, s19, $0xb8;
	[tilespmem:$0x12F80] =	vst v63  }
0x31: {  	s17 =	simm.s32 $0x100;
	s24 =	simm.s32 $0x5800  }
0x32: {  	[tilespmem:s24], [sflag:$0x3] =	stream.indirect.gather [hbm4b:s7+s19], $0x10, s17, s19, $0xb8;
	[tilespmem:$0x12F80] =	vst v63  }
0x33: {  	s15 =	simm.s32 $0x9800  }
0x34: {  	[tilespmem:s15], [sflag:$0x3] =	stream.indirect.gather [hbm4b:s8+s19], $0x10, s29, s19, $0xb8;
	[tilespmem:$0x12F80] =	vst v63  }
0x35: {  	s17 =	simm.s32 $0x180;
	s24 =	simm.s32 $0x6000  }
0x36: {  	[tilespmem:s24], [sflag:$0x3] =	stream.indirect.gather [hbm4b:s7+s19], $0x10, s17, s19, $0xb8;
	[tilespmem:$0x12F80] =	vst v63  }
0x37: {  	s15 =	simm.s32 $0xA000  }
0x38: {  	[tilespmem:s15], [sflag:$0x3] =	stream.indirect.gather [hbm4b:s8+s19], $0x10, s3, s19, $0xb8;
	[tilespmem:$0x12F80] =	vst v63  }
0x39: {  	s17 =	simm.s32 $0x200;
	s24 =	simm.s32 $0x6800  }
0x3a: {  	[tilespmem:s24], [sflag:$0x3] =	stream.indirect.gather [hbm4b:s7+s19], $0x10, s17, s19, $0xb8;
	[tilespmem:$0x12F80] =	vst v63  }
0x3b: {  	s15 =	simm.s32 $0xA800  }
0x3c: {  	[tilespmem:s15], [sflag:$0x3] =	stream.indirect.gather [hbm4b:s8+s19], $0x10, s11, s19, $0xb8;
	[tilespmem:$0x12F80] =	vst v63  }
0x3d: {  	s17 =	simm.s32 $0x280;
	s24 =	simm.s32 $0x7000  }
0x3e: {  	[tilespmem:s24], [sflag:$0x3] =	stream.indirect.gather [hbm4b:s7+s19], $0x10, s17, s19, $0xb8;
	[tilespmem:$0x12F80] =	vst v63  }
0x3f: {  	s15 =	simm.s32 $0xB000  }
0x40: {  	[tilespmem:s15], [sflag:$0x3] =	stream.indirect.gather [hbm4b:s8+s19], $0x10, s4, s19, $0xb8;
	[tilespmem:$0x12F80] =	vst v63  }
0x41: {  	s17 =	simm.s32 $0x300;
	s24 =	simm.s32 $0x7800  }
0x42: {  	[tilespmem:s24], [sflag:$0x3] =	stream.indirect.gather [hbm4b:s7+s19], $0x10, s17, s19, $0xb8;
	[tilespmem:$0x12F80] =	vst v63  }
0x43: {  	s14 =	simm.s32 $0xB800  }
0x44: {  	[tilespmem:s14], [sflag:$0x3] =	stream.indirect.gather [hbm4b:s8+s19], $0x10, s22, s19, $0xb8;
	[tilespmem:$0x12F80] =	vst v63  }
0x45: {  	s15 =	simm.s32 $0x380;
	s17 =	simm.s32 $0x8000  }
0x46: {  	[tilespmem:s17], [sflag:$0x3] =	stream.indirect.gather [hbm4b:s7+s19], $0x10, s15, s19, $0xb8;
	[tilespmem:$0x12F80] =	vst v63  }
0x47: {  	s24 =	simm.s32 $0xC000  }
0x48: {  	[tilespmem:s24], [sflag:$0x3] =	stream.indirect.gather [hbm4b:s8+s19], $0x10, s30, s19, $0xb8;
	[tilespmem:$0x12F80] =	vst v63  }
0x49: {  	_ =	swait.ge [sflag:s0], $0x4000  }
0x4a: {  	[sflag:s0] =	ssyncset.done $0x0  }
0x4b: {  	[sflag:s0] =	ssyncadd.s32 $0xFFFFC000  }
0x4c: {  	_ =	swait.ge [sflag:s10], $0x800  }
0x4d: {  	[sflag:s10] =	ssyncset.done $0x0  }
0x4e: {  	[sflag:s10] =	ssyncadd.s32 $0xFFFFF800  }
0x4f: {  	_ =	swait.ge [sflag:s10], $0x800  }
0x50: {  	[sflag:s10] =	ssyncset.done $0x0  }
0x51: {  	[sflag:s10] =	ssyncadd.s32 $0xFFFFF800  }
0x52: {  	_ =	swait.ge [sflag:s10], $0x800  }
0x53: {  	[sflag:s10] =	ssyncset.done $0x0  }
0x54: {  	[sflag:s10] =	ssyncadd.s32 $0xFFFFF800  }
0x55: {  	_ =	swait.ge [sflag:s10], $0x800  }
0x56: {  	[sflag:s10] =	ssyncset.done $0x0  }
0x57: {  	[sflag:s10] =	ssyncadd.s32 $0xFFFFF800  }
0x58: {  	_ =	swait.ge [sflag:s10], $0x800  }
0x59: {  	[sflag:s10] =	ssyncset.done $0x0  }
0x5a: {  	[sflag:s10] =	ssyncadd.s32 $0xFFFFF800  }
0x5b: {  	_ =	swait.ge [sflag:s10], $0x800  }
0x5c: {  	[sflag:s10] =	ssyncset.done $0x0  }
0x5d: {  	[sflag:s10] =	ssyncadd.s32 $0xFFFFF800  }
0x5e: {  	_ =	swait.ge [sflag:s10], $0x800  }
0x5f: {  	[sflag:s10] =	ssyncset.done $0x0  }
0x60: {  	[sflag:s10] =	ssyncadd.s32 $0xFFFFF800  }
0x61: {  	_ =	swait.ge [sflag:s10], $0x800  }
0x62: {  	[sflag:s10] =	ssyncset.done $0x0  }
0x63: {  	[sflag:s10] =	ssyncadd.s32 $0xFFFFF800  }
0x64: {  	_ =	swait.ge [sflag:s10], $0x800  }
0x65: {  	[sflag:s10] =	ssyncset.done $0x0  }
0x66: {  	[sflag:s10] =	ssyncadd.s32 $0xFFFFF800  }
0x67: {  	_ =	swait.ge [sflag:s10], $0x800  }
0x68: {  	[sflag:s10] =	ssyncset.done $0x0  }
0x69: {  	[sflag:s10] =	ssyncadd.s32 $0xFFFFF800  }
0x6a: {  	_ =	swait.ge [sflag:s10], $0x800  }
0x6b: {  	[sflag:s10] =	ssyncset.done $0x0  }
0x6c: {  	[sflag:s10] =	ssyncadd.s32 $0xFFFFF800  }
0x6d: {  	_ =	swait.ge [sflag:s10], $0x800  }
0x6e: {  	[sflag:s10] =	ssyncset.done $0x0  }
0x6f: {  	[sflag:s10] =	ssyncadd.s32 $0xFFFFF800  }
0x70: {  	_ =	swait.ge [sflag:s10], $0x800  }
0x71: {  	[sflag:s10] =	ssyncset.done $0x0  }
0x72: {  	[sflag:s10] =	ssyncadd.s32 $0xFFFFF800  }
0x73: {  	_ =	swait.ge [sflag:s10], $0x800  }
0x74: {  	[sflag:s10] =	ssyncset.done $0x0  }
0x75: {  	[sflag:s10] =	ssyncadd.s32 $0xFFFFF800  }
0x76: {  	_ =	swait.ge [sflag:s10], $0x800  }
0x77: {  	[sflag:s10] =	ssyncset.done $0x0  }
0x78: {  	[sflag:s10] =	ssyncadd.s32 $0xFFFFF800  }
0x79: {  	_ =	swait.ge [sflag:s10], $0x800  }
0x7a: {  	[sflag:s10] =	ssyncset.done $0x0  }
0x7b: {  	s31 =	simm.s32 $0x0;
	[sflag:s10] =	ssyncadd.s32 $0xFFFFF800  }
0x7c: {  	v0 =	vld [tilespmem:s31+$0x800]  }
0x7d: {  	s24 =	simm.s32 $0x10;
	v1 =	vld [tilespmem:s31+$0x4800]  }
0x7e: {  	v2 =	vld [tilespmem:s24+$0x800]  }
0x7f: {  	v3 =	vld [tilespmem:s24+$0x4800]  }
0x80: {  	v4 =	vld [tilespmem:s31+$0x8800];
	_ =	sdelay $0x1  }
0x81: {  	v5 =	vld [tilespmem:s24+$0x8800]  }
0x82: {  	s14 =	simm.s32 $0x20;
	v0 =	vadd.f32 v1, v0  }
0x83: {  	v1 =	vld [tilespmem:s14+$0x800]  }
0x84: {  	v2 =	vadd.f32 v3, v2;
	v3 =	vld [tilespmem:s14+$0x4800];
	v0 =	vadd.f32 v4, v0;
	_ =	sdelay $0x1  }
0x85: {  	v2 =	vadd.f32 v5, v2;
	v5 =	vmul.f32 $9.999999770e-03, v0  }
0x86: {  	vm0 =	vge.f32 v0, $0.0e+00  }
0x87: {  	v0 =	vsel vm0, v0, v5  }
0x88: {  	v1 =	vadd.f32 v3, v1;
	v3 =	vmul.f32 $1.442695020e+00, v0  }
0x89: {  	v6 =	vmul.f32 $9.999999770e-03, v2  }
0x8a: {  	v4 =	vld [tilespmem:s14+$0x8800];
	vm15 =	vge.f32 v2, $0.0e+00;
	(erf) = vpow2.f32 v3  }
0x8b: {  	v2 =	vsel vm15, v2, v6  }
0x8c: {  	s15 =	simm.s32 $0x30;
	v5 =	vmul.f32 $1.442695020e+00, v2  }
0x8d: {  	v0 =	vld [tilespmem:s15+$0x800]  }
0x8e: {  	v3 =	vld [tilespmem:s15+$0x4800];
	(erf) = vpow2.f32 v5  }
0x8f: {  	v1 =	vadd.f32 v4, v1  }
0x90: {  	v2 =	vld [tilespmem:s15+$0x8800]  }
0x91: {  	s1 =	simm.s32 $0x100;
	v4 =	vmul.f32 $9.999999770e-03, v1  }
.LBB2_3:
0x92: {  	s17 =	sshra.s32 s1, $0x2;
	vm0 =	vge.f32 v1, $0.0e+00;
	p0 =	sne.s32 s1, $0xFFC0  }
.Ltmp0:
0x93: {  	s1 =	sadd.s32 $0x40, s1;
	v5 =	vadd.f32 v3, v0;
	v0 =	vld [tilespmem:s17+$0x800];
	v1 =	vsel vm0, v1, v4;
	v4 =	vpop (erf);
	(pc) =	sbr.rel @p0 .LBB2_3-.Ltmp0, $4  }
0x94: {  	v3 =	vld [tilespmem:s17+$0x4800];
	v6 =	vmul.f32 $1.442695020e+00, v1;
	[tilespmem:s31+$0xC800] =	vst v4;
	s31 =	smov.u32 s24;
	s24 =	smov.u32 s14;
	s14 =	smov.u32 s15  }
0x95: {  	s15 =	smov.u32 s17;
	v1 =	vadd.f32 v2, v5  }
0x96: {  	v2 =	vld [tilespmem:s15+$0x8800];
	(erf) = vpow2.f32 v6  }
0x97: {  	v4 =	vmul.f32 $9.999999770e-03, v1  }
0x98: {  	_ = 	snop  }
0x99: {  	v0 =	vadd.f32 v3, v0;
	_ =	sdelay $0x1  }
0x9a: {  	v0 =	vadd.f32 v2, v0;
	_ =	sdelay $0x1  }
0x9b: {  	vm0 =	vge.f32 v1, $0.0e+00;
	v2 =	vmul.f32 $9.999999770e-03, v0  }
0x9c: {  	v1 =	vsel vm0, v1, v4;
	vm15 =	vge.f32 v0, $0.0e+00  }
0x9d: {  	v1 =	vmul.f32 $1.442695020e+00, v1;
	v0 =	vsel vm15, v0, v2  }
0x9e: {  	v0 =	vmul.f32 $1.442695020e+00, v0  }
0x9f: {  	(erf) = vpow2.f32 v1  }
0xa0: {  	(erf) = vpow2.f32 v0;
	_ =	sdelay $0x5  }
0xa1: {  	v60 =	vpop (erf)  }
0xa2: {  	[tilespmem:s31+$0xC800] =	vst v60;
	v61 =	vpop (erf)  }
0xa3: {  	[tilespmem:s24+$0xC800] =	vst v61;
	v62 =	vpop (erf)  }
0xa4: {  	[tilespmem:s14+$0xC800] =	vst v62;
	v63 =	vpop (erf)  }
0xa5: {  	s1 =	sadd.s32 s9, s28;
	s31 =	simm.s32 $0x0;
	[tilespmem:s15+$0xC800] =	vst v63  }
0xa6: {  	[hbm4b:s1+s31] =	stream.linear.scatter [tilespmem:s13], [sflag:$0x2], $0x4000, $0x38;
	[tilespmem:$0x12F80] =	vst v63  }
0xa7: {  	_ = 	snop  }
0xa8: {  	[spmem:s2] =	stream.indirect.scatter.add.f32 [tilespmem:s13], [sflag:$0x4], $0x10, s16, s19, $0xb8;
	[tilespmem:$0x12F80] =	vst v63  }
0xa9: {  	s15 =	simm.s32 $0xD000  }
0xaa: {  	[spmem:s2] =	stream.indirect.scatter.add.f32 [tilespmem:s15], [sflag:$0x4], $0x10, s23, s19, $0xb8;
	[tilespmem:$0x12F80] =	vst v63  }
0xab: {  	s17 =	simm.s32 $0xD800  }
0xac: {  	[spmem:s2] =	stream.indirect.scatter.add.f32 [tilespmem:s17], [sflag:$0x4], $0x10, s29, s19, $0xb8;
	[tilespmem:$0x12F80] =	vst v63  }
0xad: {  	s24 =	simm.s32 $0xE000  }
0xae: {  	[spmem:s2] =	stream.indirect.scatter.add.f32 [tilespmem:s24], [sflag:$0x4], $0x10, s3, s19, $0xb8;
	[tilespmem:$0x12F80] =	vst v63  }
0xaf: {  	s28 =	simm.s32 $0xE800  }
0xb0: {  	[spmem:s2] =	stream.indirect.scatter.add.f32 [tilespmem:s28], [sflag:$0x4], $0x10, s11, s19, $0xb8;
	[tilespmem:$0x12F80] =	vst v63  }
0xb1: {  	s31 =	simm.s32 $0xF000  }
0xb2: {  	[spmem:s2] =	stream.indirect.scatter.add.f32 [tilespmem:s31], [sflag:$0x4], $0x10, s4, s19, $0xb8;
	[tilespmem:$0x12F80] =	vst v63  }
0xb3: {  	_ = 	snop  }
0xb4: {  	[spmem:s2] =	stream.indirect.scatter.add.f32 [tilespmem:s20], [sflag:$0x4], $0x10, s22, s19, $0xb8;
	[tilespmem:$0x12F80] =	vst v63  }
0xb5: {  	_ = 	snop  }
0xb6: {  	[spmem:s2] =	stream.indirect.scatter.add.f32 [tilespmem:s21], [sflag:$0x4], $0x10, s30, s19, $0xb8;
	[tilespmem:$0x12F80] =	vst v63  }
0xb7: {  	_ =	swait.ge [sflag:s0], $0x4000  }
0xb8: {  	[sflag:s0] =	ssyncset.done $0x0  }
0xb9: {  	[sflag:s0] =	ssyncadd.s32 $0xFFFFC000  }
0xba: {  	_ =	swait.ge [sflag:s25], $0x800  }
0xbb: {  	[sflag:s25] =	ssyncset.done $0x0  }
0xbc: {  	[sflag:s25] =	ssyncadd.s32 $0xFFFFF800  }
0xbd: {  	_ =	swait.ge [sflag:s25], $0x800  }
0xbe: {  	[sflag:s25] =	ssyncset.done $0x0  }
0xbf: {  	[sflag:s25] =	ssyncadd.s32 $0xFFFFF800  }
0xc0: {  	_ =	swait.ge [sflag:s25], $0x800  }
0xc1: {  	[sflag:s25] =	ssyncset.done $0x0  }
0xc2: {  	[sflag:s25] =	ssyncadd.s32 $0xFFFFF800  }
0xc3: {  	_ =	swait.ge [sflag:s25], $0x800  }
0xc4: {  	[sflag:s25] =	ssyncset.done $0x0  }
0xc5: {  	[sflag:s25] =	ssyncadd.s32 $0xFFFFF800  }
0xc6: {  	_ =	swait.ge [sflag:s25], $0x800  }
0xc7: {  	[sflag:s25] =	ssyncset.done $0x0  }
0xc8: {  	[sflag:s25] =	ssyncadd.s32 $0xFFFFF800  }
0xc9: {  	_ =	swait.ge [sflag:s25], $0x800  }
0xca: {  	[sflag:s25] =	ssyncset.done $0x0  }
0xcb: {  	s26 =	sadd.s32 $0x1, s26;
	[sflag:s25] =	ssyncadd.s32 $0xFFFFF800  }
0xcc: {  	p0 =	sne.s32 s26, $0xA;
	_ =	swait.ge [sflag:s25], $0x800  }
.Ltmp1:
0xcd: {  	[sflag:s25] =	ssyncset.done $0x0;
	(pc) =	sbr.rel @p0 .LBB2_2-.Ltmp1, $4  }
0xce: {  	[sflag:s25] =	ssyncadd.s32 $0xFFFFF800  }
0xcf: {  	_ =	swait.ge [sflag:s25], $0x800  }
0xd0: {  	[sflag:s25] =	ssyncset.done $0x0  }
0xd1: {  	[sflag:s25] =	ssyncadd.s32 $0xFFFFF800  }
0xd2: {  	[bflag:$0x0] =	sbarrier.arrive $0xFFFF  }
0xd3: {  	s14 =	rddreg [dreg:$0x5]  }
0xd4: {  	s15 =	rddreg [dreg:$0x7]  }
0xd5: {  	s17 =	simm.s32 $0x5;
	s1 =	rddreg [dreg:$0x8]  }
0xd6: {  	[hbm:s1], [sflag:s14] =	dma.local [spmem:s15], $0x4F0  }
0xd7: {  	_ =	swait.ge [sflag:s17], $0x4F0  }
0xd8: {  	s24 =	rddreg [dreg:$0x9]  }
0xd9: {  	s31 =	rddreg [dreg:$0x6];
	s24 =	sadd.s32 $0x1, s24  }
0xda: {  	p0 =	sne.s32 s24, s31  }
.Ltmp2:
0xdb: {  	_ = 	snop;
	(pc) =	sbr.rel @p0 .LBB2_1-.Ltmp2, $3  }
0xdc: {  	_ =	sdelay $0x1  }
0xdd: {  	[sflag:s17] =	ssyncset.done $0x0  }
0xde: {  	[sflag:s17] =	ssyncadd.s32 $0xFFFFFB10  }
0xdf: {  	_ =	sfence.sel $0x180000  }
0xe0: {  	[bflag:$0x0] =	sbarrier.arrive $0xFFFF  }
0xe1: {  	_ =	strace $0x90000047  }
0xe2: {  	s0 =	stileid.u32;
	[bflag:$0x2] =	sbarrier.arrive $0xFFFF  }
0xe3: {  	p0 =	sne.s32 s0, $0x0;
	s0 =	rddreg [dreg:$0x3]  }
0xe4: {  	s0 =	sadd.s32 @!p0 $0x100000, s0  }
0xe5: {  	[sflag:s0] =	ssyncadd.tile.s32 @!p0 $0x1;
	_ =	shalt  }
.Lfunc_end2:
_tile_overlayer_lowered:
.L_overlay_start_2:
0xe6: {  	(tag) =	ssettag $0x2  }
0xe7: {  	s0 =	rddreg [dreg:$0x0];
	s2 =	stileid.u32  }
0xe8: {  	s1 =	rddreg [dreg:$0x1];
	p0 =	sne.s32 s2, $0x0  }
0xe9: {  	s3 =	rddreg [dreg:$0x2];
	[bflag:$0x3] =	sbarrier.arrive $0xFFFF;
	s2 =	simm.s32 @!p0 $0x1C05  }
0xea: {  	[timem:s3], [sflag:s2] =	dma.local @!p0 [hbm:s0], s1  }
0xeb: {  	s0 =	simm.s32 @!p0 $0x5  }
0xec: {  	_ =	swait.ge @!p0 [sflag:s0], s1  }
0xed: {  	s1 =	ssub.s32 @!p0 $0x0, s1;
	[sflag:s0] =	ssyncset.done @!p0 $0x0  }
0xee: {  	[sflag:s0] =	ssyncadd.s32 @!p0 s1  }
0xef: {  	[bflag:$0x3] =	sbarrier.arrive $0xFFFF  }
0xf0: {  	_ =	shalt  }

</sc_bundles>
